<compile_context>
chip_gen: v7x
topology: tpu7x:2x2x1
jax: 0.10.2.dev20260603
libtpu: 0.0.44.dev20260713+nightly
codegen_flags: <defaults>
</compile_context>

<pallas_src>
import functools

import jax
import jax.numpy as jnp
from jax import lax
from jax.experimental import pallas as pl
from jax.experimental.pallas import tpu as pltpu
from jax.experimental.pallas import tpu_sc as plsc

_N = 10000
_E = 320000
_DF = 128
_DE = 16
_DO = 128

_NCORE = 2
_NTILE = 16
_CHUNK = 128
_N_PAD = 10240
_ROWS_PER_TILE = _N_PAD // _NTILE
_E_PAD = 327680
_CHUNKS_PER_TILE = _E_PAD // (_NCORE * _NTILE * _CHUNK)
_DEG_CHUNKS = _E_PAD // (_NTILE * _CHUNK)
_DUMMY = _N


def _sc_mesh():
    return plsc.VectorSubcoreMesh(core_axis_name="c", subcore_axis_name="s")


def _make_deg_kernel():
    @functools.partial(
        pl.kernel,
        out_type=(
            jax.ShapeDtypeStruct((_N_PAD,), jnp.float32),
            jax.ShapeDtypeStruct((_N_PAD,), jnp.float32),
            jax.ShapeDtypeStruct((_NCORE, _N_PAD, _DO), jnp.float32),
        ),
        mesh=_sc_mesh(),
        scratch_types=[
            pltpu.VMEM((40, _CHUNK), jnp.int32),
            pltpu.VMEM((40, _CHUNK), jnp.int32),
            pltpu.VMEM((_CHUNK,), jnp.float32),
            pltpu.VMEM((_CHUNK, _DO), jnp.float32),
            pltpu.VMEM((_CHUNK, _DO), jnp.float32),
            pltpu.VMEM_SHARED((_N_PAD,), jnp.float32),
            pltpu.VMEM_SHARED((_N_PAD, _DO), jnp.float32),
            pltpu.SemaphoreType.DMA,
            pltpu.SemaphoreType.DMA,
            pltpu.SemaphoreType.DMA,
            pltpu.SemaphoreType.DMA,
            pltpu.SemaphoreType.DMA,
        ],
    )
    def deg_kernel(src_ref, dst_ref, y_ref, zeros1_ref, zeros128_ref, ones_ref,
                   deg_out_ref, deg_in_ref, ya_ref,
                   idx_v, idx2_v, ones_v, y0, y1, deg_sh, ya_sh,
                   s1, sy0, sy1, ss0, ss1):
        c = lax.axis_index("c")
        s = lax.axis_index("s")
        row0 = s * _ROWS_PER_TILE
        rows = pl.ds(row0, _ROWS_PER_TILE)
        pltpu.sync_copy(zeros1_ref, deg_sh.at[rows])
        pltpu.sync_copy(zeros128_ref, ya_sh.at[rows])
        pltpu.sync_copy(ones_ref, ones_v)
        chunk0 = (c * _NTILE + s) * _CHUNKS_PER_TILE
        plsc.subcore_barrier()

        def scatter_ones(eref):
            for seg in range(4):
                pltpu.sync_copy(
                    eref.at[pl.ds(s * _DEG_CHUNKS + seg * 40, 40)], idx_v)

                def body(it, carry):
                    for u in range(8):
                        pltpu.async_copy(ones_v,
                                         deg_sh.at[idx_v.at[8 * it + u]], s1,
                                         add=True)
                    for u in range(8):
                        pltpu.make_async_copy(
                            ones_v, deg_sh.at[idx_v.at[8 * it + u]], s1).wait()
                    return carry

                lax.fori_loop(0, 5, body, 0)

        @pl.when(c == 0)
        def _():
            scatter_ones(src_ref)

        @pl.when(c == 1)
        def _():
            scatter_ones(dst_ref)

        def yload(j, buf, sem):
            pltpu.async_copy(
                y_ref.at[pl.ds((chunk0 + j) * _CHUNK, _CHUNK)], buf, sem)

        def yload_wait(j, buf, sem):
            pltpu.make_async_copy(
                y_ref.at[pl.ds((chunk0 + j) * _CHUNK, _CHUNK)], buf, sem).wait()

        def yscatter(j, buf, sem):
            pltpu.async_copy(buf, ya_sh.at[idx2_v.at[j]], sem, add=True)

        def yscatter_wait(j, buf, sem):
            pltpu.make_async_copy(buf, ya_sh.at[idx2_v.at[j]], sem).wait()

        for seg in range(2):
            off = seg * 40
            pltpu.sync_copy(dst_ref.at[pl.ds(chunk0 + off, 40)], idx2_v)
            yload(off, y0, sy0)

            def ybody(it, carry):
                a = 2 * it
                b = a + 1

                @pl.when(it > 0)
                def _():
                    yscatter_wait(b - 2, y1, ss1)

                yload(off + b, y1, sy1)
                yload_wait(off + a, y0, sy0)
                yscatter(a, y0, ss0)
                yload_wait(off + b, y1, sy1)
                yscatter_wait(a, y0, ss0)

                @pl.when(it < 19)
                def _():
                    yload(off + a + 2, y0, sy0)
                yscatter(b, y1, ss1)
                return carry

            lax.fori_loop(0, 20, ybody, 0)
            yscatter_wait(39, y1, ss1)

        plsc.subcore_barrier()

        @pl.when(c == 0)
        def _():
            pltpu.sync_copy(deg_sh.at[rows], deg_out_ref.at[rows])
            pltpu.sync_copy(ya_sh.at[rows], ya_ref.at[0].at[rows])

        @pl.when(c == 1)
        def _():
            pltpu.sync_copy(deg_sh.at[rows], deg_in_ref.at[rows])
            pltpu.sync_copy(ya_sh.at[rows], ya_ref.at[1].at[rows])

    return deg_kernel


def _make_main_kernel():
    @functools.partial(
        pl.kernel,
        out_type=jax.ShapeDtypeStruct((_NCORE, _N_PAD, _DF), jnp.float32),
        mesh=_sc_mesh(),
        scratch_types=[
            pltpu.VMEM((_CHUNKS_PER_TILE // 2, _CHUNK), jnp.int32),
            pltpu.VMEM((_CHUNKS_PER_TILE // 2, _CHUNK), jnp.int32),
            pltpu.VMEM((_CHUNK, _DF), jnp.float32),
            pltpu.VMEM((_CHUNK, _DF), jnp.float32),
            pltpu.VMEM_SHARED((_N_PAD, _DF), jnp.float32),
            pltpu.SemaphoreType.DMA,
            pltpu.SemaphoreType.DMA,
            pltpu.SemaphoreType.DMA,
            pltpu.SemaphoreType.DMA,
        ],
    )
    def main_kernel(feat_ref, src_ref, dst_ref, zeros128_ref,
                    h1_ref,
                    idx_src_v, idx_dst_v, g0, g1, h1_sh, sg0, sg1, ss0, ss1):
        c = lax.axis_index("c")
        s = lax.axis_index("s")
        row0 = s * _ROWS_PER_TILE
        rows = pl.ds(row0, _ROWS_PER_TILE)
        pltpu.sync_copy(zeros128_ref, h1_sh.at[rows])
        chunk0 = (c * _NTILE + s) * _CHUNKS_PER_TILE
        plsc.subcore_barrier()

        def gather(j, buf, sem):
            pltpu.async_copy(feat_ref.at[idx_src_v.at[j]], buf, sem)

        def gather_wait(j, buf, sem):
            pltpu.make_async_copy(feat_ref.at[idx_src_v.at[j]], buf, sem).wait()

        def scatter(j, buf, sem):
            pltpu.async_copy(buf, h1_sh.at[idx_dst_v.at[j]], sem, add=True)

        def scatter_wait(j, buf, sem):
            pltpu.make_async_copy(buf, h1_sh.at[idx_dst_v.at[j]], sem).wait()

        half = _CHUNKS_PER_TILE // 2
        n_pairs = half // 2

        for h in range(2):
            pltpu.sync_copy(src_ref.at[pl.ds(chunk0 + h * half, half)],
                            idx_src_v)
            pltpu.sync_copy(dst_ref.at[pl.ds(chunk0 + h * half, half)],
                            idx_dst_v)
            gather(0, g0, sg0)

            def body(it, carry):
                a = 2 * it
                b = a + 1

                @pl.when(it > 0)
                def _():
                    scatter_wait(b - 2, g1, ss1)

                gather(b, g1, sg1)
                gather_wait(a, g0, sg0)
                scatter(a, g0, ss0)
                gather_wait(b, g1, sg1)
                scatter_wait(a, g0, ss0)

                @pl.when(it < n_pairs - 1)
                def _():
                    gather(a + 2, g0, sg0)
                scatter(b, g1, ss1)
                return carry

            lax.fori_loop(0, n_pairs, body, 0)
            scatter_wait(half - 1, g1, ss1)

        plsc.subcore_barrier()

        @pl.when(c == 0)
        def _():
            pltpu.sync_copy(h1_sh.at[rows], h1_ref.at[0].at[rows])

        @pl.when(c == 1)
        def _():
            pltpu.sync_copy(h1_sh.at[rows], h1_ref.at[1].at[rows])

    return main_kernel


_EROWS_BLK = 8192
_Y_FULL_BLOCKS = _E // _EROWS_BLK
_Y_TAIL = _E - _Y_FULL_BLOCKS * _EROWS_BLK


def _y_body(ef_ref, tail_ref, w2_ref, y_ref):
    i = pl.program_id(0)

    @pl.when(i < _Y_FULL_BLOCKS)
    def _():
        y_ref[...] = jnp.dot(ef_ref[...], w2_ref[...],
                             preferred_element_type=jnp.float32)

    @pl.when(i == _Y_FULL_BLOCKS)
    def _():
        y_ref[...] = jnp.zeros_like(y_ref)
        y_ref[0:_Y_TAIL, :] = jnp.dot(tail_ref[...], w2_ref[...],
                                      preferred_element_type=jnp.float32)


def _y_kernel(ef, ef_tail, w2):
    grid = (_E_PAD // _EROWS_BLK,)
    return pl.pallas_call(
        _y_body,
        grid=grid,
        in_specs=[
            pl.BlockSpec((_EROWS_BLK, _DE),
                         lambda i: (jnp.minimum(i, _Y_FULL_BLOCKS - 1), 0)),
            pl.BlockSpec((_Y_TAIL, _DE), lambda i: (0, 0)),
            pl.BlockSpec((_DE, _DO), lambda i: (0, 0)),
        ],
        out_specs=pl.BlockSpec((_EROWS_BLK, _DO), lambda i: (i, 0)),
        out_shape=jax.ShapeDtypeStruct((_E_PAD, _DO), jnp.float32),
    )(ef, ef_tail, w2)


_ROWS_BLK = 1024


def _feat_body(x_ref, deg_ref, f_ref):
    norm = lax.rsqrt(jnp.maximum(deg_ref[...], 1.0))
    f_ref[...] = x_ref[...] * norm


def _feat_kernel(x_pad, deg_out_col):
    grid = (_N_PAD // _ROWS_BLK,)
    return pl.pallas_call(
        _feat_body,
        grid=grid,
        in_specs=[
            pl.BlockSpec((_ROWS_BLK, _DF), lambda i: (i, 0)),
            pl.BlockSpec((_ROWS_BLK, 1), lambda i: (i, 0)),
        ],
        out_specs=pl.BlockSpec((_ROWS_BLK, _DF), lambda i: (i, 0)),
        out_shape=jax.ShapeDtypeStruct((_N_PAD, _DF), jnp.float32),
    )(x_pad, deg_out_col)


def _mm_body(h1a_ref, h1b_ref, ya_ref, yb_ref, w1_ref,
             deg_ref, b_ref, out_ref):
    h1 = h1a_ref[0] + h1b_ref[0]
    acc = jnp.dot(h1, w1_ref[...], preferred_element_type=jnp.float32)
    acc = acc + ya_ref[0] + yb_ref[0]
    norm = lax.rsqrt(jnp.maximum(deg_ref[...], 1.0))
    out_ref[...] = acc * norm + b_ref[...]


_OUT_BLK = 2000


def _mm_kernel(h1, ya, w1, deg_in_col, b_row):
    grid = (_N // _OUT_BLK,)
    return pl.pallas_call(
        _mm_body,
        grid=grid,
        in_specs=[
            pl.BlockSpec((1, _OUT_BLK, _DF), lambda i: (0, i, 0)),
            pl.BlockSpec((1, _OUT_BLK, _DF), lambda i: (1, i, 0)),
            pl.BlockSpec((1, _OUT_BLK, _DO), lambda i: (0, i, 0)),
            pl.BlockSpec((1, _OUT_BLK, _DO), lambda i: (1, i, 0)),
            pl.BlockSpec((_DF, _DO), lambda i: (0, 0)),
            pl.BlockSpec((_OUT_BLK, 1), lambda i: (i, 0)),
            pl.BlockSpec((1, _DO), lambda i: (0, 0)),
        ],
        out_specs=pl.BlockSpec((_OUT_BLK, _DO), lambda i: (i, 0)),
        out_shape=jax.ShapeDtypeStruct((_N, _DO), jnp.float32),
    )(h1, h1, ya, ya, w1, deg_in_col, b_row)


def kernel(x, edge_feat, edge_index, W, b):
    src = edge_index[0].astype(jnp.int32)
    dst = edge_index[1].astype(jnp.int32)
    pad_e = _E_PAD - _E
    dummy = _DUMMY + (jnp.arange(pad_e, dtype=jnp.int32) % (_N_PAD - _N))
    src_r = jnp.concatenate([src, dummy]).reshape(-1, _CHUNK)
    dst_r = jnp.concatenate([dst, dummy]).reshape(-1, _CHUNK)

    x_pad = jnp.pad(x.astype(jnp.float32), ((0, _N_PAD - _N), (0, 0)))

    zeros1 = jnp.zeros((_ROWS_PER_TILE,), jnp.float32)
    ones128 = jnp.ones((_CHUNK,), jnp.float32)
    zeros128 = jnp.zeros((_ROWS_PER_TILE, _DF), jnp.float32)

    W = W.astype(jnp.float32)
    ef32 = edge_feat.astype(jnp.float32)
    y = _y_kernel(ef32, ef32[_Y_FULL_BLOCKS * _EROWS_BLK:], W[_DF:])

    deg_out, deg_in, ya = _make_deg_kernel()(
        src_r, dst_r, y, zeros1, zeros128, ones128)

    feat = _feat_kernel(x_pad, deg_out.reshape(_N_PAD, 1))

    h1 = _make_main_kernel()(feat, src_r, dst_r, zeros128)

    return _mm_kernel(h1, ya, W[:_DF],
                      deg_in.reshape(_N_PAD, 1), b.reshape(1, _DO))

# --- scband reference (transcript-rebuilt; emitter-appended) ---
"""Pipeline reference for scband-gconv-2680059592776 (READ-ONLY COPY).

The authoritative reference and input builder live on the scoring server;
editing this copy changes nothing except your own understanding.
"""

import jax, jax.numpy as jnp
import numpy as np

N = 10000
E = 320000
D_FEAT = 128
D_EDGE = 16
D_OUT = 128


def setup_inputs(seed: int = 0) -> dict:
    key = jax.random.key(seed)
    k1, k2, k3, k4 = jax.random.split(key, 4)
    x = jax.random.normal(k1, (N, D_FEAT), dtype=jnp.float32)
    edge_feat = jax.random.normal(k2, (E, D_EDGE), dtype=jnp.float32)
    edge_index = jax.random.randint(k3, (2, E), 0, N)
    # glorot_uniform for weight of shape (in_feats + edge_feats, out_feats)
    fan_in = D_FEAT + D_EDGE
    fan_out = D_OUT
    limit = float(np.sqrt(6.0 / (fan_in + fan_out)))
    W = jax.random.uniform(k4, (fan_in, fan_out), minval=-limit, maxval=limit, dtype=jnp.float32)
    b = jnp.zeros((fan_out,), dtype=jnp.float32)
    return {"x": x, "edge_feat": edge_feat, "edge_index": edge_index, "W": W, "b": b}


def reference(x, edge_feat, edge_index, W, b):
    n = x.shape[0]
    src = edge_index[0]
    dst = edge_index[1]
    # out-degree normalization of source features
    out_deg = jnp.zeros((n,), dtype=jnp.float32).at[src].add(1.0)
    norm_out = jnp.power(jnp.clip(out_deg, 1.0, None), -0.5)
    feat = x * norm_out[:, None]
    # message: concat(src_h, edge_feat), aggregated by sum into dst
    msg = jnp.concatenate([feat[src], edge_feat], axis=1)
    h = jnp.zeros((n, msg.shape[1]), dtype=jnp.float32).at[dst].add(msg)
    # linear transform
    rst = h @ W
    # in-degree normalization + bias
    in_deg = jnp.zeros((n,), dtype=jnp.float32).at[dst].add(1.0)
    norm_in = jnp.power(jnp.clip(in_deg, 1.0, None), -0.5)
    rst = rst * norm_in[:, None] + b
    return rst

if __name__ == "__main__":
    import jax
    _d = setup_inputs()
    print(jax.jit(kernel)(*tuple(_d.values())))

</pallas_src>

<mosaic_0001>
#map = affine_map<(d0, d1) -> (0, 0)>
#map1 = affine_map<(d0, d1) -> (0, 0, 0)>
module attributes {stable_mosaic.version = 14 : i64} {
  func.func @main_kernel(%arg0: i32, %arg1: i32, %arg2: memref<10240x128xf32, #tpu.memory_space<hbm>>, %arg3: memref<2560x128xi32, #tpu.memory_space<hbm>>, %arg4: memref<2560x128xi32, #tpu.memory_space<hbm>>, %arg5: memref<640x128xf32, #tpu.memory_space<hbm>>, %arg6: memref<2x10240x128xf32, #tpu.memory_space<hbm>>, %arg7: memref<40x128xi32, #tpu.memory_space<vmem>>, %arg8: memref<40x128xi32, #tpu.memory_space<vmem>>, %arg9: memref<128x128xf32, #tpu.memory_space<vmem>>, %arg10: memref<128x128xf32, #tpu.memory_space<vmem>>, %arg11: memref<10240x128xf32, #tpu.memory_space<vmem_shared>>, %arg12: memref<!tpu.dma_semaphore, #tpu.memory_space<semaphore_mem>>, %arg13: memref<!tpu.dma_semaphore, #tpu.memory_space<semaphore_mem>>, %arg14: memref<!tpu.dma_semaphore, #tpu.memory_space<semaphore_mem>>, %arg15: memref<!tpu.dma_semaphore, #tpu.memory_space<semaphore_mem>>) attributes {dimension_semantics = [#tpu.dimension_semantics<core_parallel>, #tpu.dimension_semantics<subcore_parallel>], iteration_bounds = array<i64: 2, 16>, scalar_prefetch = 0 : i64, scratch_operands = 9 : i64, tpu.core_type = #tpu.core_type<sc_vector_subcore>, window_params = [{transform_indices = #map}, {transform_indices = #map}, {transform_indices = #map}, {transform_indices = #map}, {transform_indices = #map1}]} {
    %mul3A = arith.constant 640 : i32
    %mul3A_0 = arith.muli %arg1, %mul3A : i32
    "tpu.region"() ({
      %run_scoped3A = tpu.sem_alloc : memref<!tpu.dma_semaphore, #tpu.memory_space<semaphore_mem>>
      %dma_start3A_58 = arith.constant 0 : i32
      %dma_start3A_59 = tpu.memref_slice %arg11[%mul3A_0, %dma_start3A_58] : memref<10240x128xf32, #tpu.memory_space<vmem_shared>> -> memref<640x128xf32, #tpu.memory_space<vmem_shared>>
      tpu.enqueue_dma source(%arg5 : memref<640x128xf32, #tpu.memory_space<hbm>>) target(%dma_start3A_59 : memref<640x128xf32, #tpu.memory_space<vmem_shared>>) target_semaphore(%run_scoped3A : memref<!tpu.dma_semaphore, #tpu.memory_space<semaphore_mem>>)
      %dma_wait3A_60 = arith.constant 0 : i32
      %dma_wait3A_61 = tpu.memref_slice %arg11[%mul3A_0, %dma_wait3A_60] : memref<10240x128xf32, #tpu.memory_space<vmem_shared>> -> memref<640x128xf32, #tpu.memory_space<vmem_shared>>
      tpu.wait_dma2 semaphore(%run_scoped3A : memref<!tpu.dma_semaphore, #tpu.memory_space<semaphore_mem>>) src(%arg5 : memref<640x128xf32, #tpu.memory_space<hbm>>) dst(%dma_wait3A_61 : memref<640x128xf32, #tpu.memory_space<vmem_shared>>)
      tpu.yield
    }) : () -> ()
    %mul3A_1 = arith.constant 16 : i32
    %mul3A_2 = arith.muli %arg0, %mul3A_1 : i32
    %add3A = arith.addi %mul3A_2, %arg1 : i32
    %mul3A_3 = arith.constant 80 : i32
    %mul3A_4 = arith.muli %add3A, %mul3A_3 : i32
    %barrier3A = arith.constant 0 : index
    tpu.barrier barrier_id(%barrier3A)
    %add3A_5 = arith.constant 0 : i32
    %add3A_6 = arith.addi %mul3A_4, %add3A_5 : i32
    "tpu.region"() ({
      %run_scoped3A = tpu.sem_alloc : memref<!tpu.dma_semaphore, #tpu.memory_space<semaphore_mem>>
      %dma_start3A_58 = arith.constant 0 : i32
      %dma_start3A_59 = tpu.memref_slice %arg3[%add3A_6, %dma_start3A_58] : memref<2560x128xi32, #tpu.memory_space<hbm>> -> memref<40x128xi32, #tpu.memory_space<hbm>>
      %dma_start3A_60 = arith.constant 0 : i32
      %dma_start3A_61 = tpu.memref_slice %arg3[%add3A_6, %dma_start3A_60] : memref<2560x128xi32, #tpu.memory_space<hbm>> -> memref<40x128xi32, #tpu.memory_space<hbm>>
      tpu.enqueue_dma source(%dma_start3A_61 : memref<40x128xi32, #tpu.memory_space<hbm>>) target(%arg7 : memref<40x128xi32, #tpu.memory_space<vmem>>) target_semaphore(%run_scoped3A : memref<!tpu.dma_semaphore, #tpu.memory_space<semaphore_mem>>)
      %dma_wait3A_62 = arith.constant 0 : i32
      %dma_wait3A_63 = tpu.memref_slice %arg3[%add3A_6, %dma_wait3A_62] : memref<2560x128xi32, #tpu.memory_space<hbm>> -> memref<40x128xi32, #tpu.memory_space<hbm>>
      %dma_wait3A_64 = arith.constant 0 : i32
      %dma_wait3A_65 = tpu.memref_slice %arg3[%add3A_6, %dma_wait3A_64] : memref<2560x128xi32, #tpu.memory_space<hbm>> -> memref<40x128xi32, #tpu.memory_space<hbm>>
      tpu.wait_dma2 semaphore(%run_scoped3A : memref<!tpu.dma_semaphore, #tpu.memory_space<semaphore_mem>>) src(%dma_wait3A_65 : memref<40x128xi32, #tpu.memory_space<hbm>>) dst(%arg7 : memref<40x128xi32, #tpu.memory_space<vmem>>)
      tpu.yield
    }) : () -> ()
    %add3A_7 = arith.constant 0 : i32
    %add3A_8 = arith.addi %mul3A_4, %add3A_7 : i32
    "tpu.region"() ({
      %run_scoped3A = tpu.sem_alloc : memref<!tpu.dma_semaphore, #tpu.memory_space<semaphore_mem>>
      %dma_start3A_58 = arith.constant 0 : i32
      %dma_start3A_59 = tpu.memref_slice %arg4[%add3A_8, %dma_start3A_58] : memref<2560x128xi32, #tpu.memory_space<hbm>> -> memref<40x128xi32, #tpu.memory_space<hbm>>
      %dma_start3A_60 = arith.constant 0 : i32
      %dma_start3A_61 = tpu.memref_slice %arg4[%add3A_8, %dma_start3A_60] : memref<2560x128xi32, #tpu.memory_space<hbm>> -> memref<40x128xi32, #tpu.memory_space<hbm>>
      tpu.enqueue_dma source(%dma_start3A_61 : memref<40x128xi32, #tpu.memory_space<hbm>>) target(%arg8 : memref<40x128xi32, #tpu.memory_space<vmem>>) target_semaphore(%run_scoped3A : memref<!tpu.dma_semaphore, #tpu.memory_space<semaphore_mem>>)
      %dma_wait3A_62 = arith.constant 0 : i32
      %dma_wait3A_63 = tpu.memref_slice %arg4[%add3A_8, %dma_wait3A_62] : memref<2560x128xi32, #tpu.memory_space<hbm>> -> memref<40x128xi32, #tpu.memory_space<hbm>>
      %dma_wait3A_64 = arith.constant 0 : i32
      %dma_wait3A_65 = tpu.memref_slice %arg4[%add3A_8, %dma_wait3A_64] : memref<2560x128xi32, #tpu.memory_space<hbm>> -> memref<40x128xi32, #tpu.memory_space<hbm>>
      tpu.wait_dma2 semaphore(%run_scoped3A : memref<!tpu.dma_semaphore, #tpu.memory_space<semaphore_mem>>) src(%dma_wait3A_65 : memref<40x128xi32, #tpu.memory_space<hbm>>) dst(%arg8 : memref<40x128xi32, #tpu.memory_space<vmem>>)
      tpu.yield
    }) : () -> ()
    %dma_start3A = arith.constant 0 : i32
    %dma_start3A_9 = arith.constant 0 : i32
    %dma_start3A_10 = tpu.memref_slice %arg7[%dma_start3A, %dma_start3A_9] : memref<40x128xi32, #tpu.memory_space<vmem>> -> memref<1x128xi32, #tpu.memory_space<vmem>>
    %dma_start3A_11 = tpu.memref_squeeze %dma_start3A_10 : memref<1x128xi32, #tpu.memory_space<vmem>> -> memref<128xi32, #tpu.memory_space<vmem>>
    %dma_start3A_12 = arith.constant 0 : i32
    %dma_start3A_13 = arith.constant 0 : i32
    %dma_start3A_14 = tpu.memref_slice %arg2[%dma_start3A_12, %dma_start3A_13] : memref<10240x128xf32, #tpu.memory_space<hbm>> -> memref<10240x128xf32, #tpu.memory_space<hbm>>
    tpu.enqueue_indirect_dma source(%dma_start3A_14 : memref<10240x128xf32, #tpu.memory_space<hbm>>) target(%arg9 : memref<128x128xf32, #tpu.memory_space<vmem>>) offsets(%dma_start3A_11 : memref<128xi32, #tpu.memory_space<vmem>>) semaphore(%arg12 : memref<!tpu.dma_semaphore, #tpu.memory_space<semaphore_mem>>)
    %scan3A = arith.constant 0 : i32
    %scan3A_15 = arith.constant 0 : i32
    %scan3A_16 = arith.constant 20 : i32
    %scan3A_17 = arith.addi %scan3A_15, %scan3A_16 : i32
    %scan3A_18 = arith.constant 1 : i32
    scf.for %scan3A_58 = %scan3A_15 to %scan3A_17 step %scan3A_18  : i32 {
      %mul3A_59 = arith.constant 2 : i32
      %mul3A_60 = arith.muli %mul3A_59, %scan3A_58 : i32
      %add3A_61 = arith.constant 1 : i32
      %add3A_62 = arith.addi %mul3A_60, %add3A_61 : i32
      %gt3A = arith.constant 0 : i32
      %gt3A_63 = arith.cmpi sgt, %scan3A_58, %gt3A : i32
      %convert_element_type3A_64 = arith.extui %gt3A_63 : i1 to i32
      %cond3A_65 = arith.constant 0 : i32
      %cond3A_66 = arith.cmpi ne, %convert_element_type3A_64, %cond3A_65 : i32
      scf.if %cond3A_66 {
        %sub3A = arith.constant 2 : i32
        %sub3A_107 = arith.subi %add3A_62, %sub3A : i32
        %dma_wait3A_108 = arith.constant 0 : i32
        %dma_wait3A_109 = tpu.memref_slice %arg8[%sub3A_107, %dma_wait3A_108] : memref<40x128xi32, #tpu.memory_space<vmem>> -> memref<1x128xi32, #tpu.memory_space<vmem>>
        %dma_wait3A_110 = tpu.memref_squeeze %dma_wait3A_109 : memref<1x128xi32, #tpu.memory_space<vmem>> -> memref<128xi32, #tpu.memory_space<vmem>>
        %dma_wait3A_111 = arith.constant 0 : i32
        %dma_wait3A_112 = arith.constant 0 : i32
        %dma_wait3A_113 = tpu.memref_slice %arg11[%dma_wait3A_111, %dma_wait3A_112] : memref<10240x128xf32, #tpu.memory_space<vmem_shared>> -> memref<10240x128xf32, #tpu.memory_space<vmem_shared>>
        tpu.wait_indirect_dma semaphore(%arg15 : memref<!tpu.dma_semaphore, #tpu.memory_space<semaphore_mem>>) src(%arg10 : memref<128x128xf32, #tpu.memory_space<vmem>>) dst(%dma_wait3A_113 : memref<10240x128xf32, #tpu.memory_space<vmem_shared>>)
      } else {
      }
      %dma_start3A_67 = arith.constant 0 : i32
      %dma_start3A_68 = tpu.memref_slice %arg7[%add3A_62, %dma_start3A_67] : memref<40x128xi32, #tpu.memory_space<vmem>> -> memref<1x128xi32, #tpu.memory_space<vmem>>
      %dma_start3A_69 = tpu.memref_squeeze %dma_start3A_68 : memref<1x128xi32, #tpu.memory_space<vmem>> -> memref<128xi32, #tpu.memory_space<vmem>>
      %dma_start3A_70 = arith.constant 0 : i32
      %dma_start3A_71 = arith.constant 0 : i32
      %dma_start3A_72 = tpu.memref_slice %arg2[%dma_start3A_70, %dma_start3A_71] : memref<10240x128xf32, #tpu.memory_space<hbm>> -> memref<10240x128xf32, #tpu.memory_space<hbm>>
      tpu.enqueue_indirect_dma source(%dma_start3A_72 : memref<10240x128xf32, #tpu.memory_space<hbm>>) target(%arg10 : memref<128x128xf32, #tpu.memory_space<vmem>>) offsets(%dma_start3A_69 : memref<128xi32, #tpu.memory_space<vmem>>) semaphore(%arg13 : memref<!tpu.dma_semaphore, #tpu.memory_space<semaphore_mem>>)
      %dma_wait3A_73 = arith.constant 0 : i32
      %dma_wait3A_74 = tpu.memref_slice %arg7[%mul3A_60, %dma_wait3A_73] : memref<40x128xi32, #tpu.memory_space<vmem>> -> memref<1x128xi32, #tpu.memory_space<vmem>>
      %dma_wait3A_75 = tpu.memref_squeeze %dma_wait3A_74 : memref<1x128xi32, #tpu.memory_space<vmem>> -> memref<128xi32, #tpu.memory_space<vmem>>
      %dma_wait3A_76 = arith.constant 0 : i32
      %dma_wait3A_77 = arith.constant 0 : i32
      %dma_wait3A_78 = tpu.memref_slice %arg2[%dma_wait3A_76, %dma_wait3A_77] : memref<10240x128xf32, #tpu.memory_space<hbm>> -> memref<10240x128xf32, #tpu.memory_space<hbm>>
      tpu.wait_indirect_dma semaphore(%arg12 : memref<!tpu.dma_semaphore, #tpu.memory_space<semaphore_mem>>) src(%dma_wait3A_78 : memref<10240x128xf32, #tpu.memory_space<hbm>>) dst(%arg9 : memref<128x128xf32, #tpu.memory_space<vmem>>)
      %dma_start3A_79 = arith.constant 0 : i32
      %dma_start3A_80 = tpu.memref_slice %arg8[%mul3A_60, %dma_start3A_79] : memref<40x128xi32, #tpu.memory_space<vmem>> -> memref<1x128xi32, #tpu.memory_space<vmem>>
      %dma_start3A_81 = tpu.memref_squeeze %dma_start3A_80 : memref<1x128xi32, #tpu.memory_space<vmem>> -> memref<128xi32, #tpu.memory_space<vmem>>
      %dma_start3A_82 = arith.constant 0 : i32
      %dma_start3A_83 = arith.constant 0 : i32
      %dma_start3A_84 = tpu.memref_slice %arg11[%dma_start3A_82, %dma_start3A_83] : memref<10240x128xf32, #tpu.memory_space<vmem_shared>> -> memref<10240x128xf32, #tpu.memory_space<vmem_shared>>
      tpu.enqueue_indirect_dma source(%arg9 : memref<128x128xf32, #tpu.memory_space<vmem>>) target(%dma_start3A_84 : memref<10240x128xf32, #tpu.memory_space<vmem_shared>>) offsets(%dma_start3A_81 : memref<128xi32, #tpu.memory_space<vmem>>) semaphore(%arg14 : memref<!tpu.dma_semaphore, #tpu.memory_space<semaphore_mem>>) {add = true}
      %dma_wait3A_85 = arith.constant 0 : i32
      %dma_wait3A_86 = tpu.memref_slice %arg7[%add3A_62, %dma_wait3A_85] : memref<40x128xi32, #tpu.memory_space<vmem>> -> memref<1x128xi32, #tpu.memory_space<vmem>>
      %dma_wait3A_87 = tpu.memref_squeeze %dma_wait3A_86 : memref<1x128xi32, #tpu.memory_space<vmem>> -> memref<128xi32, #tpu.memory_space<vmem>>
      %dma_wait3A_88 = arith.constant 0 : i32
      %dma_wait3A_89 = arith.constant 0 : i32
      %dma_wait3A_90 = tpu.memref_slice %arg2[%dma_wait3A_88, %dma_wait3A_89] : memref<10240x128xf32, #tpu.memory_space<hbm>> -> memref<10240x128xf32, #tpu.memory_space<hbm>>
      tpu.wait_indirect_dma semaphore(%arg13 : memref<!tpu.dma_semaphore, #tpu.memory_space<semaphore_mem>>) src(%dma_wait3A_90 : memref<10240x128xf32, #tpu.memory_space<hbm>>) dst(%arg10 : memref<128x128xf32, #tpu.memory_space<vmem>>)
      %dma_wait3A_91 = arith.constant 0 : i32
      %dma_wait3A_92 = tpu.memref_slice %arg8[%mul3A_60, %dma_wait3A_91] : memref<40x128xi32, #tpu.memory_space<vmem>> -> memref<1x128xi32, #tpu.memory_space<vmem>>
      %dma_wait3A_93 = tpu.memref_squeeze %dma_wait3A_92 : memref<1x128xi32, #tpu.memory_space<vmem>> -> memref<128xi32, #tpu.memory_space<vmem>>
      %dma_wait3A_94 = arith.constant 0 : i32
      %dma_wait3A_95 = arith.constant 0 : i32
      %dma_wait3A_96 = tpu.memref_slice %arg11[%dma_wait3A_94, %dma_wait3A_95] : memref<10240x128xf32, #tpu.memory_space<vmem_shared>> -> memref<10240x128xf32, #tpu.memory_space<vmem_shared>>
      tpu.wait_indirect_dma semaphore(%arg14 : memref<!tpu.dma_semaphore, #tpu.memory_space<semaphore_mem>>) src(%arg9 : memref<128x128xf32, #tpu.memory_space<vmem>>) dst(%dma_wait3A_96 : memref<10240x128xf32, #tpu.memory_space<vmem_shared>>)
      %lt3A = arith.constant 19 : i32
      %lt3A_97 = arith.cmpi slt, %scan3A_58, %lt3A : i32
      %convert_element_type3A_98 = arith.extui %lt3A_97 : i1 to i32
      %cond3A_99 = arith.constant 0 : i32
      %cond3A_100 = arith.cmpi ne, %convert_element_type3A_98, %cond3A_99 : i32
      scf.if %cond3A_100 {
        %add3A_107 = arith.constant 2 : i32
        %add3A_108 = arith.addi %mul3A_60, %add3A_107 : i32
        %dma_start3A_109 = arith.constant 0 : i32
        %dma_start3A_110 = tpu.memref_slice %arg7[%add3A_108, %dma_start3A_109] : memref<40x128xi32, #tpu.memory_space<vmem>> -> memref<1x128xi32, #tpu.memory_space<vmem>>
        %dma_start3A_111 = tpu.memref_squeeze %dma_start3A_110 : memref<1x128xi32, #tpu.memory_space<vmem>> -> memref<128xi32, #tpu.memory_space<vmem>>
        %dma_start3A_112 = arith.constant 0 : i32
        %dma_start3A_113 = arith.constant 0 : i32
        %dma_start3A_114 = tpu.memref_slice %arg2[%dma_start3A_112, %dma_start3A_113] : memref<10240x128xf32, #tpu.memory_space<hbm>> -> memref<10240x128xf32, #tpu.memory_space<hbm>>
        tpu.enqueue_indirect_dma source(%dma_start3A_114 : memref<10240x128xf32, #tpu.memory_space<hbm>>) target(%arg9 : memref<128x128xf32, #tpu.memory_space<vmem>>) offsets(%dma_start3A_111 : memref<128xi32, #tpu.memory_space<vmem>>) semaphore(%arg12 : memref<!tpu.dma_semaphore, #tpu.memory_space<semaphore_mem>>)
      } else {
      }
      %dma_start3A_101 = arith.constant 0 : i32
      %dma_start3A_102 = tpu.memref_slice %arg8[%add3A_62, %dma_start3A_101] : memref<40x128xi32, #tpu.memory_space<vmem>> -> memref<1x128xi32, #tpu.memory_space<vmem>>
      %dma_start3A_103 = tpu.memref_squeeze %dma_start3A_102 : memref<1x128xi32, #tpu.memory_space<vmem>> -> memref<128xi32, #tpu.memory_space<vmem>>
      %dma_start3A_104 = arith.constant 0 : i32
      %dma_start3A_105 = arith.constant 0 : i32
      %dma_start3A_106 = tpu.memref_slice %arg11[%dma_start3A_104, %dma_start3A_105] : memref<10240x128xf32, #tpu.memory_space<vmem_shared>> -> memref<10240x128xf32, #tpu.memory_space<vmem_shared>>
      tpu.enqueue_indirect_dma source(%arg10 : memref<128x128xf32, #tpu.memory_space<vmem>>) target(%dma_start3A_106 : memref<10240x128xf32, #tpu.memory_space<vmem_shared>>) offsets(%dma_start3A_103 : memref<128xi32, #tpu.memory_space<vmem>>) semaphore(%arg15 : memref<!tpu.dma_semaphore, #tpu.memory_space<semaphore_mem>>) {add = true}
    }
    %scan3A_19 = arith.constant 20 : i32
    %dma_wait3A = arith.constant 39 : i32
    %dma_wait3A_20 = arith.constant 0 : i32
    %dma_wait3A_21 = tpu.memref_slice %arg8[%dma_wait3A, %dma_wait3A_20] : memref<40x128xi32, #tpu.memory_space<vmem>> -> memref<1x128xi32, #tpu.memory_space<vmem>>
    %dma_wait3A_22 = tpu.memref_squeeze %dma_wait3A_21 : memref<1x128xi32, #tpu.memory_space<vmem>> -> memref<128xi32, #tpu.memory_space<vmem>>
    %dma_wait3A_23 = arith.constant 0 : i32
    %dma_wait3A_24 = arith.constant 0 : i32
    %dma_wait3A_25 = tpu.memref_slice %arg11[%dma_wait3A_23, %dma_wait3A_24] : memref<10240x128xf32, #tpu.memory_space<vmem_shared>> -> memref<10240x128xf32, #tpu.memory_space<vmem_shared>>
    tpu.wait_indirect_dma semaphore(%arg15 : memref<!tpu.dma_semaphore, #tpu.memory_space<semaphore_mem>>) src(%arg10 : memref<128x128xf32, #tpu.memory_space<vmem>>) dst(%dma_wait3A_25 : memref<10240x128xf32, #tpu.memory_space<vmem_shared>>)
    %add3A_26 = arith.constant 40 : i32
    %add3A_27 = arith.addi %mul3A_4, %add3A_26 : i32
    "tpu.region"() ({
      %run_scoped3A = tpu.sem_alloc : memref<!tpu.dma_semaphore, #tpu.memory_space<semaphore_mem>>
      %dma_start3A_58 = arith.constant 0 : i32
      %dma_start3A_59 = tpu.memref_slice %arg3[%add3A_27, %dma_start3A_58] : memref<2560x128xi32, #tpu.memory_space<hbm>> -> memref<40x128xi32, #tpu.memory_space<hbm>>
      %dma_start3A_60 = arith.constant 0 : i32
      %dma_start3A_61 = tpu.memref_slice %arg3[%add3A_27, %dma_start3A_60] : memref<2560x128xi32, #tpu.memory_space<hbm>> -> memref<40x128xi32, #tpu.memory_space<hbm>>
      tpu.enqueue_dma source(%dma_start3A_61 : memref<40x128xi32, #tpu.memory_space<hbm>>) target(%arg7 : memref<40x128xi32, #tpu.memory_space<vmem>>) target_semaphore(%run_scoped3A : memref<!tpu.dma_semaphore, #tpu.memory_space<semaphore_mem>>)
      %dma_wait3A_62 = arith.constant 0 : i32
      %dma_wait3A_63 = tpu.memref_slice %arg3[%add3A_27, %dma_wait3A_62] : memref<2560x128xi32, #tpu.memory_space<hbm>> -> memref<40x128xi32, #tpu.memory_space<hbm>>
      %dma_wait3A_64 = arith.constant 0 : i32
      %dma_wait3A_65 = tpu.memref_slice %arg3[%add3A_27, %dma_wait3A_64] : memref<2560x128xi32, #tpu.memory_space<hbm>> -> memref<40x128xi32, #tpu.memory_space<hbm>>
      tpu.wait_dma2 semaphore(%run_scoped3A : memref<!tpu.dma_semaphore, #tpu.memory_space<semaphore_mem>>) src(%dma_wait3A_65 : memref<40x128xi32, #tpu.memory_space<hbm>>) dst(%arg7 : memref<40x128xi32, #tpu.memory_space<vmem>>)
      tpu.yield
    }) : () -> ()
    %add3A_28 = arith.constant 40 : i32
    %add3A_29 = arith.addi %mul3A_4, %add3A_28 : i32
    "tpu.region"() ({
      %run_scoped3A = tpu.sem_alloc : memref<!tpu.dma_semaphore, #tpu.memory_space<semaphore_mem>>
      %dma_start3A_58 = arith.constant 0 : i32
      %dma_start3A_59 = tpu.memref_slice %arg4[%add3A_29, %dma_start3A_58] : memref<2560x128xi32, #tpu.memory_space<hbm>> -> memref<40x128xi32, #tpu.memory_space<hbm>>
      %dma_start3A_60 = arith.constant 0 : i32
      %dma_start3A_61 = tpu.memref_slice %arg4[%add3A_29, %dma_start3A_60] : memref<2560x128xi32, #tpu.memory_space<hbm>> -> memref<40x128xi32, #tpu.memory_space<hbm>>
      tpu.enqueue_dma source(%dma_start3A_61 : memref<40x128xi32, #tpu.memory_space<hbm>>) target(%arg8 : memref<40x128xi32, #tpu.memory_space<vmem>>) target_semaphore(%run_scoped3A : memref<!tpu.dma_semaphore, #tpu.memory_space<semaphore_mem>>)
      %dma_wait3A_62 = arith.constant 0 : i32
      %dma_wait3A_63 = tpu.memref_slice %arg4[%add3A_29, %dma_wait3A_62] : memref<2560x128xi32, #tpu.memory_space<hbm>> -> memref<40x128xi32, #tpu.memory_space<hbm>>
      %dma_wait3A_64 = arith.constant 0 : i32
      %dma_wait3A_65 = tpu.memref_slice %arg4[%add3A_29, %dma_wait3A_64] : memref<2560x128xi32, #tpu.memory_space<hbm>> -> memref<40x128xi32, #tpu.memory_space<hbm>>
      tpu.wait_dma2 semaphore(%run_scoped3A : memref<!tpu.dma_semaphore, #tpu.memory_space<semaphore_mem>>) src(%dma_wait3A_65 : memref<40x128xi32, #tpu.memory_space<hbm>>) dst(%arg8 : memref<40x128xi32, #tpu.memory_space<vmem>>)
      tpu.yield
    }) : () -> ()
    %dma_start3A_30 = arith.constant 0 : i32
    %dma_start3A_31 = arith.constant 0 : i32
    %dma_start3A_32 = tpu.memref_slice %arg7[%dma_start3A_30, %dma_start3A_31] : memref<40x128xi32, #tpu.memory_space<vmem>> -> memref<1x128xi32, #tpu.memory_space<vmem>>
    %dma_start3A_33 = tpu.memref_squeeze %dma_start3A_32 : memref<1x128xi32, #tpu.memory_space<vmem>> -> memref<128xi32, #tpu.memory_space<vmem>>
    %dma_start3A_34 = arith.constant 0 : i32
    %dma_start3A_35 = arith.constant 0 : i32
    %dma_start3A_36 = tpu.memref_slice %arg2[%dma_start3A_34, %dma_start3A_35] : memref<10240x128xf32, #tpu.memory_space<hbm>> -> memref<10240x128xf32, #tpu.memory_space<hbm>>
    tpu.enqueue_indirect_dma source(%dma_start3A_36 : memref<10240x128xf32, #tpu.memory_space<hbm>>) target(%arg9 : memref<128x128xf32, #tpu.memory_space<vmem>>) offsets(%dma_start3A_33 : memref<128xi32, #tpu.memory_space<vmem>>) semaphore(%arg12 : memref<!tpu.dma_semaphore, #tpu.memory_space<semaphore_mem>>)
    %scan3A_37 = arith.constant 0 : i32
    %scan3A_38 = arith.constant 0 : i32
    %scan3A_39 = arith.constant 20 : i32
    %scan3A_40 = arith.addi %scan3A_38, %scan3A_39 : i32
    %scan3A_41 = arith.constant 1 : i32
    scf.for %scan3A_58 = %scan3A_38 to %scan3A_40 step %scan3A_41  : i32 {
      %mul3A_59 = arith.constant 2 : i32
      %mul3A_60 = arith.muli %mul3A_59, %scan3A_58 : i32
      %add3A_61 = arith.constant 1 : i32
      %add3A_62 = arith.addi %mul3A_60, %add3A_61 : i32
      %gt3A = arith.constant 0 : i32
      %gt3A_63 = arith.cmpi sgt, %scan3A_58, %gt3A : i32
      %convert_element_type3A_64 = arith.extui %gt3A_63 : i1 to i32
      %cond3A_65 = arith.constant 0 : i32
      %cond3A_66 = arith.cmpi ne, %convert_element_type3A_64, %cond3A_65 : i32
      scf.if %cond3A_66 {
        %sub3A = arith.constant 2 : i32
        %sub3A_107 = arith.subi %add3A_62, %sub3A : i32
        %dma_wait3A_108 = arith.constant 0 : i32
        %dma_wait3A_109 = tpu.memref_slice %arg8[%sub3A_107, %dma_wait3A_108] : memref<40x128xi32, #tpu.memory_space<vmem>> -> memref<1x128xi32, #tpu.memory_space<vmem>>
        %dma_wait3A_110 = tpu.memref_squeeze %dma_wait3A_109 : memref<1x128xi32, #tpu.memory_space<vmem>> -> memref<128xi32, #tpu.memory_space<vmem>>
        %dma_wait3A_111 = arith.constant 0 : i32
        %dma_wait3A_112 = arith.constant 0 : i32
        %dma_wait3A_113 = tpu.memref_slice %arg11[%dma_wait3A_111, %dma_wait3A_112] : memref<10240x128xf32, #tpu.memory_space<vmem_shared>> -> memref<10240x128xf32, #tpu.memory_space<vmem_shared>>
        tpu.wait_indirect_dma semaphore(%arg15 : memref<!tpu.dma_semaphore, #tpu.memory_space<semaphore_mem>>) src(%arg10 : memref<128x128xf32, #tpu.memory_space<vmem>>) dst(%dma_wait3A_113 : memref<10240x128xf32, #tpu.memory_space<vmem_shared>>)
      } else {
      }
      %dma_start3A_67 = arith.constant 0 : i32
      %dma_start3A_68 = tpu.memref_slice %arg7[%add3A_62, %dma_start3A_67] : memref<40x128xi32, #tpu.memory_space<vmem>> -> memref<1x128xi32, #tpu.memory_space<vmem>>
      %dma_start3A_69 = tpu.memref_squeeze %dma_start3A_68 : memref<1x128xi32, #tpu.memory_space<vmem>> -> memref<128xi32, #tpu.memory_space<vmem>>
      %dma_start3A_70 = arith.constant 0 : i32
      %dma_start3A_71 = arith.constant 0 : i32
      %dma_start3A_72 = tpu.memref_slice %arg2[%dma_start3A_70, %dma_start3A_71] : memref<10240x128xf32, #tpu.memory_space<hbm>> -> memref<10240x128xf32, #tpu.memory_space<hbm>>
      tpu.enqueue_indirect_dma source(%dma_start3A_72 : memref<10240x128xf32, #tpu.memory_space<hbm>>) target(%arg10 : memref<128x128xf32, #tpu.memory_space<vmem>>) offsets(%dma_start3A_69 : memref<128xi32, #tpu.memory_space<vmem>>) semaphore(%arg13 : memref<!tpu.dma_semaphore, #tpu.memory_space<semaphore_mem>>)
      %dma_wait3A_73 = arith.constant 0 : i32
      %dma_wait3A_74 = tpu.memref_slice %arg7[%mul3A_60, %dma_wait3A_73] : memref<40x128xi32, #tpu.memory_space<vmem>> -> memref<1x128xi32, #tpu.memory_space<vmem>>
      %dma_wait3A_75 = tpu.memref_squeeze %dma_wait3A_74 : memref<1x128xi32, #tpu.memory_space<vmem>> -> memref<128xi32, #tpu.memory_space<vmem>>
      %dma_wait3A_76 = arith.constant 0 : i32
      %dma_wait3A_77 = arith.constant 0 : i32
      %dma_wait3A_78 = tpu.memref_slice %arg2[%dma_wait3A_76, %dma_wait3A_77] : memref<10240x128xf32, #tpu.memory_space<hbm>> -> memref<10240x128xf32, #tpu.memory_space<hbm>>
      tpu.wait_indirect_dma semaphore(%arg12 : memref<!tpu.dma_semaphore, #tpu.memory_space<semaphore_mem>>) src(%dma_wait3A_78 : memref<10240x128xf32, #tpu.memory_space<hbm>>) dst(%arg9 : memref<128x128xf32, #tpu.memory_space<vmem>>)
      %dma_start3A_79 = arith.constant 0 : i32
      %dma_start3A_80 = tpu.memref_slice %arg8[%mul3A_60, %dma_start3A_79] : memref<40x128xi32, #tpu.memory_space<vmem>> -> memref<1x128xi32, #tpu.memory_space<vmem>>
      %dma_start3A_81 = tpu.memref_squeeze %dma_start3A_80 : memref<1x128xi32, #tpu.memory_space<vmem>> -> memref<128xi32, #tpu.memory_space<vmem>>
      %dma_start3A_82 = arith.constant 0 : i32
      %dma_start3A_83 = arith.constant 0 : i32
      %dma_start3A_84 = tpu.memref_slice %arg11[%dma_start3A_82, %dma_start3A_83] : memref<10240x128xf32, #tpu.memory_space<vmem_shared>> -> memref<10240x128xf32, #tpu.memory_space<vmem_shared>>
      tpu.enqueue_indirect_dma source(%arg9 : memref<128x128xf32, #tpu.memory_space<vmem>>) target(%dma_start3A_84 : memref<10240x128xf32, #tpu.memory_space<vmem_shared>>) offsets(%dma_start3A_81 : memref<128xi32, #tpu.memory_space<vmem>>) semaphore(%arg14 : memref<!tpu.dma_semaphore, #tpu.memory_space<semaphore_mem>>) {add = true}
      %dma_wait3A_85 = arith.constant 0 : i32
      %dma_wait3A_86 = tpu.memref_slice %arg7[%add3A_62, %dma_wait3A_85] : memref<40x128xi32, #tpu.memory_space<vmem>> -> memref<1x128xi32, #tpu.memory_space<vmem>>
      %dma_wait3A_87 = tpu.memref_squeeze %dma_wait3A_86 : memref<1x128xi32, #tpu.memory_space<vmem>> -> memref<128xi32, #tpu.memory_space<vmem>>
      %dma_wait3A_88 = arith.constant 0 : i32
      %dma_wait3A_89 = arith.constant 0 : i32
      %dma_wait3A_90 = tpu.memref_slice %arg2[%dma_wait3A_88, %dma_wait3A_89] : memref<10240x128xf32, #tpu.memory_space<hbm>> -> memref<10240x128xf32, #tpu.memory_space<hbm>>
      tpu.wait_indirect_dma semaphore(%arg13 : memref<!tpu.dma_semaphore, #tpu.memory_space<semaphore_mem>>) src(%dma_wait3A_90 : memref<10240x128xf32, #tpu.memory_space<hbm>>) dst(%arg10 : memref<128x128xf32, #tpu.memory_space<vmem>>)
      %dma_wait3A_91 = arith.constant 0 : i32
      %dma_wait3A_92 = tpu.memref_slice %arg8[%mul3A_60, %dma_wait3A_91] : memref<40x128xi32, #tpu.memory_space<vmem>> -> memref<1x128xi32, #tpu.memory_space<vmem>>
      %dma_wait3A_93 = tpu.memref_squeeze %dma_wait3A_92 : memref<1x128xi32, #tpu.memory_space<vmem>> -> memref<128xi32, #tpu.memory_space<vmem>>
      %dma_wait3A_94 = arith.constant 0 : i32
      %dma_wait3A_95 = arith.constant 0 : i32
      %dma_wait3A_96 = tpu.memref_slice %arg11[%dma_wait3A_94, %dma_wait3A_95] : memref<10240x128xf32, #tpu.memory_space<vmem_shared>> -> memref<10240x128xf32, #tpu.memory_space<vmem_shared>>
      tpu.wait_indirect_dma semaphore(%arg14 : memref<!tpu.dma_semaphore, #tpu.memory_space<semaphore_mem>>) src(%arg9 : memref<128x128xf32, #tpu.memory_space<vmem>>) dst(%dma_wait3A_96 : memref<10240x128xf32, #tpu.memory_space<vmem_shared>>)
      %lt3A = arith.constant 19 : i32
      %lt3A_97 = arith.cmpi slt, %scan3A_58, %lt3A : i32
      %convert_element_type3A_98 = arith.extui %lt3A_97 : i1 to i32
      %cond3A_99 = arith.constant 0 : i32
      %cond3A_100 = arith.cmpi ne, %convert_element_type3A_98, %cond3A_99 : i32
      scf.if %cond3A_100 {
        %add3A_107 = arith.constant 2 : i32
        %add3A_108 = arith.addi %mul3A_60, %add3A_107 : i32
        %dma_start3A_109 = arith.constant 0 : i32
        %dma_start3A_110 = tpu.memref_slice %arg7[%add3A_108, %dma_start3A_109] : memref<40x128xi32, #tpu.memory_space<vmem>> -> memref<1x128xi32, #tpu.memory_space<vmem>>
        %dma_start3A_111 = tpu.memref_squeeze %dma_start3A_110 : memref<1x128xi32, #tpu.memory_space<vmem>> -> memref<128xi32, #tpu.memory_space<vmem>>
        %dma_start3A_112 = arith.constant 0 : i32
        %dma_start3A_113 = arith.constant 0 : i32
        %dma_start3A_114 = tpu.memref_slice %arg2[%dma_start3A_112, %dma_start3A_113] : memref<10240x128xf32, #tpu.memory_space<hbm>> -> memref<10240x128xf32, #tpu.memory_space<hbm>>
        tpu.enqueue_indirect_dma source(%dma_start3A_114 : memref<10240x128xf32, #tpu.memory_space<hbm>>) target(%arg9 : memref<128x128xf32, #tpu.memory_space<vmem>>) offsets(%dma_start3A_111 : memref<128xi32, #tpu.memory_space<vmem>>) semaphore(%arg12 : memref<!tpu.dma_semaphore, #tpu.memory_space<semaphore_mem>>)
      } else {
      }
      %dma_start3A_101 = arith.constant 0 : i32
      %dma_start3A_102 = tpu.memref_slice %arg8[%add3A_62, %dma_start3A_101] : memref<40x128xi32, #tpu.memory_space<vmem>> -> memref<1x128xi32, #tpu.memory_space<vmem>>
      %dma_start3A_103 = tpu.memref_squeeze %dma_start3A_102 : memref<1x128xi32, #tpu.memory_space<vmem>> -> memref<128xi32, #tpu.memory_space<vmem>>
      %dma_start3A_104 = arith.constant 0 : i32
      %dma_start3A_105 = arith.constant 0 : i32
      %dma_start3A_106 = tpu.memref_slice %arg11[%dma_start3A_104, %dma_start3A_105] : memref<10240x128xf32, #tpu.memory_space<vmem_shared>> -> memref<10240x128xf32, #tpu.memory_space<vmem_shared>>
      tpu.enqueue_indirect_dma source(%arg10 : memref<128x128xf32, #tpu.memory_space<vmem>>) target(%dma_start3A_106 : memref<10240x128xf32, #tpu.memory_space<vmem_shared>>) offsets(%dma_start3A_103 : memref<128xi32, #tpu.memory_space<vmem>>) semaphore(%arg15 : memref<!tpu.dma_semaphore, #tpu.memory_space<semaphore_mem>>) {add = true}
    }
    %scan3A_42 = arith.constant 20 : i32
    %dma_wait3A_43 = arith.constant 39 : i32
    %dma_wait3A_44 = arith.constant 0 : i32
    %dma_wait3A_45 = tpu.memref_slice %arg8[%dma_wait3A_43, %dma_wait3A_44] : memref<40x128xi32, #tpu.memory_space<vmem>> -> memref<1x128xi32, #tpu.memory_space<vmem>>
    %dma_wait3A_46 = tpu.memref_squeeze %dma_wait3A_45 : memref<1x128xi32, #tpu.memory_space<vmem>> -> memref<128xi32, #tpu.memory_space<vmem>>
    %dma_wait3A_47 = arith.constant 0 : i32
    %dma_wait3A_48 = arith.constant 0 : i32
    %dma_wait3A_49 = tpu.memref_slice %arg11[%dma_wait3A_47, %dma_wait3A_48] : memref<10240x128xf32, #tpu.memory_space<vmem_shared>> -> memref<10240x128xf32, #tpu.memory_space<vmem_shared>>
    tpu.wait_indirect_dma semaphore(%arg15 : memref<!tpu.dma_semaphore, #tpu.memory_space<semaphore_mem>>) src(%arg10 : memref<128x128xf32, #tpu.memory_space<vmem>>) dst(%dma_wait3A_49 : memref<10240x128xf32, #tpu.memory_space<vmem_shared>>)
    %barrier3A_50 = arith.constant 0 : index
    tpu.barrier barrier_id(%barrier3A_50)
    %eq3A = arith.constant 0 : i32
    %eq3A_51 = arith.cmpi eq, %arg0, %eq3A : i32
    %convert_element_type3A = arith.extui %eq3A_51 : i1 to i32
    %cond3A = arith.constant 0 : i32
    %cond3A_52 = arith.cmpi ne, %convert_element_type3A, %cond3A : i32
    scf.if %cond3A_52 {
      %run_scoped3A = arith.constant 0 : i32
      "tpu.region"() ({
        %run_scoped3A_58 = tpu.sem_alloc : memref<!tpu.dma_semaphore, #tpu.memory_space<semaphore_mem>>
        %dma_start3A_59 = arith.constant 0 : i32
        %dma_start3A_60 = arith.constant 0 : i32
        %dma_start3A_61 = tpu.memref_slice %arg6[%run_scoped3A, %dma_start3A_59, %dma_start3A_60] : memref<2x10240x128xf32, #tpu.memory_space<hbm>> -> memref<1x10240x128xf32, #tpu.memory_space<hbm>>
        %dma_start3A_62 = tpu.memref_squeeze %dma_start3A_61 : memref<1x10240x128xf32, #tpu.memory_space<hbm>> -> memref<10240x128xf32, #tpu.memory_space<hbm>>
        %dma_start3A_63 = arith.constant 0 : i32
        %dma_start3A_64 = tpu.memref_slice %dma_start3A_62[%mul3A_0, %dma_start3A_63] : memref<10240x128xf32, #tpu.memory_space<hbm>> -> memref<640x128xf32, #tpu.memory_space<hbm>>
        %dma_start3A_65 = arith.constant 0 : i32
        %dma_start3A_66 = tpu.memref_slice %arg11[%mul3A_0, %dma_start3A_65] : memref<10240x128xf32, #tpu.memory_space<vmem_shared>> -> memref<640x128xf32, #tpu.memory_space<vmem_shared>>
        tpu.enqueue_dma source(%dma_start3A_66 : memref<640x128xf32, #tpu.memory_space<vmem_shared>>) target(%dma_start3A_64 : memref<640x128xf32, #tpu.memory_space<hbm>>) target_semaphore(%run_scoped3A_58 : memref<!tpu.dma_semaphore, #tpu.memory_space<semaphore_mem>>)
        %dma_wait3A_67 = arith.constant 0 : i32
        %dma_wait3A_68 = arith.constant 0 : i32
        %dma_wait3A_69 = tpu.memref_slice %arg6[%run_scoped3A, %dma_wait3A_67, %dma_wait3A_68] : memref<2x10240x128xf32, #tpu.memory_space<hbm>> -> memref<1x10240x128xf32, #tpu.memory_space<hbm>>
        %dma_wait3A_70 = tpu.memref_squeeze %dma_wait3A_69 : memref<1x10240x128xf32, #tpu.memory_space<hbm>> -> memref<10240x128xf32, #tpu.memory_space<hbm>>
        %dma_wait3A_71 = arith.constant 0 : i32
        %dma_wait3A_72 = tpu.memref_slice %dma_wait3A_70[%mul3A_0, %dma_wait3A_71] : memref<10240x128xf32, #tpu.memory_space<hbm>> -> memref<640x128xf32, #tpu.memory_space<hbm>>
        %dma_wait3A_73 = arith.constant 0 : i32
        %dma_wait3A_74 = tpu.memref_slice %arg11[%mul3A_0, %dma_wait3A_73] : memref<10240x128xf32, #tpu.memory_space<vmem_shared>> -> memref<640x128xf32, #tpu.memory_space<vmem_shared>>
        tpu.wait_dma2 semaphore(%run_scoped3A_58 : memref<!tpu.dma_semaphore, #tpu.memory_space<semaphore_mem>>) src(%dma_wait3A_74 : memref<640x128xf32, #tpu.memory_space<vmem_shared>>) dst(%dma_wait3A_72 : memref<640x128xf32, #tpu.memory_space<hbm>>)
        tpu.yield
      }) : () -> ()
    } else {
    }
    %eq3A_53 = arith.constant 1 : i32
    %eq3A_54 = arith.cmpi eq, %arg0, %eq3A_53 : i32
    %convert_element_type3A_55 = arith.extui %eq3A_54 : i1 to i32
    %cond3A_56 = arith.constant 0 : i32
    %cond3A_57 = arith.cmpi ne, %convert_element_type3A_55, %cond3A_56 : i32
    scf.if %cond3A_57 {
      %run_scoped3A = arith.constant 1 : i32
      "tpu.region"() ({
        %run_scoped3A_58 = tpu.sem_alloc : memref<!tpu.dma_semaphore, #tpu.memory_space<semaphore_mem>>
        %dma_start3A_59 = arith.constant 0 : i32
        %dma_start3A_60 = arith.constant 0 : i32
        %dma_start3A_61 = tpu.memref_slice %arg6[%run_scoped3A, %dma_start3A_59, %dma_start3A_60] : memref<2x10240x128xf32, #tpu.memory_space<hbm>> -> memref<1x10240x128xf32, #tpu.memory_space<hbm>>
        %dma_start3A_62 = tpu.memref_squeeze %dma_start3A_61 : memref<1x10240x128xf32, #tpu.memory_space<hbm>> -> memref<10240x128xf32, #tpu.memory_space<hbm>>
        %dma_start3A_63 = arith.constant 0 : i32
        %dma_start3A_64 = tpu.memref_slice %dma_start3A_62[%mul3A_0, %dma_start3A_63] : memref<10240x128xf32, #tpu.memory_space<hbm>> -> memref<640x128xf32, #tpu.memory_space<hbm>>
        %dma_start3A_65 = arith.constant 0 : i32
        %dma_start3A_66 = tpu.memref_slice %arg11[%mul3A_0, %dma_start3A_65] : memref<10240x128xf32, #tpu.memory_space<vmem_shared>> -> memref<640x128xf32, #tpu.memory_space<vmem_shared>>
        tpu.enqueue_dma source(%dma_start3A_66 : memref<640x128xf32, #tpu.memory_space<vmem_shared>>) target(%dma_start3A_64 : memref<640x128xf32, #tpu.memory_space<hbm>>) target_semaphore(%run_scoped3A_58 : memref<!tpu.dma_semaphore, #tpu.memory_space<semaphore_mem>>)
        %dma_wait3A_67 = arith.constant 0 : i32
        %dma_wait3A_68 = arith.constant 0 : i32
        %dma_wait3A_69 = tpu.memref_slice %arg6[%run_scoped3A, %dma_wait3A_67, %dma_wait3A_68] : memref<2x10240x128xf32, #tpu.memory_space<hbm>> -> memref<1x10240x128xf32, #tpu.memory_space<hbm>>
        %dma_wait3A_70 = tpu.memref_squeeze %dma_wait3A_69 : memref<1x10240x128xf32, #tpu.memory_space<hbm>> -> memref<10240x128xf32, #tpu.memory_space<hbm>>
        %dma_wait3A_71 = arith.constant 0 : i32
        %dma_wait3A_72 = tpu.memref_slice %dma_wait3A_70[%mul3A_0, %dma_wait3A_71] : memref<10240x128xf32, #tpu.memory_space<hbm>> -> memref<640x128xf32, #tpu.memory_space<hbm>>
        %dma_wait3A_73 = arith.constant 0 : i32
        %dma_wait3A_74 = tpu.memref_slice %arg11[%mul3A_0, %dma_wait3A_73] : memref<10240x128xf32, #tpu.memory_space<vmem_shared>> -> memref<640x128xf32, #tpu.memory_space<vmem_shared>>
        tpu.wait_dma2 semaphore(%run_scoped3A_58 : memref<!tpu.dma_semaphore, #tpu.memory_space<semaphore_mem>>) src(%dma_wait3A_74 : memref<640x128xf32, #tpu.memory_space<vmem_shared>>) dst(%dma_wait3A_72 : memref<640x128xf32, #tpu.memory_space<hbm>>)
        tpu.yield
      }) : () -> ()
    } else {
    }
    return
  }
}

#map = affine_map<(d0, d1) -> (0, 0)>
#map1 = affine_map<(d0, d1) -> (0)>
#map2 = affine_map<(d0, d1) -> (0, 0, 0)>
module attributes {stable_mosaic.version = 14 : i64} {
  func.func @deg_kernel(%arg0: i32, %arg1: i32, %arg2: memref<2560x128xi32, #tpu.memory_space<hbm>>, %arg3: memref<2560x128xi32, #tpu.memory_space<hbm>>, %arg4: memref<327680x128xf32, #tpu.memory_space<hbm>>, %arg5: memref<640xf32, #tpu.memory_space<hbm>>, %arg6: memref<640x128xf32, #tpu.memory_space<hbm>>, %arg7: memref<128xf32, #tpu.memory_space<hbm>>, %arg8: memref<10240xf32, #tpu.memory_space<hbm>>, %arg9: memref<10240xf32, #tpu.memory_space<hbm>>, %arg10: memref<2x10240x128xf32, #tpu.memory_space<hbm>>, %arg11: memref<40x128xi32, #tpu.memory_space<vmem>>, %arg12: memref<40x128xi32, #tpu.memory_space<vmem>>, %arg13: memref<128xf32, #tpu.memory_space<vmem>>, %arg14: memref<128x128xf32, #tpu.memory_space<vmem>>, %arg15: memref<128x128xf32, #tpu.memory_space<vmem>>, %arg16: memref<10240xf32, #tpu.memory_space<vmem_shared>>, %arg17: memref<10240x128xf32, #tpu.memory_space<vmem_shared>>, %arg18: memref<!tpu.dma_semaphore, #tpu.memory_space<semaphore_mem>>, %arg19: memref<!tpu.dma_semaphore, #tpu.memory_space<semaphore_mem>>, %arg20: memref<!tpu.dma_semaphore, #tpu.memory_space<semaphore_mem>>, %arg21: memref<!tpu.dma_semaphore, #tpu.memory_space<semaphore_mem>>, %arg22: memref<!tpu.dma_semaphore, #tpu.memory_space<semaphore_mem>>) attributes {dimension_semantics = [#tpu.dimension_semantics<core_parallel>, #tpu.dimension_semantics<subcore_parallel>], iteration_bounds = array<i64: 2, 16>, scalar_prefetch = 0 : i64, scratch_operands = 12 : i64, tpu.core_type = #tpu.core_type<sc_vector_subcore>, window_params = [{transform_indices = #map}, {transform_indices = #map}, {transform_indices = #map}, {transform_indices = #map1}, {transform_indices = #map}, {transform_indices = #map1}, {transform_indices = #map1}, {transform_indices = #map1}, {transform_indices = #map2}]} {
    %mul3A = arith.constant 640 : i32
    %mul3A_0 = arith.muli %arg1, %mul3A : i32
    "tpu.region"() ({
      %run_scoped3A = tpu.sem_alloc : memref<!tpu.dma_semaphore, #tpu.memory_space<semaphore_mem>>
      %dma_start3A_66 = tpu.memref_slice %arg16[%mul3A_0] : memref<10240xf32, #tpu.memory_space<vmem_shared>> -> memref<640xf32, #tpu.memory_space<vmem_shared>>
      tpu.enqueue_dma source(%arg5 : memref<640xf32, #tpu.memory_space<hbm>>) target(%dma_start3A_66 : memref<640xf32, #tpu.memory_space<vmem_shared>>) target_semaphore(%run_scoped3A : memref<!tpu.dma_semaphore, #tpu.memory_space<semaphore_mem>>)
      %dma_wait3A_67 = tpu.memref_slice %arg16[%mul3A_0] : memref<10240xf32, #tpu.memory_space<vmem_shared>> -> memref<640xf32, #tpu.memory_space<vmem_shared>>
      tpu.wait_dma2 semaphore(%run_scoped3A : memref<!tpu.dma_semaphore, #tpu.memory_space<semaphore_mem>>) src(%arg5 : memref<640xf32, #tpu.memory_space<hbm>>) dst(%dma_wait3A_67 : memref<640xf32, #tpu.memory_space<vmem_shared>>)
      tpu.yield
    }) : () -> ()
    "tpu.region"() ({
      %run_scoped3A = tpu.sem_alloc : memref<!tpu.dma_semaphore, #tpu.memory_space<semaphore_mem>>
      %dma_start3A_66 = arith.constant 0 : i32
      %dma_start3A_67 = tpu.memref_slice %arg17[%mul3A_0, %dma_start3A_66] : memref<10240x128xf32, #tpu.memory_space<vmem_shared>> -> memref<640x128xf32, #tpu.memory_space<vmem_shared>>
      tpu.enqueue_dma source(%arg6 : memref<640x128xf32, #tpu.memory_space<hbm>>) target(%dma_start3A_67 : memref<640x128xf32, #tpu.memory_space<vmem_shared>>) target_semaphore(%run_scoped3A : memref<!tpu.dma_semaphore, #tpu.memory_space<semaphore_mem>>)
      %dma_wait3A_68 = arith.constant 0 : i32
      %dma_wait3A_69 = tpu.memref_slice %arg17[%mul3A_0, %dma_wait3A_68] : memref<10240x128xf32, #tpu.memory_space<vmem_shared>> -> memref<640x128xf32, #tpu.memory_space<vmem_shared>>
      tpu.wait_dma2 semaphore(%run_scoped3A : memref<!tpu.dma_semaphore, #tpu.memory_space<semaphore_mem>>) src(%arg6 : memref<640x128xf32, #tpu.memory_space<hbm>>) dst(%dma_wait3A_69 : memref<640x128xf32, #tpu.memory_space<vmem_shared>>)
      tpu.yield
    }) : () -> ()
    "tpu.region"() ({
      %run_scoped3A = tpu.sem_alloc : memref<!tpu.dma_semaphore, #tpu.memory_space<semaphore_mem>>
      tpu.enqueue_dma source(%arg7 : memref<128xf32, #tpu.memory_space<hbm>>) target(%arg13 : memref<128xf32, #tpu.memory_space<vmem>>) target_semaphore(%run_scoped3A : memref<!tpu.dma_semaphore, #tpu.memory_space<semaphore_mem>>)
      tpu.wait_dma2 semaphore(%run_scoped3A : memref<!tpu.dma_semaphore, #tpu.memory_space<semaphore_mem>>) src(%arg7 : memref<128xf32, #tpu.memory_space<hbm>>) dst(%arg13 : memref<128xf32, #tpu.memory_space<vmem>>)
      tpu.yield
    }) : () -> ()
    %mul3A_1 = arith.constant 16 : i32
    %mul3A_2 = arith.muli %arg0, %mul3A_1 : i32
    %add3A = arith.addi %mul3A_2, %arg1 : i32
    %mul3A_3 = arith.constant 80 : i32
    %mul3A_4 = arith.muli %add3A, %mul3A_3 : i32
    %barrier3A = arith.constant 0 : index
    tpu.barrier barrier_id(%barrier3A)
    %eq3A = arith.constant 0 : i32
    %eq3A_5 = arith.cmpi eq, %arg0, %eq3A : i32
    %convert_element_type3A = arith.extui %eq3A_5 : i1 to i32
    %cond3A = arith.constant 0 : i32
    %cond3A_6 = arith.cmpi ne, %convert_element_type3A, %cond3A : i32
    scf.if %cond3A_6 {
      %mul3A_66 = arith.constant 160 : i32
      %mul3A_67 = arith.muli %arg1, %mul3A_66 : i32
      %add3A_68 = arith.constant 0 : i32
      %add3A_69 = arith.addi %mul3A_67, %add3A_68 : i32
      "tpu.region"() ({
        %run_scoped3A = tpu.sem_alloc : memref<!tpu.dma_semaphore, #tpu.memory_space<semaphore_mem>>
        %dma_start3A_106 = arith.constant 0 : i32
        %dma_start3A_107 = tpu.memref_slice %arg2[%add3A_69, %dma_start3A_106] : memref<2560x128xi32, #tpu.memory_space<hbm>> -> memref<40x128xi32, #tpu.memory_space<hbm>>
        %dma_start3A_108 = arith.constant 0 : i32
        %dma_start3A_109 = tpu.memref_slice %arg2[%add3A_69, %dma_start3A_108] : memref<2560x128xi32, #tpu.memory_space<hbm>> -> memref<40x128xi32, #tpu.memory_space<hbm>>
        tpu.enqueue_dma source(%dma_start3A_109 : memref<40x128xi32, #tpu.memory_space<hbm>>) target(%arg11 : memref<40x128xi32, #tpu.memory_space<vmem>>) target_semaphore(%run_scoped3A : memref<!tpu.dma_semaphore, #tpu.memory_space<semaphore_mem>>)
        %dma_wait3A_110 = arith.constant 0 : i32
        %dma_wait3A_111 = tpu.memref_slice %arg2[%add3A_69, %dma_wait3A_110] : memref<2560x128xi32, #tpu.memory_space<hbm>> -> memref<40x128xi32, #tpu.memory_space<hbm>>
        %dma_wait3A_112 = arith.constant 0 : i32
        %dma_wait3A_113 = tpu.memref_slice %arg2[%add3A_69, %dma_wait3A_112] : memref<2560x128xi32, #tpu.memory_space<hbm>> -> memref<40x128xi32, #tpu.memory_space<hbm>>
        tpu.wait_dma2 semaphore(%run_scoped3A : memref<!tpu.dma_semaphore, #tpu.memory_space<semaphore_mem>>) src(%dma_wait3A_113 : memref<40x128xi32, #tpu.memory_space<hbm>>) dst(%arg11 : memref<40x128xi32, #tpu.memory_space<vmem>>)
        tpu.yield
      }) : () -> ()
      %scan3A_70 = arith.constant 0 : i32
      %scan3A_71 = arith.constant 0 : i32
      %scan3A_72 = arith.constant 5 : i32
      %scan3A_73 = arith.addi %scan3A_71, %scan3A_72 : i32
      %scan3A_74 = arith.constant 1 : i32
      scf.for %scan3A_106 = %scan3A_71 to %scan3A_73 step %scan3A_74  : i32 {
        %mul3A_107 = arith.constant 8 : i32
        %mul3A_108 = arith.muli %mul3A_107, %scan3A_106 : i32
        %add3A_109 = arith.constant 0 : i32
        %add3A_110 = arith.addi %mul3A_108, %add3A_109 : i32
        %dma_start3A_111 = arith.constant 0 : i32
        %dma_start3A_112 = tpu.memref_slice %arg11[%add3A_110, %dma_start3A_111] : memref<40x128xi32, #tpu.memory_space<vmem>> -> memref<1x128xi32, #tpu.memory_space<vmem>>
        %dma_start3A_113 = tpu.memref_squeeze %dma_start3A_112 : memref<1x128xi32, #tpu.memory_space<vmem>> -> memref<128xi32, #tpu.memory_space<vmem>>
        %dma_start3A_114 = arith.constant 0 : i32
        %dma_start3A_115 = tpu.memref_slice %arg16[%dma_start3A_114] : memref<10240xf32, #tpu.memory_space<vmem_shared>> -> memref<10240xf32, #tpu.memory_space<vmem_shared>>
        tpu.enqueue_indirect_dma source(%arg13 : memref<128xf32, #tpu.memory_space<vmem>>) target(%dma_start3A_115 : memref<10240xf32, #tpu.memory_space<vmem_shared>>) offsets(%dma_start3A_113 : memref<128xi32, #tpu.memory_space<vmem>>) semaphore(%arg18 : memref<!tpu.dma_semaphore, #tpu.memory_space<semaphore_mem>>) {add = true}
        %mul3A_116 = arith.constant 8 : i32
        %mul3A_117 = arith.muli %mul3A_116, %scan3A_106 : i32
        %add3A_118 = arith.constant 1 : i32
        %add3A_119 = arith.addi %mul3A_117, %add3A_118 : i32
        %dma_start3A_120 = arith.constant 0 : i32
        %dma_start3A_121 = tpu.memref_slice %arg11[%add3A_119, %dma_start3A_120] : memref<40x128xi32, #tpu.memory_space<vmem>> -> memref<1x128xi32, #tpu.memory_space<vmem>>
        %dma_start3A_122 = tpu.memref_squeeze %dma_start3A_121 : memref<1x128xi32, #tpu.memory_space<vmem>> -> memref<128xi32, #tpu.memory_space<vmem>>
        %dma_start3A_123 = arith.constant 0 : i32
        %dma_start3A_124 = tpu.memref_slice %arg16[%dma_start3A_123] : memref<10240xf32, #tpu.memory_space<vmem_shared>> -> memref<10240xf32, #tpu.memory_space<vmem_shared>>
        tpu.enqueue_indirect_dma source(%arg13 : memref<128xf32, #tpu.memory_space<vmem>>) target(%dma_start3A_124 : memref<10240xf32, #tpu.memory_space<vmem_shared>>) offsets(%dma_start3A_122 : memref<128xi32, #tpu.memory_space<vmem>>) semaphore(%arg18 : memref<!tpu.dma_semaphore, #tpu.memory_space<semaphore_mem>>) {add = true}
        %mul3A_125 = arith.constant 8 : i32
        %mul3A_126 = arith.muli %mul3A_125, %scan3A_106 : i32
        %add3A_127 = arith.constant 2 : i32
        %add3A_128 = arith.addi %mul3A_126, %add3A_127 : i32
        %dma_start3A_129 = arith.constant 0 : i32
        %dma_start3A_130 = tpu.memref_slice %arg11[%add3A_128, %dma_start3A_129] : memref<40x128xi32, #tpu.memory_space<vmem>> -> memref<1x128xi32, #tpu.memory_space<vmem>>
        %dma_start3A_131 = tpu.memref_squeeze %dma_start3A_130 : memref<1x128xi32, #tpu.memory_space<vmem>> -> memref<128xi32, #tpu.memory_space<vmem>>
        %dma_start3A_132 = arith.constant 0 : i32
        %dma_start3A_133 = tpu.memref_slice %arg16[%dma_start3A_132] : memref<10240xf32, #tpu.memory_space<vmem_shared>> -> memref<10240xf32, #tpu.memory_space<vmem_shared>>
        tpu.enqueue_indirect_dma source(%arg13 : memref<128xf32, #tpu.memory_space<vmem>>) target(%dma_start3A_133 : memref<10240xf32, #tpu.memory_space<vmem_shared>>) offsets(%dma_start3A_131 : memref<128xi32, #tpu.memory_space<vmem>>) semaphore(%arg18 : memref<!tpu.dma_semaphore, #tpu.memory_space<semaphore_mem>>) {add = true}
        %mul3A_134 = arith.constant 8 : i32
        %mul3A_135 = arith.muli %mul3A_134, %scan3A_106 : i32
        %add3A_136 = arith.constant 3 : i32
        %add3A_137 = arith.addi %mul3A_135, %add3A_136 : i32
        %dma_start3A_138 = arith.constant 0 : i32
        %dma_start3A_139 = tpu.memref_slice %arg11[%add3A_137, %dma_start3A_138] : memref<40x128xi32, #tpu.memory_space<vmem>> -> memref<1x128xi32, #tpu.memory_space<vmem>>
        %dma_start3A_140 = tpu.memref_squeeze %dma_start3A_139 : memref<1x128xi32, #tpu.memory_space<vmem>> -> memref<128xi32, #tpu.memory_space<vmem>>
        %dma_start3A_141 = arith.constant 0 : i32
        %dma_start3A_142 = tpu.memref_slice %arg16[%dma_start3A_141] : memref<10240xf32, #tpu.memory_space<vmem_shared>> -> memref<10240xf32, #tpu.memory_space<vmem_shared>>
        tpu.enqueue_indirect_dma source(%arg13 : memref<128xf32, #tpu.memory_space<vmem>>) target(%dma_start3A_142 : memref<10240xf32, #tpu.memory_space<vmem_shared>>) offsets(%dma_start3A_140 : memref<128xi32, #tpu.memory_space<vmem>>) semaphore(%arg18 : memref<!tpu.dma_semaphore, #tpu.memory_space<semaphore_mem>>) {add = true}
        %mul3A_143 = arith.constant 8 : i32
        %mul3A_144 = arith.muli %mul3A_143, %scan3A_106 : i32
        %add3A_145 = arith.constant 4 : i32
        %add3A_146 = arith.addi %mul3A_144, %add3A_145 : i32
        %dma_start3A_147 = arith.constant 0 : i32
        %dma_start3A_148 = tpu.memref_slice %arg11[%add3A_146, %dma_start3A_147] : memref<40x128xi32, #tpu.memory_space<vmem>> -> memref<1x128xi32, #tpu.memory_space<vmem>>
        %dma_start3A_149 = tpu.memref_squeeze %dma_start3A_148 : memref<1x128xi32, #tpu.memory_space<vmem>> -> memref<128xi32, #tpu.memory_space<vmem>>
        %dma_start3A_150 = arith.constant 0 : i32
        %dma_start3A_151 = tpu.memref_slice %arg16[%dma_start3A_150] : memref<10240xf32, #tpu.memory_space<vmem_shared>> -> memref<10240xf32, #tpu.memory_space<vmem_shared>>
        tpu.enqueue_indirect_dma source(%arg13 : memref<128xf32, #tpu.memory_space<vmem>>) target(%dma_start3A_151 : memref<10240xf32, #tpu.memory_space<vmem_shared>>) offsets(%dma_start3A_149 : memref<128xi32, #tpu.memory_space<vmem>>) semaphore(%arg18 : memref<!tpu.dma_semaphore, #tpu.memory_space<semaphore_mem>>) {add = true}
        %mul3A_152 = arith.constant 8 : i32
        %mul3A_153 = arith.muli %mul3A_152, %scan3A_106 : i32
        %add3A_154 = arith.constant 5 : i32
        %add3A_155 = arith.addi %mul3A_153, %add3A_154 : i32
        %dma_start3A_156 = arith.constant 0 : i32
        %dma_start3A_157 = tpu.memref_slice %arg11[%add3A_155, %dma_start3A_156] : memref<40x128xi32, #tpu.memory_space<vmem>> -> memref<1x128xi32, #tpu.memory_space<vmem>>
        %dma_start3A_158 = tpu.memref_squeeze %dma_start3A_157 : memref<1x128xi32, #tpu.memory_space<vmem>> -> memref<128xi32, #tpu.memory_space<vmem>>
        %dma_start3A_159 = arith.constant 0 : i32
        %dma_start3A_160 = tpu.memref_slice %arg16[%dma_start3A_159] : memref<10240xf32, #tpu.memory_space<vmem_shared>> -> memref<10240xf32, #tpu.memory_space<vmem_shared>>
        tpu.enqueue_indirect_dma source(%arg13 : memref<128xf32, #tpu.memory_space<vmem>>) target(%dma_start3A_160 : memref<10240xf32, #tpu.memory_space<vmem_shared>>) offsets(%dma_start3A_158 : memref<128xi32, #tpu.memory_space<vmem>>) semaphore(%arg18 : memref<!tpu.dma_semaphore, #tpu.memory_space<semaphore_mem>>) {add = true}
        %mul3A_161 = arith.constant 8 : i32
        %mul3A_162 = arith.muli %mul3A_161, %scan3A_106 : i32
        %add3A_163 = arith.constant 6 : i32
        %add3A_164 = arith.addi %mul3A_162, %add3A_163 : i32
        %dma_start3A_165 = arith.constant 0 : i32
        %dma_start3A_166 = tpu.memref_slice %arg11[%add3A_164, %dma_start3A_165] : memref<40x128xi32, #tpu.memory_space<vmem>> -> memref<1x128xi32, #tpu.memory_space<vmem>>
        %dma_start3A_167 = tpu.memref_squeeze %dma_start3A_166 : memref<1x128xi32, #tpu.memory_space<vmem>> -> memref<128xi32, #tpu.memory_space<vmem>>
        %dma_start3A_168 = arith.constant 0 : i32
        %dma_start3A_169 = tpu.memref_slice %arg16[%dma_start3A_168] : memref<10240xf32, #tpu.memory_space<vmem_shared>> -> memref<10240xf32, #tpu.memory_space<vmem_shared>>
        tpu.enqueue_indirect_dma source(%arg13 : memref<128xf32, #tpu.memory_space<vmem>>) target(%dma_start3A_169 : memref<10240xf32, #tpu.memory_space<vmem_shared>>) offsets(%dma_start3A_167 : memref<128xi32, #tpu.memory_space<vmem>>) semaphore(%arg18 : memref<!tpu.dma_semaphore, #tpu.memory_space<semaphore_mem>>) {add = true}
        %mul3A_170 = arith.constant 8 : i32
        %mul3A_171 = arith.muli %mul3A_170, %scan3A_106 : i32
        %add3A_172 = arith.constant 7 : i32
        %add3A_173 = arith.addi %mul3A_171, %add3A_172 : i32
        %dma_start3A_174 = arith.constant 0 : i32
        %dma_start3A_175 = tpu.memref_slice %arg11[%add3A_173, %dma_start3A_174] : memref<40x128xi32, #tpu.memory_space<vmem>> -> memref<1x128xi32, #tpu.memory_space<vmem>>
        %dma_start3A_176 = tpu.memref_squeeze %dma_start3A_175 : memref<1x128xi32, #tpu.memory_space<vmem>> -> memref<128xi32, #tpu.memory_space<vmem>>
        %dma_start3A_177 = arith.constant 0 : i32
        %dma_start3A_178 = tpu.memref_slice %arg16[%dma_start3A_177] : memref<10240xf32, #tpu.memory_space<vmem_shared>> -> memref<10240xf32, #tpu.memory_space<vmem_shared>>
        tpu.enqueue_indirect_dma source(%arg13 : memref<128xf32, #tpu.memory_space<vmem>>) target(%dma_start3A_178 : memref<10240xf32, #tpu.memory_space<vmem_shared>>) offsets(%dma_start3A_176 : memref<128xi32, #tpu.memory_space<vmem>>) semaphore(%arg18 : memref<!tpu.dma_semaphore, #tpu.memory_space<semaphore_mem>>) {add = true}
        %mul3A_179 = arith.constant 8 : i32
        %mul3A_180 = arith.muli %mul3A_179, %scan3A_106 : i32
        %add3A_181 = arith.constant 0 : i32
        %add3A_182 = arith.addi %mul3A_180, %add3A_181 : i32
        %dma_wait3A_183 = arith.constant 0 : i32
        %dma_wait3A_184 = tpu.memref_slice %arg11[%add3A_182, %dma_wait3A_183] : memref<40x128xi32, #tpu.memory_space<vmem>> -> memref<1x128xi32, #tpu.memory_space<vmem>>
        %dma_wait3A_185 = tpu.memref_squeeze %dma_wait3A_184 : memref<1x128xi32, #tpu.memory_space<vmem>> -> memref<128xi32, #tpu.memory_space<vmem>>
        %dma_wait3A_186 = arith.constant 0 : i32
        %dma_wait3A_187 = tpu.memref_slice %arg16[%dma_wait3A_186] : memref<10240xf32, #tpu.memory_space<vmem_shared>> -> memref<10240xf32, #tpu.memory_space<vmem_shared>>
        tpu.wait_indirect_dma semaphore(%arg18 : memref<!tpu.dma_semaphore, #tpu.memory_space<semaphore_mem>>) src(%arg13 : memref<128xf32, #tpu.memory_space<vmem>>) dst(%dma_wait3A_187 : memref<10240xf32, #tpu.memory_space<vmem_shared>>)
        %mul3A_188 = arith.constant 8 : i32
        %mul3A_189 = arith.muli %mul3A_188, %scan3A_106 : i32
        %add3A_190 = arith.constant 1 : i32
        %add3A_191 = arith.addi %mul3A_189, %add3A_190 : i32
        %dma_wait3A_192 = arith.constant 0 : i32
        %dma_wait3A_193 = tpu.memref_slice %arg11[%add3A_191, %dma_wait3A_192] : memref<40x128xi32, #tpu.memory_space<vmem>> -> memref<1x128xi32, #tpu.memory_space<vmem>>
        %dma_wait3A_194 = tpu.memref_squeeze %dma_wait3A_193 : memref<1x128xi32, #tpu.memory_space<vmem>> -> memref<128xi32, #tpu.memory_space<vmem>>
        %dma_wait3A_195 = arith.constant 0 : i32
        %dma_wait3A_196 = tpu.memref_slice %arg16[%dma_wait3A_195] : memref<10240xf32, #tpu.memory_space<vmem_shared>> -> memref<10240xf32, #tpu.memory_space<vmem_shared>>
        tpu.wait_indirect_dma semaphore(%arg18 : memref<!tpu.dma_semaphore, #tpu.memory_space<semaphore_mem>>) src(%arg13 : memref<128xf32, #tpu.memory_space<vmem>>) dst(%dma_wait3A_196 : memref<10240xf32, #tpu.memory_space<vmem_shared>>)
        %mul3A_197 = arith.constant 8 : i32
        %mul3A_198 = arith.muli %mul3A_197, %scan3A_106 : i32
        %add3A_199 = arith.constant 2 : i32
        %add3A_200 = arith.addi %mul3A_198, %add3A_199 : i32
        %dma_wait3A_201 = arith.constant 0 : i32
        %dma_wait3A_202 = tpu.memref_slice %arg11[%add3A_200, %dma_wait3A_201] : memref<40x128xi32, #tpu.memory_space<vmem>> -> memref<1x128xi32, #tpu.memory_space<vmem>>
        %dma_wait3A_203 = tpu.memref_squeeze %dma_wait3A_202 : memref<1x128xi32, #tpu.memory_space<vmem>> -> memref<128xi32, #tpu.memory_space<vmem>>
        %dma_wait3A_204 = arith.constant 0 : i32
        %dma_wait3A_205 = tpu.memref_slice %arg16[%dma_wait3A_204] : memref<10240xf32, #tpu.memory_space<vmem_shared>> -> memref<10240xf32, #tpu.memory_space<vmem_shared>>
        tpu.wait_indirect_dma semaphore(%arg18 : memref<!tpu.dma_semaphore, #tpu.memory_space<semaphore_mem>>) src(%arg13 : memref<128xf32, #tpu.memory_space<vmem>>) dst(%dma_wait3A_205 : memref<10240xf32, #tpu.memory_space<vmem_shared>>)
        %mul3A_206 = arith.constant 8 : i32
        %mul3A_207 = arith.muli %mul3A_206, %scan3A_106 : i32
        %add3A_208 = arith.constant 3 : i32
        %add3A_209 = arith.addi %mul3A_207, %add3A_208 : i32
        %dma_wait3A_210 = arith.constant 0 : i32
        %dma_wait3A_211 = tpu.memref_slice %arg11[%add3A_209, %dma_wait3A_210] : memref<40x128xi32, #tpu.memory_space<vmem>> -> memref<1x128xi32, #tpu.memory_space<vmem>>
        %dma_wait3A_212 = tpu.memref_squeeze %dma_wait3A_211 : memref<1x128xi32, #tpu.memory_space<vmem>> -> memref<128xi32, #tpu.memory_space<vmem>>
        %dma_wait3A_213 = arith.constant 0 : i32
        %dma_wait3A_214 = tpu.memref_slice %arg16[%dma_wait3A_213] : memref<10240xf32, #tpu.memory_space<vmem_shared>> -> memref<10240xf32, #tpu.memory_space<vmem_shared>>
        tpu.wait_indirect_dma semaphore(%arg18 : memref<!tpu.dma_semaphore, #tpu.memory_space<semaphore_mem>>) src(%arg13 : memref<128xf32, #tpu.memory_space<vmem>>) dst(%dma_wait3A_214 : memref<10240xf32, #tpu.memory_space<vmem_shared>>)
        %mul3A_215 = arith.constant 8 : i32
        %mul3A_216 = arith.muli %mul3A_215, %scan3A_106 : i32
        %add3A_217 = arith.constant 4 : i32
        %add3A_218 = arith.addi %mul3A_216, %add3A_217 : i32
        %dma_wait3A_219 = arith.constant 0 : i32
        %dma_wait3A_220 = tpu.memref_slice %arg11[%add3A_218, %dma_wait3A_219] : memref<40x128xi32, #tpu.memory_space<vmem>> -> memref<1x128xi32, #tpu.memory_space<vmem>>
        %dma_wait3A_221 = tpu.memref_squeeze %dma_wait3A_220 : memref<1x128xi32, #tpu.memory_space<vmem>> -> memref<128xi32, #tpu.memory_space<vmem>>
        %dma_wait3A_222 = arith.constant 0 : i32
        %dma_wait3A_223 = tpu.memref_slice %arg16[%dma_wait3A_222] : memref<10240xf32, #tpu.memory_space<vmem_shared>> -> memref<10240xf32, #tpu.memory_space<vmem_shared>>
        tpu.wait_indirect_dma semaphore(%arg18 : memref<!tpu.dma_semaphore, #tpu.memory_space<semaphore_mem>>) src(%arg13 : memref<128xf32, #tpu.memory_space<vmem>>) dst(%dma_wait3A_223 : memref<10240xf32, #tpu.memory_space<vmem_shared>>)
        %mul3A_224 = arith.constant 8 : i32
        %mul3A_225 = arith.muli %mul3A_224, %scan3A_106 : i32
        %add3A_226 = arith.constant 5 : i32
        %add3A_227 = arith.addi %mul3A_225, %add3A_226 : i32
        %dma_wait3A_228 = arith.constant 0 : i32
        %dma_wait3A_229 = tpu.memref_slice %arg11[%add3A_227, %dma_wait3A_228] : memref<40x128xi32, #tpu.memory_space<vmem>> -> memref<1x128xi32, #tpu.memory_space<vmem>>
        %dma_wait3A_230 = tpu.memref_squeeze %dma_wait3A_229 : memref<1x128xi32, #tpu.memory_space<vmem>> -> memref<128xi32, #tpu.memory_space<vmem>>
        %dma_wait3A_231 = arith.constant 0 : i32
        %dma_wait3A_232 = tpu.memref_slice %arg16[%dma_wait3A_231] : memref<10240xf32, #tpu.memory_space<vmem_shared>> -> memref<10240xf32, #tpu.memory_space<vmem_shared>>
        tpu.wait_indirect_dma semaphore(%arg18 : memref<!tpu.dma_semaphore, #tpu.memory_space<semaphore_mem>>) src(%arg13 : memref<128xf32, #tpu.memory_space<vmem>>) dst(%dma_wait3A_232 : memref<10240xf32, #tpu.memory_space<vmem_shared>>)
        %mul3A_233 = arith.constant 8 : i32
        %mul3A_234 = arith.muli %mul3A_233, %scan3A_106 : i32
        %add3A_235 = arith.constant 6 : i32
        %add3A_236 = arith.addi %mul3A_234, %add3A_235 : i32
        %dma_wait3A_237 = arith.constant 0 : i32
        %dma_wait3A_238 = tpu.memref_slice %arg11[%add3A_236, %dma_wait3A_237] : memref<40x128xi32, #tpu.memory_space<vmem>> -> memref<1x128xi32, #tpu.memory_space<vmem>>
        %dma_wait3A_239 = tpu.memref_squeeze %dma_wait3A_238 : memref<1x128xi32, #tpu.memory_space<vmem>> -> memref<128xi32, #tpu.memory_space<vmem>>
        %dma_wait3A_240 = arith.constant 0 : i32
        %dma_wait3A_241 = tpu.memref_slice %arg16[%dma_wait3A_240] : memref<10240xf32, #tpu.memory_space<vmem_shared>> -> memref<10240xf32, #tpu.memory_space<vmem_shared>>
        tpu.wait_indirect_dma semaphore(%arg18 : memref<!tpu.dma_semaphore, #tpu.memory_space<semaphore_mem>>) src(%arg13 : memref<128xf32, #tpu.memory_space<vmem>>) dst(%dma_wait3A_241 : memref<10240xf32, #tpu.memory_space<vmem_shared>>)
        %mul3A_242 = arith.constant 8 : i32
        %mul3A_243 = arith.muli %mul3A_242, %scan3A_106 : i32
        %add3A_244 = arith.constant 7 : i32
        %add3A_245 = arith.addi %mul3A_243, %add3A_244 : i32
        %dma_wait3A_246 = arith.constant 0 : i32
        %dma_wait3A_247 = tpu.memref_slice %arg11[%add3A_245, %dma_wait3A_246] : memref<40x128xi32, #tpu.memory_space<vmem>> -> memref<1x128xi32, #tpu.memory_space<vmem>>
        %dma_wait3A_248 = tpu.memref_squeeze %dma_wait3A_247 : memref<1x128xi32, #tpu.memory_space<vmem>> -> memref<128xi32, #tpu.memory_space<vmem>>
        %dma_wait3A_249 = arith.constant 0 : i32
        %dma_wait3A_250 = tpu.memref_slice %arg16[%dma_wait3A_249] : memref<10240xf32, #tpu.memory_space<vmem_shared>> -> memref<10240xf32, #tpu.memory_space<vmem_shared>>
        tpu.wait_indirect_dma semaphore(%arg18 : memref<!tpu.dma_semaphore, #tpu.memory_space<semaphore_mem>>) src(%arg13 : memref<128xf32, #tpu.memory_space<vmem>>) dst(%dma_wait3A_250 : memref<10240xf32, #tpu.memory_space<vmem_shared>>)
      }
      %scan3A_75 = arith.constant 5 : i32
      %mul3A_76 = arith.constant 160 : i32
      %mul3A_77 = arith.muli %arg1, %mul3A_76 : i32
      %add3A_78 = arith.constant 40 : i32
      %add3A_79 = arith.addi %mul3A_77, %add3A_78 : i32
      "tpu.region"() ({
        %run_scoped3A = tpu.sem_alloc : memref<!tpu.dma_semaphore, #tpu.memory_space<semaphore_mem>>
        %dma_start3A_106 = arith.constant 0 : i32
        %dma_start3A_107 = tpu.memref_slice %arg2[%add3A_79, %dma_start3A_106] : memref<2560x128xi32, #tpu.memory_space<hbm>> -> memref<40x128xi32, #tpu.memory_space<hbm>>
        %dma_start3A_108 = arith.constant 0 : i32
        %dma_start3A_109 = tpu.memref_slice %arg2[%add3A_79, %dma_start3A_108] : memref<2560x128xi32, #tpu.memory_space<hbm>> -> memref<40x128xi32, #tpu.memory_space<hbm>>
        tpu.enqueue_dma source(%dma_start3A_109 : memref<40x128xi32, #tpu.memory_space<hbm>>) target(%arg11 : memref<40x128xi32, #tpu.memory_space<vmem>>) target_semaphore(%run_scoped3A : memref<!tpu.dma_semaphore, #tpu.memory_space<semaphore_mem>>)
        %dma_wait3A_110 = arith.constant 0 : i32
        %dma_wait3A_111 = tpu.memref_slice %arg2[%add3A_79, %dma_wait3A_110] : memref<2560x128xi32, #tpu.memory_space<hbm>> -> memref<40x128xi32, #tpu.memory_space<hbm>>
        %dma_wait3A_112 = arith.constant 0 : i32
        %dma_wait3A_113 = tpu.memref_slice %arg2[%add3A_79, %dma_wait3A_112] : memref<2560x128xi32, #tpu.memory_space<hbm>> -> memref<40x128xi32, #tpu.memory_space<hbm>>
        tpu.wait_dma2 semaphore(%run_scoped3A : memref<!tpu.dma_semaphore, #tpu.memory_space<semaphore_mem>>) src(%dma_wait3A_113 : memref<40x128xi32, #tpu.memory_space<hbm>>) dst(%arg11 : memref<40x128xi32, #tpu.memory_space<vmem>>)
        tpu.yield
      }) : () -> ()
      %scan3A_80 = arith.constant 0 : i32
      %scan3A_81 = arith.constant 0 : i32
      %scan3A_82 = arith.constant 5 : i32
      %scan3A_83 = arith.addi %scan3A_81, %scan3A_82 : i32
      %scan3A_84 = arith.constant 1 : i32
      scf.for %scan3A_106 = %scan3A_81 to %scan3A_83 step %scan3A_84  : i32 {
        %mul3A_107 = arith.constant 8 : i32
        %mul3A_108 = arith.muli %mul3A_107, %scan3A_106 : i32
        %add3A_109 = arith.constant 0 : i32
        %add3A_110 = arith.addi %mul3A_108, %add3A_109 : i32
        %dma_start3A_111 = arith.constant 0 : i32
        %dma_start3A_112 = tpu.memref_slice %arg11[%add3A_110, %dma_start3A_111] : memref<40x128xi32, #tpu.memory_space<vmem>> -> memref<1x128xi32, #tpu.memory_space<vmem>>
        %dma_start3A_113 = tpu.memref_squeeze %dma_start3A_112 : memref<1x128xi32, #tpu.memory_space<vmem>> -> memref<128xi32, #tpu.memory_space<vmem>>
        %dma_start3A_114 = arith.constant 0 : i32
        %dma_start3A_115 = tpu.memref_slice %arg16[%dma_start3A_114] : memref<10240xf32, #tpu.memory_space<vmem_shared>> -> memref<10240xf32, #tpu.memory_space<vmem_shared>>
        tpu.enqueue_indirect_dma source(%arg13 : memref<128xf32, #tpu.memory_space<vmem>>) target(%dma_start3A_115 : memref<10240xf32, #tpu.memory_space<vmem_shared>>) offsets(%dma_start3A_113 : memref<128xi32, #tpu.memory_space<vmem>>) semaphore(%arg18 : memref<!tpu.dma_semaphore, #tpu.memory_space<semaphore_mem>>) {add = true}
        %mul3A_116 = arith.constant 8 : i32
        %mul3A_117 = arith.muli %mul3A_116, %scan3A_106 : i32
        %add3A_118 = arith.constant 1 : i32
        %add3A_119 = arith.addi %mul3A_117, %add3A_118 : i32
        %dma_start3A_120 = arith.constant 0 : i32
        %dma_start3A_121 = tpu.memref_slice %arg11[%add3A_119, %dma_start3A_120] : memref<40x128xi32, #tpu.memory_space<vmem>> -> memref<1x128xi32, #tpu.memory_space<vmem>>
        %dma_start3A_122 = tpu.memref_squeeze %dma_start3A_121 : memref<1x128xi32, #tpu.memory_space<vmem>> -> memref<128xi32, #tpu.memory_space<vmem>>
        %dma_start3A_123 = arith.constant 0 : i32
        %dma_start3A_124 = tpu.memref_slice %arg16[%dma_start3A_123] : memref<10240xf32, #tpu.memory_space<vmem_shared>> -> memref<10240xf32, #tpu.memory_space<vmem_shared>>
        tpu.enqueue_indirect_dma source(%arg13 : memref<128xf32, #tpu.memory_space<vmem>>) target(%dma_start3A_124 : memref<10240xf32, #tpu.memory_space<vmem_shared>>) offsets(%dma_start3A_122 : memref<128xi32, #tpu.memory_space<vmem>>) semaphore(%arg18 : memref<!tpu.dma_semaphore, #tpu.memory_space<semaphore_mem>>) {add = true}
        %mul3A_125 = arith.constant 8 : i32
        %mul3A_126 = arith.muli %mul3A_125, %scan3A_106 : i32
        %add3A_127 = arith.constant 2 : i32
        %add3A_128 = arith.addi %mul3A_126, %add3A_127 : i32
        %dma_start3A_129 = arith.constant 0 : i32
        %dma_start3A_130 = tpu.memref_slice %arg11[%add3A_128, %dma_start3A_129] : memref<40x128xi32, #tpu.memory_space<vmem>> -> memref<1x128xi32, #tpu.memory_space<vmem>>
        %dma_start3A_131 = tpu.memref_squeeze %dma_start3A_130 : memref<1x128xi32, #tpu.memory_space<vmem>> -> memref<128xi32, #tpu.memory_space<vmem>>
        %dma_start3A_132 = arith.constant 0 : i32
        %dma_start3A_133 = tpu.memref_slice %arg16[%dma_start3A_132] : memref<10240xf32, #tpu.memory_space<vmem_shared>> -> memref<10240xf32, #tpu.memory_space<vmem_shared>>
        tpu.enqueue_indirect_dma source(%arg13 : memref<128xf32, #tpu.memory_space<vmem>>) target(%dma_start3A_133 : memref<10240xf32, #tpu.memory_space<vmem_shared>>) offsets(%dma_start3A_131 : memref<128xi32, #tpu.memory_space<vmem>>) semaphore(%arg18 : memref<!tpu.dma_semaphore, #tpu.memory_space<semaphore_mem>>) {add = true}
        %mul3A_134 = arith.constant 8 : i32
        %mul3A_135 = arith.muli %mul3A_134, %scan3A_106 : i32
        %add3A_136 = arith.constant 3 : i32
        %add3A_137 = arith.addi %mul3A_135, %add3A_136 : i32
        %dma_start3A_138 = arith.constant 0 : i32
        %dma_start3A_139 = tpu.memref_slice %arg11[%add3A_137, %dma_start3A_138] : memref<40x128xi32, #tpu.memory_space<vmem>> -> memref<1x128xi32, #tpu.memory_space<vmem>>
        %dma_start3A_140 = tpu.memref_squeeze %dma_start3A_139 : memref<1x128xi32, #tpu.memory_space<vmem>> -> memref<128xi32, #tpu.memory_space<vmem>>
        %dma_start3A_141 = arith.constant 0 : i32
        %dma_start3A_142 = tpu.memref_slice %arg16[%dma_start3A_141] : memref<10240xf32, #tpu.memory_space<vmem_shared>> -> memref<10240xf32, #tpu.memory_space<vmem_shared>>
        tpu.enqueue_indirect_dma source(%arg13 : memref<128xf32, #tpu.memory_space<vmem>>) target(%dma_start3A_142 : memref<10240xf32, #tpu.memory_space<vmem_shared>>) offsets(%dma_start3A_140 : memref<128xi32, #tpu.memory_space<vmem>>) semaphore(%arg18 : memref<!tpu.dma_semaphore, #tpu.memory_space<semaphore_mem>>) {add = true}
        %mul3A_143 = arith.constant 8 : i32
        %mul3A_144 = arith.muli %mul3A_143, %scan3A_106 : i32
        %add3A_145 = arith.constant 4 : i32
        %add3A_146 = arith.addi %mul3A_144, %add3A_145 : i32
        %dma_start3A_147 = arith.constant 0 : i32
        %dma_start3A_148 = tpu.memref_slice %arg11[%add3A_146, %dma_start3A_147] : memref<40x128xi32, #tpu.memory_space<vmem>> -> memref<1x128xi32, #tpu.memory_space<vmem>>
        %dma_start3A_149 = tpu.memref_squeeze %dma_start3A_148 : memref<1x128xi32, #tpu.memory_space<vmem>> -> memref<128xi32, #tpu.memory_space<vmem>>
        %dma_start3A_150 = arith.constant 0 : i32
        %dma_start3A_151 = tpu.memref_slice %arg16[%dma_start3A_150] : memref<10240xf32, #tpu.memory_space<vmem_shared>> -> memref<10240xf32, #tpu.memory_space<vmem_shared>>
        tpu.enqueue_indirect_dma source(%arg13 : memref<128xf32, #tpu.memory_space<vmem>>) target(%dma_start3A_151 : memref<10240xf32, #tpu.memory_space<vmem_shared>>) offsets(%dma_start3A_149 : memref<128xi32, #tpu.memory_space<vmem>>) semaphore(%arg18 : memref<!tpu.dma_semaphore, #tpu.memory_space<semaphore_mem>>) {add = true}
        %mul3A_152 = arith.constant 8 : i32
        %mul3A_153 = arith.muli %mul3A_152, %scan3A_106 : i32
        %add3A_154 = arith.constant 5 : i32
        %add3A_155 = arith.addi %mul3A_153, %add3A_154 : i32
        %dma_start3A_156 = arith.constant 0 : i32
        %dma_start3A_157 = tpu.memref_slice %arg11[%add3A_155, %dma_start3A_156] : memref<40x128xi32, #tpu.memory_space<vmem>> -> memref<1x128xi32, #tpu.memory_space<vmem>>
        %dma_start3A_158 = tpu.memref_squeeze %dma_start3A_157 : memref<1x128xi32, #tpu.memory_space<vmem>> -> memref<128xi32, #tpu.memory_space<vmem>>
        %dma_start3A_159 = arith.constant 0 : i32
        %dma_start3A_160 = tpu.memref_slice %arg16[%dma_start3A_159] : memref<10240xf32, #tpu.memory_space<vmem_shared>> -> memref<10240xf32, #tpu.memory_space<vmem_shared>>
        tpu.enqueue_indirect_dma source(%arg13 : memref<128xf32, #tpu.memory_space<vmem>>) target(%dma_start3A_160 : memref<10240xf32, #tpu.memory_space<vmem_shared>>) offsets(%dma_start3A_158 : memref<128xi32, #tpu.memory_space<vmem>>) semaphore(%arg18 : memref<!tpu.dma_semaphore, #tpu.memory_space<semaphore_mem>>) {add = true}
        %mul3A_161 = arith.constant 8 : i32
        %mul3A_162 = arith.muli %mul3A_161, %scan3A_106 : i32
        %add3A_163 = arith.constant 6 : i32
        %add3A_164 = arith.addi %mul3A_162, %add3A_163 : i32
        %dma_start3A_165 = arith.constant 0 : i32
        %dma_start3A_166 = tpu.memref_slice %arg11[%add3A_164, %dma_start3A_165] : memref<40x128xi32, #tpu.memory_space<vmem>> -> memref<1x128xi32, #tpu.memory_space<vmem>>
        %dma_start3A_167 = tpu.memref_squeeze %dma_start3A_166 : memref<1x128xi32, #tpu.memory_space<vmem>> -> memref<128xi32, #tpu.memory_space<vmem>>
        %dma_start3A_168 = arith.constant 0 : i32
        %dma_start3A_169 = tpu.memref_slice %arg16[%dma_start3A_168] : memref<10240xf32, #tpu.memory_space<vmem_shared>> -> memref<10240xf32, #tpu.memory_space<vmem_shared>>
        tpu.enqueue_indirect_dma source(%arg13 : memref<128xf32, #tpu.memory_space<vmem>>) target(%dma_start3A_169 : memref<10240xf32, #tpu.memory_space<vmem_shared>>) offsets(%dma_start3A_167 : memref<128xi32, #tpu.memory_space<vmem>>) semaphore(%arg18 : memref<!tpu.dma_semaphore, #tpu.memory_space<semaphore_mem>>) {add = true}
        %mul3A_170 = arith.constant 8 : i32
        %mul3A_171 = arith.muli %mul3A_170, %scan3A_106 : i32
        %add3A_172 = arith.constant 7 : i32
        %add3A_173 = arith.addi %mul3A_171, %add3A_172 : i32
        %dma_start3A_174 = arith.constant 0 : i32
        %dma_start3A_175 = tpu.memref_slice %arg11[%add3A_173, %dma_start3A_174] : memref<40x128xi32, #tpu.memory_space<vmem>> -> memref<1x128xi32, #tpu.memory_space<vmem>>
        %dma_start3A_176 = tpu.memref_squeeze %dma_start3A_175 : memref<1x128xi32, #tpu.memory_space<vmem>> -> memref<128xi32, #tpu.memory_space<vmem>>
        %dma_start3A_177 = arith.constant 0 : i32
        %dma_start3A_178 = tpu.memref_slice %arg16[%dma_start3A_177] : memref<10240xf32, #tpu.memory_space<vmem_shared>> -> memref<10240xf32, #tpu.memory_space<vmem_shared>>
        tpu.enqueue_indirect_dma source(%arg13 : memref<128xf32, #tpu.memory_space<vmem>>) target(%dma_start3A_178 : memref<10240xf32, #tpu.memory_space<vmem_shared>>) offsets(%dma_start3A_176 : memref<128xi32, #tpu.memory_space<vmem>>) semaphore(%arg18 : memref<!tpu.dma_semaphore, #tpu.memory_space<semaphore_mem>>) {add = true}
        %mul3A_179 = arith.constant 8 : i32
        %mul3A_180 = arith.muli %mul3A_179, %scan3A_106 : i32
        %add3A_181 = arith.constant 0 : i32
        %add3A_182 = arith.addi %mul3A_180, %add3A_181 : i32
        %dma_wait3A_183 = arith.constant 0 : i32
        %dma_wait3A_184 = tpu.memref_slice %arg11[%add3A_182, %dma_wait3A_183] : memref<40x128xi32, #tpu.memory_space<vmem>> -> memref<1x128xi32, #tpu.memory_space<vmem>>
        %dma_wait3A_185 = tpu.memref_squeeze %dma_wait3A_184 : memref<1x128xi32, #tpu.memory_space<vmem>> -> memref<128xi32, #tpu.memory_space<vmem>>
        %dma_wait3A_186 = arith.constant 0 : i32
        %dma_wait3A_187 = tpu.memref_slice %arg16[%dma_wait3A_186] : memref<10240xf32, #tpu.memory_space<vmem_shared>> -> memref<10240xf32, #tpu.memory_space<vmem_shared>>
        tpu.wait_indirect_dma semaphore(%arg18 : memref<!tpu.dma_semaphore, #tpu.memory_space<semaphore_mem>>) src(%arg13 : memref<128xf32, #tpu.memory_space<vmem>>) dst(%dma_wait3A_187 : memref<10240xf32, #tpu.memory_space<vmem_shared>>)
        %mul3A_188 = arith.constant 8 : i32
        %mul3A_189 = arith.muli %mul3A_188, %scan3A_106 : i32
        %add3A_190 = arith.constant 1 : i32
        %add3A_191 = arith.addi %mul3A_189, %add3A_190 : i32
        %dma_wait3A_192 = arith.constant 0 : i32
        %dma_wait3A_193 = tpu.memref_slice %arg11[%add3A_191, %dma_wait3A_192] : memref<40x128xi32, #tpu.memory_space<vmem>> -> memref<1x128xi32, #tpu.memory_space<vmem>>
        %dma_wait3A_194 = tpu.memref_squeeze %dma_wait3A_193 : memref<1x128xi32, #tpu.memory_space<vmem>> -> memref<128xi32, #tpu.memory_space<vmem>>
        %dma_wait3A_195 = arith.constant 0 : i32
        %dma_wait3A_196 = tpu.memref_slice %arg16[%dma_wait3A_195] : memref<10240xf32, #tpu.memory_space<vmem_shared>> -> memref<10240xf32, #tpu.memory_space<vmem_shared>>
        tpu.wait_indirect_dma semaphore(%arg18 : memref<!tpu.dma_semaphore, #tpu.memory_space<semaphore_mem>>) src(%arg13 : memref<128xf32, #tpu.memory_space<vmem>>) dst(%dma_wait3A_196 : memref<10240xf32, #tpu.memory_space<vmem_shared>>)
        %mul3A_197 = arith.constant 8 : i32
        %mul3A_198 = arith.muli %mul3A_197, %scan3A_106 : i32
        %add3A_199 = arith.constant 2 : i32
        %add3A_200 = arith.addi %mul3A_198, %add3A_199 : i32
        %dma_wait3A_201 = arith.constant 0 : i32
        %dma_wait3A_202 = tpu.memref_slice %arg11[%add3A_200, %dma_wait3A_201] : memref<40x128xi32, #tpu.memory_space<vmem>> -> memref<1x128xi32, #tpu.memory_space<vmem>>
        %dma_wait3A_203 = tpu.memref_squeeze %dma_wait3A_202 : memref<1x128xi32, #tpu.memory_space<vmem>> -> memref<128xi32, #tpu.memory_space<vmem>>
        %dma_wait3A_204 = arith.constant 0 : i32
        %dma_wait3A_205 = tpu.memref_slice %arg16[%dma_wait3A_204] : memref<10240xf32, #tpu.memory_space<vmem_shared>> -> memref<10240xf32, #tpu.memory_space<vmem_shared>>
        tpu.wait_indirect_dma semaphore(%arg18 : memref<!tpu.dma_semaphore, #tpu.memory_space<semaphore_mem>>) src(%arg13 : memref<128xf32, #tpu.memory_space<vmem>>) dst(%dma_wait3A_205 : memref<10240xf32, #tpu.memory_space<vmem_shared>>)
        %mul3A_206 = arith.constant 8 : i32
        %mul3A_207 = arith.muli %mul3A_206, %scan3A_106 : i32
        %add3A_208 = arith.constant 3 : i32
        %add3A_209 = arith.addi %mul3A_207, %add3A_208 : i32
        %dma_wait3A_210 = arith.constant 0 : i32
        %dma_wait3A_211 = tpu.memref_slice %arg11[%add3A_209, %dma_wait3A_210] : memref<40x128xi32, #tpu.memory_space<vmem>> -> memref<1x128xi32, #tpu.memory_space<vmem>>
        %dma_wait3A_212 = tpu.memref_squeeze %dma_wait3A_211 : memref<1x128xi32, #tpu.memory_space<vmem>> -> memref<128xi32, #tpu.memory_space<vmem>>
        %dma_wait3A_213 = arith.constant 0 : i32
        %dma_wait3A_214 = tpu.memref_slice %arg16[%dma_wait3A_213] : memref<10240xf32, #tpu.memory_space<vmem_shared>> -> memref<10240xf32, #tpu.memory_space<vmem_shared>>
        tpu.wait_indirect_dma semaphore(%arg18 : memref<!tpu.dma_semaphore, #tpu.memory_space<semaphore_mem>>) src(%arg13 : memref<128xf32, #tpu.memory_space<vmem>>) dst(%dma_wait3A_214 : memref<10240xf32, #tpu.memory_space<vmem_shared>>)
        %mul3A_215 = arith.constant 8 : i32
        %mul3A_216 = arith.muli %mul3A_215, %scan3A_106 : i32
        %add3A_217 = arith.constant 4 : i32
        %add3A_218 = arith.addi %mul3A_216, %add3A_217 : i32
        %dma_wait3A_219 = arith.constant 0 : i32
        %dma_wait3A_220 = tpu.memref_slice %arg11[%add3A_218, %dma_wait3A_219] : memref<40x128xi32, #tpu.memory_space<vmem>> -> memref<1x128xi32, #tpu.memory_space<vmem>>
        %dma_wait3A_221 = tpu.memref_squeeze %dma_wait3A_220 : memref<1x128xi32, #tpu.memory_space<vmem>> -> memref<128xi32, #tpu.memory_space<vmem>>
        %dma_wait3A_222 = arith.constant 0 : i32
        %dma_wait3A_223 = tpu.memref_slice %arg16[%dma_wait3A_222] : memref<10240xf32, #tpu.memory_space<vmem_shared>> -> memref<10240xf32, #tpu.memory_space<vmem_shared>>
        tpu.wait_indirect_dma semaphore(%arg18 : memref<!tpu.dma_semaphore, #tpu.memory_space<semaphore_mem>>) src(%arg13 : memref<128xf32, #tpu.memory_space<vmem>>) dst(%dma_wait3A_223 : memref<10240xf32, #tpu.memory_space<vmem_shared>>)
        %mul3A_224 = arith.constant 8 : i32
        %mul3A_225 = arith.muli %mul3A_224, %scan3A_106 : i32
        %add3A_226 = arith.constant 5 : i32
        %add3A_227 = arith.addi %mul3A_225, %add3A_226 : i32
        %dma_wait3A_228 = arith.constant 0 : i32
        %dma_wait3A_229 = tpu.memref_slice %arg11[%add3A_227, %dma_wait3A_228] : memref<40x128xi32, #tpu.memory_space<vmem>> -> memref<1x128xi32, #tpu.memory_space<vmem>>
        %dma_wait3A_230 = tpu.memref_squeeze %dma_wait3A_229 : memref<1x128xi32, #tpu.memory_space<vmem>> -> memref<128xi32, #tpu.memory_space<vmem>>
        %dma_wait3A_231 = arith.constant 0 : i32
        %dma_wait3A_232 = tpu.memref_slice %arg16[%dma_wait3A_231] : memref<10240xf32, #tpu.memory_space<vmem_shared>> -> memref<10240xf32, #tpu.memory_space<vmem_shared>>
        tpu.wait_indirect_dma semaphore(%arg18 : memref<!tpu.dma_semaphore, #tpu.memory_space<semaphore_mem>>) src(%arg13 : memref<128xf32, #tpu.memory_space<vmem>>) dst(%dma_wait3A_232 : memref<10240xf32, #tpu.memory_space<vmem_shared>>)
        %mul3A_233 = arith.constant 8 : i32
        %mul3A_234 = arith.muli %mul3A_233, %scan3A_106 : i32
        %add3A_235 = arith.constant 6 : i32
        %add3A_236 = arith.addi %mul3A_234, %add3A_235 : i32
        %dma_wait3A_237 = arith.constant 0 : i32
        %dma_wait3A_238 = tpu.memref_slice %arg11[%add3A_236, %dma_wait3A_237] : memref<40x128xi32, #tpu.memory_space<vmem>> -> memref<1x128xi32, #tpu.memory_space<vmem>>
        %dma_wait3A_239 = tpu.memref_squeeze %dma_wait3A_238 : memref<1x128xi32, #tpu.memory_space<vmem>> -> memref<128xi32, #tpu.memory_space<vmem>>
        %dma_wait3A_240 = arith.constant 0 : i32
        %dma_wait3A_241 = tpu.memref_slice %arg16[%dma_wait3A_240] : memref<10240xf32, #tpu.memory_space<vmem_shared>> -> memref<10240xf32, #tpu.memory_space<vmem_shared>>
        tpu.wait_indirect_dma semaphore(%arg18 : memref<!tpu.dma_semaphore, #tpu.memory_space<semaphore_mem>>) src(%arg13 : memref<128xf32, #tpu.memory_space<vmem>>) dst(%dma_wait3A_241 : memref<10240xf32, #tpu.memory_space<vmem_shared>>)
        %mul3A_242 = arith.constant 8 : i32
        %mul3A_243 = arith.muli %mul3A_242, %scan3A_106 : i32
        %add3A_244 = arith.constant 7 : i32
        %add3A_245 = arith.addi %mul3A_243, %add3A_244 : i32
        %dma_wait3A_246 = arith.constant 0 : i32
        %dma_wait3A_247 = tpu.memref_slice %arg11[%add3A_245, %dma_wait3A_246] : memref<40x128xi32, #tpu.memory_space<vmem>> -> memref<1x128xi32, #tpu.memory_space<vmem>>
        %dma_wait3A_248 = tpu.memref_squeeze %dma_wait3A_247 : memref<1x128xi32, #tpu.memory_space<vmem>> -> memref<128xi32, #tpu.memory_space<vmem>>
        %dma_wait3A_249 = arith.constant 0 : i32
        %dma_wait3A_250 = tpu.memref_slice %arg16[%dma_wait3A_249] : memref<10240xf32, #tpu.memory_space<vmem_shared>> -> memref<10240xf32, #tpu.memory_space<vmem_shared>>
        tpu.wait_indirect_dma semaphore(%arg18 : memref<!tpu.dma_semaphore, #tpu.memory_space<semaphore_mem>>) src(%arg13 : memref<128xf32, #tpu.memory_space<vmem>>) dst(%dma_wait3A_250 : memref<10240xf32, #tpu.memory_space<vmem_shared>>)
      }
      %scan3A_85 = arith.constant 5 : i32
      %mul3A_86 = arith.constant 160 : i32
      %mul3A_87 = arith.muli %arg1, %mul3A_86 : i32
      %add3A_88 = arith.constant 80 : i32
      %add3A_89 = arith.addi %mul3A_87, %add3A_88 : i32
      "tpu.region"() ({
        %run_scoped3A = tpu.sem_alloc : memref<!tpu.dma_semaphore, #tpu.memory_space<semaphore_mem>>
        %dma_start3A_106 = arith.constant 0 : i32
        %dma_start3A_107 = tpu.memref_slice %arg2[%add3A_89, %dma_start3A_106] : memref<2560x128xi32, #tpu.memory_space<hbm>> -> memref<40x128xi32, #tpu.memory_space<hbm>>
        %dma_start3A_108 = arith.constant 0 : i32
        %dma_start3A_109 = tpu.memref_slice %arg2[%add3A_89, %dma_start3A_108] : memref<2560x128xi32, #tpu.memory_space<hbm>> -> memref<40x128xi32, #tpu.memory_space<hbm>>
        tpu.enqueue_dma source(%dma_start3A_109 : memref<40x128xi32, #tpu.memory_space<hbm>>) target(%arg11 : memref<40x128xi32, #tpu.memory_space<vmem>>) target_semaphore(%run_scoped3A : memref<!tpu.dma_semaphore, #tpu.memory_space<semaphore_mem>>)
        %dma_wait3A_110 = arith.constant 0 : i32
        %dma_wait3A_111 = tpu.memref_slice %arg2[%add3A_89, %dma_wait3A_110] : memref<2560x128xi32, #tpu.memory_space<hbm>> -> memref<40x128xi32, #tpu.memory_space<hbm>>
        %dma_wait3A_112 = arith.constant 0 : i32
        %dma_wait3A_113 = tpu.memref_slice %arg2[%add3A_89, %dma_wait3A_112] : memref<2560x128xi32, #tpu.memory_space<hbm>> -> memref<40x128xi32, #tpu.memory_space<hbm>>
        tpu.wait_dma2 semaphore(%run_scoped3A : memref<!tpu.dma_semaphore, #tpu.memory_space<semaphore_mem>>) src(%dma_wait3A_113 : memref<40x128xi32, #tpu.memory_space<hbm>>) dst(%arg11 : memref<40x128xi32, #tpu.memory_space<vmem>>)
        tpu.yield
      }) : () -> ()
      %scan3A_90 = arith.constant 0 : i32
      %scan3A_91 = arith.constant 0 : i32
      %scan3A_92 = arith.constant 5 : i32
      %scan3A_93 = arith.addi %scan3A_91, %scan3A_92 : i32
      %scan3A_94 = arith.constant 1 : i32
      scf.for %scan3A_106 = %scan3A_91 to %scan3A_93 step %scan3A_94  : i32 {
        %mul3A_107 = arith.constant 8 : i32
        %mul3A_108 = arith.muli %mul3A_107, %scan3A_106 : i32
        %add3A_109 = arith.constant 0 : i32
        %add3A_110 = arith.addi %mul3A_108, %add3A_109 : i32
        %dma_start3A_111 = arith.constant 0 : i32
        %dma_start3A_112 = tpu.memref_slice %arg11[%add3A_110, %dma_start3A_111] : memref<40x128xi32, #tpu.memory_space<vmem>> -> memref<1x128xi32, #tpu.memory_space<vmem>>
        %dma_start3A_113 = tpu.memref_squeeze %dma_start3A_112 : memref<1x128xi32, #tpu.memory_space<vmem>> -> memref<128xi32, #tpu.memory_space<vmem>>
        %dma_start3A_114 = arith.constant 0 : i32
        %dma_start3A_115 = tpu.memref_slice %arg16[%dma_start3A_114] : memref<10240xf32, #tpu.memory_space<vmem_shared>> -> memref<10240xf32, #tpu.memory_space<vmem_shared>>
        tpu.enqueue_indirect_dma source(%arg13 : memref<128xf32, #tpu.memory_space<vmem>>) target(%dma_start3A_115 : memref<10240xf32, #tpu.memory_space<vmem_shared>>) offsets(%dma_start3A_113 : memref<128xi32, #tpu.memory_space<vmem>>) semaphore(%arg18 : memref<!tpu.dma_semaphore, #tpu.memory_space<semaphore_mem>>) {add = true}
        %mul3A_116 = arith.constant 8 : i32
        %mul3A_117 = arith.muli %mul3A_116, %scan3A_106 : i32
        %add3A_118 = arith.constant 1 : i32
        %add3A_119 = arith.addi %mul3A_117, %add3A_118 : i32
        %dma_start3A_120 = arith.constant 0 : i32
        %dma_start3A_121 = tpu.memref_slice %arg11[%add3A_119, %dma_start3A_120] : memref<40x128xi32, #tpu.memory_space<vmem>> -> memref<1x128xi32, #tpu.memory_space<vmem>>
        %dma_start3A_122 = tpu.memref_squeeze %dma_start3A_121 : memref<1x128xi32, #tpu.memory_space<vmem>> -> memref<128xi32, #tpu.memory_space<vmem>>
        %dma_start3A_123 = arith.constant 0 : i32
        %dma_start3A_124 = tpu.memref_slice %arg16[%dma_start3A_123] : memref<10240xf32, #tpu.memory_space<vmem_shared>> -> memref<10240xf32, #tpu.memory_space<vmem_shared>>
        tpu.enqueue_indirect_dma source(%arg13 : memref<128xf32, #tpu.memory_space<vmem>>) target(%dma_start3A_124 : memref<10240xf32, #tpu.memory_space<vmem_shared>>) offsets(%dma_start3A_122 : memref<128xi32, #tpu.memory_space<vmem>>) semaphore(%arg18 : memref<!tpu.dma_semaphore, #tpu.memory_space<semaphore_mem>>) {add = true}
        %mul3A_125 = arith.constant 8 : i32
        %mul3A_126 = arith.muli %mul3A_125, %scan3A_106 : i32
        %add3A_127 = arith.constant 2 : i32
        %add3A_128 = arith.addi %mul3A_126, %add3A_127 : i32
        %dma_start3A_129 = arith.constant 0 : i32
        %dma_start3A_130 = tpu.memref_slice %arg11[%add3A_128, %dma_start3A_129] : memref<40x128xi32, #tpu.memory_space<vmem>> -> memref<1x128xi32, #tpu.memory_space<vmem>>
        %dma_start3A_131 = tpu.memref_squeeze %dma_start3A_130 : memref<1x128xi32, #tpu.memory_space<vmem>> -> memref<128xi32, #tpu.memory_space<vmem>>
        %dma_start3A_132 = arith.constant 0 : i32
        %dma_start3A_133 = tpu.memref_slice %arg16[%dma_start3A_132] : memref<10240xf32, #tpu.memory_space<vmem_shared>> -> memref<10240xf32, #tpu.memory_space<vmem_shared>>
        tpu.enqueue_indirect_dma source(%arg13 : memref<128xf32, #tpu.memory_space<vmem>>) target(%dma_start3A_133 : memref<10240xf32, #tpu.memory_space<vmem_shared>>) offsets(%dma_start3A_131 : memref<128xi32, #tpu.memory_space<vmem>>) semaphore(%arg18 : memref<!tpu.dma_semaphore, #tpu.memory_space<semaphore_mem>>) {add = true}
        %mul3A_134 = arith.constant 8 : i32
        %mul3A_135 = arith.muli %mul3A_134, %scan3A_106 : i32
        %add3A_136 = arith.constant 3 : i32
        %add3A_137 = arith.addi %mul3A_135, %add3A_136 : i32
        %dma_start3A_138 = arith.constant 0 : i32
        %dma_start3A_139 = tpu.memref_slice %arg11[%add3A_137, %dma_start3A_138] : memref<40x128xi32, #tpu.memory_space<vmem>> -> memref<1x128xi32, #tpu.memory_space<vmem>>
        %dma_start3A_140 = tpu.memref_squeeze %dma_start3A_139 : memref<1x128xi32, #tpu.memory_space<vmem>> -> memref<128xi32, #tpu.memory_space<vmem>>
        %dma_start3A_141 = arith.constant 0 : i32
        %dma_start3A_142 = tpu.memref_slice %arg16[%dma_start3A_141] : memref<10240xf32, #tpu.memory_space<vmem_shared>> -> memref<10240xf32, #tpu.memory_space<vmem_shared>>
        tpu.enqueue_indirect_dma source(%arg13 : memref<128xf32, #tpu.memory_space<vmem>>) target(%dma_start3A_142 : memref<10240xf32, #tpu.memory_space<vmem_shared>>) offsets(%dma_start3A_140 : memref<128xi32, #tpu.memory_space<vmem>>) semaphore(%arg18 : memref<!tpu.dma_semaphore, #tpu.memory_space<semaphore_mem>>) {add = true}
        %mul3A_143 = arith.constant 8 : i32
        %mul3A_144 = arith.muli %mul3A_143, %scan3A_106 : i32
        %add3A_145 = arith.constant 4 : i32
        %add3A_146 = arith.addi %mul3A_144, %add3A_145 : i32
        %dma_start3A_147 = arith.constant 0 : i32
        %dma_start3A_148 = tpu.memref_slice %arg11[%add3A_146, %dma_start3A_147] : memref<40x128xi32, #tpu.memory_space<vmem>> -> memref<1x128xi32, #tpu.memory_space<vmem>>
        %dma_start3A_149 = tpu.memref_squeeze %dma_start3A_148 : memref<1x128xi32, #tpu.memory_space<vmem>> -> memref<128xi32, #tpu.memory_space<vmem>>
        %dma_start3A_150 = arith.constant 0 : i32
        %dma_start3A_151 = tpu.memref_slice %arg16[%dma_start3A_150] : memref<10240xf32, #tpu.memory_space<vmem_shared>> -> memref<10240xf32, #tpu.memory_space<vmem_shared>>
        tpu.enqueue_indirect_dma source(%arg13 : memref<128xf32, #tpu.memory_space<vmem>>) target(%dma_start3A_151 : memref<10240xf32, #tpu.memory_space<vmem_shared>>) offsets(%dma_start3A_149 : memref<128xi32, #tpu.memory_space<vmem>>) semaphore(%arg18 : memref<!tpu.dma_semaphore, #tpu.memory_space<semaphore_mem>>) {add = true}
        %mul3A_152 = arith.constant 8 : i32
        %mul3A_153 = arith.muli %mul3A_152, %scan3A_106 : i32
        %add3A_154 = arith.constant 5 : i32
        %add3A_155 = arith.addi %mul3A_153, %add3A_154 : i32
        %dma_start3A_156 = arith.constant 0 : i32
        %dma_start3A_157 = tpu.memref_slice %arg11[%add3A_155, %dma_start3A_156] : memref<40x128xi32, #tpu.memory_space<vmem>> -> memref<1x128xi32, #tpu.memory_space<vmem>>
        %dma_start3A_158 = tpu.memref_squeeze %dma_start3A_157 : memref<1x128xi32, #tpu.memory_space<vmem>> -> memref<128xi32, #tpu.memory_space<vmem>>
        %dma_start3A_159 = arith.constant 0 : i32
        %dma_start3A_160 = tpu.memref_slice %arg16[%dma_start3A_159] : memref<10240xf32, #tpu.memory_space<vmem_shared>> -> memref<10240xf32, #tpu.memory_space<vmem_shared>>
        tpu.enqueue_indirect_dma source(%arg13 : memref<128xf32, #tpu.memory_space<vmem>>) target(%dma_start3A_160 : memref<10240xf32, #tpu.memory_space<vmem_shared>>) offsets(%dma_start3A_158 : memref<128xi32, #tpu.memory_space<vmem>>) semaphore(%arg18 : memref<!tpu.dma_semaphore, #tpu.memory_space<semaphore_mem>>) {add = true}
        %mul3A_161 = arith.constant 8 : i32
        %mul3A_162 = arith.muli %mul3A_161, %scan3A_106 : i32
        %add3A_163 = arith.constant 6 : i32
        %add3A_164 = arith.addi %mul3A_162, %add3A_163 : i32
        %dma_start3A_165 = arith.constant 0 : i32
        %dma_start3A_166 = tpu.memref_slice %arg11[%add3A_164, %dma_start3A_165] : memref<40x128xi32, #tpu.memory_space<vmem>> -> memref<1x128xi32, #tpu.memory_space<vmem>>
        %dma_start3A_167 = tpu.memref_squeeze %dma_start3A_166 : memref<1x128xi32, #tpu.memory_space<vmem>> -> memref<128xi32, #tpu.memory_space<vmem>>
        %dma_start3A_168 = arith.constant 0 : i32
        %dma_start3A_169 = tpu.memref_slice %arg16[%dma_start3A_168] : memref<10240xf32, #tpu.memory_space<vmem_shared>> -> memref<10240xf32, #tpu.memory_space<vmem_shared>>
        tpu.enqueue_indirect_dma source(%arg13 : memref<128xf32, #tpu.memory_space<vmem>>) target(%dma_start3A_169 : memref<10240xf32, #tpu.memory_space<vmem_shared>>) offsets(%dma_start3A_167 : memref<128xi32, #tpu.memory_space<vmem>>) semaphore(%arg18 : memref<!tpu.dma_semaphore, #tpu.memory_space<semaphore_mem>>) {add = true}
        %mul3A_170 = arith.constant 8 : i32
        %mul3A_171 = arith.muli %mul3A_170, %scan3A_106 : i32
        %add3A_172 = arith.constant 7 : i32
        %add3A_173 = arith.addi %mul3A_171, %add3A_172 : i32
        %dma_start3A_174 = arith.constant 0 : i32
        %dma_start3A_175 = tpu.memref_slice %arg11[%add3A_173, %dma_start3A_174] : memref<40x128xi32, #tpu.memory_space<vmem>> -> memref<1x128xi32, #tpu.memory_space<vmem>>
        %dma_start3A_176 = tpu.memref_squeeze %dma_start3A_175 : memref<1x128xi32, #tpu.memory_space<vmem>> -> memref<128xi32, #tpu.memory_space<vmem>>
        %dma_start3A_177 = arith.constant 0 : i32
        %dma_start3A_178 = tpu.memref_slice %arg16[%dma_start3A_177] : memref<10240xf32, #tpu.memory_space<vmem_shared>> -> memref<10240xf32, #tpu.memory_space<vmem_shared>>
        tpu.enqueue_indirect_dma source(%arg13 : memref<128xf32, #tpu.memory_space<vmem>>) target(%dma_start3A_178 : memref<10240xf32, #tpu.memory_space<vmem_shared>>) offsets(%dma_start3A_176 : memref<128xi32, #tpu.memory_space<vmem>>) semaphore(%arg18 : memref<!tpu.dma_semaphore, #tpu.memory_space<semaphore_mem>>) {add = true}
        %mul3A_179 = arith.constant 8 : i32
        %mul3A_180 = arith.muli %mul3A_179, %scan3A_106 : i32
        %add3A_181 = arith.constant 0 : i32
        %add3A_182 = arith.addi %mul3A_180, %add3A_181 : i32
        %dma_wait3A_183 = arith.constant 0 : i32
        %dma_wait3A_184 = tpu.memref_slice %arg11[%add3A_182, %dma_wait3A_183] : memref<40x128xi32, #tpu.memory_space<vmem>> -> memref<1x128xi32, #tpu.memory_space<vmem>>
        %dma_wait3A_185 = tpu.memref_squeeze %dma_wait3A_184 : memref<1x128xi32, #tpu.memory_space<vmem>> -> memref<128xi32, #tpu.memory_space<vmem>>
        %dma_wait3A_186 = arith.constant 0 : i32
        %dma_wait3A_187 = tpu.memref_slice %arg16[%dma_wait3A_186] : memref<10240xf32, #tpu.memory_space<vmem_shared>> -> memref<10240xf32, #tpu.memory_space<vmem_shared>>
        tpu.wait_indirect_dma semaphore(%arg18 : memref<!tpu.dma_semaphore, #tpu.memory_space<semaphore_mem>>) src(%arg13 : memref<128xf32, #tpu.memory_space<vmem>>) dst(%dma_wait3A_187 : memref<10240xf32, #tpu.memory_space<vmem_shared>>)
        %mul3A_188 = arith.constant 8 : i32
        %mul3A_189 = arith.muli %mul3A_188, %scan3A_106 : i32
        %add3A_190 = arith.constant 1 : i32
        %add3A_191 = arith.addi %mul3A_189, %add3A_190 : i32
        %dma_wait3A_192 = arith.constant 0 : i32
        %dma_wait3A_193 = tpu.memref_slice %arg11[%add3A_191, %dma_wait3A_192] : memref<40x128xi32, #tpu.memory_space<vmem>> -> memref<1x128xi32, #tpu.memory_space<vmem>>
        %dma_wait3A_194 = tpu.memref_squeeze %dma_wait3A_193 : memref<1x128xi32, #tpu.memory_space<vmem>> -> memref<128xi32, #tpu.memory_space<vmem>>
        %dma_wait3A_195 = arith.constant 0 : i32
        %dma_wait3A_196 = tpu.memref_slice %arg16[%dma_wait3A_195] : memref<10240xf32, #tpu.memory_space<vmem_shared>> -> memref<10240xf32, #tpu.memory_space<vmem_shared>>
        tpu.wait_indirect_dma semaphore(%arg18 : memref<!tpu.dma_semaphore, #tpu.memory_space<semaphore_mem>>) src(%arg13 : memref<128xf32, #tpu.memory_space<vmem>>) dst(%dma_wait3A_196 : memref<10240xf32, #tpu.memory_space<vmem_shared>>)
        %mul3A_197 = arith.constant 8 : i32
        %mul3A_198 = arith.muli %mul3A_197, %scan3A_106 : i32
        %add3A_199 = arith.constant 2 : i32
        %add3A_200 = arith.addi %mul3A_198, %add3A_199 : i32
        %dma_wait3A_201 = arith.constant 0 : i32
        %dma_wait3A_202 = tpu.memref_slice %arg11[%add3A_200, %dma_wait3A_201] : memref<40x128xi32, #tpu.memory_space<vmem>> -> memref<1x128xi32, #tpu.memory_space<vmem>>
        %dma_wait3A_203 = tpu.memref_squeeze %dma_wait3A_202 : memref<1x128xi32, #tpu.memory_space<vmem>> -> memref<128xi32, #tpu.memory_space<vmem>>
        %dma_wait3A_204 = arith.constant 0 : i32
        %dma_wait3A_205 = tpu.memref_slice %arg16[%dma_wait3A_204] : memref<10240xf32, #tpu.memory_space<vmem_shared>> -> memref<10240xf32, #tpu.memory_space<vmem_shared>>
        tpu.wait_indirect_dma semaphore(%arg18 : memref<!tpu.dma_semaphore, #tpu.memory_space<semaphore_mem>>) src(%arg13 : memref<128xf32, #tpu.memory_space<vmem>>) dst(%dma_wait3A_205 : memref<10240xf32, #tpu.memory_space<vmem_shared>>)
        %mul3A_206 = arith.constant 8 : i32
        %mul3A_207 = arith.muli %mul3A_206, %scan3A_106 : i32
        %add3A_208 = arith.constant 3 : i32
        %add3A_209 = arith.addi %mul3A_207, %add3A_208 : i32
        %dma_wait3A_210 = arith.constant 0 : i32
        %dma_wait3A_211 = tpu.memref_slice %arg11[%add3A_209, %dma_wait3A_210] : memref<40x128xi32, #tpu.memory_space<vmem>> -> memref<1x128xi32, #tpu.memory_space<vmem>>
        %dma_wait3A_212 = tpu.memref_squeeze %dma_wait3A_211 : memref<1x128xi32, #tpu.memory_space<vmem>> -> memref<128xi32, #tpu.memory_space<vmem>>
        %dma_wait3A_213 = arith.constant 0 : i32
        %dma_wait3A_214 = tpu.memref_slice %arg16[%dma_wait3A_213] : memref<10240xf32, #tpu.memory_space<vmem_shared>> -> memref<10240xf32, #tpu.memory_space<vmem_shared>>
        tpu.wait_indirect_dma semaphore(%arg18 : memref<!tpu.dma_semaphore, #tpu.memory_space<semaphore_mem>>) src(%arg13 : memref<128xf32, #tpu.memory_space<vmem>>) dst(%dma_wait3A_214 : memref<10240xf32, #tpu.memory_space<vmem_shared>>)
        %mul3A_215 = arith.constant 8 : i32
        %mul3A_216 = arith.muli %mul3A_215, %scan3A_106 : i32
        %add3A_217 = arith.constant 4 : i32
        %add3A_218 = arith.addi %mul3A_216, %add3A_217 : i32
        %dma_wait3A_219 = arith.constant 0 : i32
        %dma_wait3A_220 = tpu.memref_slice %arg11[%add3A_218, %dma_wait3A_219] : memref<40x128xi32, #tpu.memory_space<vmem>> -> memref<1x128xi32, #tpu.memory_space<vmem>>
        %dma_wait3A_221 = tpu.memref_squeeze %dma_wait3A_220 : memref<1x128xi32, #tpu.memory_space<vmem>> -> memref<128xi32, #tpu.memory_space<vmem>>
        %dma_wait3A_222 = arith.constant 0 : i32
        %dma_wait3A_223 = tpu.memref_slice %arg16[%dma_wait3A_222] : memref<10240xf32, #tpu.memory_space<vmem_shared>> -> memref<10240xf32, #tpu.memory_space<vmem_shared>>
        tpu.wait_indirect_dma semaphore(%arg18 : memref<!tpu.dma_semaphore, #tpu.memory_space<semaphore_mem>>) src(%arg13 : memref<128xf32, #tpu.memory_space<vmem>>) dst(%dma_wait3A_223 : memref<10240xf32, #tpu.memory_space<vmem_shared>>)
        %mul3A_224 = arith.constant 8 : i32
        %mul3A_225 = arith.muli %mul3A_224, %scan3A_106 : i32
        %add3A_226 = arith.constant 5 : i32
        %add3A_227 = arith.addi %mul3A_225, %add3A_226 : i32
        %dma_wait3A_228 = arith.constant 0 : i32
        %dma_wait3A_229 = tpu.memref_slice %arg11[%add3A_227, %dma_wait3A_228] : memref<40x128xi32, #tpu.memory_space<vmem>> -> memref<1x128xi32, #tpu.memory_space<vmem>>
        %dma_wait3A_230 = tpu.memref_squeeze %dma_wait3A_229 : memref<1x128xi32, #tpu.memory_space<vmem>> -> memref<128xi32, #tpu.memory_space<vmem>>
        %dma_wait3A_231 = arith.constant 0 : i32
        %dma_wait3A_232 = tpu.memref_slice %arg16[%dma_wait3A_231] : memref<10240xf32, #tpu.memory_space<vmem_shared>> -> memref<10240xf32, #tpu.memory_space<vmem_shared>>
        tpu.wait_indirect_dma semaphore(%arg18 : memref<!tpu.dma_semaphore, #tpu.memory_space<semaphore_mem>>) src(%arg13 : memref<128xf32, #tpu.memory_space<vmem>>) dst(%dma_wait3A_232 : memref<10240xf32, #tpu.memory_space<vmem_shared>>)
        %mul3A_233 = arith.constant 8 : i32
        %mul3A_234 = arith.muli %mul3A_233, %scan3A_106 : i32
        %add3A_235 = arith.constant 6 : i32
        %add3A_236 = arith.addi %mul3A_234, %add3A_235 : i32
        %dma_wait3A_237 = arith.constant 0 : i32
        %dma_wait3A_238 = tpu.memref_slice %arg11[%add3A_236, %dma_wait3A_237] : memref<40x128xi32, #tpu.memory_space<vmem>> -> memref<1x128xi32, #tpu.memory_space<vmem>>
        %dma_wait3A_239 = tpu.memref_squeeze %dma_wait3A_238 : memref<1x128xi32, #tpu.memory_space<vmem>> -> memref<128xi32, #tpu.memory_space<vmem>>
        %dma_wait3A_240 = arith.constant 0 : i32
        %dma_wait3A_241 = tpu.memref_slice %arg16[%dma_wait3A_240] : memref<10240xf32, #tpu.memory_space<vmem_shared>> -> memref<10240xf32, #tpu.memory_space<vmem_shared>>
        tpu.wait_indirect_dma semaphore(%arg18 : memref<!tpu.dma_semaphore, #tpu.memory_space<semaphore_mem>>) src(%arg13 : memref<128xf32, #tpu.memory_space<vmem>>) dst(%dma_wait3A_241 : memref<10240xf32, #tpu.memory_space<vmem_shared>>)
        %mul3A_242 = arith.constant 8 : i32
        %mul3A_243 = arith.muli %mul3A_242, %scan3A_106 : i32
        %add3A_244 = arith.constant 7 : i32
        %add3A_245 = arith.addi %mul3A_243, %add3A_244 : i32
        %dma_wait3A_246 = arith.constant 0 : i32
        %dma_wait3A_247 = tpu.memref_slice %arg11[%add3A_245, %dma_wait3A_246] : memref<40x128xi32, #tpu.memory_space<vmem>> -> memref<1x128xi32, #tpu.memory_space<vmem>>
        %dma_wait3A_248 = tpu.memref_squeeze %dma_wait3A_247 : memref<1x128xi32, #tpu.memory_space<vmem>> -> memref<128xi32, #tpu.memory_space<vmem>>
        %dma_wait3A_249 = arith.constant 0 : i32
        %dma_wait3A_250 = tpu.memref_slice %arg16[%dma_wait3A_249] : memref<10240xf32, #tpu.memory_space<vmem_shared>> -> memref<10240xf32, #tpu.memory_space<vmem_shared>>
        tpu.wait_indirect_dma semaphore(%arg18 : memref<!tpu.dma_semaphore, #tpu.memory_space<semaphore_mem>>) src(%arg13 : memref<128xf32, #tpu.memory_space<vmem>>) dst(%dma_wait3A_250 : memref<10240xf32, #tpu.memory_space<vmem_shared>>)
      }
      %scan3A_95 = arith.constant 5 : i32
      %mul3A_96 = arith.constant 160 : i32
      %mul3A_97 = arith.muli %arg1, %mul3A_96 : i32
      %add3A_98 = arith.constant 120 : i32
      %add3A_99 = arith.addi %mul3A_97, %add3A_98 : i32
      "tpu.region"() ({
        %run_scoped3A = tpu.sem_alloc : memref<!tpu.dma_semaphore, #tpu.memory_space<semaphore_mem>>
        %dma_start3A_106 = arith.constant 0 : i32
        %dma_start3A_107 = tpu.memref_slice %arg2[%add3A_99, %dma_start3A_106] : memref<2560x128xi32, #tpu.memory_space<hbm>> -> memref<40x128xi32, #tpu.memory_space<hbm>>
        %dma_start3A_108 = arith.constant 0 : i32
        %dma_start3A_109 = tpu.memref_slice %arg2[%add3A_99, %dma_start3A_108] : memref<2560x128xi32, #tpu.memory_space<hbm>> -> memref<40x128xi32, #tpu.memory_space<hbm>>
        tpu.enqueue_dma source(%dma_start3A_109 : memref<40x128xi32, #tpu.memory_space<hbm>>) target(%arg11 : memref<40x128xi32, #tpu.memory_space<vmem>>) target_semaphore(%run_scoped3A : memref<!tpu.dma_semaphore, #tpu.memory_space<semaphore_mem>>)
        %dma_wait3A_110 = arith.constant 0 : i32
        %dma_wait3A_111 = tpu.memref_slice %arg2[%add3A_99, %dma_wait3A_110] : memref<2560x128xi32, #tpu.memory_space<hbm>> -> memref<40x128xi32, #tpu.memory_space<hbm>>
        %dma_wait3A_112 = arith.constant 0 : i32
        %dma_wait3A_113 = tpu.memref_slice %arg2[%add3A_99, %dma_wait3A_112] : memref<2560x128xi32, #tpu.memory_space<hbm>> -> memref<40x128xi32, #tpu.memory_space<hbm>>
        tpu.wait_dma2 semaphore(%run_scoped3A : memref<!tpu.dma_semaphore, #tpu.memory_space<semaphore_mem>>) src(%dma_wait3A_113 : memref<40x128xi32, #tpu.memory_space<hbm>>) dst(%arg11 : memref<40x128xi32, #tpu.memory_space<vmem>>)
        tpu.yield
      }) : () -> ()
      %scan3A_100 = arith.constant 0 : i32
      %scan3A_101 = arith.constant 0 : i32
      %scan3A_102 = arith.constant 5 : i32
      %scan3A_103 = arith.addi %scan3A_101, %scan3A_102 : i32
      %scan3A_104 = arith.constant 1 : i32
      scf.for %scan3A_106 = %scan3A_101 to %scan3A_103 step %scan3A_104  : i32 {
        %mul3A_107 = arith.constant 8 : i32
        %mul3A_108 = arith.muli %mul3A_107, %scan3A_106 : i32
        %add3A_109 = arith.constant 0 : i32
        %add3A_110 = arith.addi %mul3A_108, %add3A_109 : i32
        %dma_start3A_111 = arith.constant 0 : i32
        %dma_start3A_112 = tpu.memref_slice %arg11[%add3A_110, %dma_start3A_111] : memref<40x128xi32, #tpu.memory_space<vmem>> -> memref<1x128xi32, #tpu.memory_space<vmem>>
        %dma_start3A_113 = tpu.memref_squeeze %dma_start3A_112 : memref<1x128xi32, #tpu.memory_space<vmem>> -> memref<128xi32, #tpu.memory_space<vmem>>
        %dma_start3A_114 = arith.constant 0 : i32
        %dma_start3A_115 = tpu.memref_slice %arg16[%dma_start3A_114] : memref<10240xf32, #tpu.memory_space<vmem_shared>> -> memref<10240xf32, #tpu.memory_space<vmem_shared>>
        tpu.enqueue_indirect_dma source(%arg13 : memref<128xf32, #tpu.memory_space<vmem>>) target(%dma_start3A_115 : memref<10240xf32, #tpu.memory_space<vmem_shared>>) offsets(%dma_start3A_113 : memref<128xi32, #tpu.memory_space<vmem>>) semaphore(%arg18 : memref<!tpu.dma_semaphore, #tpu.memory_space<semaphore_mem>>) {add = true}
        %mul3A_116 = arith.constant 8 : i32
        %mul3A_117 = arith.muli %mul3A_116, %scan3A_106 : i32
        %add3A_118 = arith.constant 1 : i32
        %add3A_119 = arith.addi %mul3A_117, %add3A_118 : i32
        %dma_start3A_120 = arith.constant 0 : i32
        %dma_start3A_121 = tpu.memref_slice %arg11[%add3A_119, %dma_start3A_120] : memref<40x128xi32, #tpu.memory_space<vmem>> -> memref<1x128xi32, #tpu.memory_space<vmem>>
        %dma_start3A_122 = tpu.memref_squeeze %dma_start3A_121 : memref<1x128xi32, #tpu.memory_space<vmem>> -> memref<128xi32, #tpu.memory_space<vmem>>
        %dma_start3A_123 = arith.constant 0 : i32
        %dma_start3A_124 = tpu.memref_slice %arg16[%dma_start3A_123] : memref<10240xf32, #tpu.memory_space<vmem_shared>> -> memref<10240xf32, #tpu.memory_space<vmem_shared>>
        tpu.enqueue_indirect_dma source(%arg13 : memref<128xf32, #tpu.memory_space<vmem>>) target(%dma_start3A_124 : memref<10240xf32, #tpu.memory_space<vmem_shared>>) offsets(%dma_start3A_122 : memref<128xi32, #tpu.memory_space<vmem>>) semaphore(%arg18 : memref<!tpu.dma_semaphore, #tpu.memory_space<semaphore_mem>>) {add = true}
        %mul3A_125 = arith.constant 8 : i32
        %mul3A_126 = arith.muli %mul3A_125, %scan3A_106 : i32
        %add3A_127 = arith.constant 2 : i32
        %add3A_128 = arith.addi %mul3A_126, %add3A_127 : i32
        %dma_start3A_129 = arith.constant 0 : i32
        %dma_start3A_130 = tpu.memref_slice %arg11[%add3A_128, %dma_start3A_129] : memref<40x128xi32, #tpu.memory_space<vmem>> -> memref<1x128xi32, #tpu.memory_space<vmem>>
        %dma_start3A_131 = tpu.memref_squeeze %dma_start3A_130 : memref<1x128xi32, #tpu.memory_space<vmem>> -> memref<128xi32, #tpu.memory_space<vmem>>
        %dma_start3A_132 = arith.constant 0 : i32
        %dma_start3A_133 = tpu.memref_slice %arg16[%dma_start3A_132] : memref<10240xf32, #tpu.memory_space<vmem_shared>> -> memref<10240xf32, #tpu.memory_space<vmem_shared>>
        tpu.enqueue_indirect_dma source(%arg13 : memref<128xf32, #tpu.memory_space<vmem>>) target(%dma_start3A_133 : memref<10240xf32, #tpu.memory_space<vmem_shared>>) offsets(%dma_start3A_131 : memref<128xi32, #tpu.memory_space<vmem>>) semaphore(%arg18 : memref<!tpu.dma_semaphore, #tpu.memory_space<semaphore_mem>>) {add = true}
        %mul3A_134 = arith.constant 8 : i32
        %mul3A_135 = arith.muli %mul3A_134, %scan3A_106 : i32
        %add3A_136 = arith.constant 3 : i32
        %add3A_137 = arith.addi %mul3A_135, %add3A_136 : i32
        %dma_start3A_138 = arith.constant 0 : i32
        %dma_start3A_139 = tpu.memref_slice %arg11[%add3A_137, %dma_start3A_138] : memref<40x128xi32, #tpu.memory_space<vmem>> -> memref<1x128xi32, #tpu.memory_space<vmem>>
        %dma_start3A_140 = tpu.memref_squeeze %dma_start3A_139 : memref<1x128xi32, #tpu.memory_space<vmem>> -> memref<128xi32, #tpu.memory_space<vmem>>
        %dma_start3A_141 = arith.constant 0 : i32
        %dma_start3A_142 = tpu.memref_slice %arg16[%dma_start3A_141] : memref<10240xf32, #tpu.memory_space<vmem_shared>> -> memref<10240xf32, #tpu.memory_space<vmem_shared>>
        tpu.enqueue_indirect_dma source(%arg13 : memref<128xf32, #tpu.memory_space<vmem>>) target(%dma_start3A_142 : memref<10240xf32, #tpu.memory_space<vmem_shared>>) offsets(%dma_start3A_140 : memref<128xi32, #tpu.memory_space<vmem>>) semaphore(%arg18 : memref<!tpu.dma_semaphore, #tpu.memory_space<semaphore_mem>>) {add = true}
        %mul3A_143 = arith.constant 8 : i32
        %mul3A_144 = arith.muli %mul3A_143, %scan3A_106 : i32
        %add3A_145 = arith.constant 4 : i32
        %add3A_146 = arith.addi %mul3A_144, %add3A_145 : i32
        %dma_start3A_147 = arith.constant 0 : i32
        %dma_start3A_148 = tpu.memref_slice %arg11[%add3A_146, %dma_start3A_147] : memref<40x128xi32, #tpu.memory_space<vmem>> -> memref<1x128xi32, #tpu.memory_space<vmem>>
        %dma_start3A_149 = tpu.memref_squeeze %dma_start3A_148 : memref<1x128xi32, #tpu.memory_space<vmem>> -> memref<128xi32, #tpu.memory_space<vmem>>
        %dma_start3A_150 = arith.constant 0 : i32
        %dma_start3A_151 = tpu.memref_slice %arg16[%dma_start3A_150] : memref<10240xf32, #tpu.memory_space<vmem_shared>> -> memref<10240xf32, #tpu.memory_space<vmem_shared>>
        tpu.enqueue_indirect_dma source(%arg13 : memref<128xf32, #tpu.memory_space<vmem>>) target(%dma_start3A_151 : memref<10240xf32, #tpu.memory_space<vmem_shared>>) offsets(%dma_start3A_149 : memref<128xi32, #tpu.memory_space<vmem>>) semaphore(%arg18 : memref<!tpu.dma_semaphore, #tpu.memory_space<semaphore_mem>>) {add = true}
        %mul3A_152 = arith.constant 8 : i32
        %mul3A_153 = arith.muli %mul3A_152, %scan3A_106 : i32
        %add3A_154 = arith.constant 5 : i32
        %add3A_155 = arith.addi %mul3A_153, %add3A_154 : i32
        %dma_start3A_156 = arith.constant 0 : i32
        %dma_start3A_157 = tpu.memref_slice %arg11[%add3A_155, %dma_start3A_156] : memref<40x128xi32, #tpu.memory_space<vmem>> -> memref<1x128xi32, #tpu.memory_space<vmem>>
        %dma_start3A_158 = tpu.memref_squeeze %dma_start3A_157 : memref<1x128xi32, #tpu.memory_space<vmem>> -> memref<128xi32, #tpu.memory_space<vmem>>
        %dma_start3A_159 = arith.constant 0 : i32
        %dma_start3A_160 = tpu.memref_slice %arg16[%dma_start3A_159] : memref<10240xf32, #tpu.memory_space<vmem_shared>> -> memref<10240xf32, #tpu.memory_space<vmem_shared>>
        tpu.enqueue_indirect_dma source(%arg13 : memref<128xf32, #tpu.memory_space<vmem>>) target(%dma_start3A_160 : memref<10240xf32, #tpu.memory_space<vmem_shared>>) offsets(%dma_start3A_158 : memref<128xi32, #tpu.memory_space<vmem>>) semaphore(%arg18 : memref<!tpu.dma_semaphore, #tpu.memory_space<semaphore_mem>>) {add = true}
        %mul3A_161 = arith.constant 8 : i32
        %mul3A_162 = arith.muli %mul3A_161, %scan3A_106 : i32
        %add3A_163 = arith.constant 6 : i32
        %add3A_164 = arith.addi %mul3A_162, %add3A_163 : i32
        %dma_start3A_165 = arith.constant 0 : i32
        %dma_start3A_166 = tpu.memref_slice %arg11[%add3A_164, %dma_start3A_165] : memref<40x128xi32, #tpu.memory_space<vmem>> -> memref<1x128xi32, #tpu.memory_space<vmem>>
        %dma_start3A_167 = tpu.memref_squeeze %dma_start3A_166 : memref<1x128xi32, #tpu.memory_space<vmem>> -> memref<128xi32, #tpu.memory_space<vmem>>
        %dma_start3A_168 = arith.constant 0 : i32
        %dma_start3A_169 = tpu.memref_slice %arg16[%dma_start3A_168] : memref<10240xf32, #tpu.memory_space<vmem_shared>> -> memref<10240xf32, #tpu.memory_space<vmem_shared>>
        tpu.enqueue_indirect_dma source(%arg13 : memref<128xf32, #tpu.memory_space<vmem>>) target(%dma_start3A_169 : memref<10240xf32, #tpu.memory_space<vmem_shared>>) offsets(%dma_start3A_167 : memref<128xi32, #tpu.memory_space<vmem>>) semaphore(%arg18 : memref<!tpu.dma_semaphore, #tpu.memory_space<semaphore_mem>>) {add = true}
        %mul3A_170 = arith.constant 8 : i32
        %mul3A_171 = arith.muli %mul3A_170, %scan3A_106 : i32
        %add3A_172 = arith.constant 7 : i32
        %add3A_173 = arith.addi %mul3A_171, %add3A_172 : i32
        %dma_start3A_174 = arith.constant 0 : i32
        %dma_start3A_175 = tpu.memref_slice %arg11[%add3A_173, %dma_start3A_174] : memref<40x128xi32, #tpu.memory_space<vmem>> -> memref<1x128xi32, #tpu.memory_space<vmem>>
        %dma_start3A_176 = tpu.memref_squeeze %dma_start3A_175 : memref<1x128xi32, #tpu.memory_space<vmem>> -> memref<128xi32, #tpu.memory_space<vmem>>
        %dma_start3A_177 = arith.constant 0 : i32
        %dma_start3A_178 = tpu.memref_slice %arg16[%dma_start3A_177] : memref<10240xf32, #tpu.memory_space<vmem_shared>> -> memref<10240xf32, #tpu.memory_space<vmem_shared>>
        tpu.enqueue_indirect_dma source(%arg13 : memref<128xf32, #tpu.memory_space<vmem>>) target(%dma_start3A_178 : memref<10240xf32, #tpu.memory_space<vmem_shared>>) offsets(%dma_start3A_176 : memref<128xi32, #tpu.memory_space<vmem>>) semaphore(%arg18 : memref<!tpu.dma_semaphore, #tpu.memory_space<semaphore_mem>>) {add = true}
        %mul3A_179 = arith.constant 8 : i32
        %mul3A_180 = arith.muli %mul3A_179, %scan3A_106 : i32
        %add3A_181 = arith.constant 0 : i32
        %add3A_182 = arith.addi %mul3A_180, %add3A_181 : i32
        %dma_wait3A_183 = arith.constant 0 : i32
        %dma_wait3A_184 = tpu.memref_slice %arg11[%add3A_182, %dma_wait3A_183] : memref<40x128xi32, #tpu.memory_space<vmem>> -> memref<1x128xi32, #tpu.memory_space<vmem>>
        %dma_wait3A_185 = tpu.memref_squeeze %dma_wait3A_184 : memref<1x128xi32, #tpu.memory_space<vmem>> -> memref<128xi32, #tpu.memory_space<vmem>>
        %dma_wait3A_186 = arith.constant 0 : i32
        %dma_wait3A_187 = tpu.memref_slice %arg16[%dma_wait3A_186] : memref<10240xf32, #tpu.memory_space<vmem_shared>> -> memref<10240xf32, #tpu.memory_space<vmem_shared>>
        tpu.wait_indirect_dma semaphore(%arg18 : memref<!tpu.dma_semaphore, #tpu.memory_space<semaphore_mem>>) src(%arg13 : memref<128xf32, #tpu.memory_space<vmem>>) dst(%dma_wait3A_187 : memref<10240xf32, #tpu.memory_space<vmem_shared>>)
        %mul3A_188 = arith.constant 8 : i32
        %mul3A_189 = arith.muli %mul3A_188, %scan3A_106 : i32
        %add3A_190 = arith.constant 1 : i32
        %add3A_191 = arith.addi %mul3A_189, %add3A_190 : i32
        %dma_wait3A_192 = arith.constant 0 : i32
        %dma_wait3A_193 = tpu.memref_slice %arg11[%add3A_191, %dma_wait3A_192] : memref<40x128xi32, #tpu.memory_space<vmem>> -> memref<1x128xi32, #tpu.memory_space<vmem>>
        %dma_wait3A_194 = tpu.memref_squeeze %dma_wait3A_193 : memref<1x128xi32, #tpu.memory_space<vmem>> -> memref<128xi32, #tpu.memory_space<vmem>>
        %dma_wait3A_195 = arith.constant 0 : i32
        %dma_wait3A_196 = tpu.memref_slice %arg16[%dma_wait3A_195] : memref<10240xf32, #tpu.memory_space<vmem_shared>> -> memref<10240xf32, #tpu.memory_space<vmem_shared>>
        tpu.wait_indirect_dma semaphore(%arg18 : memref<!tpu.dma_semaphore, #tpu.memory_space<semaphore_mem>>) src(%arg13 : memref<128xf32, #tpu.memory_space<vmem>>) dst(%dma_wait3A_196 : memref<10240xf32, #tpu.memory_space<vmem_shared>>)
        %mul3A_197 = arith.constant 8 : i32
        %mul3A_198 = arith.muli %mul3A_197, %scan3A_106 : i32
        %add3A_199 = arith.constant 2 : i32
        %add3A_200 = arith.addi %mul3A_198, %add3A_199 : i32
        %dma_wait3A_201 = arith.constant 0 : i32
        %dma_wait3A_202 = tpu.memref_slice %arg11[%add3A_200, %dma_wait3A_201] : memref<40x128xi32, #tpu.memory_space<vmem>> -> memref<1x128xi32, #tpu.memory_space<vmem>>
        %dma_wait3A_203 = tpu.memref_squeeze %dma_wait3A_202 : memref<1x128xi32, #tpu.memory_space<vmem>> -> memref<128xi32, #tpu.memory_space<vmem>>
        %dma_wait3A_204 = arith.constant 0 : i32
        %dma_wait3A_205 = tpu.memref_slice %arg16[%dma_wait3A_204] : memref<10240xf32, #tpu.memory_space<vmem_shared>> -> memref<10240xf32, #tpu.memory_space<vmem_shared>>
        tpu.wait_indirect_dma semaphore(%arg18 : memref<!tpu.dma_semaphore, #tpu.memory_space<semaphore_mem>>) src(%arg13 : memref<128xf32, #tpu.memory_space<vmem>>) dst(%dma_wait3A_205 : memref<10240xf32, #tpu.memory_space<vmem_shared>>)
        %mul3A_206 = arith.constant 8 : i32
        %mul3A_207 = arith.muli %mul3A_206, %scan3A_106 : i32
        %add3A_208 = arith.constant 3 : i32
        %add3A_209 = arith.addi %mul3A_207, %add3A_208 : i32
        %dma_wait3A_210 = arith.constant 0 : i32
        %dma_wait3A_211 = tpu.memref_slice %arg11[%add3A_209, %dma_wait3A_210] : memref<40x128xi32, #tpu.memory_space<vmem>> -> memref<1x128xi32, #tpu.memory_space<vmem>>
        %dma_wait3A_212 = tpu.memref_squeeze %dma_wait3A_211 : memref<1x128xi32, #tpu.memory_space<vmem>> -> memref<128xi32, #tpu.memory_space<vmem>>
        %dma_wait3A_213 = arith.constant 0 : i32
        %dma_wait3A_214 = tpu.memref_slice %arg16[%dma_wait3A_213] : memref<10240xf32, #tpu.memory_space<vmem_shared>> -> memref<10240xf32, #tpu.memory_space<vmem_shared>>
        tpu.wait_indirect_dma semaphore(%arg18 : memref<!tpu.dma_semaphore, #tpu.memory_space<semaphore_mem>>) src(%arg13 : memref<128xf32, #tpu.memory_space<vmem>>) dst(%dma_wait3A_214 : memref<10240xf32, #tpu.memory_space<vmem_shared>>)
        %mul3A_215 = arith.constant 8 : i32
        %mul3A_216 = arith.muli %mul3A_215, %scan3A_106 : i32
        %add3A_217 = arith.constant 4 : i32
        %add3A_218 = arith.addi %mul3A_216, %add3A_217 : i32
        %dma_wait3A_219 = arith.constant 0 : i32
        %dma_wait3A_220 = tpu.memref_slice %arg11[%add3A_218, %dma_wait3A_219] : memref<40x128xi32, #tpu.memory_space<vmem>> -> memref<1x128xi32, #tpu.memory_space<vmem>>
        %dma_wait3A_221 = tpu.memref_squeeze %dma_wait3A_220 : memref<1x128xi32, #tpu.memory_space<vmem>> -> memref<128xi32, #tpu.memory_space<vmem>>
        %dma_wait3A_222 = arith.constant 0 : i32
        %dma_wait3A_223 = tpu.memref_slice %arg16[%dma_wait3A_222] : memref<10240xf32, #tpu.memory_space<vmem_shared>> -> memref<10240xf32, #tpu.memory_space<vmem_shared>>
        tpu.wait_indirect_dma semaphore(%arg18 : memref<!tpu.dma_semaphore, #tpu.memory_space<semaphore_mem>>) src(%arg13 : memref<128xf32, #tpu.memory_space<vmem>>) dst(%dma_wait3A_223 : memref<10240xf32, #tpu.memory_space<vmem_shared>>)
        %mul3A_224 = arith.constant 8 : i32
        %mul3A_225 = arith.muli %mul3A_224, %scan3A_106 : i32
        %add3A_226 = arith.constant 5 : i32
        %add3A_227 = arith.addi %mul3A_225, %add3A_226 : i32
        %dma_wait3A_228 = arith.constant 0 : i32
        %dma_wait3A_229 = tpu.memref_slice %arg11[%add3A_227, %dma_wait3A_228] : memref<40x128xi32, #tpu.memory_space<vmem>> -> memref<1x128xi32, #tpu.memory_space<vmem>>
        %dma_wait3A_230 = tpu.memref_squeeze %dma_wait3A_229 : memref<1x128xi32, #tpu.memory_space<vmem>> -> memref<128xi32, #tpu.memory_space<vmem>>
        %dma_wait3A_231 = arith.constant 0 : i32
        %dma_wait3A_232 = tpu.memref_slice %arg16[%dma_wait3A_231] : memref<10240xf32, #tpu.memory_space<vmem_shared>> -> memref<10240xf32, #tpu.memory_space<vmem_shared>>
        tpu.wait_indirect_dma semaphore(%arg18 : memref<!tpu.dma_semaphore, #tpu.memory_space<semaphore_mem>>) src(%arg13 : memref<128xf32, #tpu.memory_space<vmem>>) dst(%dma_wait3A_232 : memref<10240xf32, #tpu.memory_space<vmem_shared>>)
        %mul3A_233 = arith.constant 8 : i32
        %mul3A_234 = arith.muli %mul3A_233, %scan3A_106 : i32
        %add3A_235 = arith.constant 6 : i32
        %add3A_236 = arith.addi %mul3A_234, %add3A_235 : i32
        %dma_wait3A_237 = arith.constant 0 : i32
        %dma_wait3A_238 = tpu.memref_slice %arg11[%add3A_236, %dma_wait3A_237] : memref<40x128xi32, #tpu.memory_space<vmem>> -> memref<1x128xi32, #tpu.memory_space<vmem>>
        %dma_wait3A_239 = tpu.memref_squeeze %dma_wait3A_238 : memref<1x128xi32, #tpu.memory_space<vmem>> -> memref<128xi32, #tpu.memory_space<vmem>>
        %dma_wait3A_240 = arith.constant 0 : i32
        %dma_wait3A_241 = tpu.memref_slice %arg16[%dma_wait3A_240] : memref<10240xf32, #tpu.memory_space<vmem_shared>> -> memref<10240xf32, #tpu.memory_space<vmem_shared>>
        tpu.wait_indirect_dma semaphore(%arg18 : memref<!tpu.dma_semaphore, #tpu.memory_space<semaphore_mem>>) src(%arg13 : memref<128xf32, #tpu.memory_space<vmem>>) dst(%dma_wait3A_241 : memref<10240xf32, #tpu.memory_space<vmem_shared>>)
        %mul3A_242 = arith.constant 8 : i32
        %mul3A_243 = arith.muli %mul3A_242, %scan3A_106 : i32
        %add3A_244 = arith.constant 7 : i32
        %add3A_245 = arith.addi %mul3A_243, %add3A_244 : i32
        %dma_wait3A_246 = arith.constant 0 : i32
        %dma_wait3A_247 = tpu.memref_slice %arg11[%add3A_245, %dma_wait3A_246] : memref<40x128xi32, #tpu.memory_space<vmem>> -> memref<1x128xi32, #tpu.memory_space<vmem>>
        %dma_wait3A_248 = tpu.memref_squeeze %dma_wait3A_247 : memref<1x128xi32, #tpu.memory_space<vmem>> -> memref<128xi32, #tpu.memory_space<vmem>>
        %dma_wait3A_249 = arith.constant 0 : i32
        %dma_wait3A_250 = tpu.memref_slice %arg16[%dma_wait3A_249] : memref<10240xf32, #tpu.memory_space<vmem_shared>> -> memref<10240xf32, #tpu.memory_space<vmem_shared>>
        tpu.wait_indirect_dma semaphore(%arg18 : memref<!tpu.dma_semaphore, #tpu.memory_space<semaphore_mem>>) src(%arg13 : memref<128xf32, #tpu.memory_space<vmem>>) dst(%dma_wait3A_250 : memref<10240xf32, #tpu.memory_space<vmem_shared>>)
      }
      %scan3A_105 = arith.constant 5 : i32
    } else {
    }
    %eq3A_7 = arith.constant 1 : i32
    %eq3A_8 = arith.cmpi eq, %arg0, %eq3A_7 : i32
    %convert_element_type3A_9 = arith.extui %eq3A_8 : i1 to i32
    %cond3A_10 = arith.constant 0 : i32
    %cond3A_11 = arith.cmpi ne, %convert_element_type3A_9, %cond3A_10 : i32
    scf.if %cond3A_11 {
      %mul3A_66 = arith.constant 160 : i32
      %mul3A_67 = arith.muli %arg1, %mul3A_66 : i32
      %add3A_68 = arith.constant 0 : i32
      %add3A_69 = arith.addi %mul3A_67, %add3A_68 : i32
      "tpu.region"() ({
        %run_scoped3A = tpu.sem_alloc : memref<!tpu.dma_semaphore, #tpu.memory_space<semaphore_mem>>
        %dma_start3A_106 = arith.constant 0 : i32
        %dma_start3A_107 = tpu.memref_slice %arg3[%add3A_69, %dma_start3A_106] : memref<2560x128xi32, #tpu.memory_space<hbm>> -> memref<40x128xi32, #tpu.memory_space<hbm>>
        %dma_start3A_108 = arith.constant 0 : i32
        %dma_start3A_109 = tpu.memref_slice %arg3[%add3A_69, %dma_start3A_108] : memref<2560x128xi32, #tpu.memory_space<hbm>> -> memref<40x128xi32, #tpu.memory_space<hbm>>
        tpu.enqueue_dma source(%dma_start3A_109 : memref<40x128xi32, #tpu.memory_space<hbm>>) target(%arg11 : memref<40x128xi32, #tpu.memory_space<vmem>>) target_semaphore(%run_scoped3A : memref<!tpu.dma_semaphore, #tpu.memory_space<semaphore_mem>>)
        %dma_wait3A_110 = arith.constant 0 : i32
        %dma_wait3A_111 = tpu.memref_slice %arg3[%add3A_69, %dma_wait3A_110] : memref<2560x128xi32, #tpu.memory_space<hbm>> -> memref<40x128xi32, #tpu.memory_space<hbm>>
        %dma_wait3A_112 = arith.constant 0 : i32
        %dma_wait3A_113 = tpu.memref_slice %arg3[%add3A_69, %dma_wait3A_112] : memref<2560x128xi32, #tpu.memory_space<hbm>> -> memref<40x128xi32, #tpu.memory_space<hbm>>
        tpu.wait_dma2 semaphore(%run_scoped3A : memref<!tpu.dma_semaphore, #tpu.memory_space<semaphore_mem>>) src(%dma_wait3A_113 : memref<40x128xi32, #tpu.memory_space<hbm>>) dst(%arg11 : memref<40x128xi32, #tpu.memory_space<vmem>>)
        tpu.yield
      }) : () -> ()
      %scan3A_70 = arith.constant 0 : i32
      %scan3A_71 = arith.constant 0 : i32
      %scan3A_72 = arith.constant 5 : i32
      %scan3A_73 = arith.addi %scan3A_71, %scan3A_72 : i32
      %scan3A_74 = arith.constant 1 : i32
      scf.for %scan3A_106 = %scan3A_71 to %scan3A_73 step %scan3A_74  : i32 {
        %mul3A_107 = arith.constant 8 : i32
        %mul3A_108 = arith.muli %mul3A_107, %scan3A_106 : i32
        %add3A_109 = arith.constant 0 : i32
        %add3A_110 = arith.addi %mul3A_108, %add3A_109 : i32
        %dma_start3A_111 = arith.constant 0 : i32
        %dma_start3A_112 = tpu.memref_slice %arg11[%add3A_110, %dma_start3A_111] : memref<40x128xi32, #tpu.memory_space<vmem>> -> memref<1x128xi32, #tpu.memory_space<vmem>>
        %dma_start3A_113 = tpu.memref_squeeze %dma_start3A_112 : memref<1x128xi32, #tpu.memory_space<vmem>> -> memref<128xi32, #tpu.memory_space<vmem>>
        %dma_start3A_114 = arith.constant 0 : i32
        %dma_start3A_115 = tpu.memref_slice %arg16[%dma_start3A_114] : memref<10240xf32, #tpu.memory_space<vmem_shared>> -> memref<10240xf32, #tpu.memory_space<vmem_shared>>
        tpu.enqueue_indirect_dma source(%arg13 : memref<128xf32, #tpu.memory_space<vmem>>) target(%dma_start3A_115 : memref<10240xf32, #tpu.memory_space<vmem_shared>>) offsets(%dma_start3A_113 : memref<128xi32, #tpu.memory_space<vmem>>) semaphore(%arg18 : memref<!tpu.dma_semaphore, #tpu.memory_space<semaphore_mem>>) {add = true}
        %mul3A_116 = arith.constant 8 : i32
        %mul3A_117 = arith.muli %mul3A_116, %scan3A_106 : i32
        %add3A_118 = arith.constant 1 : i32
        %add3A_119 = arith.addi %mul3A_117, %add3A_118 : i32
        %dma_start3A_120 = arith.constant 0 : i32
        %dma_start3A_121 = tpu.memref_slice %arg11[%add3A_119, %dma_start3A_120] : memref<40x128xi32, #tpu.memory_space<vmem>> -> memref<1x128xi32, #tpu.memory_space<vmem>>
        %dma_start3A_122 = tpu.memref_squeeze %dma_start3A_121 : memref<1x128xi32, #tpu.memory_space<vmem>> -> memref<128xi32, #tpu.memory_space<vmem>>
        %dma_start3A_123 = arith.constant 0 : i32
        %dma_start3A_124 = tpu.memref_slice %arg16[%dma_start3A_123] : memref<10240xf32, #tpu.memory_space<vmem_shared>> -> memref<10240xf32, #tpu.memory_space<vmem_shared>>
        tpu.enqueue_indirect_dma source(%arg13 : memref<128xf32, #tpu.memory_space<vmem>>) target(%dma_start3A_124 : memref<10240xf32, #tpu.memory_space<vmem_shared>>) offsets(%dma_start3A_122 : memref<128xi32, #tpu.memory_space<vmem>>) semaphore(%arg18 : memref<!tpu.dma_semaphore, #tpu.memory_space<semaphore_mem>>) {add = true}
        %mul3A_125 = arith.constant 8 : i32
        %mul3A_126 = arith.muli %mul3A_125, %scan3A_106 : i32
        %add3A_127 = arith.constant 2 : i32
        %add3A_128 = arith.addi %mul3A_126, %add3A_127 : i32
        %dma_start3A_129 = arith.constant 0 : i32
        %dma_start3A_130 = tpu.memref_slice %arg11[%add3A_128, %dma_start3A_129] : memref<40x128xi32, #tpu.memory_space<vmem>> -> memref<1x128xi32, #tpu.memory_space<vmem>>
        %dma_start3A_131 = tpu.memref_squeeze %dma_start3A_130 : memref<1x128xi32, #tpu.memory_space<vmem>> -> memref<128xi32, #tpu.memory_space<vmem>>
        %dma_start3A_132 = arith.constant 0 : i32
        %dma_start3A_133 = tpu.memref_slice %arg16[%dma_start3A_132] : memref<10240xf32, #tpu.memory_space<vmem_shared>> -> memref<10240xf32, #tpu.memory_space<vmem_shared>>
        tpu.enqueue_indirect_dma source(%arg13 : memref<128xf32, #tpu.memory_space<vmem>>) target(%dma_start3A_133 : memref<10240xf32, #tpu.memory_space<vmem_shared>>) offsets(%dma_start3A_131 : memref<128xi32, #tpu.memory_space<vmem>>) semaphore(%arg18 : memref<!tpu.dma_semaphore, #tpu.memory_space<semaphore_mem>>) {add = true}
        %mul3A_134 = arith.constant 8 : i32
        %mul3A_135 = arith.muli %mul3A_134, %scan3A_106 : i32
        %add3A_136 = arith.constant 3 : i32
        %add3A_137 = arith.addi %mul3A_135, %add3A_136 : i32
        %dma_start3A_138 = arith.constant 0 : i32
        %dma_start3A_139 = tpu.memref_slice %arg11[%add3A_137, %dma_start3A_138] : memref<40x128xi32, #tpu.memory_space<vmem>> -> memref<1x128xi32, #tpu.memory_space<vmem>>
        %dma_start3A_140 = tpu.memref_squeeze %dma_start3A_139 : memref<1x128xi32, #tpu.memory_space<vmem>> -> memref<128xi32, #tpu.memory_space<vmem>>
        %dma_start3A_141 = arith.constant 0 : i32
        %dma_start3A_142 = tpu.memref_slice %arg16[%dma_start3A_141] : memref<10240xf32, #tpu.memory_space<vmem_shared>> -> memref<10240xf32, #tpu.memory_space<vmem_shared>>
        tpu.enqueue_indirect_dma source(%arg13 : memref<128xf32, #tpu.memory_space<vmem>>) target(%dma_start3A_142 : memref<10240xf32, #tpu.memory_space<vmem_shared>>) offsets(%dma_start3A_140 : memref<128xi32, #tpu.memory_space<vmem>>) semaphore(%arg18 : memref<!tpu.dma_semaphore, #tpu.memory_space<semaphore_mem>>) {add = true}
        %mul3A_143 = arith.constant 8 : i32
        %mul3A_144 = arith.muli %mul3A_143, %scan3A_106 : i32
        %add3A_145 = arith.constant 4 : i32
        %add3A_146 = arith.addi %mul3A_144, %add3A_145 : i32
        %dma_start3A_147 = arith.constant 0 : i32
        %dma_start3A_148 = tpu.memref_slice %arg11[%add3A_146, %dma_start3A_147] : memref<40x128xi32, #tpu.memory_space<vmem>> -> memref<1x128xi32, #tpu.memory_space<vmem>>
        %dma_start3A_149 = tpu.memref_squeeze %dma_start3A_148 : memref<1x128xi32, #tpu.memory_space<vmem>> -> memref<128xi32, #tpu.memory_space<vmem>>
        %dma_start3A_150 = arith.constant 0 : i32
        %dma_start3A_151 = tpu.memref_slice %arg16[%dma_start3A_150] : memref<10240xf32, #tpu.memory_space<vmem_shared>> -> memref<10240xf32, #tpu.memory_space<vmem_shared>>
        tpu.enqueue_indirect_dma source(%arg13 : memref<128xf32, #tpu.memory_space<vmem>>) target(%dma_start3A_151 : memref<10240xf32, #tpu.memory_space<vmem_shared>>) offsets(%dma_start3A_149 : memref<128xi32, #tpu.memory_space<vmem>>) semaphore(%arg18 : memref<!tpu.dma_semaphore, #tpu.memory_space<semaphore_mem>>) {add = true}
        %mul3A_152 = arith.constant 8 : i32
        %mul3A_153 = arith.muli %mul3A_152, %scan3A_106 : i32
        %add3A_154 = arith.constant 5 : i32
        %add3A_155 = arith.addi %mul3A_153, %add3A_154 : i32
        %dma_start3A_156 = arith.constant 0 : i32
        %dma_start3A_157 = tpu.memref_slice %arg11[%add3A_155, %dma_start3A_156] : memref<40x128xi32, #tpu.memory_space<vmem>> -> memref<1x128xi32, #tpu.memory_space<vmem>>
        %dma_start3A_158 = tpu.memref_squeeze %dma_start3A_157 : memref<1x128xi32, #tpu.memory_space<vmem>> -> memref<128xi32, #tpu.memory_space<vmem>>
        %dma_start3A_159 = arith.constant 0 : i32
        %dma_start3A_160 = tpu.memref_slice %arg16[%dma_start3A_159] : memref<10240xf32, #tpu.memory_space<vmem_shared>> -> memref<10240xf32, #tpu.memory_space<vmem_shared>>
        tpu.enqueue_indirect_dma source(%arg13 : memref<128xf32, #tpu.memory_space<vmem>>) target(%dma_start3A_160 : memref<10240xf32, #tpu.memory_space<vmem_shared>>) offsets(%dma_start3A_158 : memref<128xi32, #tpu.memory_space<vmem>>) semaphore(%arg18 : memref<!tpu.dma_semaphore, #tpu.memory_space<semaphore_mem>>) {add = true}
        %mul3A_161 = arith.constant 8 : i32
        %mul3A_162 = arith.muli %mul3A_161, %scan3A_106 : i32
        %add3A_163 = arith.constant 6 : i32
        %add3A_164 = arith.addi %mul3A_162, %add3A_163 : i32
        %dma_start3A_165 = arith.constant 0 : i32
        %dma_start3A_166 = tpu.memref_slice %arg11[%add3A_164, %dma_start3A_165] : memref<40x128xi32, #tpu.memory_space<vmem>> -> memref<1x128xi32, #tpu.memory_space<vmem>>
        %dma_start3A_167 = tpu.memref_squeeze %dma_start3A_166 : memref<1x128xi32, #tpu.memory_space<vmem>> -> memref<128xi32, #tpu.memory_space<vmem>>
        %dma_start3A_168 = arith.constant 0 : i32
        %dma_start3A_169 = tpu.memref_slice %arg16[%dma_start3A_168] : memref<10240xf32, #tpu.memory_space<vmem_shared>> -> memref<10240xf32, #tpu.memory_space<vmem_shared>>
        tpu.enqueue_indirect_dma source(%arg13 : memref<128xf32, #tpu.memory_space<vmem>>) target(%dma_start3A_169 : memref<10240xf32, #tpu.memory_space<vmem_shared>>) offsets(%dma_start3A_167 : memref<128xi32, #tpu.memory_space<vmem>>) semaphore(%arg18 : memref<!tpu.dma_semaphore, #tpu.memory_space<semaphore_mem>>) {add = true}
        %mul3A_170 = arith.constant 8 : i32
        %mul3A_171 = arith.muli %mul3A_170, %scan3A_106 : i32
        %add3A_172 = arith.constant 7 : i32
        %add3A_173 = arith.addi %mul3A_171, %add3A_172 : i32
        %dma_start3A_174 = arith.constant 0 : i32
        %dma_start3A_175 = tpu.memref_slice %arg11[%add3A_173, %dma_start3A_174] : memref<40x128xi32, #tpu.memory_space<vmem>> -> memref<1x128xi32, #tpu.memory_space<vmem>>
        %dma_start3A_176 = tpu.memref_squeeze %dma_start3A_175 : memref<1x128xi32, #tpu.memory_space<vmem>> -> memref<128xi32, #tpu.memory_space<vmem>>
        %dma_start3A_177 = arith.constant 0 : i32
        %dma_start3A_178 = tpu.memref_slice %arg16[%dma_start3A_177] : memref<10240xf32, #tpu.memory_space<vmem_shared>> -> memref<10240xf32, #tpu.memory_space<vmem_shared>>
        tpu.enqueue_indirect_dma source(%arg13 : memref<128xf32, #tpu.memory_space<vmem>>) target(%dma_start3A_178 : memref<10240xf32, #tpu.memory_space<vmem_shared>>) offsets(%dma_start3A_176 : memref<128xi32, #tpu.memory_space<vmem>>) semaphore(%arg18 : memref<!tpu.dma_semaphore, #tpu.memory_space<semaphore_mem>>) {add = true}
        %mul3A_179 = arith.constant 8 : i32
        %mul3A_180 = arith.muli %mul3A_179, %scan3A_106 : i32
        %add3A_181 = arith.constant 0 : i32
        %add3A_182 = arith.addi %mul3A_180, %add3A_181 : i32
        %dma_wait3A_183 = arith.constant 0 : i32
        %dma_wait3A_184 = tpu.memref_slice %arg11[%add3A_182, %dma_wait3A_183] : memref<40x128xi32, #tpu.memory_space<vmem>> -> memref<1x128xi32, #tpu.memory_space<vmem>>
        %dma_wait3A_185 = tpu.memref_squeeze %dma_wait3A_184 : memref<1x128xi32, #tpu.memory_space<vmem>> -> memref<128xi32, #tpu.memory_space<vmem>>
        %dma_wait3A_186 = arith.constant 0 : i32
        %dma_wait3A_187 = tpu.memref_slice %arg16[%dma_wait3A_186] : memref<10240xf32, #tpu.memory_space<vmem_shared>> -> memref<10240xf32, #tpu.memory_space<vmem_shared>>
        tpu.wait_indirect_dma semaphore(%arg18 : memref<!tpu.dma_semaphore, #tpu.memory_space<semaphore_mem>>) src(%arg13 : memref<128xf32, #tpu.memory_space<vmem>>) dst(%dma_wait3A_187 : memref<10240xf32, #tpu.memory_space<vmem_shared>>)
        %mul3A_188 = arith.constant 8 : i32
        %mul3A_189 = arith.muli %mul3A_188, %scan3A_106 : i32
        %add3A_190 = arith.constant 1 : i32
        %add3A_191 = arith.addi %mul3A_189, %add3A_190 : i32
        %dma_wait3A_192 = arith.constant 0 : i32
        %dma_wait3A_193 = tpu.memref_slice %arg11[%add3A_191, %dma_wait3A_192] : memref<40x128xi32, #tpu.memory_space<vmem>> -> memref<1x128xi32, #tpu.memory_space<vmem>>
        %dma_wait3A_194 = tpu.memref_squeeze %dma_wait3A_193 : memref<1x128xi32, #tpu.memory_space<vmem>> -> memref<128xi32, #tpu.memory_space<vmem>>
        %dma_wait3A_195 = arith.constant 0 : i32
        %dma_wait3A_196 = tpu.memref_slice %arg16[%dma_wait3A_195] : memref<10240xf32, #tpu.memory_space<vmem_shared>> -> memref<10240xf32, #tpu.memory_space<vmem_shared>>
        tpu.wait_indirect_dma semaphore(%arg18 : memref<!tpu.dma_semaphore, #tpu.memory_space<semaphore_mem>>) src(%arg13 : memref<128xf32, #tpu.memory_space<vmem>>) dst(%dma_wait3A_196 : memref<10240xf32, #tpu.memory_space<vmem_shared>>)
        %mul3A_197 = arith.constant 8 : i32
        %mul3A_198 = arith.muli %mul3A_197, %scan3A_106 : i32
        %add3A_199 = arith.constant 2 : i32
        %add3A_200 = arith.addi %mul3A_198, %add3A_199 : i32
        %dma_wait3A_201 = arith.constant 0 : i32
        %dma_wait3A_202 = tpu.memref_slice %arg11[%add3A_200, %dma_wait3A_201] : memref<40x128xi32, #tpu.memory_space<vmem>> -> memref<1x128xi32, #tpu.memory_space<vmem>>
        %dma_wait3A_203 = tpu.memref_squeeze %dma_wait3A_202 : memref<1x128xi32, #tpu.memory_space<vmem>> -> memref<128xi32, #tpu.memory_space<vmem>>
        %dma_wait3A_204 = arith.constant 0 : i32
        %dma_wait3A_205 = tpu.memref_slice %arg16[%dma_wait3A_204] : memref<10240xf32, #tpu.memory_space<vmem_shared>> -> memref<10240xf32, #tpu.memory_space<vmem_shared>>
        tpu.wait_indirect_dma semaphore(%arg18 : memref<!tpu.dma_semaphore, #tpu.memory_space<semaphore_mem>>) src(%arg13 : memref<128xf32, #tpu.memory_space<vmem>>) dst(%dma_wait3A_205 : memref<10240xf32, #tpu.memory_space<vmem_shared>>)
        %mul3A_206 = arith.constant 8 : i32
        %mul3A_207 = arith.muli %mul3A_206, %scan3A_106 : i32
        %add3A_208 = arith.constant 3 : i32
        %add3A_209 = arith.addi %mul3A_207, %add3A_208 : i32
        %dma_wait3A_210 = arith.constant 0 : i32
        %dma_wait3A_211 = tpu.memref_slice %arg11[%add3A_209, %dma_wait3A_210] : memref<40x128xi32, #tpu.memory_space<vmem>> -> memref<1x128xi32, #tpu.memory_space<vmem>>
        %dma_wait3A_212 = tpu.memref_squeeze %dma_wait3A_211 : memref<1x128xi32, #tpu.memory_space<vmem>> -> memref<128xi32, #tpu.memory_space<vmem>>
        %dma_wait3A_213 = arith.constant 0 : i32
        %dma_wait3A_214 = tpu.memref_slice %arg16[%dma_wait3A_213] : memref<10240xf32, #tpu.memory_space<vmem_shared>> -> memref<10240xf32, #tpu.memory_space<vmem_shared>>
        tpu.wait_indirect_dma semaphore(%arg18 : memref<!tpu.dma_semaphore, #tpu.memory_space<semaphore_mem>>) src(%arg13 : memref<128xf32, #tpu.memory_space<vmem>>) dst(%dma_wait3A_214 : memref<10240xf32, #tpu.memory_space<vmem_shared>>)
        %mul3A_215 = arith.constant 8 : i32
        %mul3A_216 = arith.muli %mul3A_215, %scan3A_106 : i32
        %add3A_217 = arith.constant 4 : i32
        %add3A_218 = arith.addi %mul3A_216, %add3A_217 : i32
        %dma_wait3A_219 = arith.constant 0 : i32
        %dma_wait3A_220 = tpu.memref_slice %arg11[%add3A_218, %dma_wait3A_219] : memref<40x128xi32, #tpu.memory_space<vmem>> -> memref<1x128xi32, #tpu.memory_space<vmem>>
        %dma_wait3A_221 = tpu.memref_squeeze %dma_wait3A_220 : memref<1x128xi32, #tpu.memory_space<vmem>> -> memref<128xi32, #tpu.memory_space<vmem>>
        %dma_wait3A_222 = arith.constant 0 : i32
        %dma_wait3A_223 = tpu.memref_slice %arg16[%dma_wait3A_222] : memref<10240xf32, #tpu.memory_space<vmem_shared>> -> memref<10240xf32, #tpu.memory_space<vmem_shared>>
        tpu.wait_indirect_dma semaphore(%arg18 : memref<!tpu.dma_semaphore, #tpu.memory_space<semaphore_mem>>) src(%arg13 : memref<128xf32, #tpu.memory_space<vmem>>) dst(%dma_wait3A_223 : memref<10240xf32, #tpu.memory_space<vmem_shared>>)
        %mul3A_224 = arith.constant 8 : i32
        %mul3A_225 = arith.muli %mul3A_224, %scan3A_106 : i32
        %add3A_226 = arith.constant 5 : i32
        %add3A_227 = arith.addi %mul3A_225, %add3A_226 : i32
        %dma_wait3A_228 = arith.constant 0 : i32
        %dma_wait3A_229 = tpu.memref_slice %arg11[%add3A_227, %dma_wait3A_228] : memref<40x128xi32, #tpu.memory_space<vmem>> -> memref<1x128xi32, #tpu.memory_space<vmem>>
        %dma_wait3A_230 = tpu.memref_squeeze %dma_wait3A_229 : memref<1x128xi32, #tpu.memory_space<vmem>> -> memref<128xi32, #tpu.memory_space<vmem>>
        %dma_wait3A_231 = arith.constant 0 : i32
        %dma_wait3A_232 = tpu.memref_slice %arg16[%dma_wait3A_231] : memref<10240xf32, #tpu.memory_space<vmem_shared>> -> memref<10240xf32, #tpu.memory_space<vmem_shared>>
        tpu.wait_indirect_dma semaphore(%arg18 : memref<!tpu.dma_semaphore, #tpu.memory_space<semaphore_mem>>) src(%arg13 : memref<128xf32, #tpu.memory_space<vmem>>) dst(%dma_wait3A_232 : memref<10240xf32, #tpu.memory_space<vmem_shared>>)
        %mul3A_233 = arith.constant 8 : i32
        %mul3A_234 = arith.muli %mul3A_233, %scan3A_106 : i32
        %add3A_235 = arith.constant 6 : i32
        %add3A_236 = arith.addi %mul3A_234, %add3A_235 : i32
        %dma_wait3A_237 = arith.constant 0 : i32
        %dma_wait3A_238 = tpu.memref_slice %arg11[%add3A_236, %dma_wait3A_237] : memref<40x128xi32, #tpu.memory_space<vmem>> -> memref<1x128xi32, #tpu.memory_space<vmem>>
        %dma_wait3A_239 = tpu.memref_squeeze %dma_wait3A_238 : memref<1x128xi32, #tpu.memory_space<vmem>> -> memref<128xi32, #tpu.memory_space<vmem>>
        %dma_wait3A_240 = arith.constant 0 : i32
        %dma_wait3A_241 = tpu.memref_slice %arg16[%dma_wait3A_240] : memref<10240xf32, #tpu.memory_space<vmem_shared>> -> memref<10240xf32, #tpu.memory_space<vmem_shared>>
        tpu.wait_indirect_dma semaphore(%arg18 : memref<!tpu.dma_semaphore, #tpu.memory_space<semaphore_mem>>) src(%arg13 : memref<128xf32, #tpu.memory_space<vmem>>) dst(%dma_wait3A_241 : memref<10240xf32, #tpu.memory_space<vmem_shared>>)
        %mul3A_242 = arith.constant 8 : i32
        %mul3A_243 = arith.muli %mul3A_242, %scan3A_106 : i32
        %add3A_244 = arith.constant 7 : i32
        %add3A_245 = arith.addi %mul3A_243, %add3A_244 : i32
        %dma_wait3A_246 = arith.constant 0 : i32
        %dma_wait3A_247 = tpu.memref_slice %arg11[%add3A_245, %dma_wait3A_246] : memref<40x128xi32, #tpu.memory_space<vmem>> -> memref<1x128xi32, #tpu.memory_space<vmem>>
        %dma_wait3A_248 = tpu.memref_squeeze %dma_wait3A_247 : memref<1x128xi32, #tpu.memory_space<vmem>> -> memref<128xi32, #tpu.memory_space<vmem>>
        %dma_wait3A_249 = arith.constant 0 : i32
        %dma_wait3A_250 = tpu.memref_slice %arg16[%dma_wait3A_249] : memref<10240xf32, #tpu.memory_space<vmem_shared>> -> memref<10240xf32, #tpu.memory_space<vmem_shared>>
        tpu.wait_indirect_dma semaphore(%arg18 : memref<!tpu.dma_semaphore, #tpu.memory_space<semaphore_mem>>) src(%arg13 : memref<128xf32, #tpu.memory_space<vmem>>) dst(%dma_wait3A_250 : memref<10240xf32, #tpu.memory_space<vmem_shared>>)
      }
      %scan3A_75 = arith.constant 5 : i32
      %mul3A_76 = arith.constant 160 : i32
      %mul3A_77 = arith.muli %arg1, %mul3A_76 : i32
      %add3A_78 = arith.constant 40 : i32
      %add3A_79 = arith.addi %mul3A_77, %add3A_78 : i32
      "tpu.region"() ({
        %run_scoped3A = tpu.sem_alloc : memref<!tpu.dma_semaphore, #tpu.memory_space<semaphore_mem>>
        %dma_start3A_106 = arith.constant 0 : i32
        %dma_start3A_107 = tpu.memref_slice %arg3[%add3A_79, %dma_start3A_106] : memref<2560x128xi32, #tpu.memory_space<hbm>> -> memref<40x128xi32, #tpu.memory_space<hbm>>
        %dma_start3A_108 = arith.constant 0 : i32
        %dma_start3A_109 = tpu.memref_slice %arg3[%add3A_79, %dma_start3A_108] : memref<2560x128xi32, #tpu.memory_space<hbm>> -> memref<40x128xi32, #tpu.memory_space<hbm>>
        tpu.enqueue_dma source(%dma_start3A_109 : memref<40x128xi32, #tpu.memory_space<hbm>>) target(%arg11 : memref<40x128xi32, #tpu.memory_space<vmem>>) target_semaphore(%run_scoped3A : memref<!tpu.dma_semaphore, #tpu.memory_space<semaphore_mem>>)
        %dma_wait3A_110 = arith.constant 0 : i32
        %dma_wait3A_111 = tpu.memref_slice %arg3[%add3A_79, %dma_wait3A_110] : memref<2560x128xi32, #tpu.memory_space<hbm>> -> memref<40x128xi32, #tpu.memory_space<hbm>>
        %dma_wait3A_112 = arith.constant 0 : i32
        %dma_wait3A_113 = tpu.memref_slice %arg3[%add3A_79, %dma_wait3A_112] : memref<2560x128xi32, #tpu.memory_space<hbm>> -> memref<40x128xi32, #tpu.memory_space<hbm>>
        tpu.wait_dma2 semaphore(%run_scoped3A : memref<!tpu.dma_semaphore, #tpu.memory_space<semaphore_mem>>) src(%dma_wait3A_113 : memref<40x128xi32, #tpu.memory_space<hbm>>) dst(%arg11 : memref<40x128xi32, #tpu.memory_space<vmem>>)
        tpu.yield
      }) : () -> ()
      %scan3A_80 = arith.constant 0 : i32
      %scan3A_81 = arith.constant 0 : i32
      %scan3A_82 = arith.constant 5 : i32
      %scan3A_83 = arith.addi %scan3A_81, %scan3A_82 : i32
      %scan3A_84 = arith.constant 1 : i32
      scf.for %scan3A_106 = %scan3A_81 to %scan3A_83 step %scan3A_84  : i32 {
        %mul3A_107 = arith.constant 8 : i32
        %mul3A_108 = arith.muli %mul3A_107, %scan3A_106 : i32
        %add3A_109 = arith.constant 0 : i32
        %add3A_110 = arith.addi %mul3A_108, %add3A_109 : i32
        %dma_start3A_111 = arith.constant 0 : i32
        %dma_start3A_112 = tpu.memref_slice %arg11[%add3A_110, %dma_start3A_111] : memref<40x128xi32, #tpu.memory_space<vmem>> -> memref<1x128xi32, #tpu.memory_space<vmem>>
        %dma_start3A_113 = tpu.memref_squeeze %dma_start3A_112 : memref<1x128xi32, #tpu.memory_space<vmem>> -> memref<128xi32, #tpu.memory_space<vmem>>
        %dma_start3A_114 = arith.constant 0 : i32
        %dma_start3A_115 = tpu.memref_slice %arg16[%dma_start3A_114] : memref<10240xf32, #tpu.memory_space<vmem_shared>> -> memref<10240xf32, #tpu.memory_space<vmem_shared>>
        tpu.enqueue_indirect_dma source(%arg13 : memref<128xf32, #tpu.memory_space<vmem>>) target(%dma_start3A_115 : memref<10240xf32, #tpu.memory_space<vmem_shared>>) offsets(%dma_start3A_113 : memref<128xi32, #tpu.memory_space<vmem>>) semaphore(%arg18 : memref<!tpu.dma_semaphore, #tpu.memory_space<semaphore_mem>>) {add = true}
        %mul3A_116 = arith.constant 8 : i32
        %mul3A_117 = arith.muli %mul3A_116, %scan3A_106 : i32
        %add3A_118 = arith.constant 1 : i32
        %add3A_119 = arith.addi %mul3A_117, %add3A_118 : i32
        %dma_start3A_120 = arith.constant 0 : i32
        %dma_start3A_121 = tpu.memref_slice %arg11[%add3A_119, %dma_start3A_120] : memref<40x128xi32, #tpu.memory_space<vmem>> -> memref<1x128xi32, #tpu.memory_space<vmem>>
        %dma_start3A_122 = tpu.memref_squeeze %dma_start3A_121 : memref<1x128xi32, #tpu.memory_space<vmem>> -> memref<128xi32, #tpu.memory_space<vmem>>
        %dma_start3A_123 = arith.constant 0 : i32
        %dma_start3A_124 = tpu.memref_slice %arg16[%dma_start3A_123] : memref<10240xf32, #tpu.memory_space<vmem_shared>> -> memref<10240xf32, #tpu.memory_space<vmem_shared>>
        tpu.enqueue_indirect_dma source(%arg13 : memref<128xf32, #tpu.memory_space<vmem>>) target(%dma_start3A_124 : memref<10240xf32, #tpu.memory_space<vmem_shared>>) offsets(%dma_start3A_122 : memref<128xi32, #tpu.memory_space<vmem>>) semaphore(%arg18 : memref<!tpu.dma_semaphore, #tpu.memory_space<semaphore_mem>>) {add = true}
        %mul3A_125 = arith.constant 8 : i32
        %mul3A_126 = arith.muli %mul3A_125, %scan3A_106 : i32
        %add3A_127 = arith.constant 2 : i32
        %add3A_128 = arith.addi %mul3A_126, %add3A_127 : i32
        %dma_start3A_129 = arith.constant 0 : i32
        %dma_start3A_130 = tpu.memref_slice %arg11[%add3A_128, %dma_start3A_129] : memref<40x128xi32, #tpu.memory_space<vmem>> -> memref<1x128xi32, #tpu.memory_space<vmem>>
        %dma_start3A_131 = tpu.memref_squeeze %dma_start3A_130 : memref<1x128xi32, #tpu.memory_space<vmem>> -> memref<128xi32, #tpu.memory_space<vmem>>
        %dma_start3A_132 = arith.constant 0 : i32
        %dma_start3A_133 = tpu.memref_slice %arg16[%dma_start3A_132] : memref<10240xf32, #tpu.memory_space<vmem_shared>> -> memref<10240xf32, #tpu.memory_space<vmem_shared>>
        tpu.enqueue_indirect_dma source(%arg13 : memref<128xf32, #tpu.memory_space<vmem>>) target(%dma_start3A_133 : memref<10240xf32, #tpu.memory_space<vmem_shared>>) offsets(%dma_start3A_131 : memref<128xi32, #tpu.memory_space<vmem>>) semaphore(%arg18 : memref<!tpu.dma_semaphore, #tpu.memory_space<semaphore_mem>>) {add = true}
        %mul3A_134 = arith.constant 8 : i32
        %mul3A_135 = arith.muli %mul3A_134, %scan3A_106 : i32
        %add3A_136 = arith.constant 3 : i32
        %add3A_137 = arith.addi %mul3A_135, %add3A_136 : i32
        %dma_start3A_138 = arith.constant 0 : i32
        %dma_start3A_139 = tpu.memref_slice %arg11[%add3A_137, %dma_start3A_138] : memref<40x128xi32, #tpu.memory_space<vmem>> -> memref<1x128xi32, #tpu.memory_space<vmem>>
        %dma_start3A_140 = tpu.memref_squeeze %dma_start3A_139 : memref<1x128xi32, #tpu.memory_space<vmem>> -> memref<128xi32, #tpu.memory_space<vmem>>
        %dma_start3A_141 = arith.constant 0 : i32
        %dma_start3A_142 = tpu.memref_slice %arg16[%dma_start3A_141] : memref<10240xf32, #tpu.memory_space<vmem_shared>> -> memref<10240xf32, #tpu.memory_space<vmem_shared>>
        tpu.enqueue_indirect_dma source(%arg13 : memref<128xf32, #tpu.memory_space<vmem>>) target(%dma_start3A_142 : memref<10240xf32, #tpu.memory_space<vmem_shared>>) offsets(%dma_start3A_140 : memref<128xi32, #tpu.memory_space<vmem>>) semaphore(%arg18 : memref<!tpu.dma_semaphore, #tpu.memory_space<semaphore_mem>>) {add = true}
        %mul3A_143 = arith.constant 8 : i32
        %mul3A_144 = arith.muli %mul3A_143, %scan3A_106 : i32
        %add3A_145 = arith.constant 4 : i32
        %add3A_146 = arith.addi %mul3A_144, %add3A_145 : i32
        %dma_start3A_147 = arith.constant 0 : i32
        %dma_start3A_148 = tpu.memref_slice %arg11[%add3A_146, %dma_start3A_147] : memref<40x128xi32, #tpu.memory_space<vmem>> -> memref<1x128xi32, #tpu.memory_space<vmem>>
        %dma_start3A_149 = tpu.memref_squeeze %dma_start3A_148 : memref<1x128xi32, #tpu.memory_space<vmem>> -> memref<128xi32, #tpu.memory_space<vmem>>
        %dma_start3A_150 = arith.constant 0 : i32
        %dma_start3A_151 = tpu.memref_slice %arg16[%dma_start3A_150] : memref<10240xf32, #tpu.memory_space<vmem_shared>> -> memref<10240xf32, #tpu.memory_space<vmem_shared>>
        tpu.enqueue_indirect_dma source(%arg13 : memref<128xf32, #tpu.memory_space<vmem>>) target(%dma_start3A_151 : memref<10240xf32, #tpu.memory_space<vmem_shared>>) offsets(%dma_start3A_149 : memref<128xi32, #tpu.memory_space<vmem>>) semaphore(%arg18 : memref<!tpu.dma_semaphore, #tpu.memory_space<semaphore_mem>>) {add = true}
        %mul3A_152 = arith.constant 8 : i32
        %mul3A_153 = arith.muli %mul3A_152, %scan3A_106 : i32
        %add3A_154 = arith.constant 5 : i32
        %add3A_155 = arith.addi %mul3A_153, %add3A_154 : i32
        %dma_start3A_156 = arith.constant 0 : i32
        %dma_start3A_157 = tpu.memref_slice %arg11[%add3A_155, %dma_start3A_156] : memref<40x128xi32, #tpu.memory_space<vmem>> -> memref<1x128xi32, #tpu.memory_space<vmem>>
        %dma_start3A_158 = tpu.memref_squeeze %dma_start3A_157 : memref<1x128xi32, #tpu.memory_space<vmem>> -> memref<128xi32, #tpu.memory_space<vmem>>
        %dma_start3A_159 = arith.constant 0 : i32
        %dma_start3A_160 = tpu.memref_slice %arg16[%dma_start3A_159] : memref<10240xf32, #tpu.memory_space<vmem_shared>> -> memref<10240xf32, #tpu.memory_space<vmem_shared>>
        tpu.enqueue_indirect_dma source(%arg13 : memref<128xf32, #tpu.memory_space<vmem>>) target(%dma_start3A_160 : memref<10240xf32, #tpu.memory_space<vmem_shared>>) offsets(%dma_start3A_158 : memref<128xi32, #tpu.memory_space<vmem>>) semaphore(%arg18 : memref<!tpu.dma_semaphore, #tpu.memory_space<semaphore_mem>>) {add = true}
        %mul3A_161 = arith.constant 8 : i32
        %mul3A_162 = arith.muli %mul3A_161, %scan3A_106 : i32
        %add3A_163 = arith.constant 6 : i32
        %add3A_164 = arith.addi %mul3A_162, %add3A_163 : i32
        %dma_start3A_165 = arith.constant 0 : i32
        %dma_start3A_166 = tpu.memref_slice %arg11[%add3A_164, %dma_start3A_165] : memref<40x128xi32, #tpu.memory_space<vmem>> -> memref<1x128xi32, #tpu.memory_space<vmem>>
        %dma_start3A_167 = tpu.memref_squeeze %dma_start3A_166 : memref<1x128xi32, #tpu.memory_space<vmem>> -> memref<128xi32, #tpu.memory_space<vmem>>
        %dma_start3A_168 = arith.constant 0 : i32
        %dma_start3A_169 = tpu.memref_slice %arg16[%dma_start3A_168] : memref<10240xf32, #tpu.memory_space<vmem_shared>> -> memref<10240xf32, #tpu.memory_space<vmem_shared>>
        tpu.enqueue_indirect_dma source(%arg13 : memref<128xf32, #tpu.memory_space<vmem>>) target(%dma_start3A_169 : memref<10240xf32, #tpu.memory_space<vmem_shared>>) offsets(%dma_start3A_167 : memref<128xi32, #tpu.memory_space<vmem>>) semaphore(%arg18 : memref<!tpu.dma_semaphore, #tpu.memory_space<semaphore_mem>>) {add = true}
        %mul3A_170 = arith.constant 8 : i32
        %mul3A_171 = arith.muli %mul3A_170, %scan3A_106 : i32
        %add3A_172 = arith.constant 7 : i32
        %add3A_173 = arith.addi %mul3A_171, %add3A_172 : i32
        %dma_start3A_174 = arith.constant 0 : i32
        %dma_start3A_175 = tpu.memref_slice %arg11[%add3A_173, %dma_start3A_174] : memref<40x128xi32, #tpu.memory_space<vmem>> -> memref<1x128xi32, #tpu.memory_space<vmem>>
        %dma_start3A_176 = tpu.memref_squeeze %dma_start3A_175 : memref<1x128xi32, #tpu.memory_space<vmem>> -> memref<128xi32, #tpu.memory_space<vmem>>
        %dma_start3A_177 = arith.constant 0 : i32
        %dma_start3A_178 = tpu.memref_slice %arg16[%dma_start3A_177] : memref<10240xf32, #tpu.memory_space<vmem_shared>> -> memref<10240xf32, #tpu.memory_space<vmem_shared>>
        tpu.enqueue_indirect_dma source(%arg13 : memref<128xf32, #tpu.memory_space<vmem>>) target(%dma_start3A_178 : memref<10240xf32, #tpu.memory_space<vmem_shared>>) offsets(%dma_start3A_176 : memref<128xi32, #tpu.memory_space<vmem>>) semaphore(%arg18 : memref<!tpu.dma_semaphore, #tpu.memory_space<semaphore_mem>>) {add = true}
        %mul3A_179 = arith.constant 8 : i32
        %mul3A_180 = arith.muli %mul3A_179, %scan3A_106 : i32
        %add3A_181 = arith.constant 0 : i32
        %add3A_182 = arith.addi %mul3A_180, %add3A_181 : i32
        %dma_wait3A_183 = arith.constant 0 : i32
        %dma_wait3A_184 = tpu.memref_slice %arg11[%add3A_182, %dma_wait3A_183] : memref<40x128xi32, #tpu.memory_space<vmem>> -> memref<1x128xi32, #tpu.memory_space<vmem>>
        %dma_wait3A_185 = tpu.memref_squeeze %dma_wait3A_184 : memref<1x128xi32, #tpu.memory_space<vmem>> -> memref<128xi32, #tpu.memory_space<vmem>>
        %dma_wait3A_186 = arith.constant 0 : i32
        %dma_wait3A_187 = tpu.memref_slice %arg16[%dma_wait3A_186] : memref<10240xf32, #tpu.memory_space<vmem_shared>> -> memref<10240xf32, #tpu.memory_space<vmem_shared>>
        tpu.wait_indirect_dma semaphore(%arg18 : memref<!tpu.dma_semaphore, #tpu.memory_space<semaphore_mem>>) src(%arg13 : memref<128xf32, #tpu.memory_space<vmem>>) dst(%dma_wait3A_187 : memref<10240xf32, #tpu.memory_space<vmem_shared>>)
        %mul3A_188 = arith.constant 8 : i32
        %mul3A_189 = arith.muli %mul3A_188, %scan3A_106 : i32
        %add3A_190 = arith.constant 1 : i32
        %add3A_191 = arith.addi %mul3A_189, %add3A_190 : i32
        %dma_wait3A_192 = arith.constant 0 : i32
        %dma_wait3A_193 = tpu.memref_slice %arg11[%add3A_191, %dma_wait3A_192] : memref<40x128xi32, #tpu.memory_space<vmem>> -> memref<1x128xi32, #tpu.memory_space<vmem>>
        %dma_wait3A_194 = tpu.memref_squeeze %dma_wait3A_193 : memref<1x128xi32, #tpu.memory_space<vmem>> -> memref<128xi32, #tpu.memory_space<vmem>>
        %dma_wait3A_195 = arith.constant 0 : i32
        %dma_wait3A_196 = tpu.memref_slice %arg16[%dma_wait3A_195] : memref<10240xf32, #tpu.memory_space<vmem_shared>> -> memref<10240xf32, #tpu.memory_space<vmem_shared>>
        tpu.wait_indirect_dma semaphore(%arg18 : memref<!tpu.dma_semaphore, #tpu.memory_space<semaphore_mem>>) src(%arg13 : memref<128xf32, #tpu.memory_space<vmem>>) dst(%dma_wait3A_196 : memref<10240xf32, #tpu.memory_space<vmem_shared>>)
        %mul3A_197 = arith.constant 8 : i32
        %mul3A_198 = arith.muli %mul3A_197, %scan3A_106 : i32
        %add3A_199 = arith.constant 2 : i32
        %add3A_200 = arith.addi %mul3A_198, %add3A_199 : i32
        %dma_wait3A_201 = arith.constant 0 : i32
        %dma_wait3A_202 = tpu.memref_slice %arg11[%add3A_200, %dma_wait3A_201] : memref<40x128xi32, #tpu.memory_space<vmem>> -> memref<1x128xi32, #tpu.memory_space<vmem>>
        %dma_wait3A_203 = tpu.memref_squeeze %dma_wait3A_202 : memref<1x128xi32, #tpu.memory_space<vmem>> -> memref<128xi32, #tpu.memory_space<vmem>>
        %dma_wait3A_204 = arith.constant 0 : i32
        %dma_wait3A_205 = tpu.memref_slice %arg16[%dma_wait3A_204] : memref<10240xf32, #tpu.memory_space<vmem_shared>> -> memref<10240xf32, #tpu.memory_space<vmem_shared>>
        tpu.wait_indirect_dma semaphore(%arg18 : memref<!tpu.dma_semaphore, #tpu.memory_space<semaphore_mem>>) src(%arg13 : memref<128xf32, #tpu.memory_space<vmem>>) dst(%dma_wait3A_205 : memref<10240xf32, #tpu.memory_space<vmem_shared>>)
        %mul3A_206 = arith.constant 8 : i32
        %mul3A_207 = arith.muli %mul3A_206, %scan3A_106 : i32
        %add3A_208 = arith.constant 3 : i32
        %add3A_209 = arith.addi %mul3A_207, %add3A_208 : i32
        %dma_wait3A_210 = arith.constant 0 : i32
        %dma_wait3A_211 = tpu.memref_slice %arg11[%add3A_209, %dma_wait3A_210] : memref<40x128xi32, #tpu.memory_space<vmem>> -> memref<1x128xi32, #tpu.memory_space<vmem>>
        %dma_wait3A_212 = tpu.memref_squeeze %dma_wait3A_211 : memref<1x128xi32, #tpu.memory_space<vmem>> -> memref<128xi32, #tpu.memory_space<vmem>>
        %dma_wait3A_213 = arith.constant 0 : i32
        %dma_wait3A_214 = tpu.memref_slice %arg16[%dma_wait3A_213] : memref<10240xf32, #tpu.memory_space<vmem_shared>> -> memref<10240xf32, #tpu.memory_space<vmem_shared>>
        tpu.wait_indirect_dma semaphore(%arg18 : memref<!tpu.dma_semaphore, #tpu.memory_space<semaphore_mem>>) src(%arg13 : memref<128xf32, #tpu.memory_space<vmem>>) dst(%dma_wait3A_214 : memref<10240xf32, #tpu.memory_space<vmem_shared>>)
        %mul3A_215 = arith.constant 8 : i32
        %mul3A_216 = arith.muli %mul3A_215, %scan3A_106 : i32
        %add3A_217 = arith.constant 4 : i32
        %add3A_218 = arith.addi %mul3A_216, %add3A_217 : i32
        %dma_wait3A_219 = arith.constant 0 : i32
        %dma_wait3A_220 = tpu.memref_slice %arg11[%add3A_218, %dma_wait3A_219] : memref<40x128xi32, #tpu.memory_space<vmem>> -> memref<1x128xi32, #tpu.memory_space<vmem>>
        %dma_wait3A_221 = tpu.memref_squeeze %dma_wait3A_220 : memref<1x128xi32, #tpu.memory_space<vmem>> -> memref<128xi32, #tpu.memory_space<vmem>>
        %dma_wait3A_222 = arith.constant 0 : i32
        %dma_wait3A_223 = tpu.memref_slice %arg16[%dma_wait3A_222] : memref<10240xf32, #tpu.memory_space<vmem_shared>> -> memref<10240xf32, #tpu.memory_space<vmem_shared>>
        tpu.wait_indirect_dma semaphore(%arg18 : memref<!tpu.dma_semaphore, #tpu.memory_space<semaphore_mem>>) src(%arg13 : memref<128xf32, #tpu.memory_space<vmem>>) dst(%dma_wait3A_223 : memref<10240xf32, #tpu.memory_space<vmem_shared>>)
        %mul3A_224 = arith.constant 8 : i32
        %mul3A_225 = arith.muli %mul3A_224, %scan3A_106 : i32
        %add3A_226 = arith.constant 5 : i32
        %add3A_227 = arith.addi %mul3A_225, %add3A_226 : i32
        %dma_wait3A_228 = arith.constant 0 : i32
        %dma_wait3A_229 = tpu.memref_slice %arg11[%add3A_227, %dma_wait3A_228] : memref<40x128xi32, #tpu.memory_space<vmem>> -> memref<1x128xi32, #tpu.memory_space<vmem>>
        %dma_wait3A_230 = tpu.memref_squeeze %dma_wait3A_229 : memref<1x128xi32, #tpu.memory_space<vmem>> -> memref<128xi32, #tpu.memory_space<vmem>>
        %dma_wait3A_231 = arith.constant 0 : i32
        %dma_wait3A_232 = tpu.memref_slice %arg16[%dma_wait3A_231] : memref<10240xf32, #tpu.memory_space<vmem_shared>> -> memref<10240xf32, #tpu.memory_space<vmem_shared>>
        tpu.wait_indirect_dma semaphore(%arg18 : memref<!tpu.dma_semaphore, #tpu.memory_space<semaphore_mem>>) src(%arg13 : memref<128xf32, #tpu.memory_space<vmem>>) dst(%dma_wait3A_232 : memref<10240xf32, #tpu.memory_space<vmem_shared>>)
        %mul3A_233 = arith.constant 8 : i32
        %mul3A_234 = arith.muli %mul3A_233, %scan3A_106 : i32
        %add3A_235 = arith.constant 6 : i32
        %add3A_236 = arith.addi %mul3A_234, %add3A_235 : i32
        %dma_wait3A_237 = arith.constant 0 : i32
        %dma_wait3A_238 = tpu.memref_slice %arg11[%add3A_236, %dma_wait3A_237] : memref<40x128xi32, #tpu.memory_space<vmem>> -> memref<1x128xi32, #tpu.memory_space<vmem>>
        %dma_wait3A_239 = tpu.memref_squeeze %dma_wait3A_238 : memref<1x128xi32, #tpu.memory_space<vmem>> -> memref<128xi32, #tpu.memory_space<vmem>>
        %dma_wait3A_240 = arith.constant 0 : i32
        %dma_wait3A_241 = tpu.memref_slice %arg16[%dma_wait3A_240] : memref<10240xf32, #tpu.memory_space<vmem_shared>> -> memref<10240xf32, #tpu.memory_space<vmem_shared>>
        tpu.wait_indirect_dma semaphore(%arg18 : memref<!tpu.dma_semaphore, #tpu.memory_space<semaphore_mem>>) src(%arg13 : memref<128xf32, #tpu.memory_space<vmem>>) dst(%dma_wait3A_241 : memref<10240xf32, #tpu.memory_space<vmem_shared>>)
        %mul3A_242 = arith.constant 8 : i32
        %mul3A_243 = arith.muli %mul3A_242, %scan3A_106 : i32
        %add3A_244 = arith.constant 7 : i32
        %add3A_245 = arith.addi %mul3A_243, %add3A_244 : i32
        %dma_wait3A_246 = arith.constant 0 : i32
        %dma_wait3A_247 = tpu.memref_slice %arg11[%add3A_245, %dma_wait3A_246] : memref<40x128xi32, #tpu.memory_space<vmem>> -> memref<1x128xi32, #tpu.memory_space<vmem>>
        %dma_wait3A_248 = tpu.memref_squeeze %dma_wait3A_247 : memref<1x128xi32, #tpu.memory_space<vmem>> -> memref<128xi32, #tpu.memory_space<vmem>>
        %dma_wait3A_249 = arith.constant 0 : i32
        %dma_wait3A_250 = tpu.memref_slice %arg16[%dma_wait3A_249] : memref<10240xf32, #tpu.memory_space<vmem_shared>> -> memref<10240xf32, #tpu.memory_space<vmem_shared>>
        tpu.wait_indirect_dma semaphore(%arg18 : memref<!tpu.dma_semaphore, #tpu.memory_space<semaphore_mem>>) src(%arg13 : memref<128xf32, #tpu.memory_space<vmem>>) dst(%dma_wait3A_250 : memref<10240xf32, #tpu.memory_space<vmem_shared>>)
      }
      %scan3A_85 = arith.constant 5 : i32
      %mul3A_86 = arith.constant 160 : i32
      %mul3A_87 = arith.muli %arg1, %mul3A_86 : i32
      %add3A_88 = arith.constant 80 : i32
      %add3A_89 = arith.addi %mul3A_87, %add3A_88 : i32
      "tpu.region"() ({
        %run_scoped3A = tpu.sem_alloc : memref<!tpu.dma_semaphore, #tpu.memory_space<semaphore_mem>>
        %dma_start3A_106 = arith.constant 0 : i32
        %dma_start3A_107 = tpu.memref_slice %arg3[%add3A_89, %dma_start3A_106] : memref<2560x128xi32, #tpu.memory_space<hbm>> -> memref<40x128xi32, #tpu.memory_space<hbm>>
        %dma_start3A_108 = arith.constant 0 : i32
        %dma_start3A_109 = tpu.memref_slice %arg3[%add3A_89, %dma_start3A_108] : memref<2560x128xi32, #tpu.memory_space<hbm>> -> memref<40x128xi32, #tpu.memory_space<hbm>>
        tpu.enqueue_dma source(%dma_start3A_109 : memref<40x128xi32, #tpu.memory_space<hbm>>) target(%arg11 : memref<40x128xi32, #tpu.memory_space<vmem>>) target_semaphore(%run_scoped3A : memref<!tpu.dma_semaphore, #tpu.memory_space<semaphore_mem>>)
        %dma_wait3A_110 = arith.constant 0 : i32
        %dma_wait3A_111 = tpu.memref_slice %arg3[%add3A_89, %dma_wait3A_110] : memref<2560x128xi32, #tpu.memory_space<hbm>> -> memref<40x128xi32, #tpu.memory_space<hbm>>
        %dma_wait3A_112 = arith.constant 0 : i32
        %dma_wait3A_113 = tpu.memref_slice %arg3[%add3A_89, %dma_wait3A_112] : memref<2560x128xi32, #tpu.memory_space<hbm>> -> memref<40x128xi32, #tpu.memory_space<hbm>>
        tpu.wait_dma2 semaphore(%run_scoped3A : memref<!tpu.dma_semaphore, #tpu.memory_space<semaphore_mem>>) src(%dma_wait3A_113 : memref<40x128xi32, #tpu.memory_space<hbm>>) dst(%arg11 : memref<40x128xi32, #tpu.memory_space<vmem>>)
        tpu.yield
      }) : () -> ()
      %scan3A_90 = arith.constant 0 : i32
      %scan3A_91 = arith.constant 0 : i32
      %scan3A_92 = arith.constant 5 : i32
      %scan3A_93 = arith.addi %scan3A_91, %scan3A_92 : i32
      %scan3A_94 = arith.constant 1 : i32
      scf.for %scan3A_106 = %scan3A_91 to %scan3A_93 step %scan3A_94  : i32 {
        %mul3A_107 = arith.constant 8 : i32
        %mul3A_108 = arith.muli %mul3A_107, %scan3A_106 : i32
        %add3A_109 = arith.constant 0 : i32
        %add3A_110 = arith.addi %mul3A_108, %add3A_109 : i32
        %dma_start3A_111 = arith.constant 0 : i32
        %dma_start3A_112 = tpu.memref_slice %arg11[%add3A_110, %dma_start3A_111] : memref<40x128xi32, #tpu.memory_space<vmem>> -> memref<1x128xi32, #tpu.memory_space<vmem>>
        %dma_start3A_113 = tpu.memref_squeeze %dma_start3A_112 : memref<1x128xi32, #tpu.memory_space<vmem>> -> memref<128xi32, #tpu.memory_space<vmem>>
        %dma_start3A_114 = arith.constant 0 : i32
        %dma_start3A_115 = tpu.memref_slice %arg16[%dma_start3A_114] : memref<10240xf32, #tpu.memory_space<vmem_shared>> -> memref<10240xf32, #tpu.memory_space<vmem_shared>>
        tpu.enqueue_indirect_dma source(%arg13 : memref<128xf32, #tpu.memory_space<vmem>>) target(%dma_start3A_115 : memref<10240xf32, #tpu.memory_space<vmem_shared>>) offsets(%dma_start3A_113 : memref<128xi32, #tpu.memory_space<vmem>>) semaphore(%arg18 : memref<!tpu.dma_semaphore, #tpu.memory_space<semaphore_mem>>) {add = true}
        %mul3A_116 = arith.constant 8 : i32
        %mul3A_117 = arith.muli %mul3A_116, %scan3A_106 : i32
        %add3A_118 = arith.constant 1 : i32
        %add3A_119 = arith.addi %mul3A_117, %add3A_118 : i32
        %dma_start3A_120 = arith.constant 0 : i32
        %dma_start3A_121 = tpu.memref_slice %arg11[%add3A_119, %dma_start3A_120] : memref<40x128xi32, #tpu.memory_space<vmem>> -> memref<1x128xi32, #tpu.memory_space<vmem>>
        %dma_start3A_122 = tpu.memref_squeeze %dma_start3A_121 : memref<1x128xi32, #tpu.memory_space<vmem>> -> memref<128xi32, #tpu.memory_space<vmem>>
        %dma_start3A_123 = arith.constant 0 : i32
        %dma_start3A_124 = tpu.memref_slice %arg16[%dma_start3A_123] : memref<10240xf32, #tpu.memory_space<vmem_shared>> -> memref<10240xf32, #tpu.memory_space<vmem_shared>>
        tpu.enqueue_indirect_dma source(%arg13 : memref<128xf32, #tpu.memory_space<vmem>>) target(%dma_start3A_124 : memref<10240xf32, #tpu.memory_space<vmem_shared>>) offsets(%dma_start3A_122 : memref<128xi32, #tpu.memory_space<vmem>>) semaphore(%arg18 : memref<!tpu.dma_semaphore, #tpu.memory_space<semaphore_mem>>) {add = true}
        %mul3A_125 = arith.constant 8 : i32
        %mul3A_126 = arith.muli %mul3A_125, %scan3A_106 : i32
        %add3A_127 = arith.constant 2 : i32
        %add3A_128 = arith.addi %mul3A_126, %add3A_127 : i32
        %dma_start3A_129 = arith.constant 0 : i32
        %dma_start3A_130 = tpu.memref_slice %arg11[%add3A_128, %dma_start3A_129] : memref<40x128xi32, #tpu.memory_space<vmem>> -> memref<1x128xi32, #tpu.memory_space<vmem>>
        %dma_start3A_131 = tpu.memref_squeeze %dma_start3A_130 : memref<1x128xi32, #tpu.memory_space<vmem>> -> memref<128xi32, #tpu.memory_space<vmem>>
        %dma_start3A_132 = arith.constant 0 : i32
        %dma_start3A_133 = tpu.memref_slice %arg16[%dma_start3A_132] : memref<10240xf32, #tpu.memory_space<vmem_shared>> -> memref<10240xf32, #tpu.memory_space<vmem_shared>>
        tpu.enqueue_indirect_dma source(%arg13 : memref<128xf32, #tpu.memory_space<vmem>>) target(%dma_start3A_133 : memref<10240xf32, #tpu.memory_space<vmem_shared>>) offsets(%dma_start3A_131 : memref<128xi32, #tpu.memory_space<vmem>>) semaphore(%arg18 : memref<!tpu.dma_semaphore, #tpu.memory_space<semaphore_mem>>) {add = true}
        %mul3A_134 = arith.constant 8 : i32
        %mul3A_135 = arith.muli %mul3A_134, %scan3A_106 : i32
        %add3A_136 = arith.constant 3 : i32
        %add3A_137 = arith.addi %mul3A_135, %add3A_136 : i32
        %dma_start3A_138 = arith.constant 0 : i32
        %dma_start3A_139 = tpu.memref_slice %arg11[%add3A_137, %dma_start3A_138] : memref<40x128xi32, #tpu.memory_space<vmem>> -> memref<1x128xi32, #tpu.memory_space<vmem>>
        %dma_start3A_140 = tpu.memref_squeeze %dma_start3A_139 : memref<1x128xi32, #tpu.memory_space<vmem>> -> memref<128xi32, #tpu.memory_space<vmem>>
        %dma_start3A_141 = arith.constant 0 : i32
        %dma_start3A_142 = tpu.memref_slice %arg16[%dma_start3A_141] : memref<10240xf32, #tpu.memory_space<vmem_shared>> -> memref<10240xf32, #tpu.memory_space<vmem_shared>>
        tpu.enqueue_indirect_dma source(%arg13 : memref<128xf32, #tpu.memory_space<vmem>>) target(%dma_start3A_142 : memref<10240xf32, #tpu.memory_space<vmem_shared>>) offsets(%dma_start3A_140 : memref<128xi32, #tpu.memory_space<vmem>>) semaphore(%arg18 : memref<!tpu.dma_semaphore, #tpu.memory_space<semaphore_mem>>) {add = true}
        %mul3A_143 = arith.constant 8 : i32
        %mul3A_144 = arith.muli %mul3A_143, %scan3A_106 : i32
        %add3A_145 = arith.constant 4 : i32
        %add3A_146 = arith.addi %mul3A_144, %add3A_145 : i32
        %dma_start3A_147 = arith.constant 0 : i32
        %dma_start3A_148 = tpu.memref_slice %arg11[%add3A_146, %dma_start3A_147] : memref<40x128xi32, #tpu.memory_space<vmem>> -> memref<1x128xi32, #tpu.memory_space<vmem>>
        %dma_start3A_149 = tpu.memref_squeeze %dma_start3A_148 : memref<1x128xi32, #tpu.memory_space<vmem>> -> memref<128xi32, #tpu.memory_space<vmem>>
        %dma_start3A_150 = arith.constant 0 : i32
        %dma_start3A_151 = tpu.memref_slice %arg16[%dma_start3A_150] : memref<10240xf32, #tpu.memory_space<vmem_shared>> -> memref<10240xf32, #tpu.memory_space<vmem_shared>>
        tpu.enqueue_indirect_dma source(%arg13 : memref<128xf32, #tpu.memory_space<vmem>>) target(%dma_start3A_151 : memref<10240xf32, #tpu.memory_space<vmem_shared>>) offsets(%dma_start3A_149 : memref<128xi32, #tpu.memory_space<vmem>>) semaphore(%arg18 : memref<!tpu.dma_semaphore, #tpu.memory_space<semaphore_mem>>) {add = true}
        %mul3A_152 = arith.constant 8 : i32
        %mul3A_153 = arith.muli %mul3A_152, %scan3A_106 : i32
        %add3A_154 = arith.constant 5 : i32
        %add3A_155 = arith.addi %mul3A_153, %add3A_154 : i32
        %dma_start3A_156 = arith.constant 0 : i32
        %dma_start3A_157 = tpu.memref_slice %arg11[%add3A_155, %dma_start3A_156] : memref<40x128xi32, #tpu.memory_space<vmem>> -> memref<1x128xi32, #tpu.memory_space<vmem>>
        %dma_start3A_158 = tpu.memref_squeeze %dma_start3A_157 : memref<1x128xi32, #tpu.memory_space<vmem>> -> memref<128xi32, #tpu.memory_space<vmem>>
        %dma_start3A_159 = arith.constant 0 : i32
        %dma_start3A_160 = tpu.memref_slice %arg16[%dma_start3A_159] : memref<10240xf32, #tpu.memory_space<vmem_shared>> -> memref<10240xf32, #tpu.memory_space<vmem_shared>>
        tpu.enqueue_indirect_dma source(%arg13 : memref<128xf32, #tpu.memory_space<vmem>>) target(%dma_start3A_160 : memref<10240xf32, #tpu.memory_space<vmem_shared>>) offsets(%dma_start3A_158 : memref<128xi32, #tpu.memory_space<vmem>>) semaphore(%arg18 : memref<!tpu.dma_semaphore, #tpu.memory_space<semaphore_mem>>) {add = true}
        %mul3A_161 = arith.constant 8 : i32
        %mul3A_162 = arith.muli %mul3A_161, %scan3A_106 : i32
        %add3A_163 = arith.constant 6 : i32
        %add3A_164 = arith.addi %mul3A_162, %add3A_163 : i32
        %dma_start3A_165 = arith.constant 0 : i32
        %dma_start3A_166 = tpu.memref_slice %arg11[%add3A_164, %dma_start3A_165] : memref<40x128xi32, #tpu.memory_space<vmem>> -> memref<1x128xi32, #tpu.memory_space<vmem>>
        %dma_start3A_167 = tpu.memref_squeeze %dma_start3A_166 : memref<1x128xi32, #tpu.memory_space<vmem>> -> memref<128xi32, #tpu.memory_space<vmem>>
        %dma_start3A_168 = arith.constant 0 : i32
        %dma_start3A_169 = tpu.memref_slice %arg16[%dma_start3A_168] : memref<10240xf32, #tpu.memory_space<vmem_shared>> -> memref<10240xf32, #tpu.memory_space<vmem_shared>>
        tpu.enqueue_indirect_dma source(%arg13 : memref<128xf32, #tpu.memory_space<vmem>>) target(%dma_start3A_169 : memref<10240xf32, #tpu.memory_space<vmem_shared>>) offsets(%dma_start3A_167 : memref<128xi32, #tpu.memory_space<vmem>>) semaphore(%arg18 : memref<!tpu.dma_semaphore, #tpu.memory_space<semaphore_mem>>) {add = true}
        %mul3A_170 = arith.constant 8 : i32
        %mul3A_171 = arith.muli %mul3A_170, %scan3A_106 : i32
        %add3A_172 = arith.constant 7 : i32
        %add3A_173 = arith.addi %mul3A_171, %add3A_172 : i32
        %dma_start3A_174 = arith.constant 0 : i32
        %dma_start3A_175 = tpu.memref_slice %arg11[%add3A_173, %dma_start3A_174] : memref<40x128xi32, #tpu.memory_space<vmem>> -> memref<1x128xi32, #tpu.memory_space<vmem>>
        %dma_start3A_176 = tpu.memref_squeeze %dma_start3A_175 : memref<1x128xi32, #tpu.memory_space<vmem>> -> memref<128xi32, #tpu.memory_space<vmem>>
        %dma_start3A_177 = arith.constant 0 : i32
        %dma_start3A_178 = tpu.memref_slice %arg16[%dma_start3A_177] : memref<10240xf32, #tpu.memory_space<vmem_shared>> -> memref<10240xf32, #tpu.memory_space<vmem_shared>>
        tpu.enqueue_indirect_dma source(%arg13 : memref<128xf32, #tpu.memory_space<vmem>>) target(%dma_start3A_178 : memref<10240xf32, #tpu.memory_space<vmem_shared>>) offsets(%dma_start3A_176 : memref<128xi32, #tpu.memory_space<vmem>>) semaphore(%arg18 : memref<!tpu.dma_semaphore, #tpu.memory_space<semaphore_mem>>) {add = true}
        %mul3A_179 = arith.constant 8 : i32
        %mul3A_180 = arith.muli %mul3A_179, %scan3A_106 : i32
        %add3A_181 = arith.constant 0 : i32
        %add3A_182 = arith.addi %mul3A_180, %add3A_181 : i32
        %dma_wait3A_183 = arith.constant 0 : i32
        %dma_wait3A_184 = tpu.memref_slice %arg11[%add3A_182, %dma_wait3A_183] : memref<40x128xi32, #tpu.memory_space<vmem>> -> memref<1x128xi32, #tpu.memory_space<vmem>>
        %dma_wait3A_185 = tpu.memref_squeeze %dma_wait3A_184 : memref<1x128xi32, #tpu.memory_space<vmem>> -> memref<128xi32, #tpu.memory_space<vmem>>
        %dma_wait3A_186 = arith.constant 0 : i32
        %dma_wait3A_187 = tpu.memref_slice %arg16[%dma_wait3A_186] : memref<10240xf32, #tpu.memory_space<vmem_shared>> -> memref<10240xf32, #tpu.memory_space<vmem_shared>>
        tpu.wait_indirect_dma semaphore(%arg18 : memref<!tpu.dma_semaphore, #tpu.memory_space<semaphore_mem>>) src(%arg13 : memref<128xf32, #tpu.memory_space<vmem>>) dst(%dma_wait3A_187 : memref<10240xf32, #tpu.memory_space<vmem_shared>>)
        %mul3A_188 = arith.constant 8 : i32
        %mul3A_189 = arith.muli %mul3A_188, %scan3A_106 : i32
        %add3A_190 = arith.constant 1 : i32
        %add3A_191 = arith.addi %mul3A_189, %add3A_190 : i32
        %dma_wait3A_192 = arith.constant 0 : i32
        %dma_wait3A_193 = tpu.memref_slice %arg11[%add3A_191, %dma_wait3A_192] : memref<40x128xi32, #tpu.memory_space<vmem>> -> memref<1x128xi32, #tpu.memory_space<vmem>>
        %dma_wait3A_194 = tpu.memref_squeeze %dma_wait3A_193 : memref<1x128xi32, #tpu.memory_space<vmem>> -> memref<128xi32, #tpu.memory_space<vmem>>
        %dma_wait3A_195 = arith.constant 0 : i32
        %dma_wait3A_196 = tpu.memref_slice %arg16[%dma_wait3A_195] : memref<10240xf32, #tpu.memory_space<vmem_shared>> -> memref<10240xf32, #tpu.memory_space<vmem_shared>>
        tpu.wait_indirect_dma semaphore(%arg18 : memref<!tpu.dma_semaphore, #tpu.memory_space<semaphore_mem>>) src(%arg13 : memref<128xf32, #tpu.memory_space<vmem>>) dst(%dma_wait3A_196 : memref<10240xf32, #tpu.memory_space<vmem_shared>>)
        %mul3A_197 = arith.constant 8 : i32
        %mul3A_198 = arith.muli %mul3A_197, %scan3A_106 : i32
        %add3A_199 = arith.constant 2 : i32
        %add3A_200 = arith.addi %mul3A_198, %add3A_199 : i32
        %dma_wait3A_201 = arith.constant 0 : i32
        %dma_wait3A_202 = tpu.memref_slice %arg11[%add3A_200, %dma_wait3A_201] : memref<40x128xi32, #tpu.memory_space<vmem>> -> memref<1x128xi32, #tpu.memory_space<vmem>>
        %dma_wait3A_203 = tpu.memref_squeeze %dma_wait3A_202 : memref<1x128xi32, #tpu.memory_space<vmem>> -> memref<128xi32, #tpu.memory_space<vmem>>
        %dma_wait3A_204 = arith.constant 0 : i32
        %dma_wait3A_205 = tpu.memref_slice %arg16[%dma_wait3A_204] : memref<10240xf32, #tpu.memory_space<vmem_shared>> -> memref<10240xf32, #tpu.memory_space<vmem_shared>>
        tpu.wait_indirect_dma semaphore(%arg18 : memref<!tpu.dma_semaphore, #tpu.memory_space<semaphore_mem>>) src(%arg13 : memref<128xf32, #tpu.memory_space<vmem>>) dst(%dma_wait3A_205 : memref<10240xf32, #tpu.memory_space<vmem_shared>>)
        %mul3A_206 = arith.constant 8 : i32
        %mul3A_207 = arith.muli %mul3A_206, %scan3A_106 : i32
        %add3A_208 = arith.constant 3 : i32
        %add3A_209 = arith.addi %mul3A_207, %add3A_208 : i32
        %dma_wait3A_210 = arith.constant 0 : i32
        %dma_wait3A_211 = tpu.memref_slice %arg11[%add3A_209, %dma_wait3A_210] : memref<40x128xi32, #tpu.memory_space<vmem>> -> memref<1x128xi32, #tpu.memory_space<vmem>>
        %dma_wait3A_212 = tpu.memref_squeeze %dma_wait3A_211 : memref<1x128xi32, #tpu.memory_space<vmem>> -> memref<128xi32, #tpu.memory_space<vmem>>
        %dma_wait3A_213 = arith.constant 0 : i32
        %dma_wait3A_214 = tpu.memref_slice %arg16[%dma_wait3A_213] : memref<10240xf32, #tpu.memory_space<vmem_shared>> -> memref<10240xf32, #tpu.memory_space<vmem_shared>>
        tpu.wait_indirect_dma semaphore(%arg18 : memref<!tpu.dma_semaphore, #tpu.memory_space<semaphore_mem>>) src(%arg13 : memref<128xf32, #tpu.memory_space<vmem>>) dst(%dma_wait3A_214 : memref<10240xf32, #tpu.memory_space<vmem_shared>>)
        %mul3A_215 = arith.constant 8 : i32
        %mul3A_216 = arith.muli %mul3A_215, %scan3A_106 : i32
        %add3A_217 = arith.constant 4 : i32
        %add3A_218 = arith.addi %mul3A_216, %add3A_217 : i32
        %dma_wait3A_219 = arith.constant 0 : i32
        %dma_wait3A_220 = tpu.memref_slice %arg11[%add3A_218, %dma_wait3A_219] : memref<40x128xi32, #tpu.memory_space<vmem>> -> memref<1x128xi32, #tpu.memory_space<vmem>>
        %dma_wait3A_221 = tpu.memref_squeeze %dma_wait3A_220 : memref<1x128xi32, #tpu.memory_space<vmem>> -> memref<128xi32, #tpu.memory_space<vmem>>
        %dma_wait3A_222 = arith.constant 0 : i32
        %dma_wait3A_223 = tpu.memref_slice %arg16[%dma_wait3A_222] : memref<10240xf32, #tpu.memory_space<vmem_shared>> -> memref<10240xf32, #tpu.memory_space<vmem_shared>>
        tpu.wait_indirect_dma semaphore(%arg18 : memref<!tpu.dma_semaphore, #tpu.memory_space<semaphore_mem>>) src(%arg13 : memref<128xf32, #tpu.memory_space<vmem>>) dst(%dma_wait3A_223 : memref<10240xf32, #tpu.memory_space<vmem_shared>>)
        %mul3A_224 = arith.constant 8 : i32
        %mul3A_225 = arith.muli %mul3A_224, %scan3A_106 : i32
        %add3A_226 = arith.constant 5 : i32
        %add3A_227 = arith.addi %mul3A_225, %add3A_226 : i32
        %dma_wait3A_228 = arith.constant 0 : i32
        %dma_wait3A_229 = tpu.memref_slice %arg11[%add3A_227, %dma_wait3A_228] : memref<40x128xi32, #tpu.memory_space<vmem>> -> memref<1x128xi32, #tpu.memory_space<vmem>>
        %dma_wait3A_230 = tpu.memref_squeeze %dma_wait3A_229 : memref<1x128xi32, #tpu.memory_space<vmem>> -> memref<128xi32, #tpu.memory_space<vmem>>
        %dma_wait3A_231 = arith.constant 0 : i32
        %dma_wait3A_232 = tpu.memref_slice %arg16[%dma_wait3A_231] : memref<10240xf32, #tpu.memory_space<vmem_shared>> -> memref<10240xf32, #tpu.memory_space<vmem_shared>>
        tpu.wait_indirect_dma semaphore(%arg18 : memref<!tpu.dma_semaphore, #tpu.memory_space<semaphore_mem>>) src(%arg13 : memref<128xf32, #tpu.memory_space<vmem>>) dst(%dma_wait3A_232 : memref<10240xf32, #tpu.memory_space<vmem_shared>>)
        %mul3A_233 = arith.constant 8 : i32
        %mul3A_234 = arith.muli %mul3A_233, %scan3A_106 : i32
        %add3A_235 = arith.constant 6 : i32
        %add3A_236 = arith.addi %mul3A_234, %add3A_235 : i32
        %dma_wait3A_237 = arith.constant 0 : i32
        %dma_wait3A_238 = tpu.memref_slice %arg11[%add3A_236, %dma_wait3A_237] : memref<40x128xi32, #tpu.memory_space<vmem>> -> memref<1x128xi32, #tpu.memory_space<vmem>>
        %dma_wait3A_239 = tpu.memref_squeeze %dma_wait3A_238 : memref<1x128xi32, #tpu.memory_space<vmem>> -> memref<128xi32, #tpu.memory_space<vmem>>
        %dma_wait3A_240 = arith.constant 0 : i32
        %dma_wait3A_241 = tpu.memref_slice %arg16[%dma_wait3A_240] : memref<10240xf32, #tpu.memory_space<vmem_shared>> -> memref<10240xf32, #tpu.memory_space<vmem_shared>>
        tpu.wait_indirect_dma semaphore(%arg18 : memref<!tpu.dma_semaphore, #tpu.memory_space<semaphore_mem>>) src(%arg13 : memref<128xf32, #tpu.memory_space<vmem>>) dst(%dma_wait3A_241 : memref<10240xf32, #tpu.memory_space<vmem_shared>>)
        %mul3A_242 = arith.constant 8 : i32
        %mul3A_243 = arith.muli %mul3A_242, %scan3A_106 : i32
        %add3A_244 = arith.constant 7 : i32
        %add3A_245 = arith.addi %mul3A_243, %add3A_244 : i32
        %dma_wait3A_246 = arith.constant 0 : i32
        %dma_wait3A_247 = tpu.memref_slice %arg11[%add3A_245, %dma_wait3A_246] : memref<40x128xi32, #tpu.memory_space<vmem>> -> memref<1x128xi32, #tpu.memory_space<vmem>>
        %dma_wait3A_248 = tpu.memref_squeeze %dma_wait3A_247 : memref<1x128xi32, #tpu.memory_space<vmem>> -> memref<128xi32, #tpu.memory_space<vmem>>
        %dma_wait3A_249 = arith.constant 0 : i32
        %dma_wait3A_250 = tpu.memref_slice %arg16[%dma_wait3A_249] : memref<10240xf32, #tpu.memory_space<vmem_shared>> -> memref<10240xf32, #tpu.memory_space<vmem_shared>>
        tpu.wait_indirect_dma semaphore(%arg18 : memref<!tpu.dma_semaphore, #tpu.memory_space<semaphore_mem>>) src(%arg13 : memref<128xf32, #tpu.memory_space<vmem>>) dst(%dma_wait3A_250 : memref<10240xf32, #tpu.memory_space<vmem_shared>>)
      }
      %scan3A_95 = arith.constant 5 : i32
      %mul3A_96 = arith.constant 160 : i32
      %mul3A_97 = arith.muli %arg1, %mul3A_96 : i32
      %add3A_98 = arith.constant 120 : i32
      %add3A_99 = arith.addi %mul3A_97, %add3A_98 : i32
      "tpu.region"() ({
        %run_scoped3A = tpu.sem_alloc : memref<!tpu.dma_semaphore, #tpu.memory_space<semaphore_mem>>
        %dma_start3A_106 = arith.constant 0 : i32
        %dma_start3A_107 = tpu.memref_slice %arg3[%add3A_99, %dma_start3A_106] : memref<2560x128xi32, #tpu.memory_space<hbm>> -> memref<40x128xi32, #tpu.memory_space<hbm>>
        %dma_start3A_108 = arith.constant 0 : i32
        %dma_start3A_109 = tpu.memref_slice %arg3[%add3A_99, %dma_start3A_108] : memref<2560x128xi32, #tpu.memory_space<hbm>> -> memref<40x128xi32, #tpu.memory_space<hbm>>
        tpu.enqueue_dma source(%dma_start3A_109 : memref<40x128xi32, #tpu.memory_space<hbm>>) target(%arg11 : memref<40x128xi32, #tpu.memory_space<vmem>>) target_semaphore(%run_scoped3A : memref<!tpu.dma_semaphore, #tpu.memory_space<semaphore_mem>>)
        %dma_wait3A_110 = arith.constant 0 : i32
        %dma_wait3A_111 = tpu.memref_slice %arg3[%add3A_99, %dma_wait3A_110] : memref<2560x128xi32, #tpu.memory_space<hbm>> -> memref<40x128xi32, #tpu.memory_space<hbm>>
        %dma_wait3A_112 = arith.constant 0 : i32
        %dma_wait3A_113 = tpu.memref_slice %arg3[%add3A_99, %dma_wait3A_112] : memref<2560x128xi32, #tpu.memory_space<hbm>> -> memref<40x128xi32, #tpu.memory_space<hbm>>
        tpu.wait_dma2 semaphore(%run_scoped3A : memref<!tpu.dma_semaphore, #tpu.memory_space<semaphore_mem>>) src(%dma_wait3A_113 : memref<40x128xi32, #tpu.memory_space<hbm>>) dst(%arg11 : memref<40x128xi32, #tpu.memory_space<vmem>>)
        tpu.yield
      }) : () -> ()
      %scan3A_100 = arith.constant 0 : i32
      %scan3A_101 = arith.constant 0 : i32
      %scan3A_102 = arith.constant 5 : i32
      %scan3A_103 = arith.addi %scan3A_101, %scan3A_102 : i32
      %scan3A_104 = arith.constant 1 : i32
      scf.for %scan3A_106 = %scan3A_101 to %scan3A_103 step %scan3A_104  : i32 {
        %mul3A_107 = arith.constant 8 : i32
        %mul3A_108 = arith.muli %mul3A_107, %scan3A_106 : i32
        %add3A_109 = arith.constant 0 : i32
        %add3A_110 = arith.addi %mul3A_108, %add3A_109 : i32
        %dma_start3A_111 = arith.constant 0 : i32
        %dma_start3A_112 = tpu.memref_slice %arg11[%add3A_110, %dma_start3A_111] : memref<40x128xi32, #tpu.memory_space<vmem>> -> memref<1x128xi32, #tpu.memory_space<vmem>>
        %dma_start3A_113 = tpu.memref_squeeze %dma_start3A_112 : memref<1x128xi32, #tpu.memory_space<vmem>> -> memref<128xi32, #tpu.memory_space<vmem>>
        %dma_start3A_114 = arith.constant 0 : i32
        %dma_start3A_115 = tpu.memref_slice %arg16[%dma_start3A_114] : memref<10240xf32, #tpu.memory_space<vmem_shared>> -> memref<10240xf32, #tpu.memory_space<vmem_shared>>
        tpu.enqueue_indirect_dma source(%arg13 : memref<128xf32, #tpu.memory_space<vmem>>) target(%dma_start3A_115 : memref<10240xf32, #tpu.memory_space<vmem_shared>>) offsets(%dma_start3A_113 : memref<128xi32, #tpu.memory_space<vmem>>) semaphore(%arg18 : memref<!tpu.dma_semaphore, #tpu.memory_space<semaphore_mem>>) {add = true}
        %mul3A_116 = arith.constant 8 : i32
        %mul3A_117 = arith.muli %mul3A_116, %scan3A_106 : i32
        %add3A_118 = arith.constant 1 : i32
        %add3A_119 = arith.addi %mul3A_117, %add3A_118 : i32
        %dma_start3A_120 = arith.constant 0 : i32
        %dma_start3A_121 = tpu.memref_slice %arg11[%add3A_119, %dma_start3A_120] : memref<40x128xi32, #tpu.memory_space<vmem>> -> memref<1x128xi32, #tpu.memory_space<vmem>>
        %dma_start3A_122 = tpu.memref_squeeze %dma_start3A_121 : memref<1x128xi32, #tpu.memory_space<vmem>> -> memref<128xi32, #tpu.memory_space<vmem>>
        %dma_start3A_123 = arith.constant 0 : i32
        %dma_start3A_124 = tpu.memref_slice %arg16[%dma_start3A_123] : memref<10240xf32, #tpu.memory_space<vmem_shared>> -> memref<10240xf32, #tpu.memory_space<vmem_shared>>
        tpu.enqueue_indirect_dma source(%arg13 : memref<128xf32, #tpu.memory_space<vmem>>) target(%dma_start3A_124 : memref<10240xf32, #tpu.memory_space<vmem_shared>>) offsets(%dma_start3A_122 : memref<128xi32, #tpu.memory_space<vmem>>) semaphore(%arg18 : memref<!tpu.dma_semaphore, #tpu.memory_space<semaphore_mem>>) {add = true}
        %mul3A_125 = arith.constant 8 : i32
        %mul3A_126 = arith.muli %mul3A_125, %scan3A_106 : i32
        %add3A_127 = arith.constant 2 : i32
        %add3A_128 = arith.addi %mul3A_126, %add3A_127 : i32
        %dma_start3A_129 = arith.constant 0 : i32
        %dma_start3A_130 = tpu.memref_slice %arg11[%add3A_128, %dma_start3A_129] : memref<40x128xi32, #tpu.memory_space<vmem>> -> memref<1x128xi32, #tpu.memory_space<vmem>>
        %dma_start3A_131 = tpu.memref_squeeze %dma_start3A_130 : memref<1x128xi32, #tpu.memory_space<vmem>> -> memref<128xi32, #tpu.memory_space<vmem>>
        %dma_start3A_132 = arith.constant 0 : i32
        %dma_start3A_133 = tpu.memref_slice %arg16[%dma_start3A_132] : memref<10240xf32, #tpu.memory_space<vmem_shared>> -> memref<10240xf32, #tpu.memory_space<vmem_shared>>
        tpu.enqueue_indirect_dma source(%arg13 : memref<128xf32, #tpu.memory_space<vmem>>) target(%dma_start3A_133 : memref<10240xf32, #tpu.memory_space<vmem_shared>>) offsets(%dma_start3A_131 : memref<128xi32, #tpu.memory_space<vmem>>) semaphore(%arg18 : memref<!tpu.dma_semaphore, #tpu.memory_space<semaphore_mem>>) {add = true}
        %mul3A_134 = arith.constant 8 : i32
        %mul3A_135 = arith.muli %mul3A_134, %scan3A_106 : i32
        %add3A_136 = arith.constant 3 : i32
        %add3A_137 = arith.addi %mul3A_135, %add3A_136 : i32
        %dma_start3A_138 = arith.constant 0 : i32
        %dma_start3A_139 = tpu.memref_slice %arg11[%add3A_137, %dma_start3A_138] : memref<40x128xi32, #tpu.memory_space<vmem>> -> memref<1x128xi32, #tpu.memory_space<vmem>>
        %dma_start3A_140 = tpu.memref_squeeze %dma_start3A_139 : memref<1x128xi32, #tpu.memory_space<vmem>> -> memref<128xi32, #tpu.memory_space<vmem>>
        %dma_start3A_141 = arith.constant 0 : i32
        %dma_start3A_142 = tpu.memref_slice %arg16[%dma_start3A_141] : memref<10240xf32, #tpu.memory_space<vmem_shared>> -> memref<10240xf32, #tpu.memory_space<vmem_shared>>
        tpu.enqueue_indirect_dma source(%arg13 : memref<128xf32, #tpu.memory_space<vmem>>) target(%dma_start3A_142 : memref<10240xf32, #tpu.memory_space<vmem_shared>>) offsets(%dma_start3A_140 : memref<128xi32, #tpu.memory_space<vmem>>) semaphore(%arg18 : memref<!tpu.dma_semaphore, #tpu.memory_space<semaphore_mem>>) {add = true}
        %mul3A_143 = arith.constant 8 : i32
        %mul3A_144 = arith.muli %mul3A_143, %scan3A_106 : i32
        %add3A_145 = arith.constant 4 : i32
        %add3A_146 = arith.addi %mul3A_144, %add3A_145 : i32
        %dma_start3A_147 = arith.constant 0 : i32
        %dma_start3A_148 = tpu.memref_slice %arg11[%add3A_146, %dma_start3A_147] : memref<40x128xi32, #tpu.memory_space<vmem>> -> memref<1x128xi32, #tpu.memory_space<vmem>>
        %dma_start3A_149 = tpu.memref_squeeze %dma_start3A_148 : memref<1x128xi32, #tpu.memory_space<vmem>> -> memref<128xi32, #tpu.memory_space<vmem>>
        %dma_start3A_150 = arith.constant 0 : i32
        %dma_start3A_151 = tpu.memref_slice %arg16[%dma_start3A_150] : memref<10240xf32, #tpu.memory_space<vmem_shared>> -> memref<10240xf32, #tpu.memory_space<vmem_shared>>
        tpu.enqueue_indirect_dma source(%arg13 : memref<128xf32, #tpu.memory_space<vmem>>) target(%dma_start3A_151 : memref<10240xf32, #tpu.memory_space<vmem_shared>>) offsets(%dma_start3A_149 : memref<128xi32, #tpu.memory_space<vmem>>) semaphore(%arg18 : memref<!tpu.dma_semaphore, #tpu.memory_space<semaphore_mem>>) {add = true}
        %mul3A_152 = arith.constant 8 : i32
        %mul3A_153 = arith.muli %mul3A_152, %scan3A_106 : i32
        %add3A_154 = arith.constant 5 : i32
        %add3A_155 = arith.addi %mul3A_153, %add3A_154 : i32
        %dma_start3A_156 = arith.constant 0 : i32
        %dma_start3A_157 = tpu.memref_slice %arg11[%add3A_155, %dma_start3A_156] : memref<40x128xi32, #tpu.memory_space<vmem>> -> memref<1x128xi32, #tpu.memory_space<vmem>>
        %dma_start3A_158 = tpu.memref_squeeze %dma_start3A_157 : memref<1x128xi32, #tpu.memory_space<vmem>> -> memref<128xi32, #tpu.memory_space<vmem>>
        %dma_start3A_159 = arith.constant 0 : i32
        %dma_start3A_160 = tpu.memref_slice %arg16[%dma_start3A_159] : memref<10240xf32, #tpu.memory_space<vmem_shared>> -> memref<10240xf32, #tpu.memory_space<vmem_shared>>
        tpu.enqueue_indirect_dma source(%arg13 : memref<128xf32, #tpu.memory_space<vmem>>) target(%dma_start3A_160 : memref<10240xf32, #tpu.memory_space<vmem_shared>>) offsets(%dma_start3A_158 : memref<128xi32, #tpu.memory_space<vmem>>) semaphore(%arg18 : memref<!tpu.dma_semaphore, #tpu.memory_space<semaphore_mem>>) {add = true}
        %mul3A_161 = arith.constant 8 : i32
        %mul3A_162 = arith.muli %mul3A_161, %scan3A_106 : i32
        %add3A_163 = arith.constant 6 : i32
        %add3A_164 = arith.addi %mul3A_162, %add3A_163 : i32
        %dma_start3A_165 = arith.constant 0 : i32
        %dma_start3A_166 = tpu.memref_slice %arg11[%add3A_164, %dma_start3A_165] : memref<40x128xi32, #tpu.memory_space<vmem>> -> memref<1x128xi32, #tpu.memory_space<vmem>>
        %dma_start3A_167 = tpu.memref_squeeze %dma_start3A_166 : memref<1x128xi32, #tpu.memory_space<vmem>> -> memref<128xi32, #tpu.memory_space<vmem>>
        %dma_start3A_168 = arith.constant 0 : i32
        %dma_start3A_169 = tpu.memref_slice %arg16[%dma_start3A_168] : memref<10240xf32, #tpu.memory_space<vmem_shared>> -> memref<10240xf32, #tpu.memory_space<vmem_shared>>
        tpu.enqueue_indirect_dma source(%arg13 : memref<128xf32, #tpu.memory_space<vmem>>) target(%dma_start3A_169 : memref<10240xf32, #tpu.memory_space<vmem_shared>>) offsets(%dma_start3A_167 : memref<128xi32, #tpu.memory_space<vmem>>) semaphore(%arg18 : memref<!tpu.dma_semaphore, #tpu.memory_space<semaphore_mem>>) {add = true}
        %mul3A_170 = arith.constant 8 : i32
        %mul3A_171 = arith.muli %mul3A_170, %scan3A_106 : i32
        %add3A_172 = arith.constant 7 : i32
        %add3A_173 = arith.addi %mul3A_171, %add3A_172 : i32
        %dma_start3A_174 = arith.constant 0 : i32
        %dma_start3A_175 = tpu.memref_slice %arg11[%add3A_173, %dma_start3A_174] : memref<40x128xi32, #tpu.memory_space<vmem>> -> memref<1x128xi32, #tpu.memory_space<vmem>>
        %dma_start3A_176 = tpu.memref_squeeze %dma_start3A_175 : memref<1x128xi32, #tpu.memory_space<vmem>> -> memref<128xi32, #tpu.memory_space<vmem>>
        %dma_start3A_177 = arith.constant 0 : i32
        %dma_start3A_178 = tpu.memref_slice %arg16[%dma_start3A_177] : memref<10240xf32, #tpu.memory_space<vmem_shared>> -> memref<10240xf32, #tpu.memory_space<vmem_shared>>
        tpu.enqueue_indirect_dma source(%arg13 : memref<128xf32, #tpu.memory_space<vmem>>) target(%dma_start3A_178 : memref<10240xf32, #tpu.memory_space<vmem_shared>>) offsets(%dma_start3A_176 : memref<128xi32, #tpu.memory_space<vmem>>) semaphore(%arg18 : memref<!tpu.dma_semaphore, #tpu.memory_space<semaphore_mem>>) {add = true}
        %mul3A_179 = arith.constant 8 : i32
        %mul3A_180 = arith.muli %mul3A_179, %scan3A_106 : i32
        %add3A_181 = arith.constant 0 : i32
        %add3A_182 = arith.addi %mul3A_180, %add3A_181 : i32
        %dma_wait3A_183 = arith.constant 0 : i32
        %dma_wait3A_184 = tpu.memref_slice %arg11[%add3A_182, %dma_wait3A_183] : memref<40x128xi32, #tpu.memory_space<vmem>> -> memref<1x128xi32, #tpu.memory_space<vmem>>
        %dma_wait3A_185 = tpu.memref_squeeze %dma_wait3A_184 : memref<1x128xi32, #tpu.memory_space<vmem>> -> memref<128xi32, #tpu.memory_space<vmem>>
        %dma_wait3A_186 = arith.constant 0 : i32
        %dma_wait3A_187 = tpu.memref_slice %arg16[%dma_wait3A_186] : memref<10240xf32, #tpu.memory_space<vmem_shared>> -> memref<10240xf32, #tpu.memory_space<vmem_shared>>
        tpu.wait_indirect_dma semaphore(%arg18 : memref<!tpu.dma_semaphore, #tpu.memory_space<semaphore_mem>>) src(%arg13 : memref<128xf32, #tpu.memory_space<vmem>>) dst(%dma_wait3A_187 : memref<10240xf32, #tpu.memory_space<vmem_shared>>)
        %mul3A_188 = arith.constant 8 : i32
        %mul3A_189 = arith.muli %mul3A_188, %scan3A_106 : i32
        %add3A_190 = arith.constant 1 : i32
        %add3A_191 = arith.addi %mul3A_189, %add3A_190 : i32
        %dma_wait3A_192 = arith.constant 0 : i32
        %dma_wait3A_193 = tpu.memref_slice %arg11[%add3A_191, %dma_wait3A_192] : memref<40x128xi32, #tpu.memory_space<vmem>> -> memref<1x128xi32, #tpu.memory_space<vmem>>
        %dma_wait3A_194 = tpu.memref_squeeze %dma_wait3A_193 : memref<1x128xi32, #tpu.memory_space<vmem>> -> memref<128xi32, #tpu.memory_space<vmem>>
        %dma_wait3A_195 = arith.constant 0 : i32
        %dma_wait3A_196 = tpu.memref_slice %arg16[%dma_wait3A_195] : memref<10240xf32, #tpu.memory_space<vmem_shared>> -> memref<10240xf32, #tpu.memory_space<vmem_shared>>
        tpu.wait_indirect_dma semaphore(%arg18 : memref<!tpu.dma_semaphore, #tpu.memory_space<semaphore_mem>>) src(%arg13 : memref<128xf32, #tpu.memory_space<vmem>>) dst(%dma_wait3A_196 : memref<10240xf32, #tpu.memory_space<vmem_shared>>)
        %mul3A_197 = arith.constant 8 : i32
        %mul3A_198 = arith.muli %mul3A_197, %scan3A_106 : i32
        %add3A_199 = arith.constant 2 : i32
        %add3A_200 = arith.addi %mul3A_198, %add3A_199 : i32
        %dma_wait3A_201 = arith.constant 0 : i32
        %dma_wait3A_202 = tpu.memref_slice %arg11[%add3A_200, %dma_wait3A_201] : memref<40x128xi32, #tpu.memory_space<vmem>> -> memref<1x128xi32, #tpu.memory_space<vmem>>
        %dma_wait3A_203 = tpu.memref_squeeze %dma_wait3A_202 : memref<1x128xi32, #tpu.memory_space<vmem>> -> memref<128xi32, #tpu.memory_space<vmem>>
        %dma_wait3A_204 = arith.constant 0 : i32
        %dma_wait3A_205 = tpu.memref_slice %arg16[%dma_wait3A_204] : memref<10240xf32, #tpu.memory_space<vmem_shared>> -> memref<10240xf32, #tpu.memory_space<vmem_shared>>
        tpu.wait_indirect_dma semaphore(%arg18 : memref<!tpu.dma_semaphore, #tpu.memory_space<semaphore_mem>>) src(%arg13 : memref<128xf32, #tpu.memory_space<vmem>>) dst(%dma_wait3A_205 : memref<10240xf32, #tpu.memory_space<vmem_shared>>)
        %mul3A_206 = arith.constant 8 : i32
        %mul3A_207 = arith.muli %mul3A_206, %scan3A_106 : i32
        %add3A_208 = arith.constant 3 : i32
        %add3A_209 = arith.addi %mul3A_207, %add3A_208 : i32
        %dma_wait3A_210 = arith.constant 0 : i32
        %dma_wait3A_211 = tpu.memref_slice %arg11[%add3A_209, %dma_wait3A_210] : memref<40x128xi32, #tpu.memory_space<vmem>> -> memref<1x128xi32, #tpu.memory_space<vmem>>
        %dma_wait3A_212 = tpu.memref_squeeze %dma_wait3A_211 : memref<1x128xi32, #tpu.memory_space<vmem>> -> memref<128xi32, #tpu.memory_space<vmem>>
        %dma_wait3A_213 = arith.constant 0 : i32
        %dma_wait3A_214 = tpu.memref_slice %arg16[%dma_wait3A_213] : memref<10240xf32, #tpu.memory_space<vmem_shared>> -> memref<10240xf32, #tpu.memory_space<vmem_shared>>
        tpu.wait_indirect_dma semaphore(%arg18 : memref<!tpu.dma_semaphore, #tpu.memory_space<semaphore_mem>>) src(%arg13 : memref<128xf32, #tpu.memory_space<vmem>>) dst(%dma_wait3A_214 : memref<10240xf32, #tpu.memory_space<vmem_shared>>)
        %mul3A_215 = arith.constant 8 : i32
        %mul3A_216 = arith.muli %mul3A_215, %scan3A_106 : i32
        %add3A_217 = arith.constant 4 : i32
        %add3A_218 = arith.addi %mul3A_216, %add3A_217 : i32
        %dma_wait3A_219 = arith.constant 0 : i32
        %dma_wait3A_220 = tpu.memref_slice %arg11[%add3A_218, %dma_wait3A_219] : memref<40x128xi32, #tpu.memory_space<vmem>> -> memref<1x128xi32, #tpu.memory_space<vmem>>
        %dma_wait3A_221 = tpu.memref_squeeze %dma_wait3A_220 : memref<1x128xi32, #tpu.memory_space<vmem>> -> memref<128xi32, #tpu.memory_space<vmem>>
        %dma_wait3A_222 = arith.constant 0 : i32
        %dma_wait3A_223 = tpu.memref_slice %arg16[%dma_wait3A_222] : memref<10240xf32, #tpu.memory_space<vmem_shared>> -> memref<10240xf32, #tpu.memory_space<vmem_shared>>
        tpu.wait_indirect_dma semaphore(%arg18 : memref<!tpu.dma_semaphore, #tpu.memory_space<semaphore_mem>>) src(%arg13 : memref<128xf32, #tpu.memory_space<vmem>>) dst(%dma_wait3A_223 : memref<10240xf32, #tpu.memory_space<vmem_shared>>)
        %mul3A_224 = arith.constant 8 : i32
        %mul3A_225 = arith.muli %mul3A_224, %scan3A_106 : i32
        %add3A_226 = arith.constant 5 : i32
        %add3A_227 = arith.addi %mul3A_225, %add3A_226 : i32
        %dma_wait3A_228 = arith.constant 0 : i32
        %dma_wait3A_229 = tpu.memref_slice %arg11[%add3A_227, %dma_wait3A_228] : memref<40x128xi32, #tpu.memory_space<vmem>> -> memref<1x128xi32, #tpu.memory_space<vmem>>
        %dma_wait3A_230 = tpu.memref_squeeze %dma_wait3A_229 : memref<1x128xi32, #tpu.memory_space<vmem>> -> memref<128xi32, #tpu.memory_space<vmem>>
        %dma_wait3A_231 = arith.constant 0 : i32
        %dma_wait3A_232 = tpu.memref_slice %arg16[%dma_wait3A_231] : memref<10240xf32, #tpu.memory_space<vmem_shared>> -> memref<10240xf32, #tpu.memory_space<vmem_shared>>
        tpu.wait_indirect_dma semaphore(%arg18 : memref<!tpu.dma_semaphore, #tpu.memory_space<semaphore_mem>>) src(%arg13 : memref<128xf32, #tpu.memory_space<vmem>>) dst(%dma_wait3A_232 : memref<10240xf32, #tpu.memory_space<vmem_shared>>)
        %mul3A_233 = arith.constant 8 : i32
        %mul3A_234 = arith.muli %mul3A_233, %scan3A_106 : i32
        %add3A_235 = arith.constant 6 : i32
        %add3A_236 = arith.addi %mul3A_234, %add3A_235 : i32
        %dma_wait3A_237 = arith.constant 0 : i32
        %dma_wait3A_238 = tpu.memref_slice %arg11[%add3A_236, %dma_wait3A_237] : memref<40x128xi32, #tpu.memory_space<vmem>> -> memref<1x128xi32, #tpu.memory_space<vmem>>
        %dma_wait3A_239 = tpu.memref_squeeze %dma_wait3A_238 : memref<1x128xi32, #tpu.memory_space<vmem>> -> memref<128xi32, #tpu.memory_space<vmem>>
        %dma_wait3A_240 = arith.constant 0 : i32
        %dma_wait3A_241 = tpu.memref_slice %arg16[%dma_wait3A_240] : memref<10240xf32, #tpu.memory_space<vmem_shared>> -> memref<10240xf32, #tpu.memory_space<vmem_shared>>
        tpu.wait_indirect_dma semaphore(%arg18 : memref<!tpu.dma_semaphore, #tpu.memory_space<semaphore_mem>>) src(%arg13 : memref<128xf32, #tpu.memory_space<vmem>>) dst(%dma_wait3A_241 : memref<10240xf32, #tpu.memory_space<vmem_shared>>)
        %mul3A_242 = arith.constant 8 : i32
        %mul3A_243 = arith.muli %mul3A_242, %scan3A_106 : i32
        %add3A_244 = arith.constant 7 : i32
        %add3A_245 = arith.addi %mul3A_243, %add3A_244 : i32
        %dma_wait3A_246 = arith.constant 0 : i32
        %dma_wait3A_247 = tpu.memref_slice %arg11[%add3A_245, %dma_wait3A_246] : memref<40x128xi32, #tpu.memory_space<vmem>> -> memref<1x128xi32, #tpu.memory_space<vmem>>
        %dma_wait3A_248 = tpu.memref_squeeze %dma_wait3A_247 : memref<1x128xi32, #tpu.memory_space<vmem>> -> memref<128xi32, #tpu.memory_space<vmem>>
        %dma_wait3A_249 = arith.constant 0 : i32
        %dma_wait3A_250 = tpu.memref_slice %arg16[%dma_wait3A_249] : memref<10240xf32, #tpu.memory_space<vmem_shared>> -> memref<10240xf32, #tpu.memory_space<vmem_shared>>
        tpu.wait_indirect_dma semaphore(%arg18 : memref<!tpu.dma_semaphore, #tpu.memory_space<semaphore_mem>>) src(%arg13 : memref<128xf32, #tpu.memory_space<vmem>>) dst(%dma_wait3A_250 : memref<10240xf32, #tpu.memory_space<vmem_shared>>)
      }
      %scan3A_105 = arith.constant 5 : i32
    } else {
    }
    %add3A_12 = arith.constant 0 : i32
    %add3A_13 = arith.addi %mul3A_4, %add3A_12 : i32
    "tpu.region"() ({
      %run_scoped3A = tpu.sem_alloc : memref<!tpu.dma_semaphore, #tpu.memory_space<semaphore_mem>>
      %dma_start3A_66 = arith.constant 0 : i32
      %dma_start3A_67 = tpu.memref_slice %arg3[%add3A_13, %dma_start3A_66] : memref<2560x128xi32, #tpu.memory_space<hbm>> -> memref<40x128xi32, #tpu.memory_space<hbm>>
      %dma_start3A_68 = arith.constant 0 : i32
      %dma_start3A_69 = tpu.memref_slice %arg3[%add3A_13, %dma_start3A_68] : memref<2560x128xi32, #tpu.memory_space<hbm>> -> memref<40x128xi32, #tpu.memory_space<hbm>>
      tpu.enqueue_dma source(%dma_start3A_69 : memref<40x128xi32, #tpu.memory_space<hbm>>) target(%arg12 : memref<40x128xi32, #tpu.memory_space<vmem>>) target_semaphore(%run_scoped3A : memref<!tpu.dma_semaphore, #tpu.memory_space<semaphore_mem>>)
      %dma_wait3A_70 = arith.constant 0 : i32
      %dma_wait3A_71 = tpu.memref_slice %arg3[%add3A_13, %dma_wait3A_70] : memref<2560x128xi32, #tpu.memory_space<hbm>> -> memref<40x128xi32, #tpu.memory_space<hbm>>
      %dma_wait3A_72 = arith.constant 0 : i32
      %dma_wait3A_73 = tpu.memref_slice %arg3[%add3A_13, %dma_wait3A_72] : memref<2560x128xi32, #tpu.memory_space<hbm>> -> memref<40x128xi32, #tpu.memory_space<hbm>>
      tpu.wait_dma2 semaphore(%run_scoped3A : memref<!tpu.dma_semaphore, #tpu.memory_space<semaphore_mem>>) src(%dma_wait3A_73 : memref<40x128xi32, #tpu.memory_space<hbm>>) dst(%arg12 : memref<40x128xi32, #tpu.memory_space<vmem>>)
      tpu.yield
    }) : () -> ()
    %add3A_14 = arith.constant 0 : i32
    %add3A_15 = arith.addi %mul3A_4, %add3A_14 : i32
    %mul3A_16 = arith.constant 128 : i32
    %mul3A_17 = arith.muli %add3A_15, %mul3A_16 : i32
    %dma_start3A = arith.constant 0 : i32
    %dma_start3A_18 = tpu.memref_slice %arg4[%mul3A_17, %dma_start3A] : memref<327680x128xf32, #tpu.memory_space<hbm>> -> memref<128x128xf32, #tpu.memory_space<hbm>>
    %dma_start3A_19 = arith.constant 0 : i32
    %dma_start3A_20 = tpu.memref_slice %arg4[%mul3A_17, %dma_start3A_19] : memref<327680x128xf32, #tpu.memory_space<hbm>> -> memref<128x128xf32, #tpu.memory_space<hbm>>
    tpu.enqueue_dma source(%dma_start3A_20 : memref<128x128xf32, #tpu.memory_space<hbm>>) target(%arg14 : memref<128x128xf32, #tpu.memory_space<vmem>>) target_semaphore(%arg19 : memref<!tpu.dma_semaphore, #tpu.memory_space<semaphore_mem>>)
    %scan3A = arith.constant 0 : i32
    %scan3A_21 = arith.constant 0 : i32
    %scan3A_22 = arith.constant 20 : i32
    %scan3A_23 = arith.addi %scan3A_21, %scan3A_22 : i32
    %scan3A_24 = arith.constant 1 : i32
    scf.for %scan3A_66 = %scan3A_21 to %scan3A_23 step %scan3A_24  : i32 {
      %mul3A_67 = arith.constant 2 : i32
      %mul3A_68 = arith.muli %mul3A_67, %scan3A_66 : i32
      %add3A_69 = arith.constant 1 : i32
      %add3A_70 = arith.addi %mul3A_68, %add3A_69 : i32
      %gt3A = arith.constant 0 : i32
      %gt3A_71 = arith.cmpi sgt, %scan3A_66, %gt3A : i32
      %convert_element_type3A_72 = arith.extui %gt3A_71 : i1 to i32
      %cond3A_73 = arith.constant 0 : i32
      %cond3A_74 = arith.cmpi ne, %convert_element_type3A_72, %cond3A_73 : i32
      scf.if %cond3A_74 {
        %sub3A = arith.constant 2 : i32
        %sub3A_124 = arith.subi %add3A_70, %sub3A : i32
        %dma_wait3A_125 = arith.constant 0 : i32
        %dma_wait3A_126 = tpu.memref_slice %arg12[%sub3A_124, %dma_wait3A_125] : memref<40x128xi32, #tpu.memory_space<vmem>> -> memref<1x128xi32, #tpu.memory_space<vmem>>
        %dma_wait3A_127 = tpu.memref_squeeze %dma_wait3A_126 : memref<1x128xi32, #tpu.memory_space<vmem>> -> memref<128xi32, #tpu.memory_space<vmem>>
        %dma_wait3A_128 = arith.constant 0 : i32
        %dma_wait3A_129 = arith.constant 0 : i32
        %dma_wait3A_130 = tpu.memref_slice %arg17[%dma_wait3A_128, %dma_wait3A_129] : memref<10240x128xf32, #tpu.memory_space<vmem_shared>> -> memref<10240x128xf32, #tpu.memory_space<vmem_shared>>
        tpu.wait_indirect_dma semaphore(%arg22 : memref<!tpu.dma_semaphore, #tpu.memory_space<semaphore_mem>>) src(%arg15 : memref<128x128xf32, #tpu.memory_space<vmem>>) dst(%dma_wait3A_130 : memref<10240x128xf32, #tpu.memory_space<vmem_shared>>)
      } else {
      }
      %add3A_75 = arith.constant 0 : i32
      %add3A_76 = arith.addi %add3A_75, %add3A_70 : i32
      %add3A_77 = arith.addi %mul3A_4, %add3A_76 : i32
      %mul3A_78 = arith.constant 128 : i32
      %mul3A_79 = arith.muli %add3A_77, %mul3A_78 : i32
      %dma_start3A_80 = arith.constant 0 : i32
      %dma_start3A_81 = tpu.memref_slice %arg4[%mul3A_79, %dma_start3A_80] : memref<327680x128xf32, #tpu.memory_space<hbm>> -> memref<128x128xf32, #tpu.memory_space<hbm>>
      %dma_start3A_82 = arith.constant 0 : i32
      %dma_start3A_83 = tpu.memref_slice %arg4[%mul3A_79, %dma_start3A_82] : memref<327680x128xf32, #tpu.memory_space<hbm>> -> memref<128x128xf32, #tpu.memory_space<hbm>>
      tpu.enqueue_dma source(%dma_start3A_83 : memref<128x128xf32, #tpu.memory_space<hbm>>) target(%arg15 : memref<128x128xf32, #tpu.memory_space<vmem>>) target_semaphore(%arg20 : memref<!tpu.dma_semaphore, #tpu.memory_space<semaphore_mem>>)
      %add3A_84 = arith.constant 0 : i32
      %add3A_85 = arith.addi %add3A_84, %mul3A_68 : i32
      %add3A_86 = arith.addi %mul3A_4, %add3A_85 : i32
      %mul3A_87 = arith.constant 128 : i32
      %mul3A_88 = arith.muli %add3A_86, %mul3A_87 : i32
      %dma_wait3A_89 = arith.constant 0 : i32
      %dma_wait3A_90 = tpu.memref_slice %arg4[%mul3A_88, %dma_wait3A_89] : memref<327680x128xf32, #tpu.memory_space<hbm>> -> memref<128x128xf32, #tpu.memory_space<hbm>>
      %dma_wait3A_91 = arith.constant 0 : i32
      %dma_wait3A_92 = tpu.memref_slice %arg4[%mul3A_88, %dma_wait3A_91] : memref<327680x128xf32, #tpu.memory_space<hbm>> -> memref<128x128xf32, #tpu.memory_space<hbm>>
      tpu.wait_dma2 semaphore(%arg19 : memref<!tpu.dma_semaphore, #tpu.memory_space<semaphore_mem>>) src(%dma_wait3A_92 : memref<128x128xf32, #tpu.memory_space<hbm>>) dst(%arg14 : memref<128x128xf32, #tpu.memory_space<vmem>>)
      %dma_start3A_93 = arith.constant 0 : i32
      %dma_start3A_94 = tpu.memref_slice %arg12[%mul3A_68, %dma_start3A_93] : memref<40x128xi32, #tpu.memory_space<vmem>> -> memref<1x128xi32, #tpu.memory_space<vmem>>
      %dma_start3A_95 = tpu.memref_squeeze %dma_start3A_94 : memref<1x128xi32, #tpu.memory_space<vmem>> -> memref<128xi32, #tpu.memory_space<vmem>>
      %dma_start3A_96 = arith.constant 0 : i32
      %dma_start3A_97 = arith.constant 0 : i32
      %dma_start3A_98 = tpu.memref_slice %arg17[%dma_start3A_96, %dma_start3A_97] : memref<10240x128xf32, #tpu.memory_space<vmem_shared>> -> memref<10240x128xf32, #tpu.memory_space<vmem_shared>>
      tpu.enqueue_indirect_dma source(%arg14 : memref<128x128xf32, #tpu.memory_space<vmem>>) target(%dma_start3A_98 : memref<10240x128xf32, #tpu.memory_space<vmem_shared>>) offsets(%dma_start3A_95 : memref<128xi32, #tpu.memory_space<vmem>>) semaphore(%arg21 : memref<!tpu.dma_semaphore, #tpu.memory_space<semaphore_mem>>) {add = true}
      %add3A_99 = arith.constant 0 : i32
      %add3A_100 = arith.addi %add3A_99, %add3A_70 : i32
      %add3A_101 = arith.addi %mul3A_4, %add3A_100 : i32
      %mul3A_102 = arith.constant 128 : i32
      %mul3A_103 = arith.muli %add3A_101, %mul3A_102 : i32
      %dma_wait3A_104 = arith.constant 0 : i32
      %dma_wait3A_105 = tpu.memref_slice %arg4[%mul3A_103, %dma_wait3A_104] : memref<327680x128xf32, #tpu.memory_space<hbm>> -> memref<128x128xf32, #tpu.memory_space<hbm>>
      %dma_wait3A_106 = arith.constant 0 : i32
      %dma_wait3A_107 = tpu.memref_slice %arg4[%mul3A_103, %dma_wait3A_106] : memref<327680x128xf32, #tpu.memory_space<hbm>> -> memref<128x128xf32, #tpu.memory_space<hbm>>
      tpu.wait_dma2 semaphore(%arg20 : memref<!tpu.dma_semaphore, #tpu.memory_space<semaphore_mem>>) src(%dma_wait3A_107 : memref<128x128xf32, #tpu.memory_space<hbm>>) dst(%arg15 : memref<128x128xf32, #tpu.memory_space<vmem>>)
      %dma_wait3A_108 = arith.constant 0 : i32
      %dma_wait3A_109 = tpu.memref_slice %arg12[%mul3A_68, %dma_wait3A_108] : memref<40x128xi32, #tpu.memory_space<vmem>> -> memref<1x128xi32, #tpu.memory_space<vmem>>
      %dma_wait3A_110 = tpu.memref_squeeze %dma_wait3A_109 : memref<1x128xi32, #tpu.memory_space<vmem>> -> memref<128xi32, #tpu.memory_space<vmem>>
      %dma_wait3A_111 = arith.constant 0 : i32
      %dma_wait3A_112 = arith.constant 0 : i32
      %dma_wait3A_113 = tpu.memref_slice %arg17[%dma_wait3A_111, %dma_wait3A_112] : memref<10240x128xf32, #tpu.memory_space<vmem_shared>> -> memref<10240x128xf32, #tpu.memory_space<vmem_shared>>
      tpu.wait_indirect_dma semaphore(%arg21 : memref<!tpu.dma_semaphore, #tpu.memory_space<semaphore_mem>>) src(%arg14 : memref<128x128xf32, #tpu.memory_space<vmem>>) dst(%dma_wait3A_113 : memref<10240x128xf32, #tpu.memory_space<vmem_shared>>)
      %lt3A = arith.constant 19 : i32
      %lt3A_114 = arith.cmpi slt, %scan3A_66, %lt3A : i32
      %convert_element_type3A_115 = arith.extui %lt3A_114 : i1 to i32
      %cond3A_116 = arith.constant 0 : i32
      %cond3A_117 = arith.cmpi ne, %convert_element_type3A_115, %cond3A_116 : i32
      scf.if %cond3A_117 {
        %add3A_124 = arith.constant 0 : i32
        %add3A_125 = arith.addi %add3A_124, %mul3A_68 : i32
        %add3A_126 = arith.constant 2 : i32
        %add3A_127 = arith.addi %add3A_125, %add3A_126 : i32
        %add3A_128 = arith.addi %mul3A_4, %add3A_127 : i32
        %mul3A_129 = arith.constant 128 : i32
        %mul3A_130 = arith.muli %add3A_128, %mul3A_129 : i32
        %dma_start3A_131 = arith.constant 0 : i32
        %dma_start3A_132 = tpu.memref_slice %arg4[%mul3A_130, %dma_start3A_131] : memref<327680x128xf32, #tpu.memory_space<hbm>> -> memref<128x128xf32, #tpu.memory_space<hbm>>
        %dma_start3A_133 = arith.constant 0 : i32
        %dma_start3A_134 = tpu.memref_slice %arg4[%mul3A_130, %dma_start3A_133] : memref<327680x128xf32, #tpu.memory_space<hbm>> -> memref<128x128xf32, #tpu.memory_space<hbm>>
        tpu.enqueue_dma source(%dma_start3A_134 : memref<128x128xf32, #tpu.memory_space<hbm>>) target(%arg14 : memref<128x128xf32, #tpu.memory_space<vmem>>) target_semaphore(%arg19 : memref<!tpu.dma_semaphore, #tpu.memory_space<semaphore_mem>>)
      } else {
      }
      %dma_start3A_118 = arith.constant 0 : i32
      %dma_start3A_119 = tpu.memref_slice %arg12[%add3A_70, %dma_start3A_118] : memref<40x128xi32, #tpu.memory_space<vmem>> -> memref<1x128xi32, #tpu.memory_space<vmem>>
      %dma_start3A_120 = tpu.memref_squeeze %dma_start3A_119 : memref<1x128xi32, #tpu.memory_space<vmem>> -> memref<128xi32, #tpu.memory_space<vmem>>
      %dma_start3A_121 = arith.constant 0 : i32
      %dma_start3A_122 = arith.constant 0 : i32
      %dma_start3A_123 = tpu.memref_slice %arg17[%dma_start3A_121, %dma_start3A_122] : memref<10240x128xf32, #tpu.memory_space<vmem_shared>> -> memref<10240x128xf32, #tpu.memory_space<vmem_shared>>
      tpu.enqueue_indirect_dma source(%arg15 : memref<128x128xf32, #tpu.memory_space<vmem>>) target(%dma_start3A_123 : memref<10240x128xf32, #tpu.memory_space<vmem_shared>>) offsets(%dma_start3A_120 : memref<128xi32, #tpu.memory_space<vmem>>) semaphore(%arg22 : memref<!tpu.dma_semaphore, #tpu.memory_space<semaphore_mem>>) {add = true}
    }
    %scan3A_25 = arith.constant 20 : i32
    %dma_wait3A = arith.constant 39 : i32
    %dma_wait3A_26 = arith.constant 0 : i32
    %dma_wait3A_27 = tpu.memref_slice %arg12[%dma_wait3A, %dma_wait3A_26] : memref<40x128xi32, #tpu.memory_space<vmem>> -> memref<1x128xi32, #tpu.memory_space<vmem>>
    %dma_wait3A_28 = tpu.memref_squeeze %dma_wait3A_27 : memref<1x128xi32, #tpu.memory_space<vmem>> -> memref<128xi32, #tpu.memory_space<vmem>>
    %dma_wait3A_29 = arith.constant 0 : i32
    %dma_wait3A_30 = arith.constant 0 : i32
    %dma_wait3A_31 = tpu.memref_slice %arg17[%dma_wait3A_29, %dma_wait3A_30] : memref<10240x128xf32, #tpu.memory_space<vmem_shared>> -> memref<10240x128xf32, #tpu.memory_space<vmem_shared>>
    tpu.wait_indirect_dma semaphore(%arg22 : memref<!tpu.dma_semaphore, #tpu.memory_space<semaphore_mem>>) src(%arg15 : memref<128x128xf32, #tpu.memory_space<vmem>>) dst(%dma_wait3A_31 : memref<10240x128xf32, #tpu.memory_space<vmem_shared>>)
    %add3A_32 = arith.constant 40 : i32
    %add3A_33 = arith.addi %mul3A_4, %add3A_32 : i32
    "tpu.region"() ({
      %run_scoped3A = tpu.sem_alloc : memref<!tpu.dma_semaphore, #tpu.memory_space<semaphore_mem>>
      %dma_start3A_66 = arith.constant 0 : i32
      %dma_start3A_67 = tpu.memref_slice %arg3[%add3A_33, %dma_start3A_66] : memref<2560x128xi32, #tpu.memory_space<hbm>> -> memref<40x128xi32, #tpu.memory_space<hbm>>
      %dma_start3A_68 = arith.constant 0 : i32
      %dma_start3A_69 = tpu.memref_slice %arg3[%add3A_33, %dma_start3A_68] : memref<2560x128xi32, #tpu.memory_space<hbm>> -> memref<40x128xi32, #tpu.memory_space<hbm>>
      tpu.enqueue_dma source(%dma_start3A_69 : memref<40x128xi32, #tpu.memory_space<hbm>>) target(%arg12 : memref<40x128xi32, #tpu.memory_space<vmem>>) target_semaphore(%run_scoped3A : memref<!tpu.dma_semaphore, #tpu.memory_space<semaphore_mem>>)
      %dma_wait3A_70 = arith.constant 0 : i32
      %dma_wait3A_71 = tpu.memref_slice %arg3[%add3A_33, %dma_wait3A_70] : memref<2560x128xi32, #tpu.memory_space<hbm>> -> memref<40x128xi32, #tpu.memory_space<hbm>>
      %dma_wait3A_72 = arith.constant 0 : i32
      %dma_wait3A_73 = tpu.memref_slice %arg3[%add3A_33, %dma_wait3A_72] : memref<2560x128xi32, #tpu.memory_space<hbm>> -> memref<40x128xi32, #tpu.memory_space<hbm>>
      tpu.wait_dma2 semaphore(%run_scoped3A : memref<!tpu.dma_semaphore, #tpu.memory_space<semaphore_mem>>) src(%dma_wait3A_73 : memref<40x128xi32, #tpu.memory_space<hbm>>) dst(%arg12 : memref<40x128xi32, #tpu.memory_space<vmem>>)
      tpu.yield
    }) : () -> ()
    %add3A_34 = arith.constant 40 : i32
    %add3A_35 = arith.addi %mul3A_4, %add3A_34 : i32
    %mul3A_36 = arith.constant 128 : i32
    %mul3A_37 = arith.muli %add3A_35, %mul3A_36 : i32
    %dma_start3A_38 = arith.constant 0 : i32
    %dma_start3A_39 = tpu.memref_slice %arg4[%mul3A_37, %dma_start3A_38] : memref<327680x128xf32, #tpu.memory_space<hbm>> -> memref<128x128xf32, #tpu.memory_space<hbm>>
    %dma_start3A_40 = arith.constant 0 : i32
    %dma_start3A_41 = tpu.memref_slice %arg4[%mul3A_37, %dma_start3A_40] : memref<327680x128xf32, #tpu.memory_space<hbm>> -> memref<128x128xf32, #tpu.memory_space<hbm>>
    tpu.enqueue_dma source(%dma_start3A_41 : memref<128x128xf32, #tpu.memory_space<hbm>>) target(%arg14 : memref<128x128xf32, #tpu.memory_space<vmem>>) target_semaphore(%arg19 : memref<!tpu.dma_semaphore, #tpu.memory_space<semaphore_mem>>)
    %scan3A_42 = arith.constant 0 : i32
    %scan3A_43 = arith.constant 0 : i32
    %scan3A_44 = arith.constant 20 : i32
    %scan3A_45 = arith.addi %scan3A_43, %scan3A_44 : i32
    %scan3A_46 = arith.constant 1 : i32
    scf.for %scan3A_66 = %scan3A_43 to %scan3A_45 step %scan3A_46  : i32 {
      %mul3A_67 = arith.constant 2 : i32
      %mul3A_68 = arith.muli %mul3A_67, %scan3A_66 : i32
      %add3A_69 = arith.constant 1 : i32
      %add3A_70 = arith.addi %mul3A_68, %add3A_69 : i32
      %gt3A = arith.constant 0 : i32
      %gt3A_71 = arith.cmpi sgt, %scan3A_66, %gt3A : i32
      %convert_element_type3A_72 = arith.extui %gt3A_71 : i1 to i32
      %cond3A_73 = arith.constant 0 : i32
      %cond3A_74 = arith.cmpi ne, %convert_element_type3A_72, %cond3A_73 : i32
      scf.if %cond3A_74 {
        %sub3A = arith.constant 2 : i32
        %sub3A_124 = arith.subi %add3A_70, %sub3A : i32
        %dma_wait3A_125 = arith.constant 0 : i32
        %dma_wait3A_126 = tpu.memref_slice %arg12[%sub3A_124, %dma_wait3A_125] : memref<40x128xi32, #tpu.memory_space<vmem>> -> memref<1x128xi32, #tpu.memory_space<vmem>>
        %dma_wait3A_127 = tpu.memref_squeeze %dma_wait3A_126 : memref<1x128xi32, #tpu.memory_space<vmem>> -> memref<128xi32, #tpu.memory_space<vmem>>
        %dma_wait3A_128 = arith.constant 0 : i32
        %dma_wait3A_129 = arith.constant 0 : i32
        %dma_wait3A_130 = tpu.memref_slice %arg17[%dma_wait3A_128, %dma_wait3A_129] : memref<10240x128xf32, #tpu.memory_space<vmem_shared>> -> memref<10240x128xf32, #tpu.memory_space<vmem_shared>>
        tpu.wait_indirect_dma semaphore(%arg22 : memref<!tpu.dma_semaphore, #tpu.memory_space<semaphore_mem>>) src(%arg15 : memref<128x128xf32, #tpu.memory_space<vmem>>) dst(%dma_wait3A_130 : memref<10240x128xf32, #tpu.memory_space<vmem_shared>>)
      } else {
      }
      %add3A_75 = arith.constant 40 : i32
      %add3A_76 = arith.addi %add3A_75, %add3A_70 : i32
      %add3A_77 = arith.addi %mul3A_4, %add3A_76 : i32
      %mul3A_78 = arith.constant 128 : i32
      %mul3A_79 = arith.muli %add3A_77, %mul3A_78 : i32
      %dma_start3A_80 = arith.constant 0 : i32
      %dma_start3A_81 = tpu.memref_slice %arg4[%mul3A_79, %dma_start3A_80] : memref<327680x128xf32, #tpu.memory_space<hbm>> -> memref<128x128xf32, #tpu.memory_space<hbm>>
      %dma_start3A_82 = arith.constant 0 : i32
      %dma_start3A_83 = tpu.memref_slice %arg4[%mul3A_79, %dma_start3A_82] : memref<327680x128xf32, #tpu.memory_space<hbm>> -> memref<128x128xf32, #tpu.memory_space<hbm>>
      tpu.enqueue_dma source(%dma_start3A_83 : memref<128x128xf32, #tpu.memory_space<hbm>>) target(%arg15 : memref<128x128xf32, #tpu.memory_space<vmem>>) target_semaphore(%arg20 : memref<!tpu.dma_semaphore, #tpu.memory_space<semaphore_mem>>)
      %add3A_84 = arith.constant 40 : i32
      %add3A_85 = arith.addi %add3A_84, %mul3A_68 : i32
      %add3A_86 = arith.addi %mul3A_4, %add3A_85 : i32
      %mul3A_87 = arith.constant 128 : i32
      %mul3A_88 = arith.muli %add3A_86, %mul3A_87 : i32
      %dma_wait3A_89 = arith.constant 0 : i32
      %dma_wait3A_90 = tpu.memref_slice %arg4[%mul3A_88, %dma_wait3A_89] : memref<327680x128xf32, #tpu.memory_space<hbm>> -> memref<128x128xf32, #tpu.memory_space<hbm>>
      %dma_wait3A_91 = arith.constant 0 : i32
      %dma_wait3A_92 = tpu.memref_slice %arg4[%mul3A_88, %dma_wait3A_91] : memref<327680x128xf32, #tpu.memory_space<hbm>> -> memref<128x128xf32, #tpu.memory_space<hbm>>
      tpu.wait_dma2 semaphore(%arg19 : memref<!tpu.dma_semaphore, #tpu.memory_space<semaphore_mem>>) src(%dma_wait3A_92 : memref<128x128xf32, #tpu.memory_space<hbm>>) dst(%arg14 : memref<128x128xf32, #tpu.memory_space<vmem>>)
      %dma_start3A_93 = arith.constant 0 : i32
      %dma_start3A_94 = tpu.memref_slice %arg12[%mul3A_68, %dma_start3A_93] : memref<40x128xi32, #tpu.memory_space<vmem>> -> memref<1x128xi32, #tpu.memory_space<vmem>>
      %dma_start3A_95 = tpu.memref_squeeze %dma_start3A_94 : memref<1x128xi32, #tpu.memory_space<vmem>> -> memref<128xi32, #tpu.memory_space<vmem>>
      %dma_start3A_96 = arith.constant 0 : i32
      %dma_start3A_97 = arith.constant 0 : i32
      %dma_start3A_98 = tpu.memref_slice %arg17[%dma_start3A_96, %dma_start3A_97] : memref<10240x128xf32, #tpu.memory_space<vmem_shared>> -> memref<10240x128xf32, #tpu.memory_space<vmem_shared>>
      tpu.enqueue_indirect_dma source(%arg14 : memref<128x128xf32, #tpu.memory_space<vmem>>) target(%dma_start3A_98 : memref<10240x128xf32, #tpu.memory_space<vmem_shared>>) offsets(%dma_start3A_95 : memref<128xi32, #tpu.memory_space<vmem>>) semaphore(%arg21 : memref<!tpu.dma_semaphore, #tpu.memory_space<semaphore_mem>>) {add = true}
      %add3A_99 = arith.constant 40 : i32
      %add3A_100 = arith.addi %add3A_99, %add3A_70 : i32
      %add3A_101 = arith.addi %mul3A_4, %add3A_100 : i32
      %mul3A_102 = arith.constant 128 : i32
      %mul3A_103 = arith.muli %add3A_101, %mul3A_102 : i32
      %dma_wait3A_104 = arith.constant 0 : i32
      %dma_wait3A_105 = tpu.memref_slice %arg4[%mul3A_103, %dma_wait3A_104] : memref<327680x128xf32, #tpu.memory_space<hbm>> -> memref<128x128xf32, #tpu.memory_space<hbm>>
      %dma_wait3A_106 = arith.constant 0 : i32
      %dma_wait3A_107 = tpu.memref_slice %arg4[%mul3A_103, %dma_wait3A_106] : memref<327680x128xf32, #tpu.memory_space<hbm>> -> memref<128x128xf32, #tpu.memory_space<hbm>>
      tpu.wait_dma2 semaphore(%arg20 : memref<!tpu.dma_semaphore, #tpu.memory_space<semaphore_mem>>) src(%dma_wait3A_107 : memref<128x128xf32, #tpu.memory_space<hbm>>) dst(%arg15 : memref<128x128xf32, #tpu.memory_space<vmem>>)
      %dma_wait3A_108 = arith.constant 0 : i32
      %dma_wait3A_109 = tpu.memref_slice %arg12[%mul3A_68, %dma_wait3A_108] : memref<40x128xi32, #tpu.memory_space<vmem>> -> memref<1x128xi32, #tpu.memory_space<vmem>>
      %dma_wait3A_110 = tpu.memref_squeeze %dma_wait3A_109 : memref<1x128xi32, #tpu.memory_space<vmem>> -> memref<128xi32, #tpu.memory_space<vmem>>
      %dma_wait3A_111 = arith.constant 0 : i32
      %dma_wait3A_112 = arith.constant 0 : i32
      %dma_wait3A_113 = tpu.memref_slice %arg17[%dma_wait3A_111, %dma_wait3A_112] : memref<10240x128xf32, #tpu.memory_space<vmem_shared>> -> memref<10240x128xf32, #tpu.memory_space<vmem_shared>>
      tpu.wait_indirect_dma semaphore(%arg21 : memref<!tpu.dma_semaphore, #tpu.memory_space<semaphore_mem>>) src(%arg14 : memref<128x128xf32, #tpu.memory_space<vmem>>) dst(%dma_wait3A_113 : memref<10240x128xf32, #tpu.memory_space<vmem_shared>>)
      %lt3A = arith.constant 19 : i32
      %lt3A_114 = arith.cmpi slt, %scan3A_66, %lt3A : i32
      %convert_element_type3A_115 = arith.extui %lt3A_114 : i1 to i32
      %cond3A_116 = arith.constant 0 : i32
      %cond3A_117 = arith.cmpi ne, %convert_element_type3A_115, %cond3A_116 : i32
      scf.if %cond3A_117 {
        %add3A_124 = arith.constant 40 : i32
        %add3A_125 = arith.addi %add3A_124, %mul3A_68 : i32
        %add3A_126 = arith.constant 2 : i32
        %add3A_127 = arith.addi %add3A_125, %add3A_126 : i32
        %add3A_128 = arith.addi %mul3A_4, %add3A_127 : i32
        %mul3A_129 = arith.constant 128 : i32
        %mul3A_130 = arith.muli %add3A_128, %mul3A_129 : i32
        %dma_start3A_131 = arith.constant 0 : i32
        %dma_start3A_132 = tpu.memref_slice %arg4[%mul3A_130, %dma_start3A_131] : memref<327680x128xf32, #tpu.memory_space<hbm>> -> memref<128x128xf32, #tpu.memory_space<hbm>>
        %dma_start3A_133 = arith.constant 0 : i32
        %dma_start3A_134 = tpu.memref_slice %arg4[%mul3A_130, %dma_start3A_133] : memref<327680x128xf32, #tpu.memory_space<hbm>> -> memref<128x128xf32, #tpu.memory_space<hbm>>
        tpu.enqueue_dma source(%dma_start3A_134 : memref<128x128xf32, #tpu.memory_space<hbm>>) target(%arg14 : memref<128x128xf32, #tpu.memory_space<vmem>>) target_semaphore(%arg19 : memref<!tpu.dma_semaphore, #tpu.memory_space<semaphore_mem>>)
      } else {
      }
      %dma_start3A_118 = arith.constant 0 : i32
      %dma_start3A_119 = tpu.memref_slice %arg12[%add3A_70, %dma_start3A_118] : memref<40x128xi32, #tpu.memory_space<vmem>> -> memref<1x128xi32, #tpu.memory_space<vmem>>
      %dma_start3A_120 = tpu.memref_squeeze %dma_start3A_119 : memref<1x128xi32, #tpu.memory_space<vmem>> -> memref<128xi32, #tpu.memory_space<vmem>>
      %dma_start3A_121 = arith.constant 0 : i32
      %dma_start3A_122 = arith.constant 0 : i32
      %dma_start3A_123 = tpu.memref_slice %arg17[%dma_start3A_121, %dma_start3A_122] : memref<10240x128xf32, #tpu.memory_space<vmem_shared>> -> memref<10240x128xf32, #tpu.memory_space<vmem_shared>>
      tpu.enqueue_indirect_dma source(%arg15 : memref<128x128xf32, #tpu.memory_space<vmem>>) target(%dma_start3A_123 : memref<10240x128xf32, #tpu.memory_space<vmem_shared>>) offsets(%dma_start3A_120 : memref<128xi32, #tpu.memory_space<vmem>>) semaphore(%arg22 : memref<!tpu.dma_semaphore, #tpu.memory_space<semaphore_mem>>) {add = true}
    }
    %scan3A_47 = arith.constant 20 : i32
    %dma_wait3A_48 = arith.constant 39 : i32
    %dma_wait3A_49 = arith.constant 0 : i32
    %dma_wait3A_50 = tpu.memref_slice %arg12[%dma_wait3A_48, %dma_wait3A_49] : memref<40x128xi32, #tpu.memory_space<vmem>> -> memref<1x128xi32, #tpu.memory_space<vmem>>
    %dma_wait3A_51 = tpu.memref_squeeze %dma_wait3A_50 : memref<1x128xi32, #tpu.memory_space<vmem>> -> memref<128xi32, #tpu.memory_space<vmem>>
    %dma_wait3A_52 = arith.constant 0 : i32
    %dma_wait3A_53 = arith.constant 0 : i32
    %dma_wait3A_54 = tpu.memref_slice %arg17[%dma_wait3A_52, %dma_wait3A_53] : memref<10240x128xf32, #tpu.memory_space<vmem_shared>> -> memref<10240x128xf32, #tpu.memory_space<vmem_shared>>
    tpu.wait_indirect_dma semaphore(%arg22 : memref<!tpu.dma_semaphore, #tpu.memory_space<semaphore_mem>>) src(%arg15 : memref<128x128xf32, #tpu.memory_space<vmem>>) dst(%dma_wait3A_54 : memref<10240x128xf32, #tpu.memory_space<vmem_shared>>)
    %barrier3A_55 = arith.constant 0 : index
    tpu.barrier barrier_id(%barrier3A_55)
    %eq3A_56 = arith.constant 0 : i32
    %eq3A_57 = arith.cmpi eq, %arg0, %eq3A_56 : i32
    %convert_element_type3A_58 = arith.extui %eq3A_57 : i1 to i32
    %cond3A_59 = arith.constant 0 : i32
    %cond3A_60 = arith.cmpi ne, %convert_element_type3A_58, %cond3A_59 : i32
    scf.if %cond3A_60 {
      "tpu.region"() ({
        %run_scoped3A_66 = tpu.sem_alloc : memref<!tpu.dma_semaphore, #tpu.memory_space<semaphore_mem>>
        %dma_start3A_67 = tpu.memref_slice %arg8[%mul3A_0] : memref<10240xf32, #tpu.memory_space<hbm>> -> memref<640xf32, #tpu.memory_space<hbm>>
        %dma_start3A_68 = tpu.memref_slice %arg16[%mul3A_0] : memref<10240xf32, #tpu.memory_space<vmem_shared>> -> memref<640xf32, #tpu.memory_space<vmem_shared>>
        tpu.enqueue_dma source(%dma_start3A_68 : memref<640xf32, #tpu.memory_space<vmem_shared>>) target(%dma_start3A_67 : memref<640xf32, #tpu.memory_space<hbm>>) target_semaphore(%run_scoped3A_66 : memref<!tpu.dma_semaphore, #tpu.memory_space<semaphore_mem>>)
        %dma_wait3A_69 = tpu.memref_slice %arg8[%mul3A_0] : memref<10240xf32, #tpu.memory_space<hbm>> -> memref<640xf32, #tpu.memory_space<hbm>>
        %dma_wait3A_70 = tpu.memref_slice %arg16[%mul3A_0] : memref<10240xf32, #tpu.memory_space<vmem_shared>> -> memref<640xf32, #tpu.memory_space<vmem_shared>>
        tpu.wait_dma2 semaphore(%run_scoped3A_66 : memref<!tpu.dma_semaphore, #tpu.memory_space<semaphore_mem>>) src(%dma_wait3A_70 : memref<640xf32, #tpu.memory_space<vmem_shared>>) dst(%dma_wait3A_69 : memref<640xf32, #tpu.memory_space<hbm>>)
        tpu.yield
      }) : () -> ()
      %run_scoped3A = arith.constant 0 : i32
      "tpu.region"() ({
        %run_scoped3A_66 = tpu.sem_alloc : memref<!tpu.dma_semaphore, #tpu.memory_space<semaphore_mem>>
        %dma_start3A_67 = arith.constant 0 : i32
        %dma_start3A_68 = arith.constant 0 : i32
        %dma_start3A_69 = tpu.memref_slice %arg10[%run_scoped3A, %dma_start3A_67, %dma_start3A_68] : memref<2x10240x128xf32, #tpu.memory_space<hbm>> -> memref<1x10240x128xf32, #tpu.memory_space<hbm>>
        %dma_start3A_70 = tpu.memref_squeeze %dma_start3A_69 : memref<1x10240x128xf32, #tpu.memory_space<hbm>> -> memref<10240x128xf32, #tpu.memory_space<hbm>>
        %dma_start3A_71 = arith.constant 0 : i32
        %dma_start3A_72 = tpu.memref_slice %dma_start3A_70[%mul3A_0, %dma_start3A_71] : memref<10240x128xf32, #tpu.memory_space<hbm>> -> memref<640x128xf32, #tpu.memory_space<hbm>>
        %dma_start3A_73 = arith.constant 0 : i32
        %dma_start3A_74 = tpu.memref_slice %arg17[%mul3A_0, %dma_start3A_73] : memref<10240x128xf32, #tpu.memory_space<vmem_shared>> -> memref<640x128xf32, #tpu.memory_space<vmem_shared>>
        tpu.enqueue_dma source(%dma_start3A_74 : memref<640x128xf32, #tpu.memory_space<vmem_shared>>) target(%dma_start3A_72 : memref<640x128xf32, #tpu.memory_space<hbm>>) target_semaphore(%run_scoped3A_66 : memref<!tpu.dma_semaphore, #tpu.memory_space<semaphore_mem>>)
        %dma_wait3A_75 = arith.constant 0 : i32
        %dma_wait3A_76 = arith.constant 0 : i32
        %dma_wait3A_77 = tpu.memref_slice %arg10[%run_scoped3A, %dma_wait3A_75, %dma_wait3A_76] : memref<2x10240x128xf32, #tpu.memory_space<hbm>> -> memref<1x10240x128xf32, #tpu.memory_space<hbm>>
        %dma_wait3A_78 = tpu.memref_squeeze %dma_wait3A_77 : memref<1x10240x128xf32, #tpu.memory_space<hbm>> -> memref<10240x128xf32, #tpu.memory_space<hbm>>
        %dma_wait3A_79 = arith.constant 0 : i32
        %dma_wait3A_80 = tpu.memref_slice %dma_wait3A_78[%mul3A_0, %dma_wait3A_79] : memref<10240x128xf32, #tpu.memory_space<hbm>> -> memref<640x128xf32, #tpu.memory_space<hbm>>
        %dma_wait3A_81 = arith.constant 0 : i32
        %dma_wait3A_82 = tpu.memref_slice %arg17[%mul3A_0, %dma_wait3A_81] : memref<10240x128xf32, #tpu.memory_space<vmem_shared>> -> memref<640x128xf32, #tpu.memory_space<vmem_shared>>
        tpu.wait_dma2 semaphore(%run_scoped3A_66 : memref<!tpu.dma_semaphore, #tpu.memory_space<semaphore_mem>>) src(%dma_wait3A_82 : memref<640x128xf32, #tpu.memory_space<vmem_shared>>) dst(%dma_wait3A_80 : memref<640x128xf32, #tpu.memory_space<hbm>>)
        tpu.yield
      }) : () -> ()
    } else {
    }
    %eq3A_61 = arith.constant 1 : i32
    %eq3A_62 = arith.cmpi eq, %arg0, %eq3A_61 : i32
    %convert_element_type3A_63 = arith.extui %eq3A_62 : i1 to i32
    %cond3A_64 = arith.constant 0 : i32
    %cond3A_65 = arith.cmpi ne, %convert_element_type3A_63, %cond3A_64 : i32
    scf.if %cond3A_65 {
      "tpu.region"() ({
        %run_scoped3A_66 = tpu.sem_alloc : memref<!tpu.dma_semaphore, #tpu.memory_space<semaphore_mem>>
        %dma_start3A_67 = tpu.memref_slice %arg9[%mul3A_0] : memref<10240xf32, #tpu.memory_space<hbm>> -> memref<640xf32, #tpu.memory_space<hbm>>
        %dma_start3A_68 = tpu.memref_slice %arg16[%mul3A_0] : memref<10240xf32, #tpu.memory_space<vmem_shared>> -> memref<640xf32, #tpu.memory_space<vmem_shared>>
        tpu.enqueue_dma source(%dma_start3A_68 : memref<640xf32, #tpu.memory_space<vmem_shared>>) target(%dma_start3A_67 : memref<640xf32, #tpu.memory_space<hbm>>) target_semaphore(%run_scoped3A_66 : memref<!tpu.dma_semaphore, #tpu.memory_space<semaphore_mem>>)
        %dma_wait3A_69 = tpu.memref_slice %arg9[%mul3A_0] : memref<10240xf32, #tpu.memory_space<hbm>> -> memref<640xf32, #tpu.memory_space<hbm>>
        %dma_wait3A_70 = tpu.memref_slice %arg16[%mul3A_0] : memref<10240xf32, #tpu.memory_space<vmem_shared>> -> memref<640xf32, #tpu.memory_space<vmem_shared>>
        tpu.wait_dma2 semaphore(%run_scoped3A_66 : memref<!tpu.dma_semaphore, #tpu.memory_space<semaphore_mem>>) src(%dma_wait3A_70 : memref<640xf32, #tpu.memory_space<vmem_shared>>) dst(%dma_wait3A_69 : memref<640xf32, #tpu.memory_space<hbm>>)
        tpu.yield
      }) : () -> ()
      %run_scoped3A = arith.constant 1 : i32
      "tpu.region"() ({
        %run_scoped3A_66 = tpu.sem_alloc : memref<!tpu.dma_semaphore, #tpu.memory_space<semaphore_mem>>
        %dma_start3A_67 = arith.constant 0 : i32
        %dma_start3A_68 = arith.constant 0 : i32
        %dma_start3A_69 = tpu.memref_slice %arg10[%run_scoped3A, %dma_start3A_67, %dma_start3A_68] : memref<2x10240x128xf32, #tpu.memory_space<hbm>> -> memref<1x10240x128xf32, #tpu.memory_space<hbm>>
        %dma_start3A_70 = tpu.memref_squeeze %dma_start3A_69 : memref<1x10240x128xf32, #tpu.memory_space<hbm>> -> memref<10240x128xf32, #tpu.memory_space<hbm>>
        %dma_start3A_71 = arith.constant 0 : i32
        %dma_start3A_72 = tpu.memref_slice %dma_start3A_70[%mul3A_0, %dma_start3A_71] : memref<10240x128xf32, #tpu.memory_space<hbm>> -> memref<640x128xf32, #tpu.memory_space<hbm>>
        %dma_start3A_73 = arith.constant 0 : i32
        %dma_start3A_74 = tpu.memref_slice %arg17[%mul3A_0, %dma_start3A_73] : memref<10240x128xf32, #tpu.memory_space<vmem_shared>> -> memref<640x128xf32, #tpu.memory_space<vmem_shared>>
        tpu.enqueue_dma source(%dma_start3A_74 : memref<640x128xf32, #tpu.memory_space<vmem_shared>>) target(%dma_start3A_72 : memref<640x128xf32, #tpu.memory_space<hbm>>) target_semaphore(%run_scoped3A_66 : memref<!tpu.dma_semaphore, #tpu.memory_space<semaphore_mem>>)
        %dma_wait3A_75 = arith.constant 0 : i32
        %dma_wait3A_76 = arith.constant 0 : i32
        %dma_wait3A_77 = tpu.memref_slice %arg10[%run_scoped3A, %dma_wait3A_75, %dma_wait3A_76] : memref<2x10240x128xf32, #tpu.memory_space<hbm>> -> memref<1x10240x128xf32, #tpu.memory_space<hbm>>
        %dma_wait3A_78 = tpu.memref_squeeze %dma_wait3A_77 : memref<1x10240x128xf32, #tpu.memory_space<hbm>> -> memref<10240x128xf32, #tpu.memory_space<hbm>>
        %dma_wait3A_79 = arith.constant 0 : i32
        %dma_wait3A_80 = tpu.memref_slice %dma_wait3A_78[%mul3A_0, %dma_wait3A_79] : memref<10240x128xf32, #tpu.memory_space<hbm>> -> memref<640x128xf32, #tpu.memory_space<hbm>>
        %dma_wait3A_81 = arith.constant 0 : i32
        %dma_wait3A_82 = tpu.memref_slice %arg17[%mul3A_0, %dma_wait3A_81] : memref<10240x128xf32, #tpu.memory_space<vmem_shared>> -> memref<640x128xf32, #tpu.memory_space<vmem_shared>>
        tpu.wait_dma2 semaphore(%run_scoped3A_66 : memref<!tpu.dma_semaphore, #tpu.memory_space<semaphore_mem>>) src(%dma_wait3A_82 : memref<640x128xf32, #tpu.memory_space<vmem_shared>>) dst(%dma_wait3A_80 : memref<640x128xf32, #tpu.memory_space<hbm>>)
        tpu.yield
      }) : () -> ()
    } else {
    }
    return
  }
}

module attributes {stable_mosaic.version = 14 : i64} {
  func.func @_y_body(%arg0: i32, %arg1: memref<8192x16xf32, #tpu.memory_space<vmem>>, %arg2: memref<512x16xf32, #tpu.memory_space<vmem>>, %arg3: memref<16x128xf32, #tpu.memory_space<vmem>>, %arg4: memref<8192x128xf32, #tpu.memory_space<vmem>>) attributes {dimension_semantics = [#tpu.dimension_semantics<arbitrary>], iteration_bounds = array<i64: 40>, scalar_prefetch = 0 : i64, scratch_operands = 0 : i64, tpu.core_type = #tpu.core_type<tc>, window_params = [{transform_indices = @transform_0, window_bounds = array<i64: 8192, 16>}, {pipeline_mode = #tpu.pipeline_mode<synchronous>, transform_indices = @transform_1, window_bounds = array<i64: 512, 16>}, {pipeline_mode = #tpu.pipeline_mode<synchronous>, transform_indices = @transform_2, window_bounds = array<i64: 16, 128>}, {transform_indices = @transform_3, window_bounds = array<i64: 8192, 128>}]} {
    %lt3A = arith.constant 39 : i32
    %lt3A_0 = arith.cmpi slt, %arg0, %lt3A : i32
    %convert_element_type3A = arith.extui %lt3A_0 : i1 to i32
    %cond3A = arith.constant 0 : i32
    %cond3A_1 = arith.cmpi ne, %convert_element_type3A, %cond3A : i32
    scf.if %cond3A_1 {
      %get3A = arith.constant 0 : index
      %get3A_6 = arith.constant 0 : index
      %get3A_7 = vector.load %arg1[%get3A, %get3A_6] : memref<8192x16xf32, #tpu.memory_space<vmem>>, vector<8192x16xf32>
      %get3A_8 = arith.constant 0 : index
      %get3A_9 = arith.constant 0 : index
      %get3A_10 = vector.load %arg3[%get3A_8, %get3A_9] : memref<16x128xf32, #tpu.memory_space<vmem>>, vector<16x128xf32>
      %dot_general3A = arith.constant dense<0.000000e+00> : vector<8192x128xf32>
      %dot_general3A_11 = tpu.matmul %get3A_7, %get3A_10, %dot_general3A {dimension_numbers = #tpu.dot_dimension_numbers<[1], [0], [0], [1], [0, 0, 1, 1], [], []>, transpose_lhs_hint = false} : vector<8192x16xf32>, vector<16x128xf32>, vector<8192x128xf32> -> vector<8192x128xf32>
      %swap3A = arith.constant 0 : index
      %swap3A_12 = arith.constant 0 : index
      %swap3A_13 = vector.load %arg4[%swap3A, %swap3A_12] : memref<8192x128xf32, #tpu.memory_space<vmem>>, vector<8192x128xf32>
      tpu.vector_store %arg4[%swap3A, %swap3A_12], %dot_general3A_11 {strides = array<i32>} : memref<8192x128xf32, #tpu.memory_space<vmem>>, vector<8192x128xf32>,
    } else {
    }
    %eq3A = arith.constant 39 : i32
    %eq3A_2 = arith.cmpi eq, %arg0, %eq3A : i32
    %convert_element_type3A_3 = arith.extui %eq3A_2 : i1 to i32
    %cond3A_4 = arith.constant 0 : i32
    %cond3A_5 = arith.cmpi ne, %convert_element_type3A_3, %cond3A_4 : i32
    scf.if %cond3A_5 {
      %broadcast_in_dim3A = arith.constant 0.000000e+00 : f32
      %broadcast_in_dim3A_6 = vector.broadcast %broadcast_in_dim3A : f32 to vector<8192x128xf32>
      %swap3A = arith.constant 0 : index
      %swap3A_7 = arith.constant 0 : index
      %swap3A_8 = vector.load %arg4[%swap3A, %swap3A_7] : memref<8192x128xf32, #tpu.memory_space<vmem>>, vector<8192x128xf32>
      tpu.vector_store %arg4[%swap3A, %swap3A_7], %broadcast_in_dim3A_6 {strides = array<i32>} : memref<8192x128xf32, #tpu.memory_space<vmem>>, vector<8192x128xf32>,
      %get3A = arith.constant 0 : index
      %get3A_9 = arith.constant 0 : index
      %get3A_10 = vector.load %arg2[%get3A, %get3A_9] : memref<512x16xf32, #tpu.memory_space<vmem>>, vector<512x16xf32>
      %get3A_11 = arith.constant 0 : index
      %get3A_12 = arith.constant 0 : index
      %get3A_13 = vector.load %arg3[%get3A_11, %get3A_12] : memref<16x128xf32, #tpu.memory_space<vmem>>, vector<16x128xf32>
      %dot_general3A = arith.constant dense<0.000000e+00> : vector<512x128xf32>
      %dot_general3A_14 = tpu.matmul %get3A_10, %get3A_13, %dot_general3A {dimension_numbers = #tpu.dot_dimension_numbers<[1], [0], [0], [1], [0, 0, 1, 1], [], []>, transpose_lhs_hint = false} : vector<512x16xf32>, vector<16x128xf32>, vector<512x128xf32> -> vector<512x128xf32>
      %swap3A_15 = arith.constant 0 : index
      %swap3A_16 = arith.constant 0 : index
      %swap3A_17 = vector.load %arg4[%swap3A_15, %swap3A_16] : memref<8192x128xf32, #tpu.memory_space<vmem>>, vector<512x128xf32>
      tpu.vector_store %arg4[%swap3A_15, %swap3A_16], %dot_general3A_14 {strides = array<i32>} : memref<8192x128xf32, #tpu.memory_space<vmem>>, vector<512x128xf32>,
    } else {
    }
    return
  }
  func.func @transform_0(%arg0: i32) -> (i32, i32) {
    %min3A = arith.constant 38 : i32
    %min3A_0 = arith.minsi %arg0, %min3A : i32
    %c0_i32 = arith.constant 0 : i32
    %c0_i32_1 = arith.constant 0 : i32
    return %min3A_0, %c0_i32 : i32, i32
  }
  func.func @transform_1(%arg0: i32) -> (i32, i32) {
    %c0_i32 = arith.constant 0 : i32
    %c0_i32_0 = arith.constant 0 : i32
    %c0_i32_1 = arith.constant 0 : i32
    return %c0_i32, %c0_i32_0 : i32, i32
  }
  func.func @transform_2(%arg0: i32) -> (i32, i32) {
    %c0_i32 = arith.constant 0 : i32
    %c0_i32_0 = arith.constant 0 : i32
    %c0_i32_1 = arith.constant 0 : i32
    return %c0_i32, %c0_i32_0 : i32, i32
  }
  func.func @transform_3(%arg0: i32) -> (i32, i32) {
    %c0_i32 = arith.constant 0 : i32
    %c0_i32_0 = arith.constant 0 : i32
    return %arg0, %c0_i32 : i32, i32
  }
}

module attributes {stable_mosaic.version = 14 : i64} {
  func.func @_feat_body(%arg0: i32, %arg1: memref<1024x128xf32, #tpu.memory_space<vmem>>, %arg2: memref<1024x1xf32, #tpu.memory_space<vmem>>, %arg3: memref<1024x128xf32, #tpu.memory_space<vmem>>) attributes {dimension_semantics = [#tpu.dimension_semantics<arbitrary>], iteration_bounds = array<i64: 10>, scalar_prefetch = 0 : i64, scratch_operands = 0 : i64, tpu.core_type = #tpu.core_type<tc>, window_params = [{transform_indices = @transform_0, window_bounds = array<i64: 1024, 128>}, {transform_indices = @transform_1, window_bounds = array<i64: 1024, 1>}, {transform_indices = @transform_2, window_bounds = array<i64: 1024, 128>}]} {
    %get3A = arith.constant 0 : index
    %get3A_0 = arith.constant 0 : index
    %get3A_1 = vector.load %arg2[%get3A, %get3A_0] : memref<1024x1xf32, #tpu.memory_space<vmem>>, vector<1024x1xf32>
    %max3A = arith.constant 1.000000e+00 : f32
    %max3A_2 = vector.broadcast %max3A : f32 to vector<1024x1xf32>
    %max3A_3 = arith.maximumf %get3A_1, %max3A_2 : vector<1024x1xf32>
    %rsqrt3A = math.rsqrt %max3A_3 : vector<1024x1xf32>
    %get3A_4 = arith.constant 0 : index
    %get3A_5 = arith.constant 0 : index
    %get3A_6 = vector.load %arg1[%get3A_4, %get3A_5] : memref<1024x128xf32, #tpu.memory_space<vmem>>, vector<1024x128xf32>
    %mul3A = vector.broadcast %rsqrt3A : vector<1024x1xf32> to vector<1024x128xf32>
    %mul3A_7 = arith.mulf %get3A_6, %mul3A : vector<1024x128xf32>
    %swap3A = arith.constant 0 : index
    %swap3A_8 = arith.constant 0 : index
    %swap3A_9 = vector.load %arg3[%swap3A, %swap3A_8] : memref<1024x128xf32, #tpu.memory_space<vmem>>, vector<1024x128xf32>
    tpu.vector_store %arg3[%swap3A, %swap3A_8], %mul3A_7 {strides = array<i32>} : memref<1024x128xf32, #tpu.memory_space<vmem>>, vector<1024x128xf32>,
    return
  }
  func.func @transform_0(%arg0: i32) -> (i32, i32) {
    %c0_i32 = arith.constant 0 : i32
    %c0_i32_0 = arith.constant 0 : i32
    return %arg0, %c0_i32 : i32, i32
  }
  func.func @transform_1(%arg0: i32) -> (i32, i32) {
    %c0_i32 = arith.constant 0 : i32
    %c0_i32_0 = arith.constant 0 : i32
    return %arg0, %c0_i32 : i32, i32
  }
  func.func @transform_2(%arg0: i32) -> (i32, i32) {
    %c0_i32 = arith.constant 0 : i32
    %c0_i32_0 = arith.constant 0 : i32
    return %arg0, %c0_i32 : i32, i32
  }
}

module attributes {stable_mosaic.version = 14 : i64} {
  func.func @_mm_body(%arg0: i32, %arg1: memref<1x2000x128xf32, #tpu.memory_space<vmem>>, %arg2: memref<1x2000x128xf32, #tpu.memory_space<vmem>>, %arg3: memref<1x2000x128xf32, #tpu.memory_space<vmem>>, %arg4: memref<1x2000x128xf32, #tpu.memory_space<vmem>>, %arg5: memref<128x128xf32, #tpu.memory_space<vmem>>, %arg6: memref<2000x1xf32, #tpu.memory_space<vmem>>, %arg7: memref<1x128xf32, #tpu.memory_space<vmem>>, %arg8: memref<2000x128xf32, #tpu.memory_space<vmem>>) attributes {dimension_semantics = [#tpu.dimension_semantics<arbitrary>], iteration_bounds = array<i64: 5>, scalar_prefetch = 0 : i64, scratch_operands = 0 : i64, tpu.core_type = #tpu.core_type<tc>, window_params = [{transform_indices = @transform_0, window_bounds = array<i64: 1, 2000, 128>}, {transform_indices = @transform_1, window_bounds = array<i64: 1, 2000, 128>}, {transform_indices = @transform_2, window_bounds = array<i64: 1, 2000, 128>}, {transform_indices = @transform_3, window_bounds = array<i64: 1, 2000, 128>}, {pipeline_mode = #tpu.pipeline_mode<synchronous>, transform_indices = @transform_4, window_bounds = array<i64: 128, 128>}, {transform_indices = @transform_5, window_bounds = array<i64: 2000, 1>}, {pipeline_mode = #tpu.pipeline_mode<synchronous>, transform_indices = @transform_6, window_bounds = array<i64: 1, 128>}, {transform_indices = @transform_7, window_bounds = array<i64: 2000, 128>}]} {
    %get3A = arith.constant 0 : index
    %get3A_0 = arith.constant 0 : index
    %get3A_1 = arith.constant 0 : index
    %get3A_2 = vector.load %arg1[%get3A, %get3A_0, %get3A_1] : memref<1x2000x128xf32, #tpu.memory_space<vmem>>, vector<1x2000x128xf32>
    %get3A_3 = vector.shape_cast %get3A_2 : vector<1x2000x128xf32> to vector<2000x128xf32>
    %get3A_4 = arith.constant 0 : index
    %get3A_5 = arith.constant 0 : index
    %get3A_6 = arith.constant 0 : index
    %get3A_7 = vector.load %arg2[%get3A_4, %get3A_5, %get3A_6] : memref<1x2000x128xf32, #tpu.memory_space<vmem>>, vector<1x2000x128xf32>
    %get3A_8 = vector.shape_cast %get3A_7 : vector<1x2000x128xf32> to vector<2000x128xf32>
    %add3A = arith.addf %get3A_3, %get3A_8 : vector<2000x128xf32>
    %get3A_9 = arith.constant 0 : index
    %get3A_10 = arith.constant 0 : index
    %get3A_11 = vector.load %arg5[%get3A_9, %get3A_10] : memref<128x128xf32, #tpu.memory_space<vmem>>, vector<128x128xf32>
    %dot_general3A = arith.constant dense<0.000000e+00> : vector<2000x128xf32>
    %dot_general3A_12 = tpu.matmul %add3A, %get3A_11, %dot_general3A {dimension_numbers = #tpu.dot_dimension_numbers<[1], [0], [0], [1], [0, 0, 1, 1], [], []>, transpose_lhs_hint = false} : vector<2000x128xf32>, vector<128x128xf32>, vector<2000x128xf32> -> vector<2000x128xf32>
    %get3A_13 = arith.constant 0 : index
    %get3A_14 = arith.constant 0 : index
    %get3A_15 = arith.constant 0 : index
    %get3A_16 = vector.load %arg3[%get3A_13, %get3A_14, %get3A_15] : memref<1x2000x128xf32, #tpu.memory_space<vmem>>, vector<1x2000x128xf32>
    %get3A_17 = vector.shape_cast %get3A_16 : vector<1x2000x128xf32> to vector<2000x128xf32>
    %add3A_18 = arith.addf %dot_general3A_12, %get3A_17 : vector<2000x128xf32>
    %get3A_19 = arith.constant 0 : index
    %get3A_20 = arith.constant 0 : index
    %get3A_21 = arith.constant 0 : index
    %get3A_22 = vector.load %arg4[%get3A_19, %get3A_20, %get3A_21] : memref<1x2000x128xf32, #tpu.memory_space<vmem>>, vector<1x2000x128xf32>
    %get3A_23 = vector.shape_cast %get3A_22 : vector<1x2000x128xf32> to vector<2000x128xf32>
    %add3A_24 = arith.addf %add3A_18, %get3A_23 : vector<2000x128xf32>
    %get3A_25 = arith.constant 0 : index
    %get3A_26 = arith.constant 0 : index
    %get3A_27 = vector.load %arg6[%get3A_25, %get3A_26] : memref<2000x1xf32, #tpu.memory_space<vmem>>, vector<2000x1xf32>
    %max3A = arith.constant 1.000000e+00 : f32
    %max3A_28 = vector.broadcast %max3A : f32 to vector<2000x1xf32>
    %max3A_29 = arith.maximumf %get3A_27, %max3A_28 : vector<2000x1xf32>
    %rsqrt3A = math.rsqrt %max3A_29 : vector<2000x1xf32>
    %mul3A = vector.broadcast %rsqrt3A : vector<2000x1xf32> to vector<2000x128xf32>
    %mul3A_30 = arith.mulf %add3A_24, %mul3A : vector<2000x128xf32>
    %get3A_31 = arith.constant 0 : index
    %get3A_32 = arith.constant 0 : index
    %get3A_33 = vector.load %arg7[%get3A_31, %get3A_32] : memref<1x128xf32, #tpu.memory_space<vmem>>, vector<1x128xf32>
    %add3A_34 = vector.broadcast %get3A_33 : vector<1x128xf32> to vector<2000x128xf32>
    %add3A_35 = arith.addf %mul3A_30, %add3A_34 : vector<2000x128xf32>
    %swap3A = arith.constant 0 : index
    %swap3A_36 = arith.constant 0 : index
    %swap3A_37 = vector.load %arg8[%swap3A, %swap3A_36] : memref<2000x128xf32, #tpu.memory_space<vmem>>, vector<2000x128xf32>
    tpu.vector_store %arg8[%swap3A, %swap3A_36], %add3A_35 {strides = array<i32>} : memref<2000x128xf32, #tpu.memory_space<vmem>>, vector<2000x128xf32>,
    return
  }
  func.func @transform_0(%arg0: i32) -> (i32, i32, i32) {
    %c0_i32 = arith.constant 0 : i32
    %c0_i32_0 = arith.constant 0 : i32
    %c0_i32_1 = arith.constant 0 : i32
    return %c0_i32, %arg0, %c0_i32_0 : i32, i32, i32
  }
  func.func @transform_1(%arg0: i32) -> (i32, i32, i32) {
    %c1_i32 = arith.constant 1 : i32
    %c0_i32 = arith.constant 0 : i32
    %c0_i32_0 = arith.constant 0 : i32
    return %c1_i32, %arg0, %c0_i32 : i32, i32, i32
  }
  func.func @transform_2(%arg0: i32) -> (i32, i32, i32) {
    %c0_i32 = arith.constant 0 : i32
    %c0_i32_0 = arith.constant 0 : i32
    %c0_i32_1 = arith.constant 0 : i32
    return %c0_i32, %arg0, %c0_i32_0 : i32, i32, i32
  }
  func.func @transform_3(%arg0: i32) -> (i32, i32, i32) {
    %c1_i32 = arith.constant 1 : i32
    %c0_i32 = arith.constant 0 : i32
    %c0_i32_0 = arith.constant 0 : i32
    return %c1_i32, %arg0, %c0_i32 : i32, i32, i32
  }
  func.func @transform_4(%arg0: i32) -> (i32, i32) {
    %c0_i32 = arith.constant 0 : i32
    %c0_i32_0 = arith.constant 0 : i32
    %c0_i32_1 = arith.constant 0 : i32
    return %c0_i32, %c0_i32_0 : i32, i32
  }
  func.func @transform_5(%arg0: i32) -> (i32, i32) {
    %c0_i32 = arith.constant 0 : i32
    %c0_i32_0 = arith.constant 0 : i32
    return %arg0, %c0_i32 : i32, i32
  }
  func.func @transform_6(%arg0: i32) -> (i32, i32) {
    %c0_i32 = arith.constant 0 : i32
    %c0_i32_0 = arith.constant 0 : i32
    %c0_i32_1 = arith.constant 0 : i32
    return %c0_i32, %c0_i32_0 : i32, i32
  }
  func.func @transform_7(%arg0: i32) -> (i32, i32) {
    %c0_i32 = arith.constant 0 : i32
    %c0_i32_0 = arith.constant 0 : i32
    return %arg0, %c0_i32 : i32, i32
  }
}

</mosaic_0001>

<sc_bundles>
// kernel: kernel.10.cloned.1.call-start
scs
__scs_entry_jumppad:
0x0: {  	(pc) =	sbr.rel $0x88, $3  }
0x1: {  	(tag) =	ssettag $0x0;
	lr =	simm.s32 $0x1  }
0x2: {  	[smem:$0x3F9C] =	sst lr;
	_ =	strace $0xD0000000  }
0x3: {  	_ = 	snop  }
0x4: {  	_ = 	snop  }
0x5: {  	_ = 	snop  }
0x6: {  	_ = 	snop  }
0x7: {  	_ = 	snop  }
__scs_overlays_trampoline_lowered:
0x8: {  	[smem:$0x3FAB] =	sst s0  }
0x9: {  	[smem:$0x3FAC] =	sst s1  }
0xa: {  	[smem:$0x3FAD] =	sst s2  }
0xb: {  	[smem:$0x3FAE] =	sst s3  }
0xc: {  	[smem:$0x3FAF] =	sst s4  }
0xd: {  	[smem:$0x3FB0] =	sst s5  }
0xe: {  	[smem:$0x3FB1] =	sst s6  }
0xf: {  	[smem:$0x3FB2] =	sst s7  }
0x10: {  	[smem:$0x3FB3] =	sst s8  }
0x11: {  	[smem:$0x3FB4] =	sst s9;
	s0 =	simm.s32 @!p0 $0x0  }
0x12: {  	s1 =	sld [smem:$0x3F9A];
	s0 =	simm.s32 @p0 $0x1  }
0x13: {  	[smem:$0x3FB5] =	sst s0;
	s0 =	simm.s32 @!p1 $0x0  }
0x14: {  	s2 =	sld [smem:$0x3F99];
	s0 =	simm.s32 @p1 $0x1  }
0x15: {  	[smem:$0x3FB6] =	sst s0;
	s0 =	simm.s32 @!p2 $0x0  }
0x16: {  	s3 =	sld [smem:$0x3FDB];
	s0 =	simm.s32 @p2 $0x1  }
0x17: {  	s4 =	simm.s32 $0x1BF5;
	[smem:$0x3FB8] =	sst s0  }
0x18: {  	s0 =	sld [smem:$0x3F9B];
	_ =	swait.ge [sflag:s4], $0x0  }
0x19: {  	s7 =	sld [smem:$0x3F9C]  }
0x1a: {  	s8 =	sadd.s32 $0xFFFFE003, lr  }
0x1b: {  	s9 =	sadd.s32 $0xFFFFFEF7, lr;
	s5 =	simm.s32 $0xFFFFFFFF;
	p2 =	slt.u32 s8, $0xFFFFF086  }
0x1c: {  	p1 =	slt.u32 s9, $0xF7A;
	s5 =	simm.s32 @!p2 $0x0  }
0x1d: {  	s5 =	simm.s32 @p1 $0x1;
	p0 =	seq.s32 s7, s2  }
0x1e: {  	s7 =	smul.u32 @!p0 $0xF7A, s2;
	p2 =	seq.s32 @!p0 s5, $0x0  }
0x1f: {  	s9 =	smul.u32 $0xF7A, s1;
	s8 =	simm.s32 @!p0 $0x1BF5;
	p2 =	por !p2, p0  }
0x20: {  	[sflag:s8] =	ssyncset.s32 @!p0 $0xFFFFF086;
	s6 =	sadd.s32 @!p0 s3, s7;
	s7 =	simm.s32 @!p0 $0x108  }
0x21: {  	s3 =	sadd.s32 s3, s9;
	s6 =	sadd.s32 @!p0 $0x88, s6;
	s7 =	simm.s32 @p2 $0x1082  }
0x22: {  	[simem:s7], [sflag:s8] =	dma.local @!p0 [hbm:s6], $0xF7A  }
0x23: {  	s9 =	sor.u32 $0xD0000000, s2;
	s6 =	simm.s32 $0x108;
	_ =	swait.ge @!p0 [sflag:s8], $0x0  }
0x24: {  	s3 =	sadd.s32 $0x88, s3;
	s6 =	simm.s32 @!p1 $0x1082;
	[sflag:s4] =	ssyncset.s32 $0xFFFFF086  }
0x25: {  	[simem:s6], [sflag:s4] =	dma.local [hbm:s3], $0xF7A  }
0x26: {  	[smem:$0x3F9C] =	sst s1;
	(tag) =	ssettag s2;
	_ =	strace s9  }
0x27: {  	s1 =	sld [smem:$0x3FAC]  }
0x28: {  	s2 =	sld [smem:$0x3FAD]  }
0x29: {  	s4 =	sld [smem:$0x3FAF]  }
0x2a: {  	p0 =	seq.s32 s5, $0x0;
	s5 =	sld [smem:$0x3FB0]  }
0x2b: {  	s6 =	sld [smem:$0x3FB1]  }
0x2c: {  	s7 =	sld [smem:$0x3FB2]  }
0x2d: {  	s3 =	simm.s32 $0x108;
	s8 =	sld [smem:$0x3FB3]  }
0x2e: {  	s3 =	simm.s32 @!p0 $0x1082;
	s9 =	sld [smem:$0x3FB4]  }
0x2f: {  	lr =	sadd.s32 s0, s3;
	s0 =	sld [smem:$0x3FAB]  }
0x30: {  	s3 =	sld [smem:$0x3FAE]  }
0x31: {  	[smem:$0x3FB7] =	sst s10  }
0x32: {  	s10 =	sld [smem:$0x3FB5];
	_ =	sdelay $0x3  }
0x33: {  	p0 =	seq.s32 s10, $0x1;
	s10 =	sld [smem:$0x3FB7];
	_ =	sdelay $0x3  }
0x34: {  	[smem:$0x3FB7] =	sst s10  }
0x35: {  	s10 =	sld [smem:$0x3FB6];
	_ =	sdelay $0x3  }
0x36: {  	p1 =	seq.s32 s10, $0x1;
	s10 =	sld [smem:$0x3FB7];
	_ =	sdelay $0x3  }
0x37: {  	[smem:$0x3FB7] =	sst s10  }
0x38: {  	s10 =	sld [smem:$0x3FB8]  }
0x39: {  	_ = 	snop;
	(pc) =	sbr.ind lr, $3  }
0x3a: {  	_ = 	snop  }
0x3b: {  	_ = 	snop  }
0x3c: {  	p2 =	seq.s32 s10, $0x1;
	s10 =	sld [smem:$0x3FB7]  }
0x3d: {  	_ =	shalt  }
0x3e: {  	_ =	shalt  }
0x3f: {  	_ =	shalt  }
0x40: {  	_ =	shalt  }
0x41: {  	_ =	shalt  }
0x42: {  	_ =	shalt  }
0x43: {  	_ =	shalt  }
0x44: {  	_ =	shalt  }
0x45: {  	_ =	shalt  }
0x46: {  	_ =	shalt  }
0x47: {  	_ =	shalt  }
0x48: {  	_ =	shalt  }
0x49: {  	_ =	shalt  }
0x4a: {  	_ =	shalt  }
0x4b: {  	_ =	shalt  }
0x4c: {  	_ =	shalt  }
0x4d: {  	_ =	shalt  }
0x4e: {  	_ =	shalt  }
0x4f: {  	_ =	shalt  }
0x50: {  	_ =	shalt  }
0x51: {  	_ =	shalt  }
0x52: {  	_ =	shalt  }
0x53: {  	_ =	shalt  }
0x54: {  	_ =	shalt  }
0x55: {  	_ =	shalt  }
0x56: {  	_ =	shalt  }
0x57: {  	_ =	shalt  }
0x58: {  	_ =	shalt  }
0x59: {  	_ =	shalt  }
0x5a: {  	_ =	shalt  }
0x5b: {  	_ =	shalt  }
0x5c: {  	_ =	shalt  }
0x5d: {  	_ =	shalt  }
0x5e: {  	_ =	shalt  }
0x5f: {  	_ =	shalt  }
0x60: {  	_ =	shalt  }
0x61: {  	_ =	shalt  }
0x62: {  	_ =	shalt  }
0x63: {  	_ =	shalt  }
0x64: {  	_ =	shalt  }
0x65: {  	_ =	shalt  }
0x66: {  	_ =	shalt  }
0x67: {  	_ =	shalt  }
0x68: {  	_ =	shalt  }
0x69: {  	_ =	shalt  }
0x6a: {  	_ =	shalt  }
0x6b: {  	_ =	shalt  }
0x6c: {  	_ =	shalt  }
0x6d: {  	_ =	shalt  }
0x6e: {  	_ =	shalt  }
0x6f: {  	_ =	shalt  }
0x70: {  	_ =	shalt  }
0x71: {  	_ =	shalt  }
0x72: {  	_ =	shalt  }
0x73: {  	_ =	shalt  }
0x74: {  	_ =	shalt  }
0x75: {  	_ =	shalt  }
0x76: {  	_ =	shalt  }
0x77: {  	_ =	shalt  }
0x78: {  	_ =	shalt  }
0x79: {  	_ =	shalt  }
0x7a: {  	_ =	shalt  }
0x7b: {  	_ =	shalt  }
0x7c: {  	_ =	shalt  }
0x7d: {  	_ =	shalt  }
0x7e: {  	_ =	shalt  }
0x7f: {  	_ =	shalt  }
0x80: {  	_ =	shalt  }
0x81: {  	_ =	shalt  }
0x82: {  	_ =	shalt  }
0x83: {  	_ =	shalt  }
0x84: {  	_ =	shalt  }
0x85: {  	_ =	shalt  }
0x86: {  	_ =	shalt  }
0x87: {  	_ =	shalt  }
.Lfunc_end0:
.L_simem_size_0:
called_computation.1_lowered:
.L_overlay_start_0:
0x88: {  	s2 =	sld [smem:$0x3FD9]  }
0x89: {  	s3 =	sld [smem:$0x3FFE];
	_ =	sdelay $0x1  }
0x8a: {  	s1 =	srdreg.scid  }
0x8b: {  	s0 =	sand.u32 $0x1, s1  }
0x8c: {  	s17 =	sshll.u32 s0, $0xA;
	s2 =	sadd.s32 s3, s2  }
0x8d: {  	s2 =	sadd.s32 s2, s17  }
0x8e: {  	[smem:$0x3FC3] =	sst s2  }
0x8f: {  	_ = 	snop  }
0x90: {  	s2 =	sld [smem:$0x3FD0];
	(tm) =	ssettm $0x1  }
0x91: {  	s18 =	sld [smem:$0x3FFB];
	_ =	sdelay $0x3  }
0x92: {  	_ =	strace s18  }
0x93: {  	s3 =	sld [smem:$0x3FFC];
	_ =	sdelay $0x3  }
0x94: {  	_ =	strace s3  }
0x95: {  	s3 =	sld [smem:$0x3FFD];
	_ =	sdelay $0x3  }
0x96: {  	_ =	strace s3  }
0x97: {  	_ =	strace $0x8FFFFFFF  }
0x98: {  	s19 =	sld [smem:$0x3FDB];
	_ =	sdelay $0x1  }
0x99: {  	s4 =	simm.s32 $_scs_section_size  }
0x9a: {  	s5 =	simm.s32 $_size__tile_overlayer_lowered;
	s6 =	simm.s32 $_tile_overlayer_lowered  }
0x9b: {  	s22 =	simm.s32 $0x1BFF;
	s21 =	sshll.u32 s6, $0x1;
	s3 =	sadd.s32 s4, s19  }
0x9c: {  	s7 =	simm.s32 $0x0;
	s20 =	sshll.u32 s5, $0x1;
	s5 =	sadd.s32 s21, s3  }
0x9d: {  	[timem:s7], [sflag:s22] =	dma.local [hbm:s5], s20  }
0x9e: {  	_ =	swait.ge [sflag:s22], s20  }
0x9f: {  	s4 =	ssub.s32 $0x0, s20;
	[sflag:s22] =	ssyncset.done $0x0  }
0xa0: {  	[sflag:s22] =	ssyncadd.s32 s4;
	_ =	sdelay $0x1  }
0xa1: {  	s23 =	simm.s32 $0x1B8B  }
0xa2: {  	_ =	swait.ge [sflag:s23], $0x1  }
0xa3: {  	[sflag:s23] =	ssyncset.done $0x0  }
0xa4: {  	s25 =	simm.s32 $0x1B8E;
	s24 =	sld [smem:$0x3FFE];
	[sflag:s23] =	ssyncadd.s32 $0xFFFFFFFF  }
0xa5: {  	s26 =	simm.s32 $execute0_lowered;
	[smem:$0x3FD2] =	sst s25  }
0xa6: {  	s5 =	sshll.u32 s26, $0x1;
	_ =	strace $0x80000049;
	[dreg:$0x1] =	wrdreg $0xFFFFFFFF  }
0xa7: {  	s28 =	simm.s32 $_size_execute0_lowered;
	s3 =	sadd.s32 s3, s5;
	[dreg:$0x0] =	wrdreg $0x0  }
0xa8: {  	s5 =	sshll.u32 s28, $0x1;
	[dreg:$0x2] =	wrdreg s3  }
0xa9: {  	[dreg:$0x3] =	wrdreg s5  }
0xaa: {  	[dreg:$0x4] =	wrdreg $0xC0  }
0xab: {  	_ =	task [dreg:s7], $0x5FFFF  }
0xac: {  	[dreg:$0x1] =	wrdreg $0xFFFFFFFF  }
0xad: {  	[dreg:$0x0] =	wrdreg $0x60  }
0xae: {  	[dreg:$0x2] =	wrdreg s24  }
0xaf: {  	[dreg:$0x3] =	wrdreg s2  }
0xb0: {  	[dreg:$0x4] =	wrdreg $0xA8000  }
0xb1: {  	[dreg:$0x5] =	wrdreg $0x9  }
0xb2: {  	_ =	task.clear_ibuf [dreg:s7], $0x6FFFF;
	_ =	strace $0x90000049  }
0xb3: {  	s29 =	simm.s32 $0x9;
	_ =	strace $0x8000004B  }
0xb4: {  	_ =	swait.ge [sflag:s29], $0x1  }
0xb5: {  	[sflag:s29] =	ssyncadd.s32 $0xFFFFFFFF  }
0xb6: {  	_ =	strace $0x9000004B  }
0xb7: {  	_ =	sfence  }
0xb8: {  	s30 =	sld [smem:$0x0];
	_ =	sdelay $0x2  }
0xb9: {  	s31 =	sshll.u32 s1, $0xD;
	s1 =	sshrl.u32 s1, $0x2  }
0xba: {  	s3 =	sand.u32 $0x4000, s31;
	s1 =	sadd.s32 s1, s30  }
0xbb: {  	s0 =	sor.u32 s3, s0;
	s1 =	sshll.u32 s1, $0x11  }
0xbc: {  	s0 =	sor.u32 s1, s0  }
0xbd: {  	s0 =	sadd.s32 $0x8F2B, s0  }
0xbe: {  	[sflag:s0] =	ssyncadd.remote.s32 $0x1  }
0xbf: {  	_ =	sfence.sel $0xFFFF  }
0xc0: {  	[dreg:$0x0] =	wrdreg $0xFFFFFFFF;
	(pc) =	sbr.abs _section_cstart, $3  }
0xc1: {  	[dreg:$0x1] =	wrdreg $0xFFFFFFFF  }
0xc2: {  	_ =	task.clear_ibuf [dreg:s7], $0x2FFFF;
	_ =	strace $0x9FFFFFFF  }
0xc3: {  	(tm) =	ssettm $0x7FFFFFFF  }
tec
execute0_lowered:
.L_overlay_start_1:
0x0: {  	(tag) =	ssettag $0x1  }
0x1: {  	s12 =	rddreg [dreg:$0x0]  }
0x2: {  	s10 =	rddreg [dreg:$0x1]  }
0x3: {  	s1 =	rddreg [dreg:$0x2]  }
0x4: {  	s0 =	rddreg [dreg:$0x3];
	s2 =	simm.s32 $0x0  }
0x5: {  	s6 =	srdreg.scid;
	s3 =	stileid.u32;
	s18 =	simm.s32 $0x6800  }
0x6: {  	s19 =	simm.s32 $0x1;
	s20 =	simm.s32 $0x2;
	s21 =	simm.s32 $0x3  }
0x7: {  	s22 =	simm.s32 $0x100;
	s23 =	simm.s32 $0x1480;
	[smem:$0x7FF] =	sst s2  }
0x8: {  	s4 =	sadd.s32 $0x5F000, s12;
	s9 =	sadd.s32 $0x1800, s12;
	s24 =	smul.u32 $0x2800, s3  }
0x9: {  	s5 =	sadd.s32 $0xB800, s12;
	s11 =	sand.u32 $0x1, s6;
	s13 =	smul.u32 $0x50000, s3  }
0xa: {  	s30 =	sshll.u32 s3, $0x6;
	s25 =	sadd.s32 $0xAF000, s12;
	_ =	strace $0x8000004A  }
0xb: {  	s6 =	ssub.s32 $0x2, s11;
	s7 =	sshll.u32 s11, $0x4;
	p0 =	seq.s32 s11, $0x1  }
0xc: {  	s8 =	sshrl.u32 s6, $0x1;
	s7 =	sor.u32 s3, s7;
	s14 =	sadd.s32 s24, s12  }
0xd: {  	s29 =	sshrl.u32 s13, $0x2;
	s25 =	sadd.s32 @p0 s24, s25;
	s28 =	smul.u32 $0x2800, s7  }
0xe: {  	s24 =	simm.s32 $0x4;
	s15 =	ssub.s32 s6, s8;
	s16 =	smul.u32 $0x500, s7  }
0xf: {  	s17 =	sadd.s32 s29, s1;
	s6 =	sor.u32 $0x1C05, s30;
	s11 =	sadd.s32 $0x87000, s14  }
.Ltmp0:
0x10: {  	s14 =	simm.s32 $0x5;
	s12 =	smax.u32 s15, $0x1;
	(pc) =	sbr.rel .LBB2_1-.Ltmp0, $4  }
0x11: {  	s15 =	simm.s32 $0x1400;
	s11 =	smov.u32 @p0 s25;
	s31 =	sshrl.u32 s28, $0x3  }
0x12: {  	s25 =	simm.s32 $0x0;
	s7 =	sadd.s32 s9, s16;
	s13 =	sadd.s32 $0x280, s31  }
0x13: {  	s8 =	sadd.s32 s10, s16;
	s16 =	simm.s32 $0x80;
	s9 =	sadd.s32 s9, s13  }
0x14: {  	s10 =	sadd.s32 s10, s13;
	s13 =	sshrl.u32 s17, $0x3;
	s17 =	simm.s32 $0x2800  }
.LBB2_7:
0x15: {  	[spmem:s1] =	stream.indirect.scatter.add.f32 [tilespmem:s18], [sflag:$0x4], $0x80, s29, s16, $0xb8;
	[tilespmem:$0x1E800] =	vst v63  }
0x16: {  	_ =	swait.ge [sflag:s24], $0x4000  }
0x17: {  	s25 =	sadd.s32 $0x1, s25;
	[sflag:s24] =	ssyncset.done $0x0  }
0x18: {  	p0 =	sne.s32 s25, s12;
	[sflag:s24] =	ssyncadd.s32 $0xFFFFC000  }
.Ltmp1:
0x19: {  	[bflag:$0x0] =	sbarrier.arrive $0xFFFF;
	(pc) =	sbr.rel @!p0 .LBB2_8-.Ltmp1, $4  }
0x1a: {  	[hbm:s11], [sflag:s6] =	dma.local [spmem:s13], $0x2800  }
0x1b: {  	_ =	swait.ge [sflag:s14], $0x2800  }
0x1c: {  	[sflag:s14] =	ssyncset.done $0x0  }
0x1d: {  	[sflag:s14] =	ssyncadd.s32 $0xFFFFD800  }
.LBB2_1:
0x1e: {  	[spmem:s13], [sflag:s6] =	dma.local [hbm:s5], $0x2800  }
0x1f: {  	_ =	swait.ge [sflag:s14], $0x2800  }
0x20: {  	[sflag:s14] =	ssyncset.done $0x0  }
0x21: {  	[sflag:s14] =	ssyncadd.s32 $0xFFFFD800  }
0x22: {  	[bflag:$0x0] =	sbarrier.arrive $0xFFFF  }
0x23: {  	[tilespmem:s2], [sflag:$0x5] =	stream.linear.gather [hbm4b:s7+s2], $0x1400, $0x38;
	[tilespmem:$0x1E800] =	vst v63  }
0x24: {  	_ =	swait.ge [sflag:s14], $0x1400  }
0x25: {  	[sflag:s14] =	ssyncset.done $0x0  }
0x26: {  	[sflag:s14] =	ssyncadd.s32 $0xFFFFEC00  }
0x27: {  	[tilespmem:s15], [sflag:$0x5] =	stream.linear.gather [hbm4b:s8+s2], $0x1400, $0x38;
	[tilespmem:$0x1E800] =	vst v63  }
0x28: {  	_ =	swait.ge [sflag:s14], $0x1400  }
0x29: {  	[sflag:s14] =	ssyncset.done $0x0  }
0x2a: {  	[sflag:s14] =	ssyncadd.s32 $0xFFFFEC00  }
0x2b: {  	[tilespmem:s17], [sflag:$0x1] =	stream.indirect.gather [hbm4b:s4+s16], $0x80, s2, s16, $0xb8;
	[tilespmem:$0x1E800] =	vst v63  }
0x2c: {  	_ = 	snop  }
0x2d: {  	[tilespmem:s18], [sflag:$0x2] =	stream.indirect.gather [hbm4b:s4+s16], $0x80, s16, s16, $0xb8;
	[tilespmem:$0x1E800] =	vst v63  }
0x2e: {  	_ =	swait.ge [sflag:s19], $0x4000  }
0x2f: {  	[sflag:s19] =	ssyncset.done $0x0  }
0x30: {  	[sflag:s19] =	ssyncadd.s32 $0xFFFFC000  }
0x31: {  	[spmem:s1] =	stream.indirect.scatter.add.f32 [tilespmem:s17], [sflag:$0x3], $0x80, s15, s16, $0xb8;
	[tilespmem:$0x1E800] =	vst v63  }
0x32: {  	_ =	swait.ge [sflag:s20], $0x4000  }
0x33: {  	[sflag:s20] =	ssyncset.done $0x0  }
0x34: {  	[sflag:s20] =	ssyncadd.s32 $0xFFFFC000  }
0x35: {  	_ =	swait.ge [sflag:s21], $0x4000  }
0x36: {  	[sflag:s21] =	ssyncset.done $0x0  }
0x37: {  	[sflag:s21] =	ssyncadd.s32 $0xFFFFC000  }
0x38: {  	[tilespmem:s17], [sflag:$0x1] =	stream.indirect.gather [hbm4b:s4+s16], $0x80, s22, s16, $0xb8;
	[tilespmem:$0x1E800] =	vst v63  }
0x39: {  	s26 =	simm.s32 $0xFFFFB800  }
0x3a: {  	[spmem:s1] =	stream.indirect.scatter.add.f32 [tilespmem:s18], [sflag:$0x4], $0x80, s23, s16, $0xb8;
	[tilespmem:$0x1E800] =	vst v63  }
.LBB2_2:
0x3b: {  	_ =	swait.ge [sflag:s24], $0x4000  }
0x3c: {  	s28 =	sshra.s32 s26, $0x2;
	[sflag:s24] =	ssyncset.done $0x0  }
0x3d: {  	s29 =	sadd.s32 $0x1380, s28;
	[sflag:s24] =	ssyncadd.s32 $0xFFFFC000  }
0x3e: {  	[tilespmem:s18], [sflag:$0x2] =	stream.indirect.gather [hbm4b:s4+s16], $0x80, s29, s16, $0xb8;
	[tilespmem:$0x1E800] =	vst v63  }
0x3f: {  	_ =	swait.ge [sflag:s19], $0x4000  }
0x40: {  	[sflag:s19] =	ssyncset.done $0x0  }
0x41: {  	s29 =	sadd.s32 $0x2700, s28;
	[sflag:s19] =	ssyncadd.s32 $0xFFFFC000  }
0x42: {  	[spmem:s1] =	stream.indirect.scatter.add.f32 [tilespmem:s17], [sflag:$0x3], $0x80, s29, s16, $0xb8;
	[tilespmem:$0x1E800] =	vst v63  }
0x43: {  	p0 =	seq.s32 s26, $0x0;
	_ =	swait.ge [sflag:s20], $0x4000  }
.Ltmp2:
0x44: {  	[sflag:s20] =	ssyncset.done $0x0;
	(pc) =	sbr.rel @p0 .LBB2_4-.Ltmp2, $4  }
0x45: {  	[sflag:s20] =	ssyncadd.s32 $0xFFFFC000  }
0x46: {  	_ =	swait.ge [sflag:s21], $0x4000  }
0x47: {  	[sflag:s21] =	ssyncset.done $0x0  }
0x48: {  	s29 =	sadd.s32 $0x2780, s28;
	[sflag:s21] =	ssyncadd.s32 $0xFFFFC000  }
.Ltmp3:
0x49: {  	(pc) =	sbr.rel .LBB2_2-.Ltmp3, $4  }
0x4a: {  	s28 =	sadd.s32 $0x1400, s28  }
0x4b: {  	[tilespmem:s17], [sflag:$0x1] =	stream.indirect.gather [hbm4b:s4+s16], $0x80, s28, s16, $0xb8;
	[tilespmem:$0x1E800] =	vst v63  }
0x4c: {  	s26 =	sadd.s32 $0x400, s26  }
0x4d: {  	[spmem:s1] =	stream.indirect.scatter.add.f32 [tilespmem:s18], [sflag:$0x4], $0x80, s29, s16, $0xb8;
	[tilespmem:$0x1E800] =	vst v63  }
.LBB2_4:
0x4e: {  	[spmem:s1] =	stream.indirect.scatter.add.f32 [tilespmem:s18], [sflag:$0x4], $0x80, s29, s16, $0xb8;
	[tilespmem:$0x1E800] =	vst v63  }
0x4f: {  	_ =	swait.ge [sflag:s24], $0x4000  }
0x50: {  	[sflag:s24] =	ssyncset.done $0x0  }
0x51: {  	[sflag:s24] =	ssyncadd.s32 $0xFFFFC000  }
0x52: {  	[tilespmem:s2], [sflag:$0x5] =	stream.linear.gather [hbm4b:s9+s2], $0x1400, $0x38;
	[tilespmem:$0x1E800] =	vst v63  }
0x53: {  	_ =	swait.ge [sflag:s14], $0x1400  }
0x54: {  	[sflag:s14] =	ssyncset.done $0x0  }
0x55: {  	[sflag:s14] =	ssyncadd.s32 $0xFFFFEC00  }
0x56: {  	[tilespmem:s15], [sflag:$0x5] =	stream.linear.gather [hbm4b:s10+s2], $0x1400, $0x38;
	[tilespmem:$0x1E800] =	vst v63  }
0x57: {  	_ =	swait.ge [sflag:s14], $0x1400  }
0x58: {  	[sflag:s14] =	ssyncset.done $0x0  }
0x59: {  	[sflag:s14] =	ssyncadd.s32 $0xFFFFEC00  }
0x5a: {  	[tilespmem:s17], [sflag:$0x1] =	stream.indirect.gather [hbm4b:s4+s16], $0x80, s2, s16, $0xb8;
	[tilespmem:$0x1E800] =	vst v63  }
0x5b: {  	_ = 	snop  }
0x5c: {  	[tilespmem:s18], [sflag:$0x2] =	stream.indirect.gather [hbm4b:s4+s16], $0x80, s16, s16, $0xb8;
	[tilespmem:$0x1E800] =	vst v63  }
0x5d: {  	_ =	swait.ge [sflag:s19], $0x4000  }
0x5e: {  	[sflag:s19] =	ssyncset.done $0x0  }
0x5f: {  	[sflag:s19] =	ssyncadd.s32 $0xFFFFC000  }
0x60: {  	[spmem:s1] =	stream.indirect.scatter.add.f32 [tilespmem:s17], [sflag:$0x3], $0x80, s15, s16, $0xb8;
	[tilespmem:$0x1E800] =	vst v63  }
0x61: {  	_ =	swait.ge [sflag:s20], $0x4000  }
0x62: {  	[sflag:s20] =	ssyncset.done $0x0  }
0x63: {  	[sflag:s20] =	ssyncadd.s32 $0xFFFFC000  }
0x64: {  	_ =	swait.ge [sflag:s21], $0x4000  }
0x65: {  	[sflag:s21] =	ssyncset.done $0x0  }
0x66: {  	[sflag:s21] =	ssyncadd.s32 $0xFFFFC000  }
0x67: {  	[tilespmem:s17], [sflag:$0x1] =	stream.indirect.gather [hbm4b:s4+s16], $0x80, s22, s16, $0xb8;
	[tilespmem:$0x1E800] =	vst v63  }
0x68: {  	s26 =	simm.s32 $0xFFFFB800  }
0x69: {  	[spmem:s1] =	stream.indirect.scatter.add.f32 [tilespmem:s18], [sflag:$0x4], $0x80, s23, s16, $0xb8;
	[tilespmem:$0x1E800] =	vst v63  }
.LBB2_5:
0x6a: {  	_ =	swait.ge [sflag:s24], $0x4000  }
0x6b: {  	s28 =	sshra.s32 s26, $0x2;
	[sflag:s24] =	ssyncset.done $0x0  }
0x6c: {  	s29 =	sadd.s32 $0x1380, s28;
	[sflag:s24] =	ssyncadd.s32 $0xFFFFC000  }
0x6d: {  	[tilespmem:s18], [sflag:$0x2] =	stream.indirect.gather [hbm4b:s4+s16], $0x80, s29, s16, $0xb8;
	[tilespmem:$0x1E800] =	vst v63  }
0x6e: {  	_ =	swait.ge [sflag:s19], $0x4000  }
0x6f: {  	[sflag:s19] =	ssyncset.done $0x0  }
0x70: {  	s29 =	sadd.s32 $0x2700, s28;
	[sflag:s19] =	ssyncadd.s32 $0xFFFFC000  }
0x71: {  	[spmem:s1] =	stream.indirect.scatter.add.f32 [tilespmem:s17], [sflag:$0x3], $0x80, s29, s16, $0xb8;
	[tilespmem:$0x1E800] =	vst v63  }
0x72: {  	p0 =	seq.s32 s26, $0x0;
	_ =	swait.ge [sflag:s20], $0x4000  }
.Ltmp4:
0x73: {  	[sflag:s20] =	ssyncset.done $0x0;
	(pc) =	sbr.rel @p0 .LBB2_7-.Ltmp4, $4  }
0x74: {  	[sflag:s20] =	ssyncadd.s32 $0xFFFFC000  }
0x75: {  	_ =	swait.ge [sflag:s21], $0x4000  }
0x76: {  	[sflag:s21] =	ssyncset.done $0x0  }
0x77: {  	s29 =	sadd.s32 $0x2780, s28;
	[sflag:s21] =	ssyncadd.s32 $0xFFFFC000  }
.Ltmp5:
0x78: {  	(pc) =	sbr.rel .LBB2_5-.Ltmp5, $4  }
0x79: {  	s28 =	sadd.s32 $0x1400, s28  }
0x7a: {  	[tilespmem:s17], [sflag:$0x1] =	stream.indirect.gather [hbm4b:s4+s16], $0x80, s28, s16, $0xb8;
	[tilespmem:$0x1E800] =	vst v63  }
0x7b: {  	s26 =	sadd.s32 $0x400, s26  }
0x7c: {  	[spmem:s1] =	stream.indirect.scatter.add.f32 [tilespmem:s18], [sflag:$0x4], $0x80, s29, s16, $0xb8;
	[tilespmem:$0x1E800] =	vst v63  }
.LBB2_8:
0x7d: {  	_ =	sfence.sel $0x180000  }
0x7e: {  	[bflag:$0x0] =	sbarrier.arrive $0xFFFF  }
0x7f: {  	p0 =	sne.s32 s3, $0x0;
	_ =	strace $0x9000004A  }
0x80: {  	s0 =	sadd.s32 @!p0 $0x100000, s0;
	[bflag:$0x2] =	sbarrier.arrive $0xFFFF  }
0x81: {  	[sflag:s0] =	ssyncadd.tile.s32 @!p0 $0x1;
	_ =	shalt  }
.Lfunc_end2:
_tile_overlayer_lowered:
.L_overlay_start_2:
0x82: {  	(tag) =	ssettag $0x2  }
0x83: {  	s0 =	rddreg [dreg:$0x0];
	s2 =	stileid.u32  }
0x84: {  	s1 =	rddreg [dreg:$0x1];
	p0 =	sne.s32 s2, $0x0  }
0x85: {  	s3 =	rddreg [dreg:$0x2];
	[bflag:$0x3] =	sbarrier.arrive $0xFFFF;
	s2 =	simm.s32 @!p0 $0x1C05  }
0x86: {  	[timem:s3], [sflag:s2] =	dma.local @!p0 [hbm:s0], s1  }
0x87: {  	s0 =	simm.s32 @!p0 $0x5  }
0x88: {  	_ =	swait.ge @!p0 [sflag:s0], s1  }
0x89: {  	s1 =	ssub.s32 @!p0 $0x0, s1;
	[sflag:s0] =	ssyncset.done @!p0 $0x0  }
0x8a: {  	[sflag:s0] =	ssyncadd.s32 @!p0 s1  }
0x8b: {  	[bflag:$0x3] =	sbarrier.arrive $0xFFFF  }
0x8c: {  	_ =	shalt  }

// kernel: kernel.7.cloned.1.call-start
scs
__scs_entry_jumppad:
0x0: {  	(pc) =	sbr.rel $0x88, $3  }
0x1: {  	(tag) =	ssettag $0x0;
	lr =	simm.s32 $0x1  }
0x2: {  	[smem:$0x3F9C] =	sst lr;
	_ =	strace $0xD0000000  }
0x3: {  	_ = 	snop  }
0x4: {  	_ = 	snop  }
0x5: {  	_ = 	snop  }
0x6: {  	_ = 	snop  }
0x7: {  	_ = 	snop  }
__scs_overlays_trampoline_lowered:
0x8: {  	[smem:$0x3FAB] =	sst s0  }
0x9: {  	[smem:$0x3FAC] =	sst s1  }
0xa: {  	[smem:$0x3FAD] =	sst s2  }
0xb: {  	[smem:$0x3FAE] =	sst s3  }
0xc: {  	[smem:$0x3FAF] =	sst s4  }
0xd: {  	[smem:$0x3FB0] =	sst s5  }
0xe: {  	[smem:$0x3FB1] =	sst s6  }
0xf: {  	[smem:$0x3FB2] =	sst s7  }
0x10: {  	[smem:$0x3FB3] =	sst s8  }
0x11: {  	[smem:$0x3FB4] =	sst s9;
	s0 =	simm.s32 @!p0 $0x0  }
0x12: {  	s1 =	sld [smem:$0x3F9A];
	s0 =	simm.s32 @p0 $0x1  }
0x13: {  	[smem:$0x3FB5] =	sst s0;
	s0 =	simm.s32 @!p1 $0x0  }
0x14: {  	s2 =	sld [smem:$0x3F99];
	s0 =	simm.s32 @p1 $0x1  }
0x15: {  	[smem:$0x3FB6] =	sst s0;
	s0 =	simm.s32 @!p2 $0x0  }
0x16: {  	s3 =	sld [smem:$0x3FDB];
	s0 =	simm.s32 @p2 $0x1  }
0x17: {  	s4 =	simm.s32 $0x1BF5;
	[smem:$0x3FB8] =	sst s0  }
0x18: {  	s0 =	sld [smem:$0x3F9B];
	_ =	swait.ge [sflag:s4], $0x0  }
0x19: {  	s7 =	sld [smem:$0x3F9C]  }
0x1a: {  	s8 =	sadd.s32 $0xFFFFE003, lr  }
0x1b: {  	s9 =	sadd.s32 $0xFFFFFEF7, lr;
	s5 =	simm.s32 $0xFFFFFFFF;
	p2 =	slt.u32 s8, $0xFFFFF086  }
0x1c: {  	p1 =	slt.u32 s9, $0xF7A;
	s5 =	simm.s32 @!p2 $0x0  }
0x1d: {  	s5 =	simm.s32 @p1 $0x1;
	p0 =	seq.s32 s7, s2  }
0x1e: {  	s7 =	smul.u32 @!p0 $0xF7A, s2;
	p2 =	seq.s32 @!p0 s5, $0x0  }
0x1f: {  	s9 =	smul.u32 $0xF7A, s1;
	s8 =	simm.s32 @!p0 $0x1BF5;
	p2 =	por !p2, p0  }
0x20: {  	[sflag:s8] =	ssyncset.s32 @!p0 $0xFFFFF086;
	s6 =	sadd.s32 @!p0 s3, s7;
	s7 =	simm.s32 @!p0 $0x108  }
0x21: {  	s3 =	sadd.s32 s3, s9;
	s6 =	sadd.s32 @!p0 $0x88, s6;
	s7 =	simm.s32 @p2 $0x1082  }
0x22: {  	[simem:s7], [sflag:s8] =	dma.local @!p0 [hbm:s6], $0xF7A  }
0x23: {  	s9 =	sor.u32 $0xD0000000, s2;
	s6 =	simm.s32 $0x108;
	_ =	swait.ge @!p0 [sflag:s8], $0x0  }
0x24: {  	s3 =	sadd.s32 $0x88, s3;
	s6 =	simm.s32 @!p1 $0x1082;
	[sflag:s4] =	ssyncset.s32 $0xFFFFF086  }
0x25: {  	[simem:s6], [sflag:s4] =	dma.local [hbm:s3], $0xF7A  }
0x26: {  	[smem:$0x3F9C] =	sst s1;
	(tag) =	ssettag s2;
	_ =	strace s9  }
0x27: {  	s1 =	sld [smem:$0x3FAC]  }
0x28: {  	s2 =	sld [smem:$0x3FAD]  }
0x29: {  	s4 =	sld [smem:$0x3FAF]  }
0x2a: {  	p0 =	seq.s32 s5, $0x0;
	s5 =	sld [smem:$0x3FB0]  }
0x2b: {  	s6 =	sld [smem:$0x3FB1]  }
0x2c: {  	s7 =	sld [smem:$0x3FB2]  }
0x2d: {  	s3 =	simm.s32 $0x108;
	s8 =	sld [smem:$0x3FB3]  }
0x2e: {  	s3 =	simm.s32 @!p0 $0x1082;
	s9 =	sld [smem:$0x3FB4]  }
0x2f: {  	lr =	sadd.s32 s0, s3;
	s0 =	sld [smem:$0x3FAB]  }
0x30: {  	s3 =	sld [smem:$0x3FAE]  }
0x31: {  	[smem:$0x3FB7] =	sst s10  }
0x32: {  	s10 =	sld [smem:$0x3FB5];
	_ =	sdelay $0x3  }
0x33: {  	p0 =	seq.s32 s10, $0x1;
	s10 =	sld [smem:$0x3FB7];
	_ =	sdelay $0x3  }
0x34: {  	[smem:$0x3FB7] =	sst s10  }
0x35: {  	s10 =	sld [smem:$0x3FB6];
	_ =	sdelay $0x3  }
0x36: {  	p1 =	seq.s32 s10, $0x1;
	s10 =	sld [smem:$0x3FB7];
	_ =	sdelay $0x3  }
0x37: {  	[smem:$0x3FB7] =	sst s10  }
0x38: {  	s10 =	sld [smem:$0x3FB8]  }
0x39: {  	_ = 	snop;
	(pc) =	sbr.ind lr, $3  }
0x3a: {  	_ = 	snop  }
0x3b: {  	_ = 	snop  }
0x3c: {  	p2 =	seq.s32 s10, $0x1;
	s10 =	sld [smem:$0x3FB7]  }
0x3d: {  	_ =	shalt  }
0x3e: {  	_ =	shalt  }
0x3f: {  	_ =	shalt  }
0x40: {  	_ =	shalt  }
0x41: {  	_ =	shalt  }
0x42: {  	_ =	shalt  }
0x43: {  	_ =	shalt  }
0x44: {  	_ =	shalt  }
0x45: {  	_ =	shalt  }
0x46: {  	_ =	shalt  }
0x47: {  	_ =	shalt  }
0x48: {  	_ =	shalt  }
0x49: {  	_ =	shalt  }
0x4a: {  	_ =	shalt  }
0x4b: {  	_ =	shalt  }
0x4c: {  	_ =	shalt  }
0x4d: {  	_ =	shalt  }
0x4e: {  	_ =	shalt  }
0x4f: {  	_ =	shalt  }
0x50: {  	_ =	shalt  }
0x51: {  	_ =	shalt  }
0x52: {  	_ =	shalt  }
0x53: {  	_ =	shalt  }
0x54: {  	_ =	shalt  }
0x55: {  	_ =	shalt  }
0x56: {  	_ =	shalt  }
0x57: {  	_ =	shalt  }
0x58: {  	_ =	shalt  }
0x59: {  	_ =	shalt  }
0x5a: {  	_ =	shalt  }
0x5b: {  	_ =	shalt  }
0x5c: {  	_ =	shalt  }
0x5d: {  	_ =	shalt  }
0x5e: {  	_ =	shalt  }
0x5f: {  	_ =	shalt  }
0x60: {  	_ =	shalt  }
0x61: {  	_ =	shalt  }
0x62: {  	_ =	shalt  }
0x63: {  	_ =	shalt  }
0x64: {  	_ =	shalt  }
0x65: {  	_ =	shalt  }
0x66: {  	_ =	shalt  }
0x67: {  	_ =	shalt  }
0x68: {  	_ =	shalt  }
0x69: {  	_ =	shalt  }
0x6a: {  	_ =	shalt  }
0x6b: {  	_ =	shalt  }
0x6c: {  	_ =	shalt  }
0x6d: {  	_ =	shalt  }
0x6e: {  	_ =	shalt  }
0x6f: {  	_ =	shalt  }
0x70: {  	_ =	shalt  }
0x71: {  	_ =	shalt  }
0x72: {  	_ =	shalt  }
0x73: {  	_ =	shalt  }
0x74: {  	_ =	shalt  }
0x75: {  	_ =	shalt  }
0x76: {  	_ =	shalt  }
0x77: {  	_ =	shalt  }
0x78: {  	_ =	shalt  }
0x79: {  	_ =	shalt  }
0x7a: {  	_ =	shalt  }
0x7b: {  	_ =	shalt  }
0x7c: {  	_ =	shalt  }
0x7d: {  	_ =	shalt  }
0x7e: {  	_ =	shalt  }
0x7f: {  	_ =	shalt  }
0x80: {  	_ =	shalt  }
0x81: {  	_ =	shalt  }
0x82: {  	_ =	shalt  }
0x83: {  	_ =	shalt  }
0x84: {  	_ =	shalt  }
0x85: {  	_ =	shalt  }
0x86: {  	_ =	shalt  }
0x87: {  	_ =	shalt  }
.Lfunc_end0:
.L_simem_size_0:
called_computation_lowered:
.L_overlay_start_0:
0x88: {  	s2 =	sld [smem:$0x3FD9]  }
0x89: {  	s3 =	sld [smem:$0x3FFE];
	_ =	sdelay $0x1  }
0x8a: {  	s1 =	srdreg.scid  }
0x8b: {  	s0 =	sand.u32 $0x1, s1  }
0x8c: {  	s17 =	sshll.u32 s0, $0xA;
	s2 =	sadd.s32 s3, s2  }
0x8d: {  	s2 =	sadd.s32 s2, s17  }
0x8e: {  	[smem:$0x3FC3] =	sst s2  }
0x8f: {  	_ = 	snop  }
0x90: {  	s2 =	sld [smem:$0x3FD0];
	(tm) =	ssettm $0x1  }
0x91: {  	s18 =	sld [smem:$0x3FFB];
	_ =	sdelay $0x3  }
0x92: {  	_ =	strace s18  }
0x93: {  	s3 =	sld [smem:$0x3FFC];
	_ =	sdelay $0x3  }
0x94: {  	_ =	strace s3  }
0x95: {  	s3 =	sld [smem:$0x3FFD];
	_ =	sdelay $0x3  }
0x96: {  	_ =	strace s3  }
0x97: {  	_ =	strace $0x8FFFFFFF  }
0x98: {  	s19 =	sld [smem:$0x3FDB];
	_ =	sdelay $0x1  }
0x99: {  	s4 =	simm.s32 $_scs_section_size  }
0x9a: {  	s5 =	simm.s32 $_size__tile_overlayer_lowered;
	s6 =	simm.s32 $_tile_overlayer_lowered  }
0x9b: {  	s22 =	simm.s32 $0x1BFF;
	s21 =	sshll.u32 s6, $0x1;
	s3 =	sadd.s32 s4, s19  }
0x9c: {  	s7 =	simm.s32 $0x0;
	s20 =	sshll.u32 s5, $0x1;
	s5 =	sadd.s32 s21, s3  }
0x9d: {  	[timem:s7], [sflag:s22] =	dma.local [hbm:s5], s20  }
0x9e: {  	_ =	swait.ge [sflag:s22], s20  }
0x9f: {  	s4 =	ssub.s32 $0x0, s20;
	[sflag:s22] =	ssyncset.done $0x0  }
0xa0: {  	[sflag:s22] =	ssyncadd.s32 s4;
	_ =	sdelay $0x1  }
0xa1: {  	s23 =	simm.s32 $0x1B8B  }
0xa2: {  	_ =	swait.ge [sflag:s23], $0x1  }
0xa3: {  	[sflag:s23] =	ssyncset.done $0x0  }
0xa4: {  	s25 =	simm.s32 $0x1B8E;
	s24 =	sld [smem:$0x3FFE];
	[sflag:s23] =	ssyncadd.s32 $0xFFFFFFFF  }
0xa5: {  	s26 =	simm.s32 $execute0_lowered;
	[smem:$0x3FD2] =	sst s25  }
0xa6: {  	s5 =	sshll.u32 s26, $0x1;
	_ =	strace $0x80000046;
	[dreg:$0x1] =	wrdreg $0xFFFFFFFF  }
0xa7: {  	s28 =	simm.s32 $_size_execute0_lowered;
	s3 =	sadd.s32 s3, s5;
	[dreg:$0x0] =	wrdreg $0x0  }
0xa8: {  	s5 =	sshll.u32 s28, $0x1;
	[dreg:$0x2] =	wrdreg s3  }
0xa9: {  	[dreg:$0x3] =	wrdreg s5  }
0xaa: {  	[dreg:$0x4] =	wrdreg $0xC0  }
0xab: {  	_ =	task [dreg:s7], $0x5FFFF  }
0xac: {  	[dreg:$0x1] =	wrdreg $0xFFFFFFFF  }
0xad: {  	[dreg:$0x0] =	wrdreg $0x60  }
0xae: {  	[dreg:$0x2] =	wrdreg s24  }
0xaf: {  	[dreg:$0x3] =	wrdreg s2  }
0xb0: {  	[dreg:$0x4] =	wrdreg $0xAB000  }
0xb1: {  	[dreg:$0x5] =	wrdreg $0xA8800  }
0xb2: {  	[dreg:$0x6] =	wrdreg $0x9  }
0xb3: {  	_ =	task.clear_ibuf [dreg:s7], $0x7FFFF;
	_ =	strace $0x90000046  }
0xb4: {  	s29 =	simm.s32 $0x9;
	_ =	strace $0x80000048  }
0xb5: {  	_ =	swait.ge [sflag:s29], $0x1  }
0xb6: {  	[sflag:s29] =	ssyncadd.s32 $0xFFFFFFFF  }
0xb7: {  	_ =	strace $0x90000048  }
0xb8: {  	_ =	sfence  }
0xb9: {  	s30 =	sld [smem:$0x0];
	_ =	sdelay $0x2  }
0xba: {  	s31 =	sshll.u32 s1, $0xD;
	s1 =	sshrl.u32 s1, $0x2  }
0xbb: {  	s3 =	sand.u32 $0x4000, s31;
	s1 =	sadd.s32 s1, s30  }
0xbc: {  	s0 =	sor.u32 s3, s0;
	s1 =	sshll.u32 s1, $0x11  }
0xbd: {  	s0 =	sor.u32 s1, s0  }
0xbe: {  	s0 =	sadd.s32 $0x8F2B, s0  }
0xbf: {  	[sflag:s0] =	ssyncadd.remote.s32 $0x1  }
0xc0: {  	_ =	sfence.sel $0xFFFF  }
0xc1: {  	[dreg:$0x0] =	wrdreg $0xFFFFFFFF;
	(pc) =	sbr.abs _section_cstart, $3  }
0xc2: {  	[dreg:$0x1] =	wrdreg $0xFFFFFFFF  }
0xc3: {  	_ =	task.clear_ibuf [dreg:s7], $0x2FFFF;
	_ =	strace $0x9FFFFFFF  }
0xc4: {  	(tm) =	ssettm $0x7FFFFFFF  }
0xc5: {  	_ =	shalt  }
tec
execute0_lowered:
.L_overlay_start_1:
0x0: {  	(tag) =	ssettag $0x1  }
0x1: {  	s0 =	rddreg [dreg:$0x0]  }
0x2: {  	s3 =	rddreg [dreg:$0x1]  }
0x3: {  	s1 =	rddreg [dreg:$0x2]  }
0x4: {  	s2 =	rddreg [dreg:$0x3];
	s4 =	simm.s32 $0x0;
	s21 =	stileid.u32  }
0x5: {  	s8 =	srdreg.scid;
	[smem:$0x7FF] =	sst s4;
	s5 =	sadd.s32 $0x1800, s0  }
0x6: {  	s6 =	sadd.s32 $0x4E3800, s0;
	s7 =	smul.u32 $0x280, s21;
	s9 =	sadd.s32 $0xE000, s0  }
0x7: {  	s22 =	sadd.s32 $0xB800, s0;
	s23 =	sadd.s32 $0xE200, s0;
	s11 =	smul.u32 $0x2800, s21  }
0x8: {  	s26 =	smul.u32 $0x5000, s21;
	_ =	strace $0x80000047;
	[dreg:$0x5] =	wrdreg s9  }
0x9: {  	s31 =	smul.u32 $0xA00, s21;
	s17 =	smov.u32 s3;
	[dreg:$0x6] =	wrdreg s22  }
0xa: {  	s9 =	sand.u32 $0x1, s8;
	[dreg:$0x7] =	wrdreg s23;
	s23 =	smul.u32 $0x50, s21  }
0xb: {  	s24 =	sshrl.u32 s7, $0x3;
	s10 =	sshll.u32 s9, $0x4;
	s12 =	ssub.s32 $0x2, s9  }
0xc: {  	s15 =	sadd.s32 s11, s0;
	s8 =	sadd.s32 s7, s2;
	p0 =	seq.s32 s9, $0x0  }
0xd: {  	s20 =	smul.u32 $0x500, s9;
	s10 =	sor.u32 s21, s10;
	s13 =	sadd.s32 s24, s0  }
0xe: {  	s25 =	sshrl.u32 s12, $0x1;
	s17 =	smov.u32 @p0 s5;
	s24 =	smul.u32 $0x50000, s21  }
0xf: {  	p0 =	sne.s32 s9, $0x0;
	s0 =	sadd.s32 $0x37000, s0;
	s9 =	sadd.s32 $0xF000, s15  }
0x10: {  	s15 =	simm.s32 $0x1;
	[dreg:$0x19] =	wrdreg s8;
	s14 =	smul.u32 $0x50, s10  }
0x11: {  	s16 =	ssub.s32 s12, s25;
	s12 =	sshrl.u32 s26, $0x3;
	s18 =	smul.u32 $0x500, s10  }
0x12: {  	s7 =	sadd.s32 s17, s31;
	s26 =	sshll.u32 s21, $0x6;
	s10 =	smul.u32 $0x28000, s10  }
0x13: {  	s0 =	sadd.s32 @p0 s11, s0;
	s11 =	simm.s32 $0x6880;
	s5 =	sadd.s32 s17, s12  }
0x14: {  	[dreg:$0xa] =	wrdreg s7;
	s25 =	sor.u32 $0x1C06, s26;
	s17 =	sadd.s32 $0xEA00, s13  }
0x15: {  	s7 =	sshrl.u32 s24, $0x2;
	s9 =	smov.u32 @p0 s0;
	[dreg:$0xe] =	wrdreg s17  }
0x16: {  	s0 =	simm.s32 $0x6;
	s18 =	sadd.s32 s3, s18;
	[dreg:$0x10] =	wrdreg s9  }
0x17: {  	s19 =	sadd.s32 $0x28, s14;
	s7 =	sadd.s32 s7, s1;
	[dreg:$0x8] =	wrdreg s18  }
0x18: {  	s10 =	sadd.s32 s6, s10;
	s24 =	sadd.s32 $0x500, s5;
	[dreg:$0xb] =	wrdreg s7  }
0x19: {  	s14 =	sshll.u32 s14, $0xB;
	s26 =	sadd.s32 $0x780, s5;
	[dreg:$0x16] =	wrdreg s24  }
0x1a: {  	s17 =	simm.s32 $0x4;
	s22 =	sshll.u32 s19, $0x4;
	[dreg:$0x17] =	wrdreg s26  }
0x1b: {  	s31 =	sshll.u32 s19, $0xB;
	s18 =	sadd.s32 $0xE400, s13;
	[dreg:$0xc] =	wrdreg s10  }
0x1c: {  	s19 =	smax.u32 s16, $0x1;
	s7 =	sadd.s32 s6, s14;
	[dreg:$0xf] =	wrdreg s18  }
0x1d: {  	s13 =	simm.s32 $0x2;
	s3 =	sadd.s32 s3, s22;
	[dreg:$0x11] =	wrdreg s19  }
0x1e: {  	s16 =	simm.s32 $0x3;
	s12 =	sadd.s32 s6, s31;
	[dreg:$0x9] =	wrdreg s3  }
0x1f: {  	s21 =	sadd.s32 $0x14800, s7;
	s22 =	sadd.s32 $0x15000, s7;
	[dreg:$0xd] =	wrdreg s12  }
0x20: {  	s31 =	sadd.s32 $0x800, s10;
	s10 =	simm.s32 $0x2880;
	[dreg:$0x13] =	wrdreg s21  }
0x21: {  	s19 =	simm.s32 $0x5;
	s3 =	sadd.s32 s23, s20;
	[dreg:$0x14] =	wrdreg s22  }
.Ltmp0:
0x22: {  	s20 =	sadd.s32 $0x1000, s7;
	[dreg:$0x18] =	wrdreg s31;
	(pc) =	sbr.rel .LBB2_1-.Ltmp0, $4  }
0x23: {  	s23 =	sadd.s32 $0x280, s5;
	s3 =	sshll.u32 s3, $0xB;
	[dreg:$0x12] =	wrdreg s20  }
0x24: {  	s5 =	simm.s32 $0x80;
	[dreg:$0x15] =	wrdreg s23;
	s3 =	sadd.s32 s3, s6  }
0x25: {  	s20 =	simm.s32 $0x0;
	s26 =	sadd.s32 $0x2000, s3;
	s28 =	sadd.s32 $0x1800, s3  }
0x26: {  	s29 =	sadd.s32 $0x16000, s3;
	s30 =	sadd.s32 $0x15800, s3;
	s3 =	simm.s32 $0x2800  }
.LBB2_7:
0x27: {  	[spmem:s1] =	stream.indirect.scatter.add.f32 [tilespmem:s11], [sflag:$0x5], $0x80, s23, s5, $0xb8;
	[tilespmem:$0x1EB00] =	vst v63  }
0x28: {  	_ =	swait.ge [sflag:s19], $0x4000  }
0x29: {  	[sflag:s19] =	ssyncset.done $0x0  }
0x2a: {  	[sflag:s19] =	ssyncadd.s32 $0xFFFFC000  }
0x2b: {  	[bflag:$0x0] =	sbarrier.arrive $0xFFFF  }
0x2c: {  	s22 =	sshrl.u32 @p0 s8, $0x3;
	s23 =	rddreg [dreg:$0xe]  }
0x2d: {  	[hbm:s23], [sflag:s25] =	dma.local @p0 [spmem:s22], $0x50  }
0x2e: {  	s22 =	simm.s32 @p0 $0x6  }
0x2f: {  	_ =	swait.ge @p0 [sflag:s22], $0x50  }
0x30: {  	[sflag:s22] =	ssyncset.done @p0 $0x0  }
0x31: {  	s23 =	rddreg [dreg:$0xf];
	[sflag:s22] =	ssyncadd.s32 @p0 $0xFFFFFFB0;
	s22 =	sshrl.u32 @!p0 s8, $0x3  }
0x32: {  	[hbm:s23], [sflag:s25] =	dma.local @!p0 [spmem:s22], $0x50  }
0x33: {  	s22 =	simm.s32 @!p0 $0x6  }
0x34: {  	_ =	swait.ge @!p0 [sflag:s22], $0x50  }
0x35: {  	[sflag:s22] =	ssyncset.done @!p0 $0x0;
	s31 =	rddreg [dreg:$0x10]  }
0x36: {  	s6 =	rddreg [dreg:$0x1a];
	[sflag:s22] =	ssyncadd.s32 @!p0 $0xFFFFFFB0  }
0x37: {  	[hbm:s31], [sflag:s25] =	dma.local [spmem:s6], $0x2800  }
0x38: {  	_ =	swait.ge [sflag:s0], $0x2800  }
0x39: {  	s20 =	sadd.s32 $0x1, s20;
	s21 =	rddreg [dreg:$0x11]  }
0x3a: {  	p1 =	sne.s32 s20, s21  }
.Ltmp1:
0x3b: {  	_ = 	snop;
	(pc) =	sbr.rel @!p1 .LBB2_8-.Ltmp1, $3  }
0x3c: {  	_ =	sdelay $0x1  }
0x3d: {  	[sflag:s0] =	ssyncset.done $0x0  }
0x3e: {  	[sflag:s0] =	ssyncadd.s32 $0xFFFFD800  }
.LBB2_1:
0x3f: {  	s21 =	sshrl.u32 s8, $0x3;
	s22 =	rddreg [dreg:$0x5]  }
0x40: {  	[spmem:s21], [sflag:s25] =	dma.local [hbm:s22], $0x50  }
0x41: {  	_ =	swait.ge [sflag:s0], $0x50  }
0x42: {  	s6 =	rddreg [dreg:$0xb]  }
0x43: {  	[sflag:s0] =	ssyncset.done $0x0;
	s7 =	rddreg [dreg:$0x6];
	s6 =	sshrl.u32 s6, $0x3  }
0x44: {  	[sflag:s0] =	ssyncadd.s32 $0xFFFFFFB0;
	[dreg:$0x1a] =	wrdreg s6  }
0x45: {  	[spmem:s6], [sflag:s25] =	dma.local [hbm:s7], $0x2800  }
0x46: {  	_ =	swait.ge [sflag:s0], $0x2800  }
0x47: {  	[sflag:s0] =	ssyncset.done $0x0  }
0x48: {  	s8 =	rddreg [dreg:$0x7];
	[sflag:s0] =	ssyncadd.s32 $0xFFFFD800  }
0x49: {  	[tilespmem:s3], [sflag:$0x6] =	stream.linear.gather [hbm4b:s8+s4], $0x80, $0x38;
	[tilespmem:$0x1EB00] =	vst v63  }
0x4a: {  	_ =	swait.ge [sflag:s0], $0x80  }
0x4b: {  	[sflag:s0] =	ssyncset.done $0x0  }
0x4c: {  	[sflag:s0] =	ssyncadd.s32 $0xFFFFFF80  }
0x4d: {  	[bflag:$0x0] =	sbarrier.arrive $0xFFFF  }
0x4e: {  	s9 =	rddreg [dreg:$0xa]  }
0x4f: {  	[tilespmem:s4], [sflag:$0x6] =	stream.linear.gather [hbm4b:s9+s4], $0x1400, $0x38;
	[tilespmem:$0x1EB00] =	vst v63  }
0x50: {  	_ =	swait.ge [sflag:s0], $0x1400  }
0x51: {  	[sflag:s0] =	ssyncset.done $0x0  }
0x52: {  	[sflag:s0] =	ssyncadd.s32 $0xFFFFEC00  }
0x53: {  	[spmem:s2] =	stream.indirect.scatter.add.f32 [tilespmem:s3], [sflag:$0x1], $0x1, s4, s5, $0xb8;
	[tilespmem:$0x1EB00] =	vst v63  }
0x54: {  	_ = 	snop  }
0x55: {  	[spmem:s2] =	stream.indirect.scatter.add.f32 [tilespmem:s3], [sflag:$0x1], $0x1, s5, s5, $0xb8;
	[tilespmem:$0x1EB00] =	vst v63  }
0x56: {  	s12 =	simm.s32 $0x100  }
0x57: {  	[spmem:s2] =	stream.indirect.scatter.add.f32 [tilespmem:s3], [sflag:$0x1], $0x1, s12, s5, $0xb8;
	[tilespmem:$0x1EB00] =	vst v63  }
0x58: {  	s14 =	simm.s32 $0x180  }
0x59: {  	[spmem:s2] =	stream.indirect.scatter.add.f32 [tilespmem:s3], [sflag:$0x1], $0x1, s14, s5, $0xb8;
	[tilespmem:$0x1EB00] =	vst v63  }
0x5a: {  	s18 =	simm.s32 $0x200  }
0x5b: {  	[spmem:s2] =	stream.indirect.scatter.add.f32 [tilespmem:s3], [sflag:$0x1], $0x1, s18, s5, $0xb8;
	[tilespmem:$0x1EB00] =	vst v63  }
0x5c: {  	s21 =	simm.s32 $0x280  }
0x5d: {  	[spmem:s2] =	stream.indirect.scatter.add.f32 [tilespmem:s3], [sflag:$0x1], $0x1, s21, s5, $0xb8;
	[tilespmem:$0x1EB00] =	vst v63  }
0x5e: {  	s22 =	simm.s32 $0x300  }
0x5f: {  	[spmem:s2] =	stream.indirect.scatter.add.f32 [tilespmem:s3], [sflag:$0x1], $0x1, s22, s5, $0xb8;
	[tilespmem:$0x1EB00] =	vst v63  }
0x60: {  	s23 =	simm.s32 $0x380  }
0x61: {  	[spmem:s2] =	stream.indirect.scatter.add.f32 [tilespmem:s3], [sflag:$0x1], $0x1, s23, s5, $0xb8;
	[tilespmem:$0x1EB00] =	vst v63  }
0x62: {  	_ =	swait.ge [sflag:s15], $0x80  }
0x63: {  	[sflag:s15] =	ssyncset.done $0x0  }
0x64: {  	[sflag:s15] =	ssyncadd.s32 $0xFFFFFF80  }
0x65: {  	_ =	swait.ge [sflag:s15], $0x80  }
0x66: {  	[sflag:s15] =	ssyncset.done $0x0  }
0x67: {  	[sflag:s15] =	ssyncadd.s32 $0xFFFFFF80  }
0x68: {  	_ =	swait.ge [sflag:s15], $0x80  }
0x69: {  	[sflag:s15] =	ssyncset.done $0x0  }
0x6a: {  	[sflag:s15] =	ssyncadd.s32 $0xFFFFFF80  }
0x6b: {  	_ =	swait.ge [sflag:s15], $0x80  }
0x6c: {  	[sflag:s15] =	ssyncset.done $0x0  }
0x6d: {  	[sflag:s15] =	ssyncadd.s32 $0xFFFFFF80  }
0x6e: {  	_ =	swait.ge [sflag:s15], $0x80  }
0x6f: {  	[sflag:s15] =	ssyncset.done $0x0  }
0x70: {  	[sflag:s15] =	ssyncadd.s32 $0xFFFFFF80  }
0x71: {  	_ =	swait.ge [sflag:s15], $0x80  }
0x72: {  	[sflag:s15] =	ssyncset.done $0x0  }
0x73: {  	[sflag:s15] =	ssyncadd.s32 $0xFFFFFF80  }
0x74: {  	_ =	swait.ge [sflag:s15], $0x80  }
0x75: {  	[sflag:s15] =	ssyncset.done $0x0  }
0x76: {  	[sflag:s15] =	ssyncadd.s32 $0xFFFFFF80  }
0x77: {  	_ =	swait.ge [sflag:s15], $0x80  }
0x78: {  	[sflag:s15] =	ssyncset.done $0x0  }
0x79: {  	s24 =	simm.s32 $0x400;
	[sflag:s15] =	ssyncadd.s32 $0xFFFFFF80  }
0x7a: {  	[spmem:s2] =	stream.indirect.scatter.add.f32 [tilespmem:s3], [sflag:$0x1], $0x1, s24, s5, $0xb8;
	[tilespmem:$0x1EB00] =	vst v63  }
0x7b: {  	s31 =	simm.s32 $0x480  }
0x7c: {  	[spmem:s2] =	stream.indirect.scatter.add.f32 [tilespmem:s3], [sflag:$0x1], $0x1, s31, s5, $0xb8;
	[tilespmem:$0x1EB00] =	vst v63  }
0x7d: {  	s7 =	simm.s32 $0x500  }
0x7e: {  	[spmem:s2] =	stream.indirect.scatter.add.f32 [tilespmem:s3], [sflag:$0x1], $0x1, s7, s5, $0xb8;
	[tilespmem:$0x1EB00] =	vst v63  }
0x7f: {  	s8 =	simm.s32 $0x580  }
0x80: {  	[spmem:s2] =	stream.indirect.scatter.add.f32 [tilespmem:s3], [sflag:$0x1], $0x1, s8, s5, $0xb8;
	[tilespmem:$0x1EB00] =	vst v63  }
0x81: {  	s9 =	simm.s32 $0x600  }
0x82: {  	[spmem:s2] =	stream.indirect.scatter.add.f32 [tilespmem:s3], [sflag:$0x1], $0x1, s9, s5, $0xb8;
	[tilespmem:$0x1EB00] =	vst v63  }
0x83: {  	s12 =	simm.s32 $0x680  }
0x84: {  	[spmem:s2] =	stream.indirect.scatter.add.f32 [tilespmem:s3], [sflag:$0x1], $0x1, s12, s5, $0xb8;
	[tilespmem:$0x1EB00] =	vst v63  }
0x85: {  	s18 =	simm.s32 $0x700  }
0x86: {  	[spmem:s2] =	stream.indirect.scatter.add.f32 [tilespmem:s3], [sflag:$0x1], $0x1, s18, s5, $0xb8;
	[tilespmem:$0x1EB00] =	vst v63  }
0x87: {  	s21 =	simm.s32 $0x780  }
0x88: {  	[spmem:s2] =	stream.indirect.scatter.add.f32 [tilespmem:s3], [sflag:$0x1], $0x1, s21, s5, $0xb8;
	[tilespmem:$0x1EB00] =	vst v63  }
0x89: {  	_ =	swait.ge [sflag:s15], $0x80  }
0x8a: {  	[sflag:s15] =	ssyncset.done $0x0  }
0x8b: {  	[sflag:s15] =	ssyncadd.s32 $0xFFFFFF80  }
0x8c: {  	_ =	swait.ge [sflag:s15], $0x80  }
0x8d: {  	[sflag:s15] =	ssyncset.done $0x0  }
0x8e: {  	[sflag:s15] =	ssyncadd.s32 $0xFFFFFF80  }
0x8f: {  	_ =	swait.ge [sflag:s15], $0x80  }
0x90: {  	[sflag:s15] =	ssyncset.done $0x0  }
0x91: {  	[sflag:s15] =	ssyncadd.s32 $0xFFFFFF80  }
0x92: {  	_ =	swait.ge [sflag:s15], $0x80  }
0x93: {  	[sflag:s15] =	ssyncset.done $0x0  }
0x94: {  	[sflag:s15] =	ssyncadd.s32 $0xFFFFFF80  }
0x95: {  	_ =	swait.ge [sflag:s15], $0x80  }
0x96: {  	[sflag:s15] =	ssyncset.done $0x0  }
0x97: {  	[sflag:s15] =	ssyncadd.s32 $0xFFFFFF80  }
0x98: {  	_ =	swait.ge [sflag:s15], $0x80  }
0x99: {  	[sflag:s15] =	ssyncset.done $0x0  }
0x9a: {  	[sflag:s15] =	ssyncadd.s32 $0xFFFFFF80  }
0x9b: {  	_ =	swait.ge [sflag:s15], $0x80  }
0x9c: {  	[sflag:s15] =	ssyncset.done $0x0  }
0x9d: {  	[sflag:s15] =	ssyncadd.s32 $0xFFFFFF80  }
0x9e: {  	_ =	swait.ge [sflag:s15], $0x80  }
0x9f: {  	[sflag:s15] =	ssyncset.done $0x0  }
0xa0: {  	s23 =	simm.s32 $0x800;
	[sflag:s15] =	ssyncadd.s32 $0xFFFFFF80  }
0xa1: {  	[spmem:s2] =	stream.indirect.scatter.add.f32 [tilespmem:s3], [sflag:$0x1], $0x1, s23, s5, $0xb8;
	[tilespmem:$0x1EB00] =	vst v63  }
0xa2: {  	s6 =	simm.s32 $0x880  }
0xa3: {  	[spmem:s2] =	stream.indirect.scatter.add.f32 [tilespmem:s3], [sflag:$0x1], $0x1, s6, s5, $0xb8;
	[tilespmem:$0x1EB00] =	vst v63  }
0xa4: {  	s7 =	simm.s32 $0x900  }
0xa5: {  	[spmem:s2] =	stream.indirect.scatter.add.f32 [tilespmem:s3], [sflag:$0x1], $0x1, s7, s5, $0xb8;
	[tilespmem:$0x1EB00] =	vst v63  }
0xa6: {  	s8 =	simm.s32 $0x980  }
0xa7: {  	[spmem:s2] =	stream.indirect.scatter.add.f32 [tilespmem:s3], [sflag:$0x1], $0x1, s8, s5, $0xb8;
	[tilespmem:$0x1EB00] =	vst v63  }
0xa8: {  	s9 =	simm.s32 $0xA00  }
0xa9: {  	[spmem:s2] =	stream.indirect.scatter.add.f32 [tilespmem:s3], [sflag:$0x1], $0x1, s9, s5, $0xb8;
	[tilespmem:$0x1EB00] =	vst v63  }
0xaa: {  	s12 =	simm.s32 $0xA80  }
0xab: {  	[spmem:s2] =	stream.indirect.scatter.add.f32 [tilespmem:s3], [sflag:$0x1], $0x1, s12, s5, $0xb8;
	[tilespmem:$0x1EB00] =	vst v63  }
0xac: {  	s18 =	simm.s32 $0xB00  }
0xad: {  	[spmem:s2] =	stream.indirect.scatter.add.f32 [tilespmem:s3], [sflag:$0x1], $0x1, s18, s5, $0xb8;
	[tilespmem:$0x1EB00] =	vst v63  }
0xae: {  	s21 =	simm.s32 $0xB80  }
0xaf: {  	[spmem:s2] =	stream.indirect.scatter.add.f32 [tilespmem:s3], [sflag:$0x1], $0x1, s21, s5, $0xb8;
	[tilespmem:$0x1EB00] =	vst v63  }
0xb0: {  	_ =	swait.ge [sflag:s15], $0x80  }
0xb1: {  	[sflag:s15] =	ssyncset.done $0x0  }
0xb2: {  	[sflag:s15] =	ssyncadd.s32 $0xFFFFFF80  }
0xb3: {  	_ =	swait.ge [sflag:s15], $0x80  }
0xb4: {  	[sflag:s15] =	ssyncset.done $0x0  }
0xb5: {  	[sflag:s15] =	ssyncadd.s32 $0xFFFFFF80  }
0xb6: {  	_ =	swait.ge [sflag:s15], $0x80  }
0xb7: {  	[sflag:s15] =	ssyncset.done $0x0  }
0xb8: {  	[sflag:s15] =	ssyncadd.s32 $0xFFFFFF80  }
0xb9: {  	_ =	swait.ge [sflag:s15], $0x80  }
0xba: {  	[sflag:s15] =	ssyncset.done $0x0  }
0xbb: {  	[sflag:s15] =	ssyncadd.s32 $0xFFFFFF80  }
0xbc: {  	_ =	swait.ge [sflag:s15], $0x80  }
0xbd: {  	[sflag:s15] =	ssyncset.done $0x0  }
0xbe: {  	[sflag:s15] =	ssyncadd.s32 $0xFFFFFF80  }
0xbf: {  	_ =	swait.ge [sflag:s15], $0x80  }
0xc0: {  	[sflag:s15] =	ssyncset.done $0x0  }
0xc1: {  	[sflag:s15] =	ssyncadd.s32 $0xFFFFFF80  }
0xc2: {  	_ =	swait.ge [sflag:s15], $0x80  }
0xc3: {  	[sflag:s15] =	ssyncset.done $0x0  }
0xc4: {  	[sflag:s15] =	ssyncadd.s32 $0xFFFFFF80  }
0xc5: {  	_ =	swait.ge [sflag:s15], $0x80  }
0xc6: {  	[sflag:s15] =	ssyncset.done $0x0  }
0xc7: {  	s23 =	simm.s32 $0xC00;
	[sflag:s15] =	ssyncadd.s32 $0xFFFFFF80  }
0xc8: {  	[spmem:s2] =	stream.indirect.scatter.add.f32 [tilespmem:s3], [sflag:$0x1], $0x1, s23, s5, $0xb8;
	[tilespmem:$0x1EB00] =	vst v63  }
0xc9: {  	s6 =	simm.s32 $0xC80  }
0xca: {  	[spmem:s2] =	stream.indirect.scatter.add.f32 [tilespmem:s3], [sflag:$0x1], $0x1, s6, s5, $0xb8;
	[tilespmem:$0x1EB00] =	vst v63  }
0xcb: {  	s7 =	simm.s32 $0xD00  }
0xcc: {  	[spmem:s2] =	stream.indirect.scatter.add.f32 [tilespmem:s3], [sflag:$0x1], $0x1, s7, s5, $0xb8;
	[tilespmem:$0x1EB00] =	vst v63  }
0xcd: {  	s8 =	simm.s32 $0xD80  }
0xce: {  	[spmem:s2] =	stream.indirect.scatter.add.f32 [tilespmem:s3], [sflag:$0x1], $0x1, s8, s5, $0xb8;
	[tilespmem:$0x1EB00] =	vst v63  }
0xcf: {  	s9 =	simm.s32 $0xE00  }
0xd0: {  	[spmem:s2] =	stream.indirect.scatter.add.f32 [tilespmem:s3], [sflag:$0x1], $0x1, s9, s5, $0xb8;
	[tilespmem:$0x1EB00] =	vst v63  }
0xd1: {  	s12 =	simm.s32 $0xE80  }
0xd2: {  	[spmem:s2] =	stream.indirect.scatter.add.f32 [tilespmem:s3], [sflag:$0x1], $0x1, s12, s5, $0xb8;
	[tilespmem:$0x1EB00] =	vst v63  }
0xd3: {  	s18 =	simm.s32 $0xF00  }
0xd4: {  	[spmem:s2] =	stream.indirect.scatter.add.f32 [tilespmem:s3], [sflag:$0x1], $0x1, s18, s5, $0xb8;
	[tilespmem:$0x1EB00] =	vst v63  }
0xd5: {  	s21 =	simm.s32 $0xF80  }
0xd6: {  	[spmem:s2] =	stream.indirect.scatter.add.f32 [tilespmem:s3], [sflag:$0x1], $0x1, s21, s5, $0xb8;
	[tilespmem:$0x1EB00] =	vst v63  }
0xd7: {  	_ =	swait.ge [sflag:s15], $0x80  }
0xd8: {  	[sflag:s15] =	ssyncset.done $0x0  }
0xd9: {  	[sflag:s15] =	ssyncadd.s32 $0xFFFFFF80  }
0xda: {  	_ =	swait.ge [sflag:s15], $0x80  }
0xdb: {  	[sflag:s15] =	ssyncset.done $0x0  }
0xdc: {  	[sflag:s15] =	ssyncadd.s32 $0xFFFFFF80  }
0xdd: {  	_ =	swait.ge [sflag:s15], $0x80  }
0xde: {  	[sflag:s15] =	ssyncset.done $0x0  }
0xdf: {  	[sflag:s15] =	ssyncadd.s32 $0xFFFFFF80  }
0xe0: {  	_ =	swait.ge [sflag:s15], $0x80  }
0xe1: {  	[sflag:s15] =	ssyncset.done $0x0  }
0xe2: {  	[sflag:s15] =	ssyncadd.s32 $0xFFFFFF80  }
0xe3: {  	_ =	swait.ge [sflag:s15], $0x80  }
0xe4: {  	[sflag:s15] =	ssyncset.done $0x0  }
0xe5: {  	[sflag:s15] =	ssyncadd.s32 $0xFFFFFF80  }
0xe6: {  	_ =	swait.ge [sflag:s15], $0x80  }
0xe7: {  	[sflag:s15] =	ssyncset.done $0x0  }
0xe8: {  	[sflag:s15] =	ssyncadd.s32 $0xFFFFFF80  }
0xe9: {  	_ =	swait.ge [sflag:s15], $0x80  }
0xea: {  	[sflag:s15] =	ssyncset.done $0x0  }
0xeb: {  	[sflag:s15] =	ssyncadd.s32 $0xFFFFFF80  }
0xec: {  	_ =	swait.ge [sflag:s15], $0x80  }
0xed: {  	[sflag:s15] =	ssyncset.done $0x0  }
0xee: {  	s23 =	simm.s32 $0x1000;
	[sflag:s15] =	ssyncadd.s32 $0xFFFFFF80  }
0xef: {  	[spmem:s2] =	stream.indirect.scatter.add.f32 [tilespmem:s3], [sflag:$0x1], $0x1, s23, s5, $0xb8;
	[tilespmem:$0x1EB00] =	vst v63  }
0xf0: {  	s6 =	simm.s32 $0x1080  }
0xf1: {  	[spmem:s2] =	stream.indirect.scatter.add.f32 [tilespmem:s3], [sflag:$0x1], $0x1, s6, s5, $0xb8;
	[tilespmem:$0x1EB00] =	vst v63  }
0xf2: {  	s7 =	simm.s32 $0x1100  }
0xf3: {  	[spmem:s2] =	stream.indirect.scatter.add.f32 [tilespmem:s3], [sflag:$0x1], $0x1, s7, s5, $0xb8;
	[tilespmem:$0x1EB00] =	vst v63  }
0xf4: {  	s8 =	simm.s32 $0x1180  }
0xf5: {  	[spmem:s2] =	stream.indirect.scatter.add.f32 [tilespmem:s3], [sflag:$0x1], $0x1, s8, s5, $0xb8;
	[tilespmem:$0x1EB00] =	vst v63  }
0xf6: {  	s9 =	simm.s32 $0x1200  }
0xf7: {  	[spmem:s2] =	stream.indirect.scatter.add.f32 [tilespmem:s3], [sflag:$0x1], $0x1, s9, s5, $0xb8;
	[tilespmem:$0x1EB00] =	vst v63  }
0xf8: {  	s12 =	simm.s32 $0x1280  }
0xf9: {  	[spmem:s2] =	stream.indirect.scatter.add.f32 [tilespmem:s3], [sflag:$0x1], $0x1, s12, s5, $0xb8;
	[tilespmem:$0x1EB00] =	vst v63  }
0xfa: {  	s18 =	simm.s32 $0x1300  }
0xfb: {  	[spmem:s2] =	stream.indirect.scatter.add.f32 [tilespmem:s3], [sflag:$0x1], $0x1, s18, s5, $0xb8;
	[tilespmem:$0x1EB00] =	vst v63  }
0xfc: {  	s21 =	simm.s32 $0x1380  }
0xfd: {  	[spmem:s2] =	stream.indirect.scatter.add.f32 [tilespmem:s3], [sflag:$0x1], $0x1, s21, s5, $0xb8;
	[tilespmem:$0x1EB00] =	vst v63  }
0xfe: {  	_ =	swait.ge [sflag:s15], $0x80  }
0xff: {  	[sflag:s15] =	ssyncset.done $0x0  }
0x100: {  	[sflag:s15] =	ssyncadd.s32 $0xFFFFFF80  }
0x101: {  	_ =	swait.ge [sflag:s15], $0x80  }
0x102: {  	[sflag:s15] =	ssyncset.done $0x0  }
0x103: {  	[sflag:s15] =	ssyncadd.s32 $0xFFFFFF80  }
0x104: {  	_ =	swait.ge [sflag:s15], $0x80  }
0x105: {  	[sflag:s15] =	ssyncset.done $0x0  }
0x106: {  	[sflag:s15] =	ssyncadd.s32 $0xFFFFFF80  }
0x107: {  	_ =	swait.ge [sflag:s15], $0x80  }
0x108: {  	[sflag:s15] =	ssyncset.done $0x0  }
0x109: {  	[sflag:s15] =	ssyncadd.s32 $0xFFFFFF80  }
0x10a: {  	_ =	swait.ge [sflag:s15], $0x80  }
0x10b: {  	[sflag:s15] =	ssyncset.done $0x0  }
0x10c: {  	[sflag:s15] =	ssyncadd.s32 $0xFFFFFF80  }
0x10d: {  	_ =	swait.ge [sflag:s15], $0x80  }
0x10e: {  	[sflag:s15] =	ssyncset.done $0x0  }
0x10f: {  	[sflag:s15] =	ssyncadd.s32 $0xFFFFFF80  }
0x110: {  	_ =	swait.ge [sflag:s15], $0x80  }
0x111: {  	[sflag:s15] =	ssyncset.done $0x0  }
0x112: {  	[sflag:s15] =	ssyncadd.s32 $0xFFFFFF80  }
0x113: {  	_ =	swait.ge [sflag:s15], $0x80  }
0x114: {  	[sflag:s15] =	ssyncset.done $0x0  }
0x115: {  	s23 =	rddreg [dreg:$0x15];
	[sflag:s15] =	ssyncadd.s32 $0xFFFFFF80  }
0x116: {  	[tilespmem:s4], [sflag:$0x6] =	stream.linear.gather [hbm4b:s23+s4], $0x1400, $0x38;
	[tilespmem:$0x1EB00] =	vst v63  }
0x117: {  	_ =	swait.ge [sflag:s0], $0x1400  }
0x118: {  	[sflag:s0] =	ssyncset.done $0x0  }
0x119: {  	[sflag:s0] =	ssyncadd.s32 $0xFFFFEC00  }
0x11a: {  	[spmem:s2] =	stream.indirect.scatter.add.f32 [tilespmem:s3], [sflag:$0x1], $0x1, s4, s5, $0xb8;
	[tilespmem:$0x1EB00] =	vst v63  }
0x11b: {  	_ = 	snop  }
0x11c: {  	[spmem:s2] =	stream.indirect.scatter.add.f32 [tilespmem:s3], [sflag:$0x1], $0x1, s5, s5, $0xb8;
	[tilespmem:$0x1EB00] =	vst v63  }
0x11d: {  	s7 =	simm.s32 $0x100  }
0x11e: {  	[spmem:s2] =	stream.indirect.scatter.add.f32 [tilespmem:s3], [sflag:$0x1], $0x1, s7, s5, $0xb8;
	[tilespmem:$0x1EB00] =	vst v63  }
0x11f: {  	s8 =	simm.s32 $0x180  }
0x120: {  	[spmem:s2] =	stream.indirect.scatter.add.f32 [tilespmem:s3], [sflag:$0x1], $0x1, s8, s5, $0xb8;
	[tilespmem:$0x1EB00] =	vst v63  }
0x121: {  	s9 =	simm.s32 $0x200  }
0x122: {  	[spmem:s2] =	stream.indirect.scatter.add.f32 [tilespmem:s3], [sflag:$0x1], $0x1, s9, s5, $0xb8;
	[tilespmem:$0x1EB00] =	vst v63  }
0x123: {  	s12 =	simm.s32 $0x280  }
0x124: {  	[spmem:s2] =	stream.indirect.scatter.add.f32 [tilespmem:s3], [sflag:$0x1], $0x1, s12, s5, $0xb8;
	[tilespmem:$0x1EB00] =	vst v63  }
0x125: {  	s6 =	simm.s32 $0x300  }
0x126: {  	[spmem:s2] =	stream.indirect.scatter.add.f32 [tilespmem:s3], [sflag:$0x1], $0x1, s6, s5, $0xb8;
	[tilespmem:$0x1EB00] =	vst v63  }
0x127: {  	s14 =	simm.s32 $0x380  }
0x128: {  	[spmem:s2] =	stream.indirect.scatter.add.f32 [tilespmem:s3], [sflag:$0x1], $0x1, s14, s5, $0xb8;
	[tilespmem:$0x1EB00] =	vst v63  }
0x129: {  	_ =	swait.ge [sflag:s15], $0x80  }
0x12a: {  	[sflag:s15] =	ssyncset.done $0x0  }
0x12b: {  	[sflag:s15] =	ssyncadd.s32 $0xFFFFFF80  }
0x12c: {  	_ =	swait.ge [sflag:s15], $0x80  }
0x12d: {  	[sflag:s15] =	ssyncset.done $0x0  }
0x12e: {  	[sflag:s15] =	ssyncadd.s32 $0xFFFFFF80  }
0x12f: {  	_ =	swait.ge [sflag:s15], $0x80  }
0x130: {  	[sflag:s15] =	ssyncset.done $0x0  }
0x131: {  	[sflag:s15] =	ssyncadd.s32 $0xFFFFFF80  }
0x132: {  	_ =	swait.ge [sflag:s15], $0x80  }
0x133: {  	[sflag:s15] =	ssyncset.done $0x0  }
0x134: {  	[sflag:s15] =	ssyncadd.s32 $0xFFFFFF80  }
0x135: {  	_ =	swait.ge [sflag:s15], $0x80  }
0x136: {  	[sflag:s15] =	ssyncset.done $0x0  }
0x137: {  	[sflag:s15] =	ssyncadd.s32 $0xFFFFFF80  }
0x138: {  	_ =	swait.ge [sflag:s15], $0x80  }
0x139: {  	[sflag:s15] =	ssyncset.done $0x0  }
0x13a: {  	[sflag:s15] =	ssyncadd.s32 $0xFFFFFF80  }
0x13b: {  	_ =	swait.ge [sflag:s15], $0x80  }
0x13c: {  	[sflag:s15] =	ssyncset.done $0x0  }
0x13d: {  	[sflag:s15] =	ssyncadd.s32 $0xFFFFFF80  }
0x13e: {  	_ =	swait.ge [sflag:s15], $0x80  }
0x13f: {  	[sflag:s15] =	ssyncset.done $0x0  }
0x140: {  	s14 =	simm.s32 $0x400;
	[sflag:s15] =	ssyncadd.s32 $0xFFFFFF80  }
0x141: {  	[spmem:s2] =	stream.indirect.scatter.add.f32 [tilespmem:s3], [sflag:$0x1], $0x1, s14, s5, $0xb8;
	[tilespmem:$0x1EB00] =	vst v63  }
0x142: {  	s18 =	simm.s32 $0x480  }
0x143: {  	[spmem:s2] =	stream.indirect.scatter.add.f32 [tilespmem:s3], [sflag:$0x1], $0x1, s18, s5, $0xb8;
	[tilespmem:$0x1EB00] =	vst v63  }
0x144: {  	s21 =	simm.s32 $0x500  }
0x145: {  	[spmem:s2] =	stream.indirect.scatter.add.f32 [tilespmem:s3], [sflag:$0x1], $0x1, s21, s5, $0xb8;
	[tilespmem:$0x1EB00] =	vst v63  }
0x146: {  	s23 =	simm.s32 $0x580  }
0x147: {  	[spmem:s2] =	stream.indirect.scatter.add.f32 [tilespmem:s3], [sflag:$0x1], $0x1, s23, s5, $0xb8;
	[tilespmem:$0x1EB00] =	vst v63  }
0x148: {  	s22 =	simm.s32 $0x600  }
0x149: {  	[spmem:s2] =	stream.indirect.scatter.add.f32 [tilespmem:s3], [sflag:$0x1], $0x1, s22, s5, $0xb8;
	[tilespmem:$0x1EB00] =	vst v63  }
0x14a: {  	s22 =	simm.s32 $0x680  }
0x14b: {  	[spmem:s2] =	stream.indirect.scatter.add.f32 [tilespmem:s3], [sflag:$0x1], $0x1, s22, s5, $0xb8;
	[tilespmem:$0x1EB00] =	vst v63  }
0x14c: {  	s31 =	simm.s32 $0x700  }
0x14d: {  	[spmem:s2] =	stream.indirect.scatter.add.f32 [tilespmem:s3], [sflag:$0x1], $0x1, s31, s5, $0xb8;
	[tilespmem:$0x1EB00] =	vst v63  }
0x14e: {  	s24 =	simm.s32 $0x780  }
0x14f: {  	[spmem:s2] =	stream.indirect.scatter.add.f32 [tilespmem:s3], [sflag:$0x1], $0x1, s24, s5, $0xb8;
	[tilespmem:$0x1EB00] =	vst v63  }
0x150: {  	_ =	swait.ge [sflag:s15], $0x80  }
0x151: {  	[sflag:s15] =	ssyncset.done $0x0  }
0x152: {  	[sflag:s15] =	ssyncadd.s32 $0xFFFFFF80  }
0x153: {  	_ =	swait.ge [sflag:s15], $0x80  }
0x154: {  	[sflag:s15] =	ssyncset.done $0x0  }
0x155: {  	[sflag:s15] =	ssyncadd.s32 $0xFFFFFF80  }
0x156: {  	_ =	swait.ge [sflag:s15], $0x80  }
0x157: {  	[sflag:s15] =	ssyncset.done $0x0  }
0x158: {  	[sflag:s15] =	ssyncadd.s32 $0xFFFFFF80  }
0x159: {  	_ =	swait.ge [sflag:s15], $0x80  }
0x15a: {  	[sflag:s15] =	ssyncset.done $0x0  }
0x15b: {  	[sflag:s15] =	ssyncadd.s32 $0xFFFFFF80  }
0x15c: {  	_ =	swait.ge [sflag:s15], $0x80  }
0x15d: {  	[sflag:s15] =	ssyncset.done $0x0  }
0x15e: {  	[sflag:s15] =	ssyncadd.s32 $0xFFFFFF80  }
0x15f: {  	_ =	swait.ge [sflag:s15], $0x80  }
0x160: {  	[sflag:s15] =	ssyncset.done $0x0  }
0x161: {  	[sflag:s15] =	ssyncadd.s32 $0xFFFFFF80  }
0x162: {  	_ =	swait.ge [sflag:s15], $0x80  }
0x163: {  	[sflag:s15] =	ssyncset.done $0x0  }
0x164: {  	[sflag:s15] =	ssyncadd.s32 $0xFFFFFF80  }
0x165: {  	_ =	swait.ge [sflag:s15], $0x80  }
0x166: {  	[sflag:s15] =	ssyncset.done $0x0  }
0x167: {  	s24 =	simm.s32 $0x800;
	[sflag:s15] =	ssyncadd.s32 $0xFFFFFF80  }
0x168: {  	[spmem:s2] =	stream.indirect.scatter.add.f32 [tilespmem:s3], [sflag:$0x1], $0x1, s24, s5, $0xb8;
	[tilespmem:$0x1EB00] =	vst v63  }
0x169: {  	s24 =	simm.s32 $0x880  }
0x16a: {  	[spmem:s2] =	stream.indirect.scatter.add.f32 [tilespmem:s3], [sflag:$0x1], $0x1, s24, s5, $0xb8;
	[tilespmem:$0x1EB00] =	vst v63  }
0x16b: {  	s24 =	simm.s32 $0x900  }
0x16c: {  	[spmem:s2] =	stream.indirect.scatter.add.f32 [tilespmem:s3], [sflag:$0x1], $0x1, s24, s5, $0xb8;
	[tilespmem:$0x1EB00] =	vst v63  }
0x16d: {  	s24 =	simm.s32 $0x980  }
0x16e: {  	[spmem:s2] =	stream.indirect.scatter.add.f32 [tilespmem:s3], [sflag:$0x1], $0x1, s24, s5, $0xb8;
	[tilespmem:$0x1EB00] =	vst v63  }
0x16f: {  	s24 =	simm.s32 $0xA00  }
0x170: {  	[spmem:s2] =	stream.indirect.scatter.add.f32 [tilespmem:s3], [sflag:$0x1], $0x1, s24, s5, $0xb8;
	[tilespmem:$0x1EB00] =	vst v63  }
0x171: {  	s24 =	simm.s32 $0xA80  }
0x172: {  	[spmem:s2] =	stream.indirect.scatter.add.f32 [tilespmem:s3], [sflag:$0x1], $0x1, s24, s5, $0xb8;
	[tilespmem:$0x1EB00] =	vst v63  }
0x173: {  	s24 =	simm.s32 $0xB00  }
0x174: {  	[spmem:s2] =	stream.indirect.scatter.add.f32 [tilespmem:s3], [sflag:$0x1], $0x1, s24, s5, $0xb8;
	[tilespmem:$0x1EB00] =	vst v63  }
0x175: {  	s24 =	simm.s32 $0xB80  }
0x176: {  	[spmem:s2] =	stream.indirect.scatter.add.f32 [tilespmem:s3], [sflag:$0x1], $0x1, s24, s5, $0xb8;
	[tilespmem:$0x1EB00] =	vst v63  }
0x177: {  	_ =	swait.ge [sflag:s15], $0x80  }
0x178: {  	[sflag:s15] =	ssyncset.done $0x0  }
0x179: {  	[sflag:s15] =	ssyncadd.s32 $0xFFFFFF80  }
0x17a: {  	_ =	swait.ge [sflag:s15], $0x80  }
0x17b: {  	[sflag:s15] =	ssyncset.done $0x0  }
0x17c: {  	[sflag:s15] =	ssyncadd.s32 $0xFFFFFF80  }
0x17d: {  	_ =	swait.ge [sflag:s15], $0x80  }
0x17e: {  	[sflag:s15] =	ssyncset.done $0x0  }
0x17f: {  	[sflag:s15] =	ssyncadd.s32 $0xFFFFFF80  }
0x180: {  	_ =	swait.ge [sflag:s15], $0x80  }
0x181: {  	[sflag:s15] =	ssyncset.done $0x0  }
0x182: {  	[sflag:s15] =	ssyncadd.s32 $0xFFFFFF80  }
0x183: {  	_ =	swait.ge [sflag:s15], $0x80  }
0x184: {  	[sflag:s15] =	ssyncset.done $0x0  }
0x185: {  	[sflag:s15] =	ssyncadd.s32 $0xFFFFFF80  }
0x186: {  	_ =	swait.ge [sflag:s15], $0x80  }
0x187: {  	[sflag:s15] =	ssyncset.done $0x0  }
0x188: {  	[sflag:s15] =	ssyncadd.s32 $0xFFFFFF80  }
0x189: {  	_ =	swait.ge [sflag:s15], $0x80  }
0x18a: {  	[sflag:s15] =	ssyncset.done $0x0  }
0x18b: {  	[sflag:s15] =	ssyncadd.s32 $0xFFFFFF80  }
0x18c: {  	_ =	swait.ge [sflag:s15], $0x80  }
0x18d: {  	[sflag:s15] =	ssyncset.done $0x0  }
0x18e: {  	s24 =	simm.s32 $0xC00;
	[sflag:s15] =	ssyncadd.s32 $0xFFFFFF80  }
0x18f: {  	[spmem:s2] =	stream.indirect.scatter.add.f32 [tilespmem:s3], [sflag:$0x1], $0x1, s24, s5, $0xb8;
	[tilespmem:$0x1EB00] =	vst v63  }
0x190: {  	s24 =	simm.s32 $0xC80  }
0x191: {  	[spmem:s2] =	stream.indirect.scatter.add.f32 [tilespmem:s3], [sflag:$0x1], $0x1, s24, s5, $0xb8;
	[tilespmem:$0x1EB00] =	vst v63  }
0x192: {  	s24 =	simm.s32 $0xD00  }
0x193: {  	[spmem:s2] =	stream.indirect.scatter.add.f32 [tilespmem:s3], [sflag:$0x1], $0x1, s24, s5, $0xb8;
	[tilespmem:$0x1EB00] =	vst v63  }
0x194: {  	s24 =	simm.s32 $0xD80  }
0x195: {  	[spmem:s2] =	stream.indirect.scatter.add.f32 [tilespmem:s3], [sflag:$0x1], $0x1, s24, s5, $0xb8;
	[tilespmem:$0x1EB00] =	vst v63  }
0x196: {  	s24 =	simm.s32 $0xE00  }
0x197: {  	[spmem:s2] =	stream.indirect.scatter.add.f32 [tilespmem:s3], [sflag:$0x1], $0x1, s24, s5, $0xb8;
	[tilespmem:$0x1EB00] =	vst v63  }
0x198: {  	s24 =	simm.s32 $0xE80  }
0x199: {  	[spmem:s2] =	stream.indirect.scatter.add.f32 [tilespmem:s3], [sflag:$0x1], $0x1, s24, s5, $0xb8;
	[tilespmem:$0x1EB00] =	vst v63  }
0x19a: {  	s24 =	simm.s32 $0xF00  }
0x19b: {  	[spmem:s2] =	stream.indirect.scatter.add.f32 [tilespmem:s3], [sflag:$0x1], $0x1, s24, s5, $0xb8;
	[tilespmem:$0x1EB00] =	vst v63  }
0x19c: {  	s24 =	simm.s32 $0xF80  }
0x19d: {  	[spmem:s2] =	stream.indirect.scatter.add.f32 [tilespmem:s3], [sflag:$0x1], $0x1, s24, s5, $0xb8;
	[tilespmem:$0x1EB00] =	vst v63  }
0x19e: {  	_ =	swait.ge [sflag:s15], $0x80  }
0x19f: {  	[sflag:s15] =	ssyncset.done $0x0  }
0x1a0: {  	[sflag:s15] =	ssyncadd.s32 $0xFFFFFF80  }
0x1a1: {  	_ =	swait.ge [sflag:s15], $0x80  }
0x1a2: {  	[sflag:s15] =	ssyncset.done $0x0  }
0x1a3: {  	[sflag:s15] =	ssyncadd.s32 $0xFFFFFF80  }
0x1a4: {  	_ =	swait.ge [sflag:s15], $0x80  }
0x1a5: {  	[sflag:s15] =	ssyncset.done $0x0  }
0x1a6: {  	[sflag:s15] =	ssyncadd.s32 $0xFFFFFF80  }
0x1a7: {  	_ =	swait.ge [sflag:s15], $0x80  }
0x1a8: {  	[sflag:s15] =	ssyncset.done $0x0  }
0x1a9: {  	[sflag:s15] =	ssyncadd.s32 $0xFFFFFF80  }
0x1aa: {  	_ =	swait.ge [sflag:s15], $0x80  }
0x1ab: {  	[sflag:s15] =	ssyncset.done $0x0  }
0x1ac: {  	[sflag:s15] =	ssyncadd.s32 $0xFFFFFF80  }
0x1ad: {  	_ =	swait.ge [sflag:s15], $0x80  }
0x1ae: {  	[sflag:s15] =	ssyncset.done $0x0  }
0x1af: {  	[sflag:s15] =	ssyncadd.s32 $0xFFFFFF80  }
0x1b0: {  	_ =	swait.ge [sflag:s15], $0x80  }
0x1b1: {  	[sflag:s15] =	ssyncset.done $0x0  }
0x1b2: {  	[sflag:s15] =	ssyncadd.s32 $0xFFFFFF80  }
0x1b3: {  	_ =	swait.ge [sflag:s15], $0x80  }
0x1b4: {  	[sflag:s15] =	ssyncset.done $0x0  }
0x1b5: {  	s24 =	simm.s32 $0x1000;
	[sflag:s15] =	ssyncadd.s32 $0xFFFFFF80  }
0x1b6: {  	[spmem:s2] =	stream.indirect.scatter.add.f32 [tilespmem:s3], [sflag:$0x1], $0x1, s24, s5, $0xb8;
	[tilespmem:$0x1EB00] =	vst v63  }
0x1b7: {  	s24 =	simm.s32 $0x1080  }
0x1b8: {  	[spmem:s2] =	stream.indirect.scatter.add.f32 [tilespmem:s3], [sflag:$0x1], $0x1, s24, s5, $0xb8;
	[tilespmem:$0x1EB00] =	vst v63  }
0x1b9: {  	s24 =	simm.s32 $0x1100  }
0x1ba: {  	[spmem:s2] =	stream.indirect.scatter.add.f32 [tilespmem:s3], [sflag:$0x1], $0x1, s24, s5, $0xb8;
	[tilespmem:$0x1EB00] =	vst v63  }
0x1bb: {  	s24 =	simm.s32 $0x1180  }
0x1bc: {  	[spmem:s2] =	stream.indirect.scatter.add.f32 [tilespmem:s3], [sflag:$0x1], $0x1, s24, s5, $0xb8;
	[tilespmem:$0x1EB00] =	vst v63  }
0x1bd: {  	s24 =	simm.s32 $0x1200  }
0x1be: {  	[spmem:s2] =	stream.indirect.scatter.add.f32 [tilespmem:s3], [sflag:$0x1], $0x1, s24, s5, $0xb8;
	[tilespmem:$0x1EB00] =	vst v63  }
0x1bf: {  	s24 =	simm.s32 $0x1280  }
0x1c0: {  	[spmem:s2] =	stream.indirect.scatter.add.f32 [tilespmem:s3], [sflag:$0x1], $0x1, s24, s5, $0xb8;
	[tilespmem:$0x1EB00] =	vst v63  }
0x1c1: {  	s24 =	simm.s32 $0x1300  }
0x1c2: {  	[spmem:s2] =	stream.indirect.scatter.add.f32 [tilespmem:s3], [sflag:$0x1], $0x1, s24, s5, $0xb8;
	[tilespmem:$0x1EB00] =	vst v63  }
0x1c3: {  	s24 =	simm.s32 $0x1380  }
0x1c4: {  	[spmem:s2] =	stream.indirect.scatter.add.f32 [tilespmem:s3], [sflag:$0x1], $0x1, s24, s5, $0xb8;
	[tilespmem:$0x1EB00] =	vst v63  }
0x1c5: {  	_ =	swait.ge [sflag:s15], $0x80  }
0x1c6: {  	[sflag:s15] =	ssyncset.done $0x0  }
0x1c7: {  	[sflag:s15] =	ssyncadd.s32 $0xFFFFFF80  }
0x1c8: {  	_ =	swait.ge [sflag:s15], $0x80  }
0x1c9: {  	[sflag:s15] =	ssyncset.done $0x0  }
0x1ca: {  	[sflag:s15] =	ssyncadd.s32 $0xFFFFFF80  }
0x1cb: {  	_ =	swait.ge [sflag:s15], $0x80  }
0x1cc: {  	[sflag:s15] =	ssyncset.done $0x0  }
0x1cd: {  	[sflag:s15] =	ssyncadd.s32 $0xFFFFFF80  }
0x1ce: {  	_ =	swait.ge [sflag:s15], $0x80  }
0x1cf: {  	[sflag:s15] =	ssyncset.done $0x0  }
0x1d0: {  	[sflag:s15] =	ssyncadd.s32 $0xFFFFFF80  }
0x1d1: {  	_ =	swait.ge [sflag:s15], $0x80  }
0x1d2: {  	[sflag:s15] =	ssyncset.done $0x0  }
0x1d3: {  	[sflag:s15] =	ssyncadd.s32 $0xFFFFFF80  }
0x1d4: {  	_ =	swait.ge [sflag:s15], $0x80  }
0x1d5: {  	[sflag:s15] =	ssyncset.done $0x0  }
0x1d6: {  	[sflag:s15] =	ssyncadd.s32 $0xFFFFFF80  }
0x1d7: {  	_ =	swait.ge [sflag:s15], $0x80  }
0x1d8: {  	[sflag:s15] =	ssyncset.done $0x0  }
0x1d9: {  	[sflag:s15] =	ssyncadd.s32 $0xFFFFFF80  }
0x1da: {  	_ =	swait.ge [sflag:s15], $0x80  }
0x1db: {  	[sflag:s15] =	ssyncset.done $0x0  }
0x1dc: {  	s24 =	rddreg [dreg:$0x16];
	[sflag:s15] =	ssyncadd.s32 $0xFFFFFF80  }
0x1dd: {  	[tilespmem:s4], [sflag:$0x6] =	stream.linear.gather [hbm4b:s24+s4], $0x1400, $0x38;
	[tilespmem:$0x1EB00] =	vst v63  }
0x1de: {  	_ =	swait.ge [sflag:s0], $0x1400  }
0x1df: {  	[sflag:s0] =	ssyncset.done $0x0  }
0x1e0: {  	[sflag:s0] =	ssyncadd.s32 $0xFFFFEC00  }
0x1e1: {  	[spmem:s2] =	stream.indirect.scatter.add.f32 [tilespmem:s3], [sflag:$0x1], $0x1, s4, s5, $0xb8;
	[tilespmem:$0x1EB00] =	vst v63  }
0x1e2: {  	_ = 	snop  }
0x1e3: {  	[spmem:s2] =	stream.indirect.scatter.add.f32 [tilespmem:s3], [sflag:$0x1], $0x1, s5, s5, $0xb8;
	[tilespmem:$0x1EB00] =	vst v63  }
0x1e4: {  	_ = 	snop  }
0x1e5: {  	[spmem:s2] =	stream.indirect.scatter.add.f32 [tilespmem:s3], [sflag:$0x1], $0x1, s7, s5, $0xb8;
	[tilespmem:$0x1EB00] =	vst v63  }
0x1e6: {  	_ = 	snop  }
0x1e7: {  	[spmem:s2] =	stream.indirect.scatter.add.f32 [tilespmem:s3], [sflag:$0x1], $0x1, s8, s5, $0xb8;
	[tilespmem:$0x1EB00] =	vst v63  }
0x1e8: {  	_ = 	snop  }
0x1e9: {  	[spmem:s2] =	stream.indirect.scatter.add.f32 [tilespmem:s3], [sflag:$0x1], $0x1, s9, s5, $0xb8;
	[tilespmem:$0x1EB00] =	vst v63  }
0x1ea: {  	_ = 	snop  }
0x1eb: {  	[spmem:s2] =	stream.indirect.scatter.add.f32 [tilespmem:s3], [sflag:$0x1], $0x1, s12, s5, $0xb8;
	[tilespmem:$0x1EB00] =	vst v63  }
0x1ec: {  	_ = 	snop  }
0x1ed: {  	[spmem:s2] =	stream.indirect.scatter.add.f32 [tilespmem:s3], [sflag:$0x1], $0x1, s6, s5, $0xb8;
	[tilespmem:$0x1EB00] =	vst v63  }
0x1ee: {  	s24 =	simm.s32 $0x380  }
0x1ef: {  	[spmem:s2] =	stream.indirect.scatter.add.f32 [tilespmem:s3], [sflag:$0x1], $0x1, s24, s5, $0xb8;
	[tilespmem:$0x1EB00] =	vst v63  }
0x1f0: {  	_ =	swait.ge [sflag:s15], $0x80  }
0x1f1: {  	[sflag:s15] =	ssyncset.done $0x0  }
0x1f2: {  	[sflag:s15] =	ssyncadd.s32 $0xFFFFFF80  }
0x1f3: {  	_ =	swait.ge [sflag:s15], $0x80  }
0x1f4: {  	[sflag:s15] =	ssyncset.done $0x0  }
0x1f5: {  	[sflag:s15] =	ssyncadd.s32 $0xFFFFFF80  }
0x1f6: {  	_ =	swait.ge [sflag:s15], $0x80  }
0x1f7: {  	[sflag:s15] =	ssyncset.done $0x0  }
0x1f8: {  	[sflag:s15] =	ssyncadd.s32 $0xFFFFFF80  }
0x1f9: {  	_ =	swait.ge [sflag:s15], $0x80  }
0x1fa: {  	[sflag:s15] =	ssyncset.done $0x0  }
0x1fb: {  	[sflag:s15] =	ssyncadd.s32 $0xFFFFFF80  }
0x1fc: {  	_ =	swait.ge [sflag:s15], $0x80  }
0x1fd: {  	[sflag:s15] =	ssyncset.done $0x0  }
0x1fe: {  	[sflag:s15] =	ssyncadd.s32 $0xFFFFFF80  }
0x1ff: {  	_ =	swait.ge [sflag:s15], $0x80  }
0x200: {  	[sflag:s15] =	ssyncset.done $0x0  }
0x201: {  	[sflag:s15] =	ssyncadd.s32 $0xFFFFFF80  }
0x202: {  	_ =	swait.ge [sflag:s15], $0x80  }
0x203: {  	[sflag:s15] =	ssyncset.done $0x0  }
0x204: {  	[sflag:s15] =	ssyncadd.s32 $0xFFFFFF80  }
0x205: {  	_ =	swait.ge [sflag:s15], $0x80  }
0x206: {  	[sflag:s15] =	ssyncset.done $0x0  }
0x207: {  	[sflag:s15] =	ssyncadd.s32 $0xFFFFFF80  }
0x208: {  	[spmem:s2] =	stream.indirect.scatter.add.f32 [tilespmem:s3], [sflag:$0x1], $0x1, s14, s5, $0xb8;
	[tilespmem:$0x1EB00] =	vst v63  }
0x209: {  	_ = 	snop  }
0x20a: {  	[spmem:s2] =	stream.indirect.scatter.add.f32 [tilespmem:s3], [sflag:$0x1], $0x1, s18, s5, $0xb8;
	[tilespmem:$0x1EB00] =	vst v63  }
0x20b: {  	_ = 	snop  }
0x20c: {  	[spmem:s2] =	stream.indirect.scatter.add.f32 [tilespmem:s3], [sflag:$0x1], $0x1, s21, s5, $0xb8;
	[tilespmem:$0x1EB00] =	vst v63  }
0x20d: {  	_ = 	snop  }
0x20e: {  	[spmem:s2] =	stream.indirect.scatter.add.f32 [tilespmem:s3], [sflag:$0x1], $0x1, s23, s5, $0xb8;
	[tilespmem:$0x1EB00] =	vst v63  }
0x20f: {  	s24 =	simm.s32 $0x600  }
0x210: {  	[spmem:s2] =	stream.indirect.scatter.add.f32 [tilespmem:s3], [sflag:$0x1], $0x1, s24, s5, $0xb8;
	[tilespmem:$0x1EB00] =	vst v63  }
0x211: {  	s24 =	simm.s32 $0x680  }
0x212: {  	[spmem:s2] =	stream.indirect.scatter.add.f32 [tilespmem:s3], [sflag:$0x1], $0x1, s24, s5, $0xb8;
	[tilespmem:$0x1EB00] =	vst v63  }
0x213: {  	s31 =	simm.s32 $0x700  }
0x214: {  	[spmem:s2] =	stream.indirect.scatter.add.f32 [tilespmem:s3], [sflag:$0x1], $0x1, s31, s5, $0xb8;
	[tilespmem:$0x1EB00] =	vst v63  }
0x215: {  	s22 =	simm.s32 $0x780  }
0x216: {  	[spmem:s2] =	stream.indirect.scatter.add.f32 [tilespmem:s3], [sflag:$0x1], $0x1, s22, s5, $0xb8;
	[tilespmem:$0x1EB00] =	vst v63  }
0x217: {  	_ =	swait.ge [sflag:s15], $0x80  }
0x218: {  	[sflag:s15] =	ssyncset.done $0x0  }
0x219: {  	[sflag:s15] =	ssyncadd.s32 $0xFFFFFF80  }
0x21a: {  	_ =	swait.ge [sflag:s15], $0x80  }
0x21b: {  	[sflag:s15] =	ssyncset.done $0x0  }
0x21c: {  	[sflag:s15] =	ssyncadd.s32 $0xFFFFFF80  }
0x21d: {  	_ =	swait.ge [sflag:s15], $0x80  }
0x21e: {  	[sflag:s15] =	ssyncset.done $0x0  }
0x21f: {  	[sflag:s15] =	ssyncadd.s32 $0xFFFFFF80  }
0x220: {  	_ =	swait.ge [sflag:s15], $0x80  }
0x221: {  	[sflag:s15] =	ssyncset.done $0x0  }
0x222: {  	[sflag:s15] =	ssyncadd.s32 $0xFFFFFF80  }
0x223: {  	_ =	swait.ge [sflag:s15], $0x80  }
0x224: {  	[sflag:s15] =	ssyncset.done $0x0  }
0x225: {  	[sflag:s15] =	ssyncadd.s32 $0xFFFFFF80  }
0x226: {  	_ =	swait.ge [sflag:s15], $0x80  }
0x227: {  	[sflag:s15] =	ssyncset.done $0x0  }
0x228: {  	[sflag:s15] =	ssyncadd.s32 $0xFFFFFF80  }
0x229: {  	_ =	swait.ge [sflag:s15], $0x80  }
0x22a: {  	[sflag:s15] =	ssyncset.done $0x0  }
0x22b: {  	[sflag:s15] =	ssyncadd.s32 $0xFFFFFF80  }
0x22c: {  	_ =	swait.ge [sflag:s15], $0x80  }
0x22d: {  	[sflag:s15] =	ssyncset.done $0x0  }
0x22e: {  	s22 =	simm.s32 $0x800;
	[sflag:s15] =	ssyncadd.s32 $0xFFFFFF80  }
0x22f: {  	[spmem:s2] =	stream.indirect.scatter.add.f32 [tilespmem:s3], [sflag:$0x1], $0x1, s22, s5, $0xb8;
	[tilespmem:$0x1EB00] =	vst v63  }
0x230: {  	s22 =	simm.s32 $0x880  }
0x231: {  	[spmem:s2] =	stream.indirect.scatter.add.f32 [tilespmem:s3], [sflag:$0x1], $0x1, s22, s5, $0xb8;
	[tilespmem:$0x1EB00] =	vst v63  }
0x232: {  	s22 =	simm.s32 $0x900  }
0x233: {  	[spmem:s2] =	stream.indirect.scatter.add.f32 [tilespmem:s3], [sflag:$0x1], $0x1, s22, s5, $0xb8;
	[tilespmem:$0x1EB00] =	vst v63  }
0x234: {  	s22 =	simm.s32 $0x980  }
0x235: {  	[spmem:s2] =	stream.indirect.scatter.add.f32 [tilespmem:s3], [sflag:$0x1], $0x1, s22, s5, $0xb8;
	[tilespmem:$0x1EB00] =	vst v63  }
0x236: {  	s22 =	simm.s32 $0xA00  }
0x237: {  	[spmem:s2] =	stream.indirect.scatter.add.f32 [tilespmem:s3], [sflag:$0x1], $0x1, s22, s5, $0xb8;
	[tilespmem:$0x1EB00] =	vst v63  }
0x238: {  	s22 =	simm.s32 $0xA80  }
0x239: {  	[spmem:s2] =	stream.indirect.scatter.add.f32 [tilespmem:s3], [sflag:$0x1], $0x1, s22, s5, $0xb8;
	[tilespmem:$0x1EB00] =	vst v63  }
0x23a: {  	s22 =	simm.s32 $0xB00  }
0x23b: {  	[spmem:s2] =	stream.indirect.scatter.add.f32 [tilespmem:s3], [sflag:$0x1], $0x1, s22, s5, $0xb8;
	[tilespmem:$0x1EB00] =	vst v63  }
0x23c: {  	s22 =	simm.s32 $0xB80  }
0x23d: {  	[spmem:s2] =	stream.indirect.scatter.add.f32 [tilespmem:s3], [sflag:$0x1], $0x1, s22, s5, $0xb8;
	[tilespmem:$0x1EB00] =	vst v63  }
0x23e: {  	_ =	swait.ge [sflag:s15], $0x80  }
0x23f: {  	[sflag:s15] =	ssyncset.done $0x0  }
0x240: {  	[sflag:s15] =	ssyncadd.s32 $0xFFFFFF80  }
0x241: {  	_ =	swait.ge [sflag:s15], $0x80  }
0x242: {  	[sflag:s15] =	ssyncset.done $0x0  }
0x243: {  	[sflag:s15] =	ssyncadd.s32 $0xFFFFFF80  }
0x244: {  	_ =	swait.ge [sflag:s15], $0x80  }
0x245: {  	[sflag:s15] =	ssyncset.done $0x0  }
0x246: {  	[sflag:s15] =	ssyncadd.s32 $0xFFFFFF80  }
0x247: {  	_ =	swait.ge [sflag:s15], $0x80  }
0x248: {  	[sflag:s15] =	ssyncset.done $0x0  }
0x249: {  	[sflag:s15] =	ssyncadd.s32 $0xFFFFFF80  }
0x24a: {  	_ =	swait.ge [sflag:s15], $0x80  }
0x24b: {  	[sflag:s15] =	ssyncset.done $0x0  }
0x24c: {  	[sflag:s15] =	ssyncadd.s32 $0xFFFFFF80  }
0x24d: {  	_ =	swait.ge [sflag:s15], $0x80  }
0x24e: {  	[sflag:s15] =	ssyncset.done $0x0  }
0x24f: {  	[sflag:s15] =	ssyncadd.s32 $0xFFFFFF80  }
0x250: {  	_ =	swait.ge [sflag:s15], $0x80  }
0x251: {  	[sflag:s15] =	ssyncset.done $0x0  }
0x252: {  	[sflag:s15] =	ssyncadd.s32 $0xFFFFFF80  }
0x253: {  	_ =	swait.ge [sflag:s15], $0x80  }
0x254: {  	[sflag:s15] =	ssyncset.done $0x0  }
0x255: {  	s22 =	simm.s32 $0xC00;
	[sflag:s15] =	ssyncadd.s32 $0xFFFFFF80  }
0x256: {  	[spmem:s2] =	stream.indirect.scatter.add.f32 [tilespmem:s3], [sflag:$0x1], $0x1, s22, s5, $0xb8;
	[tilespmem:$0x1EB00] =	vst v63  }
0x257: {  	s22 =	simm.s32 $0xC80  }
0x258: {  	[spmem:s2] =	stream.indirect.scatter.add.f32 [tilespmem:s3], [sflag:$0x1], $0x1, s22, s5, $0xb8;
	[tilespmem:$0x1EB00] =	vst v63  }
0x259: {  	s22 =	simm.s32 $0xD00  }
0x25a: {  	[spmem:s2] =	stream.indirect.scatter.add.f32 [tilespmem:s3], [sflag:$0x1], $0x1, s22, s5, $0xb8;
	[tilespmem:$0x1EB00] =	vst v63  }
0x25b: {  	s22 =	simm.s32 $0xD80  }
0x25c: {  	[spmem:s2] =	stream.indirect.scatter.add.f32 [tilespmem:s3], [sflag:$0x1], $0x1, s22, s5, $0xb8;
	[tilespmem:$0x1EB00] =	vst v63  }
0x25d: {  	s22 =	simm.s32 $0xE00  }
0x25e: {  	[spmem:s2] =	stream.indirect.scatter.add.f32 [tilespmem:s3], [sflag:$0x1], $0x1, s22, s5, $0xb8;
	[tilespmem:$0x1EB00] =	vst v63  }
0x25f: {  	s22 =	simm.s32 $0xE80  }
0x260: {  	[spmem:s2] =	stream.indirect.scatter.add.f32 [tilespmem:s3], [sflag:$0x1], $0x1, s22, s5, $0xb8;
	[tilespmem:$0x1EB00] =	vst v63  }
0x261: {  	s22 =	simm.s32 $0xF00  }
0x262: {  	[spmem:s2] =	stream.indirect.scatter.add.f32 [tilespmem:s3], [sflag:$0x1], $0x1, s22, s5, $0xb8;
	[tilespmem:$0x1EB00] =	vst v63  }
0x263: {  	s22 =	simm.s32 $0xF80  }
0x264: {  	[spmem:s2] =	stream.indirect.scatter.add.f32 [tilespmem:s3], [sflag:$0x1], $0x1, s22, s5, $0xb8;
	[tilespmem:$0x1EB00] =	vst v63  }
0x265: {  	_ =	swait.ge [sflag:s15], $0x80  }
0x266: {  	[sflag:s15] =	ssyncset.done $0x0  }
0x267: {  	[sflag:s15] =	ssyncadd.s32 $0xFFFFFF80  }
0x268: {  	_ =	swait.ge [sflag:s15], $0x80  }
0x269: {  	[sflag:s15] =	ssyncset.done $0x0  }
0x26a: {  	[sflag:s15] =	ssyncadd.s32 $0xFFFFFF80  }
0x26b: {  	_ =	swait.ge [sflag:s15], $0x80  }
0x26c: {  	[sflag:s15] =	ssyncset.done $0x0  }
0x26d: {  	[sflag:s15] =	ssyncadd.s32 $0xFFFFFF80  }
0x26e: {  	_ =	swait.ge [sflag:s15], $0x80  }
0x26f: {  	[sflag:s15] =	ssyncset.done $0x0  }
0x270: {  	[sflag:s15] =	ssyncadd.s32 $0xFFFFFF80  }
0x271: {  	_ =	swait.ge [sflag:s15], $0x80  }
0x272: {  	[sflag:s15] =	ssyncset.done $0x0  }
0x273: {  	[sflag:s15] =	ssyncadd.s32 $0xFFFFFF80  }
0x274: {  	_ =	swait.ge [sflag:s15], $0x80  }
0x275: {  	[sflag:s15] =	ssyncset.done $0x0  }
0x276: {  	[sflag:s15] =	ssyncadd.s32 $0xFFFFFF80  }
0x277: {  	_ =	swait.ge [sflag:s15], $0x80  }
0x278: {  	[sflag:s15] =	ssyncset.done $0x0  }
0x279: {  	[sflag:s15] =	ssyncadd.s32 $0xFFFFFF80  }
0x27a: {  	_ =	swait.ge [sflag:s15], $0x80  }
0x27b: {  	[sflag:s15] =	ssyncset.done $0x0  }
0x27c: {  	s22 =	simm.s32 $0x1000;
	[sflag:s15] =	ssyncadd.s32 $0xFFFFFF80  }
0x27d: {  	[spmem:s2] =	stream.indirect.scatter.add.f32 [tilespmem:s3], [sflag:$0x1], $0x1, s22, s5, $0xb8;
	[tilespmem:$0x1EB00] =	vst v63  }
0x27e: {  	s22 =	simm.s32 $0x1080  }
0x27f: {  	[spmem:s2] =	stream.indirect.scatter.add.f32 [tilespmem:s3], [sflag:$0x1], $0x1, s22, s5, $0xb8;
	[tilespmem:$0x1EB00] =	vst v63  }
0x280: {  	s22 =	simm.s32 $0x1100  }
0x281: {  	[spmem:s2] =	stream.indirect.scatter.add.f32 [tilespmem:s3], [sflag:$0x1], $0x1, s22, s5, $0xb8;
	[tilespmem:$0x1EB00] =	vst v63  }
0x282: {  	s22 =	simm.s32 $0x1180  }
0x283: {  	[spmem:s2] =	stream.indirect.scatter.add.f32 [tilespmem:s3], [sflag:$0x1], $0x1, s22, s5, $0xb8;
	[tilespmem:$0x1EB00] =	vst v63  }
0x284: {  	s22 =	simm.s32 $0x1200  }
0x285: {  	[spmem:s2] =	stream.indirect.scatter.add.f32 [tilespmem:s3], [sflag:$0x1], $0x1, s22, s5, $0xb8;
	[tilespmem:$0x1EB00] =	vst v63  }
0x286: {  	s22 =	simm.s32 $0x1280  }
0x287: {  	[spmem:s2] =	stream.indirect.scatter.add.f32 [tilespmem:s3], [sflag:$0x1], $0x1, s22, s5, $0xb8;
	[tilespmem:$0x1EB00] =	vst v63  }
0x288: {  	s22 =	simm.s32 $0x1300  }
0x289: {  	[spmem:s2] =	stream.indirect.scatter.add.f32 [tilespmem:s3], [sflag:$0x1], $0x1, s22, s5, $0xb8;
	[tilespmem:$0x1EB00] =	vst v63  }
0x28a: {  	s22 =	simm.s32 $0x1380  }
0x28b: {  	[spmem:s2] =	stream.indirect.scatter.add.f32 [tilespmem:s3], [sflag:$0x1], $0x1, s22, s5, $0xb8;
	[tilespmem:$0x1EB00] =	vst v63  }
0x28c: {  	_ =	swait.ge [sflag:s15], $0x80  }
0x28d: {  	[sflag:s15] =	ssyncset.done $0x0  }
0x28e: {  	[sflag:s15] =	ssyncadd.s32 $0xFFFFFF80  }
0x28f: {  	_ =	swait.ge [sflag:s15], $0x80  }
0x290: {  	[sflag:s15] =	ssyncset.done $0x0  }
0x291: {  	[sflag:s15] =	ssyncadd.s32 $0xFFFFFF80  }
0x292: {  	_ =	swait.ge [sflag:s15], $0x80  }
0x293: {  	[sflag:s15] =	ssyncset.done $0x0  }
0x294: {  	[sflag:s15] =	ssyncadd.s32 $0xFFFFFF80  }
0x295: {  	_ =	swait.ge [sflag:s15], $0x80  }
0x296: {  	[sflag:s15] =	ssyncset.done $0x0  }
0x297: {  	[sflag:s15] =	ssyncadd.s32 $0xFFFFFF80  }
0x298: {  	_ =	swait.ge [sflag:s15], $0x80  }
0x299: {  	[sflag:s15] =	ssyncset.done $0x0  }
0x29a: {  	[sflag:s15] =	ssyncadd.s32 $0xFFFFFF80  }
0x29b: {  	_ =	swait.ge [sflag:s15], $0x80  }
0x29c: {  	[sflag:s15] =	ssyncset.done $0x0  }
0x29d: {  	[sflag:s15] =	ssyncadd.s32 $0xFFFFFF80  }
0x29e: {  	_ =	swait.ge [sflag:s15], $0x80  }
0x29f: {  	[sflag:s15] =	ssyncset.done $0x0  }
0x2a0: {  	[sflag:s15] =	ssyncadd.s32 $0xFFFFFF80  }
0x2a1: {  	_ =	swait.ge [sflag:s15], $0x80  }
0x2a2: {  	[sflag:s15] =	ssyncset.done $0x0  }
0x2a3: {  	s22 =	rddreg [dreg:$0x17];
	[sflag:s15] =	ssyncadd.s32 $0xFFFFFF80  }
0x2a4: {  	[tilespmem:s4], [sflag:$0x6] =	stream.linear.gather [hbm4b:s22+s4], $0x1400, $0x38;
	[tilespmem:$0x1EB00] =	vst v63  }
0x2a5: {  	_ =	swait.ge [sflag:s0], $0x1400  }
0x2a6: {  	[sflag:s0] =	ssyncset.done $0x0  }
0x2a7: {  	[sflag:s0] =	ssyncadd.s32 $0xFFFFEC00  }
0x2a8: {  	[spmem:s2] =	stream.indirect.scatter.add.f32 [tilespmem:s3], [sflag:$0x1], $0x1, s4, s5, $0xb8;
	[tilespmem:$0x1EB00] =	vst v63  }
0x2a9: {  	_ = 	snop  }
0x2aa: {  	[spmem:s2] =	stream.indirect.scatter.add.f32 [tilespmem:s3], [sflag:$0x1], $0x1, s5, s5, $0xb8;
	[tilespmem:$0x1EB00] =	vst v63  }
0x2ab: {  	s7 =	simm.s32 $0x100  }
0x2ac: {  	[spmem:s2] =	stream.indirect.scatter.add.f32 [tilespmem:s3], [sflag:$0x1], $0x1, s7, s5, $0xb8;
	[tilespmem:$0x1EB00] =	vst v63  }
0x2ad: {  	s8 =	simm.s32 $0x180  }
0x2ae: {  	[spmem:s2] =	stream.indirect.scatter.add.f32 [tilespmem:s3], [sflag:$0x1], $0x1, s8, s5, $0xb8;
	[tilespmem:$0x1EB00] =	vst v63  }
0x2af: {  	s9 =	simm.s32 $0x200  }
0x2b0: {  	[spmem:s2] =	stream.indirect.scatter.add.f32 [tilespmem:s3], [sflag:$0x1], $0x1, s9, s5, $0xb8;
	[tilespmem:$0x1EB00] =	vst v63  }
0x2b1: {  	s12 =	simm.s32 $0x280  }
0x2b2: {  	[spmem:s2] =	stream.indirect.scatter.add.f32 [tilespmem:s3], [sflag:$0x1], $0x1, s12, s5, $0xb8;
	[tilespmem:$0x1EB00] =	vst v63  }
0x2b3: {  	s6 =	simm.s32 $0x300  }
0x2b4: {  	[spmem:s2] =	stream.indirect.scatter.add.f32 [tilespmem:s3], [sflag:$0x1], $0x1, s6, s5, $0xb8;
	[tilespmem:$0x1EB00] =	vst v63  }
0x2b5: {  	s12 =	simm.s32 $0x380  }
0x2b6: {  	[spmem:s2] =	stream.indirect.scatter.add.f32 [tilespmem:s3], [sflag:$0x1], $0x1, s12, s5, $0xb8;
	[tilespmem:$0x1EB00] =	vst v63  }
0x2b7: {  	_ =	swait.ge [sflag:s15], $0x80  }
0x2b8: {  	[sflag:s15] =	ssyncset.done $0x0  }
0x2b9: {  	[sflag:s15] =	ssyncadd.s32 $0xFFFFFF80  }
0x2ba: {  	_ =	swait.ge [sflag:s15], $0x80  }
0x2bb: {  	[sflag:s15] =	ssyncset.done $0x0  }
0x2bc: {  	[sflag:s15] =	ssyncadd.s32 $0xFFFFFF80  }
0x2bd: {  	_ =	swait.ge [sflag:s15], $0x80  }
0x2be: {  	[sflag:s15] =	ssyncset.done $0x0  }
0x2bf: {  	[sflag:s15] =	ssyncadd.s32 $0xFFFFFF80  }
0x2c0: {  	_ =	swait.ge [sflag:s15], $0x80  }
0x2c1: {  	[sflag:s15] =	ssyncset.done $0x0  }
0x2c2: {  	[sflag:s15] =	ssyncadd.s32 $0xFFFFFF80  }
0x2c3: {  	_ =	swait.ge [sflag:s15], $0x80  }
0x2c4: {  	[sflag:s15] =	ssyncset.done $0x0  }
0x2c5: {  	[sflag:s15] =	ssyncadd.s32 $0xFFFFFF80  }
0x2c6: {  	_ =	swait.ge [sflag:s15], $0x80  }
0x2c7: {  	[sflag:s15] =	ssyncset.done $0x0  }
0x2c8: {  	[sflag:s15] =	ssyncadd.s32 $0xFFFFFF80  }
0x2c9: {  	_ =	swait.ge [sflag:s15], $0x80  }
0x2ca: {  	[sflag:s15] =	ssyncset.done $0x0  }
0x2cb: {  	[sflag:s15] =	ssyncadd.s32 $0xFFFFFF80  }
0x2cc: {  	_ =	swait.ge [sflag:s15], $0x80  }
0x2cd: {  	[sflag:s15] =	ssyncset.done $0x0  }
0x2ce: {  	s14 =	simm.s32 $0x400;
	[sflag:s15] =	ssyncadd.s32 $0xFFFFFF80  }
0x2cf: {  	[spmem:s2] =	stream.indirect.scatter.add.f32 [tilespmem:s3], [sflag:$0x1], $0x1, s14, s5, $0xb8;
	[tilespmem:$0x1EB00] =	vst v63  }
0x2d0: {  	s18 =	simm.s32 $0x480  }
0x2d1: {  	[spmem:s2] =	stream.indirect.scatter.add.f32 [tilespmem:s3], [sflag:$0x1], $0x1, s18, s5, $0xb8;
	[tilespmem:$0x1EB00] =	vst v63  }
0x2d2: {  	s21 =	simm.s32 $0x500  }
0x2d3: {  	[spmem:s2] =	stream.indirect.scatter.add.f32 [tilespmem:s3], [sflag:$0x1], $0x1, s21, s5, $0xb8;
	[tilespmem:$0x1EB00] =	vst v63  }
0x2d4: {  	s23 =	simm.s32 $0x580  }
0x2d5: {  	[spmem:s2] =	stream.indirect.scatter.add.f32 [tilespmem:s3], [sflag:$0x1], $0x1, s23, s5, $0xb8;
	[tilespmem:$0x1EB00] =	vst v63  }
0x2d6: {  	s22 =	simm.s32 $0x600  }
0x2d7: {  	[spmem:s2] =	stream.indirect.scatter.add.f32 [tilespmem:s3], [sflag:$0x1], $0x1, s22, s5, $0xb8;
	[tilespmem:$0x1EB00] =	vst v63  }
0x2d8: {  	s24 =	simm.s32 $0x680  }
0x2d9: {  	[spmem:s2] =	stream.indirect.scatter.add.f32 [tilespmem:s3], [sflag:$0x1], $0x1, s24, s5, $0xb8;
	[tilespmem:$0x1EB00] =	vst v63  }
0x2da: {  	s31 =	simm.s32 $0x700  }
0x2db: {  	[spmem:s2] =	stream.indirect.scatter.add.f32 [tilespmem:s3], [sflag:$0x1], $0x1, s31, s5, $0xb8;
	[tilespmem:$0x1EB00] =	vst v63  }
0x2dc: {  	s23 =	simm.s32 $0x780  }
0x2dd: {  	[spmem:s2] =	stream.indirect.scatter.add.f32 [tilespmem:s3], [sflag:$0x1], $0x1, s23, s5, $0xb8;
	[tilespmem:$0x1EB00] =	vst v63  }
0x2de: {  	_ =	swait.ge [sflag:s15], $0x80  }
0x2df: {  	[sflag:s15] =	ssyncset.done $0x0  }
0x2e0: {  	[sflag:s15] =	ssyncadd.s32 $0xFFFFFF80  }
0x2e1: {  	_ =	swait.ge [sflag:s15], $0x80  }
0x2e2: {  	[sflag:s15] =	ssyncset.done $0x0  }
0x2e3: {  	[sflag:s15] =	ssyncadd.s32 $0xFFFFFF80  }
0x2e4: {  	_ =	swait.ge [sflag:s15], $0x80  }
0x2e5: {  	[sflag:s15] =	ssyncset.done $0x0  }
0x2e6: {  	[sflag:s15] =	ssyncadd.s32 $0xFFFFFF80  }
0x2e7: {  	_ =	swait.ge [sflag:s15], $0x80  }
0x2e8: {  	[sflag:s15] =	ssyncset.done $0x0  }
0x2e9: {  	[sflag:s15] =	ssyncadd.s32 $0xFFFFFF80  }
0x2ea: {  	_ =	swait.ge [sflag:s15], $0x80  }
0x2eb: {  	[sflag:s15] =	ssyncset.done $0x0  }
0x2ec: {  	[sflag:s15] =	ssyncadd.s32 $0xFFFFFF80  }
0x2ed: {  	_ =	swait.ge [sflag:s15], $0x80  }
0x2ee: {  	[sflag:s15] =	ssyncset.done $0x0  }
0x2ef: {  	[sflag:s15] =	ssyncadd.s32 $0xFFFFFF80  }
0x2f0: {  	_ =	swait.ge [sflag:s15], $0x80  }
0x2f1: {  	[sflag:s15] =	ssyncset.done $0x0  }
0x2f2: {  	[sflag:s15] =	ssyncadd.s32 $0xFFFFFF80  }
0x2f3: {  	_ =	swait.ge [sflag:s15], $0x80  }
0x2f4: {  	[sflag:s15] =	ssyncset.done $0x0  }
0x2f5: {  	s24 =	simm.s32 $0x800;
	[sflag:s15] =	ssyncadd.s32 $0xFFFFFF80  }
0x2f6: {  	[spmem:s2] =	stream.indirect.scatter.add.f32 [tilespmem:s3], [sflag:$0x1], $0x1, s24, s5, $0xb8;
	[tilespmem:$0x1EB00] =	vst v63  }
0x2f7: {  	s31 =	simm.s32 $0x880  }
0x2f8: {  	[spmem:s2] =	stream.indirect.scatter.add.f32 [tilespmem:s3], [sflag:$0x1], $0x1, s31, s5, $0xb8;
	[tilespmem:$0x1EB00] =	vst v63  }
0x2f9: {  	s9 =	simm.s32 $0x900  }
0x2fa: {  	[spmem:s2] =	stream.indirect.scatter.add.f32 [tilespmem:s3], [sflag:$0x1], $0x1, s9, s5, $0xb8;
	[tilespmem:$0x1EB00] =	vst v63  }
0x2fb: {  	s12 =	simm.s32 $0x980  }
0x2fc: {  	[spmem:s2] =	stream.indirect.scatter.add.f32 [tilespmem:s3], [sflag:$0x1], $0x1, s12, s5, $0xb8;
	[tilespmem:$0x1EB00] =	vst v63  }
0x2fd: {  	s14 =	simm.s32 $0xA00  }
0x2fe: {  	[spmem:s2] =	stream.indirect.scatter.add.f32 [tilespmem:s3], [sflag:$0x1], $0x1, s14, s5, $0xb8;
	[tilespmem:$0x1EB00] =	vst v63  }
0x2ff: {  	s18 =	simm.s32 $0xA80  }
0x300: {  	[spmem:s2] =	stream.indirect.scatter.add.f32 [tilespmem:s3], [sflag:$0x1], $0x1, s18, s5, $0xb8;
	[tilespmem:$0x1EB00] =	vst v63  }
0x301: {  	s21 =	simm.s32 $0xB00  }
0x302: {  	[spmem:s2] =	stream.indirect.scatter.add.f32 [tilespmem:s3], [sflag:$0x1], $0x1, s21, s5, $0xb8;
	[tilespmem:$0x1EB00] =	vst v63  }
0x303: {  	s22 =	simm.s32 $0xB80  }
0x304: {  	[spmem:s2] =	stream.indirect.scatter.add.f32 [tilespmem:s3], [sflag:$0x1], $0x1, s22, s5, $0xb8;
	[tilespmem:$0x1EB00] =	vst v63  }
0x305: {  	_ =	swait.ge [sflag:s15], $0x80  }
0x306: {  	[sflag:s15] =	ssyncset.done $0x0  }
0x307: {  	[sflag:s15] =	ssyncadd.s32 $0xFFFFFF80  }
0x308: {  	_ =	swait.ge [sflag:s15], $0x80  }
0x309: {  	[sflag:s15] =	ssyncset.done $0x0  }
0x30a: {  	[sflag:s15] =	ssyncadd.s32 $0xFFFFFF80  }
0x30b: {  	_ =	swait.ge [sflag:s15], $0x80  }
0x30c: {  	[sflag:s15] =	ssyncset.done $0x0  }
0x30d: {  	[sflag:s15] =	ssyncadd.s32 $0xFFFFFF80  }
0x30e: {  	_ =	swait.ge [sflag:s15], $0x80  }
0x30f: {  	[sflag:s15] =	ssyncset.done $0x0  }
0x310: {  	[sflag:s15] =	ssyncadd.s32 $0xFFFFFF80  }
0x311: {  	_ =	swait.ge [sflag:s15], $0x80  }
0x312: {  	[sflag:s15] =	ssyncset.done $0x0  }
0x313: {  	[sflag:s15] =	ssyncadd.s32 $0xFFFFFF80  }
0x314: {  	_ =	swait.ge [sflag:s15], $0x80  }
0x315: {  	[sflag:s15] =	ssyncset.done $0x0  }
0x316: {  	[sflag:s15] =	ssyncadd.s32 $0xFFFFFF80  }
0x317: {  	_ =	swait.ge [sflag:s15], $0x80  }
0x318: {  	[sflag:s15] =	ssyncset.done $0x0  }
0x319: {  	[sflag:s15] =	ssyncadd.s32 $0xFFFFFF80  }
0x31a: {  	_ =	swait.ge [sflag:s15], $0x80  }
0x31b: {  	[sflag:s15] =	ssyncset.done $0x0  }
0x31c: {  	s23 =	simm.s32 $0xC00;
	[sflag:s15] =	ssyncadd.s32 $0xFFFFFF80  }
0x31d: {  	[spmem:s2] =	stream.indirect.scatter.add.f32 [tilespmem:s3], [sflag:$0x1], $0x1, s23, s5, $0xb8;
	[tilespmem:$0x1EB00] =	vst v63  }
0x31e: {  	s24 =	simm.s32 $0xC80  }
0x31f: {  	[spmem:s2] =	stream.indirect.scatter.add.f32 [tilespmem:s3], [sflag:$0x1], $0x1, s24, s5, $0xb8;
	[tilespmem:$0x1EB00] =	vst v63  }
0x320: {  	s31 =	simm.s32 $0xD00  }
0x321: {  	[spmem:s2] =	stream.indirect.scatter.add.f32 [tilespmem:s3], [sflag:$0x1], $0x1, s31, s5, $0xb8;
	[tilespmem:$0x1EB00] =	vst v63  }
0x322: {  	s9 =	simm.s32 $0xD80  }
0x323: {  	[spmem:s2] =	stream.indirect.scatter.add.f32 [tilespmem:s3], [sflag:$0x1], $0x1, s9, s5, $0xb8;
	[tilespmem:$0x1EB00] =	vst v63  }
0x324: {  	s12 =	simm.s32 $0xE00  }
0x325: {  	[spmem:s2] =	stream.indirect.scatter.add.f32 [tilespmem:s3], [sflag:$0x1], $0x1, s12, s5, $0xb8;
	[tilespmem:$0x1EB00] =	vst v63  }
0x326: {  	s14 =	simm.s32 $0xE80  }
0x327: {  	[spmem:s2] =	stream.indirect.scatter.add.f32 [tilespmem:s3], [sflag:$0x1], $0x1, s14, s5, $0xb8;
	[tilespmem:$0x1EB00] =	vst v63  }
0x328: {  	s18 =	simm.s32 $0xF00  }
0x329: {  	[spmem:s2] =	stream.indirect.scatter.add.f32 [tilespmem:s3], [sflag:$0x1], $0x1, s18, s5, $0xb8;
	[tilespmem:$0x1EB00] =	vst v63  }
0x32a: {  	s21 =	simm.s32 $0xF80  }
0x32b: {  	[spmem:s2] =	stream.indirect.scatter.add.f32 [tilespmem:s3], [sflag:$0x1], $0x1, s21, s5, $0xb8;
	[tilespmem:$0x1EB00] =	vst v63  }
0x32c: {  	_ =	swait.ge [sflag:s15], $0x80  }
0x32d: {  	[sflag:s15] =	ssyncset.done $0x0  }
0x32e: {  	[sflag:s15] =	ssyncadd.s32 $0xFFFFFF80  }
0x32f: {  	_ =	swait.ge [sflag:s15], $0x80  }
0x330: {  	[sflag:s15] =	ssyncset.done $0x0  }
0x331: {  	[sflag:s15] =	ssyncadd.s32 $0xFFFFFF80  }
0x332: {  	_ =	swait.ge [sflag:s15], $0x80  }
0x333: {  	[sflag:s15] =	ssyncset.done $0x0  }
0x334: {  	[sflag:s15] =	ssyncadd.s32 $0xFFFFFF80  }
0x335: {  	_ =	swait.ge [sflag:s15], $0x80  }
0x336: {  	[sflag:s15] =	ssyncset.done $0x0  }
0x337: {  	[sflag:s15] =	ssyncadd.s32 $0xFFFFFF80  }
0x338: {  	_ =	swait.ge [sflag:s15], $0x80  }
0x339: {  	[sflag:s15] =	ssyncset.done $0x0  }
0x33a: {  	[sflag:s15] =	ssyncadd.s32 $0xFFFFFF80  }
0x33b: {  	_ =	swait.ge [sflag:s15], $0x80  }
0x33c: {  	[sflag:s15] =	ssyncset.done $0x0  }
0x33d: {  	[sflag:s15] =	ssyncadd.s32 $0xFFFFFF80  }
0x33e: {  	_ =	swait.ge [sflag:s15], $0x80  }
0x33f: {  	[sflag:s15] =	ssyncset.done $0x0  }
0x340: {  	[sflag:s15] =	ssyncadd.s32 $0xFFFFFF80  }
0x341: {  	_ =	swait.ge [sflag:s15], $0x80  }
0x342: {  	[sflag:s15] =	ssyncset.done $0x0  }
0x343: {  	s22 =	simm.s32 $0x1000;
	[sflag:s15] =	ssyncadd.s32 $0xFFFFFF80  }
0x344: {  	[spmem:s2] =	stream.indirect.scatter.add.f32 [tilespmem:s3], [sflag:$0x1], $0x1, s22, s5, $0xb8;
	[tilespmem:$0x1EB00] =	vst v63  }
0x345: {  	s23 =	simm.s32 $0x1080  }
0x346: {  	[spmem:s2] =	stream.indirect.scatter.add.f32 [tilespmem:s3], [sflag:$0x1], $0x1, s23, s5, $0xb8;
	[tilespmem:$0x1EB00] =	vst v63  }
0x347: {  	s24 =	simm.s32 $0x1100  }
0x348: {  	[spmem:s2] =	stream.indirect.scatter.add.f32 [tilespmem:s3], [sflag:$0x1], $0x1, s24, s5, $0xb8;
	[tilespmem:$0x1EB00] =	vst v63  }
0x349: {  	s31 =	simm.s32 $0x1180  }
0x34a: {  	[spmem:s2] =	stream.indirect.scatter.add.f32 [tilespmem:s3], [sflag:$0x1], $0x1, s31, s5, $0xb8;
	[tilespmem:$0x1EB00] =	vst v63  }
0x34b: {  	s9 =	simm.s32 $0x1200  }
0x34c: {  	[spmem:s2] =	stream.indirect.scatter.add.f32 [tilespmem:s3], [sflag:$0x1], $0x1, s9, s5, $0xb8;
	[tilespmem:$0x1EB00] =	vst v63  }
0x34d: {  	s12 =	simm.s32 $0x1280  }
0x34e: {  	[spmem:s2] =	stream.indirect.scatter.add.f32 [tilespmem:s3], [sflag:$0x1], $0x1, s12, s5, $0xb8;
	[tilespmem:$0x1EB00] =	vst v63  }
0x34f: {  	s14 =	simm.s32 $0x1300  }
0x350: {  	[spmem:s2] =	stream.indirect.scatter.add.f32 [tilespmem:s3], [sflag:$0x1], $0x1, s14, s5, $0xb8;
	[tilespmem:$0x1EB00] =	vst v63  }
0x351: {  	s18 =	simm.s32 $0x1380  }
0x352: {  	[spmem:s2] =	stream.indirect.scatter.add.f32 [tilespmem:s3], [sflag:$0x1], $0x1, s18, s5, $0xb8;
	[tilespmem:$0x1EB00] =	vst v63  }
0x353: {  	_ =	swait.ge [sflag:s15], $0x80  }
0x354: {  	[sflag:s15] =	ssyncset.done $0x0  }
0x355: {  	[sflag:s15] =	ssyncadd.s32 $0xFFFFFF80  }
0x356: {  	_ =	swait.ge [sflag:s15], $0x80  }
0x357: {  	[sflag:s15] =	ssyncset.done $0x0  }
0x358: {  	[sflag:s15] =	ssyncadd.s32 $0xFFFFFF80  }
0x359: {  	_ =	swait.ge [sflag:s15], $0x80  }
0x35a: {  	[sflag:s15] =	ssyncset.done $0x0  }
0x35b: {  	[sflag:s15] =	ssyncadd.s32 $0xFFFFFF80  }
0x35c: {  	_ =	swait.ge [sflag:s15], $0x80  }
0x35d: {  	[sflag:s15] =	ssyncset.done $0x0  }
0x35e: {  	[sflag:s15] =	ssyncadd.s32 $0xFFFFFF80  }
0x35f: {  	_ =	swait.ge [sflag:s15], $0x80  }
0x360: {  	[sflag:s15] =	ssyncset.done $0x0  }
0x361: {  	[sflag:s15] =	ssyncadd.s32 $0xFFFFFF80  }
0x362: {  	_ =	swait.ge [sflag:s15], $0x80  }
0x363: {  	[sflag:s15] =	ssyncset.done $0x0  }
0x364: {  	[sflag:s15] =	ssyncadd.s32 $0xFFFFFF80  }
0x365: {  	_ =	swait.ge [sflag:s15], $0x80  }
0x366: {  	[sflag:s15] =	ssyncset.done $0x0  }
0x367: {  	[sflag:s15] =	ssyncadd.s32 $0xFFFFFF80  }
0x368: {  	_ =	swait.ge [sflag:s15], $0x80  }
0x369: {  	[sflag:s15] =	ssyncset.done $0x0  }
0x36a: {  	s6 =	simm.s32 $0x1400;
	s21 =	rddreg [dreg:$0x8];
	[sflag:s15] =	ssyncadd.s32 $0xFFFFFF80  }
0x36b: {  	[tilespmem:s6], [sflag:$0x6] =	stream.linear.gather [hbm4b:s21+s4], $0x1400, $0x38;
	[tilespmem:$0x1EB00] =	vst v63  }
0x36c: {  	_ =	swait.ge [sflag:s0], $0x1400  }
0x36d: {  	[sflag:s0] =	ssyncset.done $0x0  }
0x36e: {  	s23 =	rddreg [dreg:$0xc];
	[sflag:s0] =	ssyncadd.s32 $0xFFFFEC00  }
0x36f: {  	[tilespmem:s10], [sflag:$0x2] =	stream.linear.gather [hbm4b:s23+s4], $0x4000, $0x38;
	[tilespmem:$0x1EB00] =	vst v63  }
0x370: {  	s24 =	rddreg [dreg:$0x18]  }
0x371: {  	[tilespmem:s11], [sflag:$0x3] =	stream.linear.gather [hbm4b:s24+s4], $0x4000, $0x38;
	[tilespmem:$0x1EB00] =	vst v63  }
0x372: {  	_ =	swait.ge [sflag:s13], $0x4000  }
0x373: {  	[sflag:s13] =	ssyncset.done $0x0  }
0x374: {  	[sflag:s13] =	ssyncadd.s32 $0xFFFFC000  }
0x375: {  	[spmem:s1] =	stream.indirect.scatter.add.f32 [tilespmem:s10], [sflag:$0x4], $0x80, s6, s5, $0xb8;
	[tilespmem:$0x1EB00] =	vst v63  }
0x376: {  	_ =	swait.ge [sflag:s16], $0x4000  }
0x377: {  	[sflag:s16] =	ssyncset.done $0x0  }
0x378: {  	[sflag:s16] =	ssyncadd.s32 $0xFFFFC000  }
0x379: {  	_ =	swait.ge [sflag:s17], $0x4000  }
0x37a: {  	[sflag:s17] =	ssyncset.done $0x0  }
0x37b: {  	s31 =	rddreg [dreg:$0x12];
	[sflag:s17] =	ssyncadd.s32 $0xFFFFC000  }
0x37c: {  	[tilespmem:s10], [sflag:$0x2] =	stream.linear.gather [hbm4b:s31+s4], $0x4000, $0x38;
	[tilespmem:$0x1EB00] =	vst v63  }
0x37d: {  	s7 =	simm.s32 $0x1480;
	s22 =	simm.s32 $0x1500;
	s23 =	simm.s32 $0x0  }
0x37e: {  	[spmem:s1] =	stream.indirect.scatter.add.f32 [tilespmem:s11], [sflag:$0x5], $0x80, s7, s5, $0xb8;
	[tilespmem:$0x1EB00] =	vst v63  }
.LBB2_2:
0x37f: {  	_ =	swait.ge [sflag:s19], $0x4000  }
0x380: {  	[sflag:s19] =	ssyncset.done $0x0  }
0x381: {  	s24 =	sadd.s32 s23, s28;
	[sflag:s19] =	ssyncadd.s32 $0xFFFFC000  }
0x382: {  	[tilespmem:s11], [sflag:$0x3] =	stream.linear.gather [hbm4b:s24+s4], $0x4000, $0x38;
	[tilespmem:$0x1EB00] =	vst v63  }
0x383: {  	_ =	swait.ge [sflag:s13], $0x4000  }
0x384: {  	[sflag:s13] =	ssyncset.done $0x0  }
0x385: {  	[sflag:s13] =	ssyncadd.s32 $0xFFFFC000  }
0x386: {  	[spmem:s1] =	stream.indirect.scatter.add.f32 [tilespmem:s10], [sflag:$0x4], $0x80, s22, s5, $0xb8;
	[tilespmem:$0x1EB00] =	vst v63  }
0x387: {  	p1 =	seq.s32 s23, $0x12000;
	_ =	swait.ge [sflag:s16], $0x4000  }
.Ltmp2:
0x388: {  	[sflag:s16] =	ssyncset.done $0x0;
	(pc) =	sbr.rel @p1 .LBB2_4-.Ltmp2, $4  }
0x389: {  	[sflag:s16] =	ssyncadd.s32 $0xFFFFC000  }
0x38a: {  	_ =	swait.ge [sflag:s17], $0x4000  }
0x38b: {  	[sflag:s17] =	ssyncset.done $0x0  }
0x38c: {  	[sflag:s17] =	ssyncadd.s32 $0xFFFFC000  }
.Ltmp3:
0x38d: {  	(pc) =	sbr.rel .LBB2_2-.Ltmp3, $4  }
0x38e: {  	s24 =	sadd.s32 s23, s26  }
0x38f: {  	[tilespmem:s10], [sflag:$0x2] =	stream.linear.gather [hbm4b:s24+s4], $0x4000, $0x38;
	[tilespmem:$0x1EB00] =	vst v63  }
0x390: {  	s31 =	sadd.s32 $0x80, s22;
	s23 =	sadd.s32 $0x1000, s23;
	s22 =	sadd.s32 $0x100, s22  }
0x391: {  	[spmem:s1] =	stream.indirect.scatter.add.f32 [tilespmem:s11], [sflag:$0x5], $0x80, s31, s5, $0xb8;
	[tilespmem:$0x1EB00] =	vst v63  }
.LBB2_4:
0x392: {  	s8 =	simm.s32 $0x2780  }
0x393: {  	[spmem:s1] =	stream.indirect.scatter.add.f32 [tilespmem:s11], [sflag:$0x5], $0x80, s8, s5, $0xb8;
	[tilespmem:$0x1EB00] =	vst v63  }
0x394: {  	_ =	swait.ge [sflag:s19], $0x4000  }
0x395: {  	[sflag:s19] =	ssyncset.done $0x0  }
0x396: {  	s22 =	simm.s32 $0x0;
	s23 =	rddreg [dreg:$0x9];
	[sflag:s19] =	ssyncadd.s32 $0xFFFFC000  }
0x397: {  	[tilespmem:s6], [sflag:$0x6] =	stream.linear.gather [hbm4b:s23+s22], $0x1400, $0x38;
	[tilespmem:$0x1EB00] =	vst v63  }
0x398: {  	_ =	swait.ge [sflag:s0], $0x1400  }
0x399: {  	[sflag:s0] =	ssyncset.done $0x0  }
0x39a: {  	s21 =	rddreg [dreg:$0xd];
	[sflag:s0] =	ssyncadd.s32 $0xFFFFEC00  }
0x39b: {  	[tilespmem:s10], [sflag:$0x2] =	stream.linear.gather [hbm4b:s21+s22], $0x4000, $0x38;
	[tilespmem:$0x1EB00] =	vst v63  }
0x39c: {  	s24 =	rddreg [dreg:$0x13]  }
0x39d: {  	[tilespmem:s11], [sflag:$0x3] =	stream.linear.gather [hbm4b:s24+s22], $0x4000, $0x38;
	[tilespmem:$0x1EB00] =	vst v63  }
0x39e: {  	_ =	swait.ge [sflag:s13], $0x4000  }
0x39f: {  	[sflag:s13] =	ssyncset.done $0x0  }
0x3a0: {  	[sflag:s13] =	ssyncadd.s32 $0xFFFFC000  }
0x3a1: {  	[spmem:s1] =	stream.indirect.scatter.add.f32 [tilespmem:s10], [sflag:$0x4], $0x80, s6, s5, $0xb8;
	[tilespmem:$0x1EB00] =	vst v63  }
0x3a2: {  	_ =	swait.ge [sflag:s16], $0x4000  }
0x3a3: {  	[sflag:s16] =	ssyncset.done $0x0  }
0x3a4: {  	[sflag:s16] =	ssyncadd.s32 $0xFFFFC000  }
0x3a5: {  	_ =	swait.ge [sflag:s17], $0x4000  }
0x3a6: {  	[sflag:s17] =	ssyncset.done $0x0  }
0x3a7: {  	s31 =	rddreg [dreg:$0x14];
	[sflag:s17] =	ssyncadd.s32 $0xFFFFC000  }
0x3a8: {  	[tilespmem:s10], [sflag:$0x2] =	stream.linear.gather [hbm4b:s31+s22], $0x4000, $0x38;
	[tilespmem:$0x1EB00] =	vst v63  }
0x3a9: {  	s23 =	simm.s32 $0x1580;
	s8 =	rddreg [dreg:$0x19]  }
0x3aa: {  	[spmem:s1] =	stream.indirect.scatter.add.f32 [tilespmem:s11], [sflag:$0x5], $0x80, s7, s5, $0xb8;
	[tilespmem:$0x1EB00] =	vst v63  }
.LBB2_5:
0x3ab: {  	_ =	swait.ge [sflag:s19], $0x4000  }
0x3ac: {  	[sflag:s19] =	ssyncset.done $0x0  }
0x3ad: {  	s24 =	sadd.s32 s22, s30;
	[sflag:s19] =	ssyncadd.s32 $0xFFFFC000  }
0x3ae: {  	[tilespmem:s11], [sflag:$0x3] =	stream.linear.gather [hbm4b:s24+s4], $0x4000, $0x38;
	[tilespmem:$0x1EB00] =	vst v63  }
0x3af: {  	_ =	swait.ge [sflag:s13], $0x4000  }
0x3b0: {  	[sflag:s13] =	ssyncset.done $0x0  }
0x3b1: {  	s31 =	sadd.s32 $0xFFFFFF80, s23;
	[sflag:s13] =	ssyncadd.s32 $0xFFFFC000  }
0x3b2: {  	[spmem:s1] =	stream.indirect.scatter.add.f32 [tilespmem:s10], [sflag:$0x4], $0x80, s31, s5, $0xb8;
	[tilespmem:$0x1EB00] =	vst v63  }
0x3b3: {  	p1 =	seq.s32 s22, $0x12000;
	_ =	swait.ge [sflag:s16], $0x4000  }
.Ltmp4:
0x3b4: {  	[sflag:s16] =	ssyncset.done $0x0;
	(pc) =	sbr.rel @p1 .LBB2_7-.Ltmp4, $4  }
0x3b5: {  	[sflag:s16] =	ssyncadd.s32 $0xFFFFC000  }
0x3b6: {  	_ =	swait.ge [sflag:s17], $0x4000  }
0x3b7: {  	[sflag:s17] =	ssyncset.done $0x0  }
0x3b8: {  	[sflag:s17] =	ssyncadd.s32 $0xFFFFC000  }
.Ltmp5:
0x3b9: {  	s24 =	sadd.s32 s22, s29;
	(pc) =	sbr.rel .LBB2_5-.Ltmp5, $4  }
0x3ba: {  	[tilespmem:s10], [sflag:$0x2] =	stream.linear.gather [hbm4b:s24+s4], $0x4000, $0x38;
	[tilespmem:$0x1EB00] =	vst v63  }
0x3bb: {  	_ = 	snop  }
0x3bc: {  	[spmem:s1] =	stream.indirect.scatter.add.f32 [tilespmem:s11], [sflag:$0x5], $0x80, s23, s5, $0xb8;
	[tilespmem:$0x1EB00] =	vst v63  }
0x3bd: {  	s22 =	sadd.s32 $0x1000, s22;
	s23 =	sadd.s32 $0x100, s23  }
.LBB2_8:
0x3be: {  	_ =	sfence.sel $0x180000  }
0x3bf: {  	[bflag:$0x0] =	sbarrier.arrive $0xFFFF  }
0x3c0: {  	_ =	strace $0x90000047  }
0x3c1: {  	s0 =	stileid.u32;
	[bflag:$0x2] =	sbarrier.arrive $0xFFFF  }
0x3c2: {  	p0 =	sne.s32 s0, $0x0;
	s0 =	rddreg [dreg:$0x4]  }
0x3c3: {  	s0 =	sadd.s32 @!p0 $0x100000, s0  }
0x3c4: {  	[sflag:s0] =	ssyncadd.tile.s32 @!p0 $0x1;
	_ =	shalt  }
.Lfunc_end2:
_tile_overlayer_lowered:
.L_overlay_start_2:
0x3c5: {  	(tag) =	ssettag $0x2  }
0x3c6: {  	s0 =	rddreg [dreg:$0x0];
	s2 =	stileid.u32  }
0x3c7: {  	s1 =	rddreg [dreg:$0x1];
	p0 =	sne.s32 s2, $0x0  }
0x3c8: {  	s3 =	rddreg [dreg:$0x2];
	[bflag:$0x3] =	sbarrier.arrive $0xFFFF;
	s2 =	simm.s32 @!p0 $0x1C06  }
0x3c9: {  	[timem:s3], [sflag:s2] =	dma.local @!p0 [hbm:s0], s1  }
0x3ca: {  	s0 =	simm.s32 @!p0 $0x6  }
0x3cb: {  	_ =	swait.ge @!p0 [sflag:s0], s1  }
0x3cc: {  	s1 =	ssub.s32 @!p0 $0x0, s1;
	[sflag:s0] =	ssyncset.done @!p0 $0x0  }
0x3cd: {  	[sflag:s0] =	ssyncadd.s32 @!p0 s1  }
0x3ce: {  	[bflag:$0x3] =	sbarrier.arrive $0xFFFF  }
0x3cf: {  	_ =	shalt  }

</sc_bundles>
